<compile_context>
chip_gen: v7x
topology: tpu7x:2x2x1
jax: 0.10.2.dev20260603
libtpu: 0.0.44.dev20260713+nightly
codegen_flags: <defaults>
</compile_context>

<pallas_src>
import functools

import jax
import jax.numpy as jnp
from jax import lax
from jax.experimental import pallas as pl
from jax.experimental.pallas import tpu as pltpu
from jax.experimental.pallas import tpu_sc as plsc

N = 10000
E = 320000
G = 64
EPS = 1e-5

NC = 2
NS = 16
NW = NC * NS

NP = 10240
RPT = NP // NS
B = 80
EPW = E // NW
NROW = EPW // B

R = 2000
NBLK = N // R

_SC_MESH = plsc.VectorSubcoreMesh(core_axis_name="c", subcore_axis_name="s")
_SC_PARAMS = pltpu.CompilerParams(use_tc_tiling_on_sc=False)
_PREC = jax.lax.Precision.HIGHEST


def _dot(a, b, prec=_PREC):
    return jax.lax.dot_general(a, b, (((1,), (0,)), ((), ())),
                               preferred_element_type=jnp.float32,
                               precision=prec)



DEG_B = 40
DEG_K = 25


@functools.partial(
    pl.kernel,
    out_type=jax.ShapeDtypeStruct((NC, NP), jnp.float32),
    mesh=_SC_MESH,
    compiler_params=_SC_PARAMS,
    scratch_types=[
        pltpu.VMEM((NROW, B), jnp.int32),
        pltpu.VMEM((DEG_B,), jnp.float32),
        pltpu.VMEM_SHARED((NP,), jnp.float32),
        pltpu.SemaphoreType.DMA,
    ],
)
def _deg_kernel(edges_hbm, ones_hbm, zeros_hbm, out_hbm, dst_v, ones_v, acc,
                sem):
    cid = lax.axis_index("c")
    sid = lax.axis_index("s")
    wid = cid * NS + sid
    pltpu.sync_copy(zeros_hbm, acc.at[pl.ds(sid * RPT, RPT)])
    pltpu.sync_copy(edges_hbm.at[1, wid], dst_v)
    pltpu.sync_copy(ones_hbm, ones_v)
    plsc.subcore_barrier()

    sub = B // DEG_B
    nch = EPW // DEG_B

    @pl.loop(0, nch, step=DEG_K)
    def _(j):
        @pl.loop(0, DEG_K)
        def _(k):
            jk = j + k
            idx = dst_v.at[jk // sub, pl.ds((jk % sub) * DEG_B, DEG_B)]
            pltpu.async_copy(ones_v, acc.at[idx], sem, add=True)

        @pl.loop(0, DEG_K)
        def _(k):
            pltpu.make_async_copy(ones_v, acc.at[dst_v.at[0]], sem).wait()

    plsc.subcore_barrier()
    pltpu.sync_copy(acc.at[pl.ds(sid * RPT, RPT)],
                    out_hbm.at[cid, pl.ds(sid * RPT, RPT)])


NSLOT = 5


def _make_agg(d, b_dma):
    sub = B // b_dma
    nch = EPW // b_dma

    def _idx(ref, j):
        if sub == 1:
            return ref.at[j]
        return ref.at[j // sub, pl.ds((j % sub) * b_dma, b_dma)]

    @functools.partial(
        pl.kernel,
        out_type=jax.ShapeDtypeStruct((NC, NP, d), jnp.float32),
        mesh=_SC_MESH,
        compiler_params=_SC_PARAMS,
        scratch_types=[
            pltpu.VMEM((NROW, B), jnp.int32),
            pltpu.VMEM((NROW, B), jnp.int32),
            [pltpu.VMEM((b_dma, d), jnp.float32) for _ in range(NSLOT)],
            pltpu.VMEM_SHARED((NP, d), jnp.float32),
            [pltpu.SemaphoreType.DMA for _ in range(NSLOT)],
        ],
    )
    def _agg(t_hbm, edges_hbm, zeros_hbm, out_hbm,
             src_v, dst_v, bufs, acc, gsems):
        cid = lax.axis_index("c")
        sid = lax.axis_index("s")
        wid = cid * NS + sid
        pltpu.sync_copy(edges_hbm.at[0, wid], src_v)
        pltpu.sync_copy(edges_hbm.at[1, wid], dst_v)
        pltpu.sync_copy(zeros_hbm, acc.at[pl.ds(sid * RPT, RPT)])
        plsc.subcore_barrier()

        for k in range(NSLOT):
            pltpu.async_copy(t_hbm.at[_idx(src_v, k)], bufs[k], gsems[k])

        @pl.loop(0, nch - NSLOT, step=NSLOT)
        def _(j):
            for k in range(NSLOT):
                pltpu.make_async_copy(t_hbm.at[_idx(src_v, j + k)],
                                      bufs[k], gsems[k]).wait()
                pltpu.sync_copy(bufs[k], acc.at[_idx(dst_v, j + k)], add=True)
                pltpu.async_copy(t_hbm.at[_idx(src_v, j + NSLOT + k)],
                                 bufs[k], gsems[k])

        for k in range(NSLOT):
            jk = nch - NSLOT + k
            pltpu.make_async_copy(t_hbm.at[_idx(src_v, jk)],
                                  bufs[k], gsems[k]).wait()
            pltpu.sync_copy(bufs[k], acc.at[_idx(dst_v, jk)], add=True)

        plsc.subcore_barrier()
        pltpu.sync_copy(acc.at[pl.ds(sid * RPT, RPT)],
                        out_hbm.at[cid, pl.ds(sid * RPT, RPT)])

    return _agg


_agg128 = _make_agg(128, 40)
_agg64 = _make_agg(64, 80)
_agg32 = _make_agg(32, 80)



def _k0_body(degp_ref, x_ref, dinv_ref, t0_ref):
    deg = degp_ref[0] + degp_ref[1] + 1.0
    dinv = 1.0 / jnp.sqrt(deg)
    dinv_ref[...] = jnp.broadcast_to(dinv, (R, 128))
    t0_ref[...] = x_ref[...] * dinv


def _k0(degp, x):
    return pl.pallas_call(
        _k0_body,
        grid=(NBLK,),
        in_specs=[
            pl.BlockSpec((2, R, 1), lambda i: (0, i, 0)),
            pl.BlockSpec((R, 128), lambda i: (i, 0)),
        ],
        out_specs=[
            pl.BlockSpec((R, 128), lambda i: (i, 0)),
            pl.BlockSpec((R, 128), lambda i: (i, 0)),
        ],
        out_shape=[
            jax.ShapeDtypeStruct((N, 128), jnp.float32),
            jax.ShapeDtypeStruct((N, 128), jnp.float32),
        ],
    )(degp, x)


def _stats_of(y, i):
    mean_blk = jnp.sum(y, axis=0, keepdims=True) * (1.0 / R)
    m2_blk = jnp.sum((y - mean_blk) ** 2, axis=0, keepdims=True)
    d = y.shape[1]
    row = jax.lax.broadcasted_iota(jnp.int32, (8, d), 0)
    return (jnp.where(row == 1, jnp.broadcast_to(m2_blk, (8, d)), 0.0)
            + jnp.where(row == 2 + i, jnp.broadcast_to(mean_blk, (8, d)), 0.0))


def _bn_h(y, st_ref, g_ref, be_ref):
    means = st_ref[2:2 + NBLK, :]
    mu = jnp.mean(means, axis=0, keepdims=True)
    m2 = st_ref[1:2, :] + R * jnp.sum((means - mu) ** 2, axis=0, keepdims=True)
    var = m2 * (1.0 / N)
    inv = g_ref[...] / jnp.sqrt(var + EPS)
    return jnp.maximum((y - mu) * inv + be_ref[...], 0.0)


def _acc_stats(st_ref, y, b):
    s = _stats_of(y, b)

    @pl.when(b == 0)
    def _():
        st_ref[...] = s

    @pl.when(b > 0)
    def _():
        st_ref[...] += s


def _make_fused(din, dnext, w_in=False):
    dout = None

    def body(*refs):
        if w_in:
            (p_ref, t_ref, dinv_ref, w_in_ref, b_ref, g_ref, be_ref,
             w_next_ref, out_ref, y_sc, st_sc) = refs
        else:
            (p_ref, t_ref, dinv_ref, b_ref, g_ref, be_ref,
             w_next_ref, out_ref, y_sc, st_sc) = refs
        ph = pl.program_id(0)
        b = pl.program_id(1)

        @pl.when(ph == 0)
        def _():
            u = (p_ref[0] + p_ref[1] + t_ref[...]) * dinv_ref[:, :din]
            if w_in:
                y = _dot(u, w_in_ref[...]) + b_ref[...]
            else:
                y = u + b_ref[...]
            y_sc[pl.ds(b * R, R), :] = y
            _acc_stats(st_sc, y, b)

        @pl.when(ph == 1)
        def _():
            y = y_sc[pl.ds(b * R, R), :]
            h = _bn_h(y, st_sc, g_ref, be_ref)
            dn = w_next_ref.shape[1]
            hw = _dot(h, w_next_ref[...], jax.lax.Precision.DEFAULT)
            out_ref[...] = hw * dinv_ref[:, :dn]

    def call(p, t, dinv, *ws):
        if w_in:
            wi, bias, g, be, wn = ws
            dmid = wi.shape[1]
        else:
            bias, g, be, wn = ws
            dmid = din
        dn = wn.shape[1]
        specs = [
            pl.BlockSpec((2, R, din), lambda ph, b: (0, b, 0)),
            pl.BlockSpec((R, din), lambda ph, b: (b, 0)),
            pl.BlockSpec((R, 128), lambda ph, b: (b, 0)),
        ]
        if w_in:
            specs.append(pl.BlockSpec((din, dmid), lambda ph, b: (0, 0)))
        specs += [
            pl.BlockSpec((1, dmid), lambda ph, b: (0, 0)),
            pl.BlockSpec((1, dmid), lambda ph, b: (0, 0)),
            pl.BlockSpec((1, dmid), lambda ph, b: (0, 0)),
            pl.BlockSpec((dmid, dn), lambda ph, b: (0, 0)),
        ]
        return pl.pallas_call(
            body,
            grid=(2, NBLK),
            in_specs=specs,
            out_specs=pl.BlockSpec((R, dn), lambda ph, b: (b, 0)),
            out_shape=jax.ShapeDtypeStruct((N, dn), jnp.float32),
            scratch_shapes=[
                pltpu.VMEM((N, dmid), jnp.float32),
                pltpu.VMEM((8, dmid), jnp.float32),
            ],
        )(p, t, dinv, *ws)

    return call


_fused0 = _make_fused(128, 128, w_in=True)
_fused1 = _make_fused(128, 64)
_fused2 = _make_fused(64, 32)


def _pool_body(p_ref, t_ref, dinv_ref, b_ref, g_ref, be_ref, batch_ref,
               wout_ref, bout_ref, out_ref, y_sc, st_sc, sums_ref, cnts_ref):
    ph = pl.program_id(0)
    b = pl.program_id(1)

    @pl.when(ph == 0)
    def _():
        y = ((p_ref[0] + p_ref[1] + t_ref[...]) * dinv_ref[:, :32]
             + b_ref[...])
        y_sc[pl.ds(b * R, R), :] = y
        _acc_stats(st_sc, y, b)

    @pl.when(ph == 1)
    def _():
        y = y_sc[pl.ds(b * R, R), :]
        h = _bn_h(y, st_sc, g_ref, be_ref)
        ids = batch_ref[0]
        gid = jax.lax.broadcasted_iota(jnp.int32, (G, R), 0)
        oh = (gid == ids).astype(jnp.float32)
        s = _dot(oh, h)
        c = jnp.sum(oh, axis=1, keepdims=True)

        @pl.when(b == 0)
        def _():
            sums_ref[...] = s
            cnts_ref[...] = c

        @pl.when(b > 0)
        def _():
            sums_ref[...] += s
            cnts_ref[...] += c

        @pl.when(b == NBLK - 1)
        def _():
            pooled = sums_ref[...] / jnp.maximum(cnts_ref[...], 1.0)
            out_ref[...] = (_dot(pooled, wout_ref[...],
                                 jax.lax.Precision.DEFAULT) + bout_ref[...])


def _fused_pool(p, t, dinv, bias, g, be, batch3, wout, bout):
    return pl.pallas_call(
        _pool_body,
        grid=(2, NBLK),
        in_specs=[
            pl.BlockSpec((2, R, 32), lambda ph, b: (0, b, 0)),
            pl.BlockSpec((R, 32), lambda ph, b: (b, 0)),
            pl.BlockSpec((R, 128), lambda ph, b: (b, 0)),
            pl.BlockSpec((1, 32), lambda ph, b: (0, 0)),
            pl.BlockSpec((1, 32), lambda ph, b: (0, 0)),
            pl.BlockSpec((1, 32), lambda ph, b: (0, 0)),
            pl.BlockSpec((1, 1, R), lambda ph, b: (b, 0, 0)),
            pl.BlockSpec((32, 1), lambda ph, b: (0, 0)),
            pl.BlockSpec((1, 1), lambda ph, b: (0, 0)),
        ],
        out_specs=pl.BlockSpec((G, 1), lambda ph, b: (0, 0)),
        out_shape=jax.ShapeDtypeStruct((G, 1), jnp.float32),
        scratch_shapes=[
            pltpu.VMEM((N, 32), jnp.float32),
            pltpu.VMEM((8, 32), jnp.float32),
            pltpu.VMEM((G, 32), jnp.float32),
            pltpu.VMEM((G, 1), jnp.float32),
        ],
    )(p, t, dinv, bias, g, be, batch3, wout, bout)



def kernel(x, edge_index, batch, W0, b0, g0, be0, W1, b1, g1, be1,
           W2, b2, g2, be2, W3, b3, g3, be3, Wout, bout):
    edges = edge_index.reshape(2, NW, NROW, B)
    ones_b = jnp.ones((DEG_B,), jnp.float32)
    zeros1 = jnp.zeros((RPT,), jnp.float32)
    zeros128 = jnp.zeros((RPT, 128), jnp.float32)
    zeros64 = jnp.zeros((RPT, 64), jnp.float32)
    zeros32 = jnp.zeros((RPT, 32), jnp.float32)
    batch3 = batch.reshape(NBLK, 1, R)

    degp = _deg_kernel(edges, ones_b, zeros1)
    dinv, t0 = _k0(degp.reshape(2, NP, 1), x)

    p = _agg128(t0, edges, zeros128)
    t1 = _fused0(p, t0, dinv, W0, b0.reshape(1, -1),
                 g0.reshape(1, -1), be0.reshape(1, -1), W1)
    p = _agg128(t1, edges, zeros128)
    t2 = _fused1(p, t1, dinv, b1.reshape(1, -1),
                 g1.reshape(1, -1), be1.reshape(1, -1), W2)
    p = _agg64(t2, edges, zeros64)
    t3 = _fused2(p, t2, dinv, b2.reshape(1, -1),
                 g2.reshape(1, -1), be2.reshape(1, -1), W3)
    p = _agg32(t3, edges, zeros32)
    return _fused_pool(p, t3, dinv, b3.reshape(1, -1), g3.reshape(1, -1),
                       be3.reshape(1, -1), batch3, Wout, bout.reshape(1, 1))

# --- scband reference (transcript-rebuilt; emitter-appended) ---
"""Pipeline reference for scband-graph-convolutional-network-59914793779545 (READ-ONLY COPY).

The authoritative reference and input builder live on the scoring server;
editing this copy changes nothing except your own understanding.
"""

import jax, jax.numpy as jnp
import numpy as np

N = 10000
E = 320000
G = 64
EPS = 1e-5


def gcn_conv(x, W, b, src, dst, n):
    # symmetric-normalized GCN conv with self-loops already appended to src/dst
    ones = jnp.ones(src.shape[0], dtype=x.dtype)
    deg = jax.ops.segment_sum(ones, dst, num_segments=n)
    dinv = jnp.where(deg > 0, 1.0 / jnp.sqrt(deg), 0.0)
    h = x @ W
    norm = (dinv[src] * dinv[dst])[:, None]
    msg = h[src] * norm
    out = jax.ops.segment_sum(msg, dst, num_segments=n)
    return out + b


def batch_norm(x, gamma, beta):
    mu = jnp.mean(x, axis=0)
    var = jnp.var(x, axis=0)
    return gamma * (x - mu) / jnp.sqrt(var + EPS) + beta


def setup_inputs(seed: int = 0):
    key = jax.random.key(seed)
    ks = jax.random.split(key, 32)
    x = jax.random.normal(ks[0], (N, 128), dtype=jnp.float32)
    edge_index = jax.random.randint(ks[1], (2, E), 0, N, dtype=jnp.int32)
    batch = jnp.sort(jax.random.randint(ks[2], (N,), 0, G, dtype=jnp.int32))
    dims = [(128, 256), (256, 128), (128, 64), (64, 32)]
    inp = {"x": x, "edge_index": edge_index, "batch": batch}
    for i, (din, dout) in enumerate(dims):
        inp[f"W{i}"] = jax.random.normal(ks[3 + 4 * i], (din, dout), dtype=jnp.float32) * (1.0 / np.sqrt(din))
        inp[f"b{i}"] = jnp.zeros((dout,), dtype=jnp.float32)
        inp[f"g{i}"] = jnp.ones((dout,), dtype=jnp.float32)
        inp[f"be{i}"] = jnp.zeros((dout,), dtype=jnp.float32)
    inp["Wout"] = jax.random.normal(ks[20], (32, 1), dtype=jnp.float32) * (1.0 / np.sqrt(32))
    inp["bout"] = jnp.zeros((1,), dtype=jnp.float32)
    return inp


def reference(x, edge_index, batch, W0, b0, g0, be0, W1, b1, g1, be1, W2, b2, g2, be2, W3, b3, g3, be3, Wout, bout):
    loops = jnp.arange(N, dtype=edge_index.dtype)
    src = jnp.concatenate([edge_index[0], loops])
    dst = jnp.concatenate([edge_index[1], loops])
    Ws = [W0, W1, W2, W3]
    bs = [b0, b1, b2, b3]
    gs = [g0, g1, g2, g3]
    bes = [be0, be1, be2, be3]
    h = x
    for i in range(4):
        h = gcn_conv(h, Ws[i], bs[i], src, dst, N)
        h = batch_norm(h, gs[i], bes[i])
        h = jax.nn.relu(h)
        # dropout is identity in inference
    # global_mean_pool over batch ids
    sums = jax.ops.segment_sum(h, batch, num_segments=G)
    counts = jax.ops.segment_sum(jnp.ones((N,), dtype=h.dtype), batch, num_segments=G)
    pooled = sums / jnp.clip(counts, 1.0, None)[:, None]
    return pooled @ Wout + bout

if __name__ == "__main__":
    import jax
    _d = setup_inputs()
    print(jax.jit(kernel)(*tuple(_d.values())))

</pallas_src>

<mosaic_0001>
#map = affine_map<(d0, d1) -> (0, 0)>
#map1 = affine_map<(d0, d1) -> (0, 0, 0, 0)>
#map2 = affine_map<(d0, d1) -> (0, 0, 0)>
module attributes {stable_mosaic.version = 14 : i64} {
  func.func @_agg(%arg0: i32, %arg1: i32, %arg2: memref<10000x64xf32, #tpu.memory_space<hbm>>, %arg3: memref<2x32x125x80xi32, #tpu.memory_space<hbm>>, %arg4: memref<640x64xf32, #tpu.memory_space<hbm>>, %arg5: memref<2x10240x64xf32, #tpu.memory_space<hbm>>, %arg6: memref<125x80xi32, #tpu.memory_space<vmem>>, %arg7: memref<125x80xi32, #tpu.memory_space<vmem>>, %arg8: memref<80x64xf32, #tpu.memory_space<vmem>>, %arg9: memref<80x64xf32, #tpu.memory_space<vmem>>, %arg10: memref<80x64xf32, #tpu.memory_space<vmem>>, %arg11: memref<80x64xf32, #tpu.memory_space<vmem>>, %arg12: memref<80x64xf32, #tpu.memory_space<vmem>>, %arg13: memref<10240x64xf32, #tpu.memory_space<vmem_shared>>, %arg14: memref<!tpu.dma_semaphore, #tpu.memory_space<semaphore_mem>>, %arg15: memref<!tpu.dma_semaphore, #tpu.memory_space<semaphore_mem>>, %arg16: memref<!tpu.dma_semaphore, #tpu.memory_space<semaphore_mem>>, %arg17: memref<!tpu.dma_semaphore, #tpu.memory_space<semaphore_mem>>, %arg18: memref<!tpu.dma_semaphore, #tpu.memory_space<semaphore_mem>>) attributes {dimension_semantics = [#tpu.dimension_semantics<core_parallel>, #tpu.dimension_semantics<subcore_parallel>], iteration_bounds = array<i64: 2, 16>, scalar_prefetch = 0 : i64, scratch_operands = 13 : i64, tpu.core_type = #tpu.core_type<sc_vector_subcore>, window_params = [{transform_indices = #map}, {transform_indices = #map1}, {transform_indices = #map}, {transform_indices = #map2}]} {
    %mul3A = arith.constant 16 : i32
    %mul3A_0 = arith.muli %arg0, %mul3A : i32
    %add3A = arith.addi %mul3A_0, %arg1 : i32
    %run_scoped3A = arith.constant 0 : i32
    "tpu.region"() ({
      %run_scoped3A_86 = tpu.sem_alloc : memref<!tpu.dma_semaphore, #tpu.memory_space<semaphore_mem>>
      %dma_start3A_87 = arith.constant 0 : i32
      %dma_start3A_88 = arith.constant 0 : i32
      %dma_start3A_89 = tpu.memref_slice %arg3[%run_scoped3A, %add3A, %dma_start3A_87, %dma_start3A_88] : memref<2x32x125x80xi32, #tpu.memory_space<hbm>> -> memref<1x1x125x80xi32, #tpu.memory_space<hbm>>
      %dma_start3A_90 = tpu.memref_squeeze %dma_start3A_89 : memref<1x1x125x80xi32, #tpu.memory_space<hbm>> -> memref<125x80xi32, #tpu.memory_space<hbm>>
      %dma_start3A_91 = arith.constant 0 : i32
      %dma_start3A_92 = arith.constant 0 : i32
      %dma_start3A_93 = tpu.memref_slice %arg3[%run_scoped3A, %add3A, %dma_start3A_91, %dma_start3A_92] : memref<2x32x125x80xi32, #tpu.memory_space<hbm>> -> memref<1x1x125x80xi32, #tpu.memory_space<hbm>>
      %dma_start3A_94 = tpu.memref_squeeze %dma_start3A_93 : memref<1x1x125x80xi32, #tpu.memory_space<hbm>> -> memref<125x80xi32, #tpu.memory_space<hbm>>
      tpu.enqueue_dma source(%dma_start3A_94 : memref<125x80xi32, #tpu.memory_space<hbm>>) target(%arg6 : memref<125x80xi32, #tpu.memory_space<vmem>>) target_semaphore(%run_scoped3A_86 : memref<!tpu.dma_semaphore, #tpu.memory_space<semaphore_mem>>)
      %dma_wait3A_95 = arith.constant 0 : i32
      %dma_wait3A_96 = arith.constant 0 : i32
      %dma_wait3A_97 = tpu.memref_slice %arg3[%run_scoped3A, %add3A, %dma_wait3A_95, %dma_wait3A_96] : memref<2x32x125x80xi32, #tpu.memory_space<hbm>> -> memref<1x1x125x80xi32, #tpu.memory_space<hbm>>
      %dma_wait3A_98 = tpu.memref_squeeze %dma_wait3A_97 : memref<1x1x125x80xi32, #tpu.memory_space<hbm>> -> memref<125x80xi32, #tpu.memory_space<hbm>>
      %dma_wait3A_99 = arith.constant 0 : i32
      %dma_wait3A_100 = arith.constant 0 : i32
      %dma_wait3A_101 = tpu.memref_slice %arg3[%run_scoped3A, %add3A, %dma_wait3A_99, %dma_wait3A_100] : memref<2x32x125x80xi32, #tpu.memory_space<hbm>> -> memref<1x1x125x80xi32, #tpu.memory_space<hbm>>
      %dma_wait3A_102 = tpu.memref_squeeze %dma_wait3A_101 : memref<1x1x125x80xi32, #tpu.memory_space<hbm>> -> memref<125x80xi32, #tpu.memory_space<hbm>>
      tpu.wait_dma2 semaphore(%run_scoped3A_86 : memref<!tpu.dma_semaphore, #tpu.memory_space<semaphore_mem>>) src(%dma_wait3A_102 : memref<125x80xi32, #tpu.memory_space<hbm>>) dst(%arg6 : memref<125x80xi32, #tpu.memory_space<vmem>>)
      tpu.yield
    }) : () -> ()
    %run_scoped3A_1 = arith.constant 1 : i32
    "tpu.region"() ({
      %run_scoped3A_86 = tpu.sem_alloc : memref<!tpu.dma_semaphore, #tpu.memory_space<semaphore_mem>>
      %dma_start3A_87 = arith.constant 0 : i32
      %dma_start3A_88 = arith.constant 0 : i32
      %dma_start3A_89 = tpu.memref_slice %arg3[%run_scoped3A_1, %add3A, %dma_start3A_87, %dma_start3A_88] : memref<2x32x125x80xi32, #tpu.memory_space<hbm>> -> memref<1x1x125x80xi32, #tpu.memory_space<hbm>>
      %dma_start3A_90 = tpu.memref_squeeze %dma_start3A_89 : memref<1x1x125x80xi32, #tpu.memory_space<hbm>> -> memref<125x80xi32, #tpu.memory_space<hbm>>
      %dma_start3A_91 = arith.constant 0 : i32
      %dma_start3A_92 = arith.constant 0 : i32
      %dma_start3A_93 = tpu.memref_slice %arg3[%run_scoped3A_1, %add3A, %dma_start3A_91, %dma_start3A_92] : memref<2x32x125x80xi32, #tpu.memory_space<hbm>> -> memref<1x1x125x80xi32, #tpu.memory_space<hbm>>
      %dma_start3A_94 = tpu.memref_squeeze %dma_start3A_93 : memref<1x1x125x80xi32, #tpu.memory_space<hbm>> -> memref<125x80xi32, #tpu.memory_space<hbm>>
      tpu.enqueue_dma source(%dma_start3A_94 : memref<125x80xi32, #tpu.memory_space<hbm>>) target(%arg7 : memref<125x80xi32, #tpu.memory_space<vmem>>) target_semaphore(%run_scoped3A_86 : memref<!tpu.dma_semaphore, #tpu.memory_space<semaphore_mem>>)
      %dma_wait3A_95 = arith.constant 0 : i32
      %dma_wait3A_96 = arith.constant 0 : i32
      %dma_wait3A_97 = tpu.memref_slice %arg3[%run_scoped3A_1, %add3A, %dma_wait3A_95, %dma_wait3A_96] : memref<2x32x125x80xi32, #tpu.memory_space<hbm>> -> memref<1x1x125x80xi32, #tpu.memory_space<hbm>>
      %dma_wait3A_98 = tpu.memref_squeeze %dma_wait3A_97 : memref<1x1x125x80xi32, #tpu.memory_space<hbm>> -> memref<125x80xi32, #tpu.memory_space<hbm>>
      %dma_wait3A_99 = arith.constant 0 : i32
      %dma_wait3A_100 = arith.constant 0 : i32
      %dma_wait3A_101 = tpu.memref_slice %arg3[%run_scoped3A_1, %add3A, %dma_wait3A_99, %dma_wait3A_100] : memref<2x32x125x80xi32, #tpu.memory_space<hbm>> -> memref<1x1x125x80xi32, #tpu.memory_space<hbm>>
      %dma_wait3A_102 = tpu.memref_squeeze %dma_wait3A_101 : memref<1x1x125x80xi32, #tpu.memory_space<hbm>> -> memref<125x80xi32, #tpu.memory_space<hbm>>
      tpu.wait_dma2 semaphore(%run_scoped3A_86 : memref<!tpu.dma_semaphore, #tpu.memory_space<semaphore_mem>>) src(%dma_wait3A_102 : memref<125x80xi32, #tpu.memory_space<hbm>>) dst(%arg7 : memref<125x80xi32, #tpu.memory_space<vmem>>)
      tpu.yield
    }) : () -> ()
    %mul3A_2 = arith.constant 640 : i32
    %mul3A_3 = arith.muli %arg1, %mul3A_2 : i32
    "tpu.region"() ({
      %run_scoped3A_86 = tpu.sem_alloc : memref<!tpu.dma_semaphore, #tpu.memory_space<semaphore_mem>>
      %dma_start3A_87 = arith.constant 0 : i32
      %dma_start3A_88 = tpu.memref_slice %arg13[%mul3A_3, %dma_start3A_87] : memref<10240x64xf32, #tpu.memory_space<vmem_shared>> -> memref<640x64xf32, #tpu.memory_space<vmem_shared>>
      tpu.enqueue_dma source(%arg4 : memref<640x64xf32, #tpu.memory_space<hbm>>) target(%dma_start3A_88 : memref<640x64xf32, #tpu.memory_space<vmem_shared>>) target_semaphore(%run_scoped3A_86 : memref<!tpu.dma_semaphore, #tpu.memory_space<semaphore_mem>>)
      %dma_wait3A_89 = arith.constant 0 : i32
      %dma_wait3A_90 = tpu.memref_slice %arg13[%mul3A_3, %dma_wait3A_89] : memref<10240x64xf32, #tpu.memory_space<vmem_shared>> -> memref<640x64xf32, #tpu.memory_space<vmem_shared>>
      tpu.wait_dma2 semaphore(%run_scoped3A_86 : memref<!tpu.dma_semaphore, #tpu.memory_space<semaphore_mem>>) src(%arg4 : memref<640x64xf32, #tpu.memory_space<hbm>>) dst(%dma_wait3A_90 : memref<640x64xf32, #tpu.memory_space<vmem_shared>>)
      tpu.yield
    }) : () -> ()
    %barrier3A = arith.constant 0 : index
    tpu.barrier barrier_id(%barrier3A)
    %dma_start3A = arith.constant 0 : i32
    %dma_start3A_4 = arith.constant 0 : i32
    %dma_start3A_5 = tpu.memref_slice %arg6[%dma_start3A, %dma_start3A_4] : memref<125x80xi32, #tpu.memory_space<vmem>> -> memref<1x80xi32, #tpu.memory_space<vmem>>
    %dma_start3A_6 = tpu.memref_squeeze %dma_start3A_5 : memref<1x80xi32, #tpu.memory_space<vmem>> -> memref<80xi32, #tpu.memory_space<vmem>>
    %dma_start3A_7 = arith.constant 0 : i32
    %dma_start3A_8 = arith.constant 0 : i32
    %dma_start3A_9 = tpu.memref_slice %arg2[%dma_start3A_7, %dma_start3A_8] : memref<10000x64xf32, #tpu.memory_space<hbm>> -> memref<10000x64xf32, #tpu.memory_space<hbm>>
    tpu.enqueue_indirect_dma source(%dma_start3A_9 : memref<10000x64xf32, #tpu.memory_space<hbm>>) target(%arg8 : memref<80x64xf32, #tpu.memory_space<vmem>>) offsets(%dma_start3A_6 : memref<80xi32, #tpu.memory_space<vmem>>) semaphore(%arg14 : memref<!tpu.dma_semaphore, #tpu.memory_space<semaphore_mem>>)
    %dma_start3A_10 = arith.constant 1 : i32
    %dma_start3A_11 = arith.constant 0 : i32
    %dma_start3A_12 = tpu.memref_slice %arg6[%dma_start3A_10, %dma_start3A_11] : memref<125x80xi32, #tpu.memory_space<vmem>> -> memref<1x80xi32, #tpu.memory_space<vmem>>
    %dma_start3A_13 = tpu.memref_squeeze %dma_start3A_12 : memref<1x80xi32, #tpu.memory_space<vmem>> -> memref<80xi32, #tpu.memory_space<vmem>>
    %dma_start3A_14 = arith.constant 0 : i32
    %dma_start3A_15 = arith.constant 0 : i32
    %dma_start3A_16 = tpu.memref_slice %arg2[%dma_start3A_14, %dma_start3A_15] : memref<10000x64xf32, #tpu.memory_space<hbm>> -> memref<10000x64xf32, #tpu.memory_space<hbm>>
    tpu.enqueue_indirect_dma source(%dma_start3A_16 : memref<10000x64xf32, #tpu.memory_space<hbm>>) target(%arg9 : memref<80x64xf32, #tpu.memory_space<vmem>>) offsets(%dma_start3A_13 : memref<80xi32, #tpu.memory_space<vmem>>) semaphore(%arg15 : memref<!tpu.dma_semaphore, #tpu.memory_space<semaphore_mem>>)
    %dma_start3A_17 = arith.constant 2 : i32
    %dma_start3A_18 = arith.constant 0 : i32
    %dma_start3A_19 = tpu.memref_slice %arg6[%dma_start3A_17, %dma_start3A_18] : memref<125x80xi32, #tpu.memory_space<vmem>> -> memref<1x80xi32, #tpu.memory_space<vmem>>
    %dma_start3A_20 = tpu.memref_squeeze %dma_start3A_19 : memref<1x80xi32, #tpu.memory_space<vmem>> -> memref<80xi32, #tpu.memory_space<vmem>>
    %dma_start3A_21 = arith.constant 0 : i32
    %dma_start3A_22 = arith.constant 0 : i32
    %dma_start3A_23 = tpu.memref_slice %arg2[%dma_start3A_21, %dma_start3A_22] : memref<10000x64xf32, #tpu.memory_space<hbm>> -> memref<10000x64xf32, #tpu.memory_space<hbm>>
    tpu.enqueue_indirect_dma source(%dma_start3A_23 : memref<10000x64xf32, #tpu.memory_space<hbm>>) target(%arg10 : memref<80x64xf32, #tpu.memory_space<vmem>>) offsets(%dma_start3A_20 : memref<80xi32, #tpu.memory_space<vmem>>) semaphore(%arg16 : memref<!tpu.dma_semaphore, #tpu.memory_space<semaphore_mem>>)
    %dma_start3A_24 = arith.constant 3 : i32
    %dma_start3A_25 = arith.constant 0 : i32
    %dma_start3A_26 = tpu.memref_slice %arg6[%dma_start3A_24, %dma_start3A_25] : memref<125x80xi32, #tpu.memory_space<vmem>> -> memref<1x80xi32, #tpu.memory_space<vmem>>
    %dma_start3A_27 = tpu.memref_squeeze %dma_start3A_26 : memref<1x80xi32, #tpu.memory_space<vmem>> -> memref<80xi32, #tpu.memory_space<vmem>>
    %dma_start3A_28 = arith.constant 0 : i32
    %dma_start3A_29 = arith.constant 0 : i32
    %dma_start3A_30 = tpu.memref_slice %arg2[%dma_start3A_28, %dma_start3A_29] : memref<10000x64xf32, #tpu.memory_space<hbm>> -> memref<10000x64xf32, #tpu.memory_space<hbm>>
    tpu.enqueue_indirect_dma source(%dma_start3A_30 : memref<10000x64xf32, #tpu.memory_space<hbm>>) target(%arg11 : memref<80x64xf32, #tpu.memory_space<vmem>>) offsets(%dma_start3A_27 : memref<80xi32, #tpu.memory_space<vmem>>) semaphore(%arg17 : memref<!tpu.dma_semaphore, #tpu.memory_space<semaphore_mem>>)
    %dma_start3A_31 = arith.constant 4 : i32
    %dma_start3A_32 = arith.constant 0 : i32
    %dma_start3A_33 = tpu.memref_slice %arg6[%dma_start3A_31, %dma_start3A_32] : memref<125x80xi32, #tpu.memory_space<vmem>> -> memref<1x80xi32, #tpu.memory_space<vmem>>
    %dma_start3A_34 = tpu.memref_squeeze %dma_start3A_33 : memref<1x80xi32, #tpu.memory_space<vmem>> -> memref<80xi32, #tpu.memory_space<vmem>>
    %dma_start3A_35 = arith.constant 0 : i32
    %dma_start3A_36 = arith.constant 0 : i32
    %dma_start3A_37 = tpu.memref_slice %arg2[%dma_start3A_35, %dma_start3A_36] : memref<10000x64xf32, #tpu.memory_space<hbm>> -> memref<10000x64xf32, #tpu.memory_space<hbm>>
    tpu.enqueue_indirect_dma source(%dma_start3A_37 : memref<10000x64xf32, #tpu.memory_space<hbm>>) target(%arg12 : memref<80x64xf32, #tpu.memory_space<vmem>>) offsets(%dma_start3A_34 : memref<80xi32, #tpu.memory_space<vmem>>) semaphore(%arg18 : memref<!tpu.dma_semaphore, #tpu.memory_space<semaphore_mem>>)
    %scan3A = arith.constant 0 : i32
    %scan3A_38 = arith.constant 24 : i32
    %scan3A_39 = arith.addi %scan3A, %scan3A_38 : i32
    %scan3A_40 = arith.constant 1 : i32
    scf.for %scan3A_86 = %scan3A to %scan3A_39 step %scan3A_40  : i32 {
      %mul3A_87 = arith.constant 5 : i32
      %mul3A_88 = arith.muli %scan3A_86, %mul3A_87 : i32
      %add3A_89 = arith.constant 0 : i32
      %add3A_90 = arith.addi %add3A_89, %mul3A_88 : i32
      %add3A_91 = arith.constant 0 : i32
      %add3A_92 = arith.addi %add3A_90, %add3A_91 : i32
      %dma_wait3A_93 = arith.constant 0 : i32
      %dma_wait3A_94 = tpu.memref_slice %arg6[%add3A_92, %dma_wait3A_93] : memref<125x80xi32, #tpu.memory_space<vmem>> -> memref<1x80xi32, #tpu.memory_space<vmem>>
      %dma_wait3A_95 = tpu.memref_squeeze %dma_wait3A_94 : memref<1x80xi32, #tpu.memory_space<vmem>> -> memref<80xi32, #tpu.memory_space<vmem>>
      %dma_wait3A_96 = arith.constant 0 : i32
      %dma_wait3A_97 = arith.constant 0 : i32
      %dma_wait3A_98 = tpu.memref_slice %arg2[%dma_wait3A_96, %dma_wait3A_97] : memref<10000x64xf32, #tpu.memory_space<hbm>> -> memref<10000x64xf32, #tpu.memory_space<hbm>>
      tpu.wait_indirect_dma semaphore(%arg14 : memref<!tpu.dma_semaphore, #tpu.memory_space<semaphore_mem>>) src(%dma_wait3A_98 : memref<10000x64xf32, #tpu.memory_space<hbm>>) dst(%arg8 : memref<80x64xf32, #tpu.memory_space<vmem>>)
      %add3A_99 = arith.constant 0 : i32
      %add3A_100 = arith.addi %add3A_90, %add3A_99 : i32
      "tpu.region"() ({
        %run_scoped3A_191 = tpu.sem_alloc : memref<!tpu.dma_semaphore, #tpu.memory_space<semaphore_mem>>
        %dma_start3A_192 = arith.constant 0 : i32
        %dma_start3A_193 = tpu.memref_slice %arg7[%add3A_100, %dma_start3A_192] : memref<125x80xi32, #tpu.memory_space<vmem>> -> memref<1x80xi32, #tpu.memory_space<vmem>>
        %dma_start3A_194 = tpu.memref_squeeze %dma_start3A_193 : memref<1x80xi32, #tpu.memory_space<vmem>> -> memref<80xi32, #tpu.memory_space<vmem>>
        %dma_start3A_195 = arith.constant 0 : i32
        %dma_start3A_196 = arith.constant 0 : i32
        %dma_start3A_197 = tpu.memref_slice %arg13[%dma_start3A_195, %dma_start3A_196] : memref<10240x64xf32, #tpu.memory_space<vmem_shared>> -> memref<10240x64xf32, #tpu.memory_space<vmem_shared>>
        tpu.enqueue_indirect_dma source(%arg8 : memref<80x64xf32, #tpu.memory_space<vmem>>) target(%dma_start3A_197 : memref<10240x64xf32, #tpu.memory_space<vmem_shared>>) offsets(%dma_start3A_194 : memref<80xi32, #tpu.memory_space<vmem>>) semaphore(%run_scoped3A_191 : memref<!tpu.dma_semaphore, #tpu.memory_space<semaphore_mem>>) {add = true}
        %dma_wait3A_198 = arith.constant 0 : i32
        %dma_wait3A_199 = tpu.memref_slice %arg7[%add3A_100, %dma_wait3A_198] : memref<125x80xi32, #tpu.memory_space<vmem>> -> memref<1x80xi32, #tpu.memory_space<vmem>>
        %dma_wait3A_200 = tpu.memref_squeeze %dma_wait3A_199 : memref<1x80xi32, #tpu.memory_space<vmem>> -> memref<80xi32, #tpu.memory_space<vmem>>
        %dma_wait3A_201 = arith.constant 0 : i32
        %dma_wait3A_202 = arith.constant 0 : i32
        %dma_wait3A_203 = tpu.memref_slice %arg13[%dma_wait3A_201, %dma_wait3A_202] : memref<10240x64xf32, #tpu.memory_space<vmem_shared>> -> memref<10240x64xf32, #tpu.memory_space<vmem_shared>>
        tpu.wait_indirect_dma semaphore(%run_scoped3A_191 : memref<!tpu.dma_semaphore, #tpu.memory_space<semaphore_mem>>) src(%arg8 : memref<80x64xf32, #tpu.memory_space<vmem>>) dst(%dma_wait3A_203 : memref<10240x64xf32, #tpu.memory_space<vmem_shared>>)
        tpu.yield
      }) : () -> ()
      %add3A_101 = arith.constant 5 : i32
      %add3A_102 = arith.addi %add3A_90, %add3A_101 : i32
      %add3A_103 = arith.constant 0 : i32
      %add3A_104 = arith.addi %add3A_102, %add3A_103 : i32
      %dma_start3A_105 = arith.constant 0 : i32
      %dma_start3A_106 = tpu.memref_slice %arg6[%add3A_104, %dma_start3A_105] : memref<125x80xi32, #tpu.memory_space<vmem>> -> memref<1x80xi32, #tpu.memory_space<vmem>>
      %dma_start3A_107 = tpu.memref_squeeze %dma_start3A_106 : memref<1x80xi32, #tpu.memory_space<vmem>> -> memref<80xi32, #tpu.memory_space<vmem>>
      %dma_start3A_108 = arith.constant 0 : i32
      %dma_start3A_109 = arith.constant 0 : i32
      %dma_start3A_110 = tpu.memref_slice %arg2[%dma_start3A_108, %dma_start3A_109] : memref<10000x64xf32, #tpu.memory_space<hbm>> -> memref<10000x64xf32, #tpu.memory_space<hbm>>
      tpu.enqueue_indirect_dma source(%dma_start3A_110 : memref<10000x64xf32, #tpu.memory_space<hbm>>) target(%arg8 : memref<80x64xf32, #tpu.memory_space<vmem>>) offsets(%dma_start3A_107 : memref<80xi32, #tpu.memory_space<vmem>>) semaphore(%arg14 : memref<!tpu.dma_semaphore, #tpu.memory_space<semaphore_mem>>)
      %add3A_111 = arith.constant 1 : i32
      %add3A_112 = arith.addi %add3A_90, %add3A_111 : i32
      %dma_wait3A_113 = arith.constant 0 : i32
      %dma_wait3A_114 = tpu.memref_slice %arg6[%add3A_112, %dma_wait3A_113] : memref<125x80xi32, #tpu.memory_space<vmem>> -> memref<1x80xi32, #tpu.memory_space<vmem>>
      %dma_wait3A_115 = tpu.memref_squeeze %dma_wait3A_114 : memref<1x80xi32, #tpu.memory_space<vmem>> -> memref<80xi32, #tpu.memory_space<vmem>>
      %dma_wait3A_116 = arith.constant 0 : i32
      %dma_wait3A_117 = arith.constant 0 : i32
      %dma_wait3A_118 = tpu.memref_slice %arg2[%dma_wait3A_116, %dma_wait3A_117] : memref<10000x64xf32, #tpu.memory_space<hbm>> -> memref<10000x64xf32, #tpu.memory_space<hbm>>
      tpu.wait_indirect_dma semaphore(%arg15 : memref<!tpu.dma_semaphore, #tpu.memory_space<semaphore_mem>>) src(%dma_wait3A_118 : memref<10000x64xf32, #tpu.memory_space<hbm>>) dst(%arg9 : memref<80x64xf32, #tpu.memory_space<vmem>>)
      %add3A_119 = arith.constant 1 : i32
      %add3A_120 = arith.addi %add3A_90, %add3A_119 : i32
      "tpu.region"() ({
        %run_scoped3A_191 = tpu.sem_alloc : memref<!tpu.dma_semaphore, #tpu.memory_space<semaphore_mem>>
        %dma_start3A_192 = arith.constant 0 : i32
        %dma_start3A_193 = tpu.memref_slice %arg7[%add3A_120, %dma_start3A_192] : memref<125x80xi32, #tpu.memory_space<vmem>> -> memref<1x80xi32, #tpu.memory_space<vmem>>
        %dma_start3A_194 = tpu.memref_squeeze %dma_start3A_193 : memref<1x80xi32, #tpu.memory_space<vmem>> -> memref<80xi32, #tpu.memory_space<vmem>>
        %dma_start3A_195 = arith.constant 0 : i32
        %dma_start3A_196 = arith.constant 0 : i32
        %dma_start3A_197 = tpu.memref_slice %arg13[%dma_start3A_195, %dma_start3A_196] : memref<10240x64xf32, #tpu.memory_space<vmem_shared>> -> memref<10240x64xf32, #tpu.memory_space<vmem_shared>>
        tpu.enqueue_indirect_dma source(%arg9 : memref<80x64xf32, #tpu.memory_space<vmem>>) target(%dma_start3A_197 : memref<10240x64xf32, #tpu.memory_space<vmem_shared>>) offsets(%dma_start3A_194 : memref<80xi32, #tpu.memory_space<vmem>>) semaphore(%run_scoped3A_191 : memref<!tpu.dma_semaphore, #tpu.memory_space<semaphore_mem>>) {add = true}
        %dma_wait3A_198 = arith.constant 0 : i32
        %dma_wait3A_199 = tpu.memref_slice %arg7[%add3A_120, %dma_wait3A_198] : memref<125x80xi32, #tpu.memory_space<vmem>> -> memref<1x80xi32, #tpu.memory_space<vmem>>
        %dma_wait3A_200 = tpu.memref_squeeze %dma_wait3A_199 : memref<1x80xi32, #tpu.memory_space<vmem>> -> memref<80xi32, #tpu.memory_space<vmem>>
        %dma_wait3A_201 = arith.constant 0 : i32
        %dma_wait3A_202 = arith.constant 0 : i32
        %dma_wait3A_203 = tpu.memref_slice %arg13[%dma_wait3A_201, %dma_wait3A_202] : memref<10240x64xf32, #tpu.memory_space<vmem_shared>> -> memref<10240x64xf32, #tpu.memory_space<vmem_shared>>
        tpu.wait_indirect_dma semaphore(%run_scoped3A_191 : memref<!tpu.dma_semaphore, #tpu.memory_space<semaphore_mem>>) src(%arg9 : memref<80x64xf32, #tpu.memory_space<vmem>>) dst(%dma_wait3A_203 : memref<10240x64xf32, #tpu.memory_space<vmem_shared>>)
        tpu.yield
      }) : () -> ()
      %add3A_121 = arith.constant 5 : i32
      %add3A_122 = arith.addi %add3A_90, %add3A_121 : i32
      %add3A_123 = arith.constant 1 : i32
      %add3A_124 = arith.addi %add3A_122, %add3A_123 : i32
      %dma_start3A_125 = arith.constant 0 : i32
      %dma_start3A_126 = tpu.memref_slice %arg6[%add3A_124, %dma_start3A_125] : memref<125x80xi32, #tpu.memory_space<vmem>> -> memref<1x80xi32, #tpu.memory_space<vmem>>
      %dma_start3A_127 = tpu.memref_squeeze %dma_start3A_126 : memref<1x80xi32, #tpu.memory_space<vmem>> -> memref<80xi32, #tpu.memory_space<vmem>>
      %dma_start3A_128 = arith.constant 0 : i32
      %dma_start3A_129 = arith.constant 0 : i32
      %dma_start3A_130 = tpu.memref_slice %arg2[%dma_start3A_128, %dma_start3A_129] : memref<10000x64xf32, #tpu.memory_space<hbm>> -> memref<10000x64xf32, #tpu.memory_space<hbm>>
      tpu.enqueue_indirect_dma source(%dma_start3A_130 : memref<10000x64xf32, #tpu.memory_space<hbm>>) target(%arg9 : memref<80x64xf32, #tpu.memory_space<vmem>>) offsets(%dma_start3A_127 : memref<80xi32, #tpu.memory_space<vmem>>) semaphore(%arg15 : memref<!tpu.dma_semaphore, #tpu.memory_space<semaphore_mem>>)
      %add3A_131 = arith.constant 2 : i32
      %add3A_132 = arith.addi %add3A_90, %add3A_131 : i32
      %dma_wait3A_133 = arith.constant 0 : i32
      %dma_wait3A_134 = tpu.memref_slice %arg6[%add3A_132, %dma_wait3A_133] : memref<125x80xi32, #tpu.memory_space<vmem>> -> memref<1x80xi32, #tpu.memory_space<vmem>>
      %dma_wait3A_135 = tpu.memref_squeeze %dma_wait3A_134 : memref<1x80xi32, #tpu.memory_space<vmem>> -> memref<80xi32, #tpu.memory_space<vmem>>
      %dma_wait3A_136 = arith.constant 0 : i32
      %dma_wait3A_137 = arith.constant 0 : i32
      %dma_wait3A_138 = tpu.memref_slice %arg2[%dma_wait3A_136, %dma_wait3A_137] : memref<10000x64xf32, #tpu.memory_space<hbm>> -> memref<10000x64xf32, #tpu.memory_space<hbm>>
      tpu.wait_indirect_dma semaphore(%arg16 : memref<!tpu.dma_semaphore, #tpu.memory_space<semaphore_mem>>) src(%dma_wait3A_138 : memref<10000x64xf32, #tpu.memory_space<hbm>>) dst(%arg10 : memref<80x64xf32, #tpu.memory_space<vmem>>)
      %add3A_139 = arith.constant 2 : i32
      %add3A_140 = arith.addi %add3A_90, %add3A_139 : i32
      "tpu.region"() ({
        %run_scoped3A_191 = tpu.sem_alloc : memref<!tpu.dma_semaphore, #tpu.memory_space<semaphore_mem>>
        %dma_start3A_192 = arith.constant 0 : i32
        %dma_start3A_193 = tpu.memref_slice %arg7[%add3A_140, %dma_start3A_192] : memref<125x80xi32, #tpu.memory_space<vmem>> -> memref<1x80xi32, #tpu.memory_space<vmem>>
        %dma_start3A_194 = tpu.memref_squeeze %dma_start3A_193 : memref<1x80xi32, #tpu.memory_space<vmem>> -> memref<80xi32, #tpu.memory_space<vmem>>
        %dma_start3A_195 = arith.constant 0 : i32
        %dma_start3A_196 = arith.constant 0 : i32
        %dma_start3A_197 = tpu.memref_slice %arg13[%dma_start3A_195, %dma_start3A_196] : memref<10240x64xf32, #tpu.memory_space<vmem_shared>> -> memref<10240x64xf32, #tpu.memory_space<vmem_shared>>
        tpu.enqueue_indirect_dma source(%arg10 : memref<80x64xf32, #tpu.memory_space<vmem>>) target(%dma_start3A_197 : memref<10240x64xf32, #tpu.memory_space<vmem_shared>>) offsets(%dma_start3A_194 : memref<80xi32, #tpu.memory_space<vmem>>) semaphore(%run_scoped3A_191 : memref<!tpu.dma_semaphore, #tpu.memory_space<semaphore_mem>>) {add = true}
        %dma_wait3A_198 = arith.constant 0 : i32
        %dma_wait3A_199 = tpu.memref_slice %arg7[%add3A_140, %dma_wait3A_198] : memref<125x80xi32, #tpu.memory_space<vmem>> -> memref<1x80xi32, #tpu.memory_space<vmem>>
        %dma_wait3A_200 = tpu.memref_squeeze %dma_wait3A_199 : memref<1x80xi32, #tpu.memory_space<vmem>> -> memref<80xi32, #tpu.memory_space<vmem>>
        %dma_wait3A_201 = arith.constant 0 : i32
        %dma_wait3A_202 = arith.constant 0 : i32
        %dma_wait3A_203 = tpu.memref_slice %arg13[%dma_wait3A_201, %dma_wait3A_202] : memref<10240x64xf32, #tpu.memory_space<vmem_shared>> -> memref<10240x64xf32, #tpu.memory_space<vmem_shared>>
        tpu.wait_indirect_dma semaphore(%run_scoped3A_191 : memref<!tpu.dma_semaphore, #tpu.memory_space<semaphore_mem>>) src(%arg10 : memref<80x64xf32, #tpu.memory_space<vmem>>) dst(%dma_wait3A_203 : memref<10240x64xf32, #tpu.memory_space<vmem_shared>>)
        tpu.yield
      }) : () -> ()
      %add3A_141 = arith.constant 5 : i32
      %add3A_142 = arith.addi %add3A_90, %add3A_141 : i32
      %add3A_143 = arith.constant 2 : i32
      %add3A_144 = arith.addi %add3A_142, %add3A_143 : i32
      %dma_start3A_145 = arith.constant 0 : i32
      %dma_start3A_146 = tpu.memref_slice %arg6[%add3A_144, %dma_start3A_145] : memref<125x80xi32, #tpu.memory_space<vmem>> -> memref<1x80xi32, #tpu.memory_space<vmem>>
      %dma_start3A_147 = tpu.memref_squeeze %dma_start3A_146 : memref<1x80xi32, #tpu.memory_space<vmem>> -> memref<80xi32, #tpu.memory_space<vmem>>
      %dma_start3A_148 = arith.constant 0 : i32
      %dma_start3A_149 = arith.constant 0 : i32
      %dma_start3A_150 = tpu.memref_slice %arg2[%dma_start3A_148, %dma_start3A_149] : memref<10000x64xf32, #tpu.memory_space<hbm>> -> memref<10000x64xf32, #tpu.memory_space<hbm>>
      tpu.enqueue_indirect_dma source(%dma_start3A_150 : memref<10000x64xf32, #tpu.memory_space<hbm>>) target(%arg10 : memref<80x64xf32, #tpu.memory_space<vmem>>) offsets(%dma_start3A_147 : memref<80xi32, #tpu.memory_space<vmem>>) semaphore(%arg16 : memref<!tpu.dma_semaphore, #tpu.memory_space<semaphore_mem>>)
      %add3A_151 = arith.constant 3 : i32
      %add3A_152 = arith.addi %add3A_90, %add3A_151 : i32
      %dma_wait3A_153 = arith.constant 0 : i32
      %dma_wait3A_154 = tpu.memref_slice %arg6[%add3A_152, %dma_wait3A_153] : memref<125x80xi32, #tpu.memory_space<vmem>> -> memref<1x80xi32, #tpu.memory_space<vmem>>
      %dma_wait3A_155 = tpu.memref_squeeze %dma_wait3A_154 : memref<1x80xi32, #tpu.memory_space<vmem>> -> memref<80xi32, #tpu.memory_space<vmem>>
      %dma_wait3A_156 = arith.constant 0 : i32
      %dma_wait3A_157 = arith.constant 0 : i32
      %dma_wait3A_158 = tpu.memref_slice %arg2[%dma_wait3A_156, %dma_wait3A_157] : memref<10000x64xf32, #tpu.memory_space<hbm>> -> memref<10000x64xf32, #tpu.memory_space<hbm>>
      tpu.wait_indirect_dma semaphore(%arg17 : memref<!tpu.dma_semaphore, #tpu.memory_space<semaphore_mem>>) src(%dma_wait3A_158 : memref<10000x64xf32, #tpu.memory_space<hbm>>) dst(%arg11 : memref<80x64xf32, #tpu.memory_space<vmem>>)
      %add3A_159 = arith.constant 3 : i32
      %add3A_160 = arith.addi %add3A_90, %add3A_159 : i32
      "tpu.region"() ({
        %run_scoped3A_191 = tpu.sem_alloc : memref<!tpu.dma_semaphore, #tpu.memory_space<semaphore_mem>>
        %dma_start3A_192 = arith.constant 0 : i32
        %dma_start3A_193 = tpu.memref_slice %arg7[%add3A_160, %dma_start3A_192] : memref<125x80xi32, #tpu.memory_space<vmem>> -> memref<1x80xi32, #tpu.memory_space<vmem>>
        %dma_start3A_194 = tpu.memref_squeeze %dma_start3A_193 : memref<1x80xi32, #tpu.memory_space<vmem>> -> memref<80xi32, #tpu.memory_space<vmem>>
        %dma_start3A_195 = arith.constant 0 : i32
        %dma_start3A_196 = arith.constant 0 : i32
        %dma_start3A_197 = tpu.memref_slice %arg13[%dma_start3A_195, %dma_start3A_196] : memref<10240x64xf32, #tpu.memory_space<vmem_shared>> -> memref<10240x64xf32, #tpu.memory_space<vmem_shared>>
        tpu.enqueue_indirect_dma source(%arg11 : memref<80x64xf32, #tpu.memory_space<vmem>>) target(%dma_start3A_197 : memref<10240x64xf32, #tpu.memory_space<vmem_shared>>) offsets(%dma_start3A_194 : memref<80xi32, #tpu.memory_space<vmem>>) semaphore(%run_scoped3A_191 : memref<!tpu.dma_semaphore, #tpu.memory_space<semaphore_mem>>) {add = true}
        %dma_wait3A_198 = arith.constant 0 : i32
        %dma_wait3A_199 = tpu.memref_slice %arg7[%add3A_160, %dma_wait3A_198] : memref<125x80xi32, #tpu.memory_space<vmem>> -> memref<1x80xi32, #tpu.memory_space<vmem>>
        %dma_wait3A_200 = tpu.memref_squeeze %dma_wait3A_199 : memref<1x80xi32, #tpu.memory_space<vmem>> -> memref<80xi32, #tpu.memory_space<vmem>>
        %dma_wait3A_201 = arith.constant 0 : i32
        %dma_wait3A_202 = arith.constant 0 : i32
        %dma_wait3A_203 = tpu.memref_slice %arg13[%dma_wait3A_201, %dma_wait3A_202] : memref<10240x64xf32, #tpu.memory_space<vmem_shared>> -> memref<10240x64xf32, #tpu.memory_space<vmem_shared>>
        tpu.wait_indirect_dma semaphore(%run_scoped3A_191 : memref<!tpu.dma_semaphore, #tpu.memory_space<semaphore_mem>>) src(%arg11 : memref<80x64xf32, #tpu.memory_space<vmem>>) dst(%dma_wait3A_203 : memref<10240x64xf32, #tpu.memory_space<vmem_shared>>)
        tpu.yield
      }) : () -> ()
      %add3A_161 = arith.constant 5 : i32
      %add3A_162 = arith.addi %add3A_90, %add3A_161 : i32
      %add3A_163 = arith.constant 3 : i32
      %add3A_164 = arith.addi %add3A_162, %add3A_163 : i32
      %dma_start3A_165 = arith.constant 0 : i32
      %dma_start3A_166 = tpu.memref_slice %arg6[%add3A_164, %dma_start3A_165] : memref<125x80xi32, #tpu.memory_space<vmem>> -> memref<1x80xi32, #tpu.memory_space<vmem>>
      %dma_start3A_167 = tpu.memref_squeeze %dma_start3A_166 : memref<1x80xi32, #tpu.memory_space<vmem>> -> memref<80xi32, #tpu.memory_space<vmem>>
      %dma_start3A_168 = arith.constant 0 : i32
      %dma_start3A_169 = arith.constant 0 : i32
      %dma_start3A_170 = tpu.memref_slice %arg2[%dma_start3A_168, %dma_start3A_169] : memref<10000x64xf32, #tpu.memory_space<hbm>> -> memref<10000x64xf32, #tpu.memory_space<hbm>>
      tpu.enqueue_indirect_dma source(%dma_start3A_170 : memref<10000x64xf32, #tpu.memory_space<hbm>>) target(%arg11 : memref<80x64xf32, #tpu.memory_space<vmem>>) offsets(%dma_start3A_167 : memref<80xi32, #tpu.memory_space<vmem>>) semaphore(%arg17 : memref<!tpu.dma_semaphore, #tpu.memory_space<semaphore_mem>>)
      %add3A_171 = arith.constant 4 : i32
      %add3A_172 = arith.addi %add3A_90, %add3A_171 : i32
      %dma_wait3A_173 = arith.constant 0 : i32
      %dma_wait3A_174 = tpu.memref_slice %arg6[%add3A_172, %dma_wait3A_173] : memref<125x80xi32, #tpu.memory_space<vmem>> -> memref<1x80xi32, #tpu.memory_space<vmem>>
      %dma_wait3A_175 = tpu.memref_squeeze %dma_wait3A_174 : memref<1x80xi32, #tpu.memory_space<vmem>> -> memref<80xi32, #tpu.memory_space<vmem>>
      %dma_wait3A_176 = arith.constant 0 : i32
      %dma_wait3A_177 = arith.constant 0 : i32
      %dma_wait3A_178 = tpu.memref_slice %arg2[%dma_wait3A_176, %dma_wait3A_177] : memref<10000x64xf32, #tpu.memory_space<hbm>> -> memref<10000x64xf32, #tpu.memory_space<hbm>>
      tpu.wait_indirect_dma semaphore(%arg18 : memref<!tpu.dma_semaphore, #tpu.memory_space<semaphore_mem>>) src(%dma_wait3A_178 : memref<10000x64xf32, #tpu.memory_space<hbm>>) dst(%arg12 : memref<80x64xf32, #tpu.memory_space<vmem>>)
      %add3A_179 = arith.constant 4 : i32
      %add3A_180 = arith.addi %add3A_90, %add3A_179 : i32
      "tpu.region"() ({
        %run_scoped3A_191 = tpu.sem_alloc : memref<!tpu.dma_semaphore, #tpu.memory_space<semaphore_mem>>
        %dma_start3A_192 = arith.constant 0 : i32
        %dma_start3A_193 = tpu.memref_slice %arg7[%add3A_180, %dma_start3A_192] : memref<125x80xi32, #tpu.memory_space<vmem>> -> memref<1x80xi32, #tpu.memory_space<vmem>>
        %dma_start3A_194 = tpu.memref_squeeze %dma_start3A_193 : memref<1x80xi32, #tpu.memory_space<vmem>> -> memref<80xi32, #tpu.memory_space<vmem>>
        %dma_start3A_195 = arith.constant 0 : i32
        %dma_start3A_196 = arith.constant 0 : i32
        %dma_start3A_197 = tpu.memref_slice %arg13[%dma_start3A_195, %dma_start3A_196] : memref<10240x64xf32, #tpu.memory_space<vmem_shared>> -> memref<10240x64xf32, #tpu.memory_space<vmem_shared>>
        tpu.enqueue_indirect_dma source(%arg12 : memref<80x64xf32, #tpu.memory_space<vmem>>) target(%dma_start3A_197 : memref<10240x64xf32, #tpu.memory_space<vmem_shared>>) offsets(%dma_start3A_194 : memref<80xi32, #tpu.memory_space<vmem>>) semaphore(%run_scoped3A_191 : memref<!tpu.dma_semaphore, #tpu.memory_space<semaphore_mem>>) {add = true}
        %dma_wait3A_198 = arith.constant 0 : i32
        %dma_wait3A_199 = tpu.memref_slice %arg7[%add3A_180, %dma_wait3A_198] : memref<125x80xi32, #tpu.memory_space<vmem>> -> memref<1x80xi32, #tpu.memory_space<vmem>>
        %dma_wait3A_200 = tpu.memref_squeeze %dma_wait3A_199 : memref<1x80xi32, #tpu.memory_space<vmem>> -> memref<80xi32, #tpu.memory_space<vmem>>
        %dma_wait3A_201 = arith.constant 0 : i32
        %dma_wait3A_202 = arith.constant 0 : i32
        %dma_wait3A_203 = tpu.memref_slice %arg13[%dma_wait3A_201, %dma_wait3A_202] : memref<10240x64xf32, #tpu.memory_space<vmem_shared>> -> memref<10240x64xf32, #tpu.memory_space<vmem_shared>>
        tpu.wait_indirect_dma semaphore(%run_scoped3A_191 : memref<!tpu.dma_semaphore, #tpu.memory_space<semaphore_mem>>) src(%arg12 : memref<80x64xf32, #tpu.memory_space<vmem>>) dst(%dma_wait3A_203 : memref<10240x64xf32, #tpu.memory_space<vmem_shared>>)
        tpu.yield
      }) : () -> ()
      %add3A_181 = arith.constant 5 : i32
      %add3A_182 = arith.addi %add3A_90, %add3A_181 : i32
      %add3A_183 = arith.constant 4 : i32
      %add3A_184 = arith.addi %add3A_182, %add3A_183 : i32
      %dma_start3A_185 = arith.constant 0 : i32
      %dma_start3A_186 = tpu.memref_slice %arg6[%add3A_184, %dma_start3A_185] : memref<125x80xi32, #tpu.memory_space<vmem>> -> memref<1x80xi32, #tpu.memory_space<vmem>>
      %dma_start3A_187 = tpu.memref_squeeze %dma_start3A_186 : memref<1x80xi32, #tpu.memory_space<vmem>> -> memref<80xi32, #tpu.memory_space<vmem>>
      %dma_start3A_188 = arith.constant 0 : i32
      %dma_start3A_189 = arith.constant 0 : i32
      %dma_start3A_190 = tpu.memref_slice %arg2[%dma_start3A_188, %dma_start3A_189] : memref<10000x64xf32, #tpu.memory_space<hbm>> -> memref<10000x64xf32, #tpu.memory_space<hbm>>
      tpu.enqueue_indirect_dma source(%dma_start3A_190 : memref<10000x64xf32, #tpu.memory_space<hbm>>) target(%arg12 : memref<80x64xf32, #tpu.memory_space<vmem>>) offsets(%dma_start3A_187 : memref<80xi32, #tpu.memory_space<vmem>>) semaphore(%arg18 : memref<!tpu.dma_semaphore, #tpu.memory_space<semaphore_mem>>)
    }
    %scan3A_41 = arith.constant 24 : i32
    %dma_wait3A = arith.constant 120 : i32
    %dma_wait3A_42 = arith.constant 0 : i32
    %dma_wait3A_43 = tpu.memref_slice %arg6[%dma_wait3A, %dma_wait3A_42] : memref<125x80xi32, #tpu.memory_space<vmem>> -> memref<1x80xi32, #tpu.memory_space<vmem>>
    %dma_wait3A_44 = tpu.memref_squeeze %dma_wait3A_43 : memref<1x80xi32, #tpu.memory_space<vmem>> -> memref<80xi32, #tpu.memory_space<vmem>>
    %dma_wait3A_45 = arith.constant 0 : i32
    %dma_wait3A_46 = arith.constant 0 : i32
    %dma_wait3A_47 = tpu.memref_slice %arg2[%dma_wait3A_45, %dma_wait3A_46] : memref<10000x64xf32, #tpu.memory_space<hbm>> -> memref<10000x64xf32, #tpu.memory_space<hbm>>
    tpu.wait_indirect_dma semaphore(%arg14 : memref<!tpu.dma_semaphore, #tpu.memory_space<semaphore_mem>>) src(%dma_wait3A_47 : memref<10000x64xf32, #tpu.memory_space<hbm>>) dst(%arg8 : memref<80x64xf32, #tpu.memory_space<vmem>>)
    %run_scoped3A_48 = arith.constant 120 : i32
    "tpu.region"() ({
      %run_scoped3A_86 = tpu.sem_alloc : memref<!tpu.dma_semaphore, #tpu.memory_space<semaphore_mem>>
      %dma_start3A_87 = arith.constant 0 : i32
      %dma_start3A_88 = tpu.memref_slice %arg7[%run_scoped3A_48, %dma_start3A_87] : memref<125x80xi32, #tpu.memory_space<vmem>> -> memref<1x80xi32, #tpu.memory_space<vmem>>
      %dma_start3A_89 = tpu.memref_squeeze %dma_start3A_88 : memref<1x80xi32, #tpu.memory_space<vmem>> -> memref<80xi32, #tpu.memory_space<vmem>>
      %dma_start3A_90 = arith.constant 0 : i32
      %dma_start3A_91 = arith.constant 0 : i32
      %dma_start3A_92 = tpu.memref_slice %arg13[%dma_start3A_90, %dma_start3A_91] : memref<10240x64xf32, #tpu.memory_space<vmem_shared>> -> memref<10240x64xf32, #tpu.memory_space<vmem_shared>>
      tpu.enqueue_indirect_dma source(%arg8 : memref<80x64xf32, #tpu.memory_space<vmem>>) target(%dma_start3A_92 : memref<10240x64xf32, #tpu.memory_space<vmem_shared>>) offsets(%dma_start3A_89 : memref<80xi32, #tpu.memory_space<vmem>>) semaphore(%run_scoped3A_86 : memref<!tpu.dma_semaphore, #tpu.memory_space<semaphore_mem>>) {add = true}
      %dma_wait3A_93 = arith.constant 0 : i32
      %dma_wait3A_94 = tpu.memref_slice %arg7[%run_scoped3A_48, %dma_wait3A_93] : memref<125x80xi32, #tpu.memory_space<vmem>> -> memref<1x80xi32, #tpu.memory_space<vmem>>
      %dma_wait3A_95 = tpu.memref_squeeze %dma_wait3A_94 : memref<1x80xi32, #tpu.memory_space<vmem>> -> memref<80xi32, #tpu.memory_space<vmem>>
      %dma_wait3A_96 = arith.constant 0 : i32
      %dma_wait3A_97 = arith.constant 0 : i32
      %dma_wait3A_98 = tpu.memref_slice %arg13[%dma_wait3A_96, %dma_wait3A_97] : memref<10240x64xf32, #tpu.memory_space<vmem_shared>> -> memref<10240x64xf32, #tpu.memory_space<vmem_shared>>
      tpu.wait_indirect_dma semaphore(%run_scoped3A_86 : memref<!tpu.dma_semaphore, #tpu.memory_space<semaphore_mem>>) src(%arg8 : memref<80x64xf32, #tpu.memory_space<vmem>>) dst(%dma_wait3A_98 : memref<10240x64xf32, #tpu.memory_space<vmem_shared>>)
      tpu.yield
    }) : () -> ()
    %dma_wait3A_49 = arith.constant 121 : i32
    %dma_wait3A_50 = arith.constant 0 : i32
    %dma_wait3A_51 = tpu.memref_slice %arg6[%dma_wait3A_49, %dma_wait3A_50] : memref<125x80xi32, #tpu.memory_space<vmem>> -> memref<1x80xi32, #tpu.memory_space<vmem>>
    %dma_wait3A_52 = tpu.memref_squeeze %dma_wait3A_51 : memref<1x80xi32, #tpu.memory_space<vmem>> -> memref<80xi32, #tpu.memory_space<vmem>>
    %dma_wait3A_53 = arith.constant 0 : i32
    %dma_wait3A_54 = arith.constant 0 : i32
    %dma_wait3A_55 = tpu.memref_slice %arg2[%dma_wait3A_53, %dma_wait3A_54] : memref<10000x64xf32, #tpu.memory_space<hbm>> -> memref<10000x64xf32, #tpu.memory_space<hbm>>
    tpu.wait_indirect_dma semaphore(%arg15 : memref<!tpu.dma_semaphore, #tpu.memory_space<semaphore_mem>>) src(%dma_wait3A_55 : memref<10000x64xf32, #tpu.memory_space<hbm>>) dst(%arg9 : memref<80x64xf32, #tpu.memory_space<vmem>>)
    %run_scoped3A_56 = arith.constant 121 : i32
    "tpu.region"() ({
      %run_scoped3A_86 = tpu.sem_alloc : memref<!tpu.dma_semaphore, #tpu.memory_space<semaphore_mem>>
      %dma_start3A_87 = arith.constant 0 : i32
      %dma_start3A_88 = tpu.memref_slice %arg7[%run_scoped3A_56, %dma_start3A_87] : memref<125x80xi32, #tpu.memory_space<vmem>> -> memref<1x80xi32, #tpu.memory_space<vmem>>
      %dma_start3A_89 = tpu.memref_squeeze %dma_start3A_88 : memref<1x80xi32, #tpu.memory_space<vmem>> -> memref<80xi32, #tpu.memory_space<vmem>>
      %dma_start3A_90 = arith.constant 0 : i32
      %dma_start3A_91 = arith.constant 0 : i32
      %dma_start3A_92 = tpu.memref_slice %arg13[%dma_start3A_90, %dma_start3A_91] : memref<10240x64xf32, #tpu.memory_space<vmem_shared>> -> memref<10240x64xf32, #tpu.memory_space<vmem_shared>>
      tpu.enqueue_indirect_dma source(%arg9 : memref<80x64xf32, #tpu.memory_space<vmem>>) target(%dma_start3A_92 : memref<10240x64xf32, #tpu.memory_space<vmem_shared>>) offsets(%dma_start3A_89 : memref<80xi32, #tpu.memory_space<vmem>>) semaphore(%run_scoped3A_86 : memref<!tpu.dma_semaphore, #tpu.memory_space<semaphore_mem>>) {add = true}
      %dma_wait3A_93 = arith.constant 0 : i32
      %dma_wait3A_94 = tpu.memref_slice %arg7[%run_scoped3A_56, %dma_wait3A_93] : memref<125x80xi32, #tpu.memory_space<vmem>> -> memref<1x80xi32, #tpu.memory_space<vmem>>
      %dma_wait3A_95 = tpu.memref_squeeze %dma_wait3A_94 : memref<1x80xi32, #tpu.memory_space<vmem>> -> memref<80xi32, #tpu.memory_space<vmem>>
      %dma_wait3A_96 = arith.constant 0 : i32
      %dma_wait3A_97 = arith.constant 0 : i32
      %dma_wait3A_98 = tpu.memref_slice %arg13[%dma_wait3A_96, %dma_wait3A_97] : memref<10240x64xf32, #tpu.memory_space<vmem_shared>> -> memref<10240x64xf32, #tpu.memory_space<vmem_shared>>
      tpu.wait_indirect_dma semaphore(%run_scoped3A_86 : memref<!tpu.dma_semaphore, #tpu.memory_space<semaphore_mem>>) src(%arg9 : memref<80x64xf32, #tpu.memory_space<vmem>>) dst(%dma_wait3A_98 : memref<10240x64xf32, #tpu.memory_space<vmem_shared>>)
      tpu.yield
    }) : () -> ()
    %dma_wait3A_57 = arith.constant 122 : i32
    %dma_wait3A_58 = arith.constant 0 : i32
    %dma_wait3A_59 = tpu.memref_slice %arg6[%dma_wait3A_57, %dma_wait3A_58] : memref<125x80xi32, #tpu.memory_space<vmem>> -> memref<1x80xi32, #tpu.memory_space<vmem>>
    %dma_wait3A_60 = tpu.memref_squeeze %dma_wait3A_59 : memref<1x80xi32, #tpu.memory_space<vmem>> -> memref<80xi32, #tpu.memory_space<vmem>>
    %dma_wait3A_61 = arith.constant 0 : i32
    %dma_wait3A_62 = arith.constant 0 : i32
    %dma_wait3A_63 = tpu.memref_slice %arg2[%dma_wait3A_61, %dma_wait3A_62] : memref<10000x64xf32, #tpu.memory_space<hbm>> -> memref<10000x64xf32, #tpu.memory_space<hbm>>
    tpu.wait_indirect_dma semaphore(%arg16 : memref<!tpu.dma_semaphore, #tpu.memory_space<semaphore_mem>>) src(%dma_wait3A_63 : memref<10000x64xf32, #tpu.memory_space<hbm>>) dst(%arg10 : memref<80x64xf32, #tpu.memory_space<vmem>>)
    %run_scoped3A_64 = arith.constant 122 : i32
    "tpu.region"() ({
      %run_scoped3A_86 = tpu.sem_alloc : memref<!tpu.dma_semaphore, #tpu.memory_space<semaphore_mem>>
      %dma_start3A_87 = arith.constant 0 : i32
      %dma_start3A_88 = tpu.memref_slice %arg7[%run_scoped3A_64, %dma_start3A_87] : memref<125x80xi32, #tpu.memory_space<vmem>> -> memref<1x80xi32, #tpu.memory_space<vmem>>
      %dma_start3A_89 = tpu.memref_squeeze %dma_start3A_88 : memref<1x80xi32, #tpu.memory_space<vmem>> -> memref<80xi32, #tpu.memory_space<vmem>>
      %dma_start3A_90 = arith.constant 0 : i32
      %dma_start3A_91 = arith.constant 0 : i32
      %dma_start3A_92 = tpu.memref_slice %arg13[%dma_start3A_90, %dma_start3A_91] : memref<10240x64xf32, #tpu.memory_space<vmem_shared>> -> memref<10240x64xf32, #tpu.memory_space<vmem_shared>>
      tpu.enqueue_indirect_dma source(%arg10 : memref<80x64xf32, #tpu.memory_space<vmem>>) target(%dma_start3A_92 : memref<10240x64xf32, #tpu.memory_space<vmem_shared>>) offsets(%dma_start3A_89 : memref<80xi32, #tpu.memory_space<vmem>>) semaphore(%run_scoped3A_86 : memref<!tpu.dma_semaphore, #tpu.memory_space<semaphore_mem>>) {add = true}
      %dma_wait3A_93 = arith.constant 0 : i32
      %dma_wait3A_94 = tpu.memref_slice %arg7[%run_scoped3A_64, %dma_wait3A_93] : memref<125x80xi32, #tpu.memory_space<vmem>> -> memref<1x80xi32, #tpu.memory_space<vmem>>
      %dma_wait3A_95 = tpu.memref_squeeze %dma_wait3A_94 : memref<1x80xi32, #tpu.memory_space<vmem>> -> memref<80xi32, #tpu.memory_space<vmem>>
      %dma_wait3A_96 = arith.constant 0 : i32
      %dma_wait3A_97 = arith.constant 0 : i32
      %dma_wait3A_98 = tpu.memref_slice %arg13[%dma_wait3A_96, %dma_wait3A_97] : memref<10240x64xf32, #tpu.memory_space<vmem_shared>> -> memref<10240x64xf32, #tpu.memory_space<vmem_shared>>
      tpu.wait_indirect_dma semaphore(%run_scoped3A_86 : memref<!tpu.dma_semaphore, #tpu.memory_space<semaphore_mem>>) src(%arg10 : memref<80x64xf32, #tpu.memory_space<vmem>>) dst(%dma_wait3A_98 : memref<10240x64xf32, #tpu.memory_space<vmem_shared>>)
      tpu.yield
    }) : () -> ()
    %dma_wait3A_65 = arith.constant 123 : i32
    %dma_wait3A_66 = arith.constant 0 : i32
    %dma_wait3A_67 = tpu.memref_slice %arg6[%dma_wait3A_65, %dma_wait3A_66] : memref<125x80xi32, #tpu.memory_space<vmem>> -> memref<1x80xi32, #tpu.memory_space<vmem>>
    %dma_wait3A_68 = tpu.memref_squeeze %dma_wait3A_67 : memref<1x80xi32, #tpu.memory_space<vmem>> -> memref<80xi32, #tpu.memory_space<vmem>>
    %dma_wait3A_69 = arith.constant 0 : i32
    %dma_wait3A_70 = arith.constant 0 : i32
    %dma_wait3A_71 = tpu.memref_slice %arg2[%dma_wait3A_69, %dma_wait3A_70] : memref<10000x64xf32, #tpu.memory_space<hbm>> -> memref<10000x64xf32, #tpu.memory_space<hbm>>
    tpu.wait_indirect_dma semaphore(%arg17 : memref<!tpu.dma_semaphore, #tpu.memory_space<semaphore_mem>>) src(%dma_wait3A_71 : memref<10000x64xf32, #tpu.memory_space<hbm>>) dst(%arg11 : memref<80x64xf32, #tpu.memory_space<vmem>>)
    %run_scoped3A_72 = arith.constant 123 : i32
    "tpu.region"() ({
      %run_scoped3A_86 = tpu.sem_alloc : memref<!tpu.dma_semaphore, #tpu.memory_space<semaphore_mem>>
      %dma_start3A_87 = arith.constant 0 : i32
      %dma_start3A_88 = tpu.memref_slice %arg7[%run_scoped3A_72, %dma_start3A_87] : memref<125x80xi32, #tpu.memory_space<vmem>> -> memref<1x80xi32, #tpu.memory_space<vmem>>
      %dma_start3A_89 = tpu.memref_squeeze %dma_start3A_88 : memref<1x80xi32, #tpu.memory_space<vmem>> -> memref<80xi32, #tpu.memory_space<vmem>>
      %dma_start3A_90 = arith.constant 0 : i32
      %dma_start3A_91 = arith.constant 0 : i32
      %dma_start3A_92 = tpu.memref_slice %arg13[%dma_start3A_90, %dma_start3A_91] : memref<10240x64xf32, #tpu.memory_space<vmem_shared>> -> memref<10240x64xf32, #tpu.memory_space<vmem_shared>>
      tpu.enqueue_indirect_dma source(%arg11 : memref<80x64xf32, #tpu.memory_space<vmem>>) target(%dma_start3A_92 : memref<10240x64xf32, #tpu.memory_space<vmem_shared>>) offsets(%dma_start3A_89 : memref<80xi32, #tpu.memory_space<vmem>>) semaphore(%run_scoped3A_86 : memref<!tpu.dma_semaphore, #tpu.memory_space<semaphore_mem>>) {add = true}
      %dma_wait3A_93 = arith.constant 0 : i32
      %dma_wait3A_94 = tpu.memref_slice %arg7[%run_scoped3A_72, %dma_wait3A_93] : memref<125x80xi32, #tpu.memory_space<vmem>> -> memref<1x80xi32, #tpu.memory_space<vmem>>
      %dma_wait3A_95 = tpu.memref_squeeze %dma_wait3A_94 : memref<1x80xi32, #tpu.memory_space<vmem>> -> memref<80xi32, #tpu.memory_space<vmem>>
      %dma_wait3A_96 = arith.constant 0 : i32
      %dma_wait3A_97 = arith.constant 0 : i32
      %dma_wait3A_98 = tpu.memref_slice %arg13[%dma_wait3A_96, %dma_wait3A_97] : memref<10240x64xf32, #tpu.memory_space<vmem_shared>> -> memref<10240x64xf32, #tpu.memory_space<vmem_shared>>
      tpu.wait_indirect_dma semaphore(%run_scoped3A_86 : memref<!tpu.dma_semaphore, #tpu.memory_space<semaphore_mem>>) src(%arg11 : memref<80x64xf32, #tpu.memory_space<vmem>>) dst(%dma_wait3A_98 : memref<10240x64xf32, #tpu.memory_space<vmem_shared>>)
      tpu.yield
    }) : () -> ()
    %dma_wait3A_73 = arith.constant 124 : i32
    %dma_wait3A_74 = arith.constant 0 : i32
    %dma_wait3A_75 = tpu.memref_slice %arg6[%dma_wait3A_73, %dma_wait3A_74] : memref<125x80xi32, #tpu.memory_space<vmem>> -> memref<1x80xi32, #tpu.memory_space<vmem>>
    %dma_wait3A_76 = tpu.memref_squeeze %dma_wait3A_75 : memref<1x80xi32, #tpu.memory_space<vmem>> -> memref<80xi32, #tpu.memory_space<vmem>>
    %dma_wait3A_77 = arith.constant 0 : i32
    %dma_wait3A_78 = arith.constant 0 : i32
    %dma_wait3A_79 = tpu.memref_slice %arg2[%dma_wait3A_77, %dma_wait3A_78] : memref<10000x64xf32, #tpu.memory_space<hbm>> -> memref<10000x64xf32, #tpu.memory_space<hbm>>
    tpu.wait_indirect_dma semaphore(%arg18 : memref<!tpu.dma_semaphore, #tpu.memory_space<semaphore_mem>>) src(%dma_wait3A_79 : memref<10000x64xf32, #tpu.memory_space<hbm>>) dst(%arg12 : memref<80x64xf32, #tpu.memory_space<vmem>>)
    %run_scoped3A_80 = arith.constant 124 : i32
    "tpu.region"() ({
      %run_scoped3A_86 = tpu.sem_alloc : memref<!tpu.dma_semaphore, #tpu.memory_space<semaphore_mem>>
      %dma_start3A_87 = arith.constant 0 : i32
      %dma_start3A_88 = tpu.memref_slice %arg7[%run_scoped3A_80, %dma_start3A_87] : memref<125x80xi32, #tpu.memory_space<vmem>> -> memref<1x80xi32, #tpu.memory_space<vmem>>
      %dma_start3A_89 = tpu.memref_squeeze %dma_start3A_88 : memref<1x80xi32, #tpu.memory_space<vmem>> -> memref<80xi32, #tpu.memory_space<vmem>>
      %dma_start3A_90 = arith.constant 0 : i32
      %dma_start3A_91 = arith.constant 0 : i32
      %dma_start3A_92 = tpu.memref_slice %arg13[%dma_start3A_90, %dma_start3A_91] : memref<10240x64xf32, #tpu.memory_space<vmem_shared>> -> memref<10240x64xf32, #tpu.memory_space<vmem_shared>>
      tpu.enqueue_indirect_dma source(%arg12 : memref<80x64xf32, #tpu.memory_space<vmem>>) target(%dma_start3A_92 : memref<10240x64xf32, #tpu.memory_space<vmem_shared>>) offsets(%dma_start3A_89 : memref<80xi32, #tpu.memory_space<vmem>>) semaphore(%run_scoped3A_86 : memref<!tpu.dma_semaphore, #tpu.memory_space<semaphore_mem>>) {add = true}
      %dma_wait3A_93 = arith.constant 0 : i32
      %dma_wait3A_94 = tpu.memref_slice %arg7[%run_scoped3A_80, %dma_wait3A_93] : memref<125x80xi32, #tpu.memory_space<vmem>> -> memref<1x80xi32, #tpu.memory_space<vmem>>
      %dma_wait3A_95 = tpu.memref_squeeze %dma_wait3A_94 : memref<1x80xi32, #tpu.memory_space<vmem>> -> memref<80xi32, #tpu.memory_space<vmem>>
      %dma_wait3A_96 = arith.constant 0 : i32
      %dma_wait3A_97 = arith.constant 0 : i32
      %dma_wait3A_98 = tpu.memref_slice %arg13[%dma_wait3A_96, %dma_wait3A_97] : memref<10240x64xf32, #tpu.memory_space<vmem_shared>> -> memref<10240x64xf32, #tpu.memory_space<vmem_shared>>
      tpu.wait_indirect_dma semaphore(%run_scoped3A_86 : memref<!tpu.dma_semaphore, #tpu.memory_space<semaphore_mem>>) src(%arg12 : memref<80x64xf32, #tpu.memory_space<vmem>>) dst(%dma_wait3A_98 : memref<10240x64xf32, #tpu.memory_space<vmem_shared>>)
      tpu.yield
    }) : () -> ()
    %barrier3A_81 = arith.constant 0 : index
    tpu.barrier barrier_id(%barrier3A_81)
    %mul3A_82 = arith.constant 640 : i32
    %mul3A_83 = arith.muli %arg1, %mul3A_82 : i32
    %mul3A_84 = arith.constant 640 : i32
    %mul3A_85 = arith.muli %arg1, %mul3A_84 : i32
    "tpu.region"() ({
      %run_scoped3A_86 = tpu.sem_alloc : memref<!tpu.dma_semaphore, #tpu.memory_space<semaphore_mem>>
      %dma_start3A_87 = arith.constant 0 : i32
      %dma_start3A_88 = tpu.memref_slice %arg5[%arg0, %mul3A_85, %dma_start3A_87] : memref<2x10240x64xf32, #tpu.memory_space<hbm>> -> memref<1x640x64xf32, #tpu.memory_space<hbm>>
      %dma_start3A_89 = tpu.memref_squeeze %dma_start3A_88 : memref<1x640x64xf32, #tpu.memory_space<hbm>> -> memref<640x64xf32, #tpu.memory_space<hbm>>
      %dma_start3A_90 = arith.constant 0 : i32
      %dma_start3A_91 = tpu.memref_slice %arg13[%mul3A_83, %dma_start3A_90] : memref<10240x64xf32, #tpu.memory_space<vmem_shared>> -> memref<640x64xf32, #tpu.memory_space<vmem_shared>>
      tpu.enqueue_dma source(%dma_start3A_91 : memref<640x64xf32, #tpu.memory_space<vmem_shared>>) target(%dma_start3A_89 : memref<640x64xf32, #tpu.memory_space<hbm>>) target_semaphore(%run_scoped3A_86 : memref<!tpu.dma_semaphore, #tpu.memory_space<semaphore_mem>>)
      %dma_wait3A_92 = arith.constant 0 : i32
      %dma_wait3A_93 = tpu.memref_slice %arg5[%arg0, %mul3A_85, %dma_wait3A_92] : memref<2x10240x64xf32, #tpu.memory_space<hbm>> -> memref<1x640x64xf32, #tpu.memory_space<hbm>>
      %dma_wait3A_94 = tpu.memref_squeeze %dma_wait3A_93 : memref<1x640x64xf32, #tpu.memory_space<hbm>> -> memref<640x64xf32, #tpu.memory_space<hbm>>
      %dma_wait3A_95 = arith.constant 0 : i32
      %dma_wait3A_96 = tpu.memref_slice %arg13[%mul3A_83, %dma_wait3A_95] : memref<10240x64xf32, #tpu.memory_space<vmem_shared>> -> memref<640x64xf32, #tpu.memory_space<vmem_shared>>
      tpu.wait_dma2 semaphore(%run_scoped3A_86 : memref<!tpu.dma_semaphore, #tpu.memory_space<semaphore_mem>>) src(%dma_wait3A_96 : memref<640x64xf32, #tpu.memory_space<vmem_shared>>) dst(%dma_wait3A_94 : memref<640x64xf32, #tpu.memory_space<hbm>>)
      tpu.yield
    }) : () -> ()
    return
  }
}

#map = affine_map<(d0, d1) -> (0, 0, 0, 0)>
#map1 = affine_map<(d0, d1) -> (0)>
#map2 = affine_map<(d0, d1) -> (0, 0)>
module attributes {stable_mosaic.version = 14 : i64} {
  func.func @_deg_kernel(%arg0: i32, %arg1: i32, %arg2: memref<2x32x125x80xi32, #tpu.memory_space<hbm>>, %arg3: memref<40xf32, #tpu.memory_space<hbm>>, %arg4: memref<640xf32, #tpu.memory_space<hbm>>, %arg5: memref<2x10240xf32, #tpu.memory_space<hbm>>, %arg6: memref<125x80xi32, #tpu.memory_space<vmem>>, %arg7: memref<40xf32, #tpu.memory_space<vmem>>, %arg8: memref<10240xf32, #tpu.memory_space<vmem_shared>>, %arg9: memref<!tpu.dma_semaphore, #tpu.memory_space<semaphore_mem>>) attributes {dimension_semantics = [#tpu.dimension_semantics<core_parallel>, #tpu.dimension_semantics<subcore_parallel>], iteration_bounds = array<i64: 2, 16>, scalar_prefetch = 0 : i64, scratch_operands = 4 : i64, tpu.core_type = #tpu.core_type<sc_vector_subcore>, window_params = [{transform_indices = #map}, {transform_indices = #map1}, {transform_indices = #map1}, {transform_indices = #map2}]} {
    %mul3A = arith.constant 16 : i32
    %mul3A_0 = arith.muli %arg0, %mul3A : i32
    %add3A = arith.addi %mul3A_0, %arg1 : i32
    %mul3A_1 = arith.constant 640 : i32
    %mul3A_2 = arith.muli %arg1, %mul3A_1 : i32
    "tpu.region"() ({
      %run_scoped3A_12 = tpu.sem_alloc : memref<!tpu.dma_semaphore, #tpu.memory_space<semaphore_mem>>
      %dma_start3A = tpu.memref_slice %arg8[%mul3A_2] : memref<10240xf32, #tpu.memory_space<vmem_shared>> -> memref<640xf32, #tpu.memory_space<vmem_shared>>
      tpu.enqueue_dma source(%arg4 : memref<640xf32, #tpu.memory_space<hbm>>) target(%dma_start3A : memref<640xf32, #tpu.memory_space<vmem_shared>>) target_semaphore(%run_scoped3A_12 : memref<!tpu.dma_semaphore, #tpu.memory_space<semaphore_mem>>)
      %dma_wait3A = tpu.memref_slice %arg8[%mul3A_2] : memref<10240xf32, #tpu.memory_space<vmem_shared>> -> memref<640xf32, #tpu.memory_space<vmem_shared>>
      tpu.wait_dma2 semaphore(%run_scoped3A_12 : memref<!tpu.dma_semaphore, #tpu.memory_space<semaphore_mem>>) src(%arg4 : memref<640xf32, #tpu.memory_space<hbm>>) dst(%dma_wait3A : memref<640xf32, #tpu.memory_space<vmem_shared>>)
      tpu.yield
    }) : () -> ()
    %run_scoped3A = arith.constant 1 : i32
    "tpu.region"() ({
      %run_scoped3A_12 = tpu.sem_alloc : memref<!tpu.dma_semaphore, #tpu.memory_space<semaphore_mem>>
      %dma_start3A = arith.constant 0 : i32
      %dma_start3A_13 = arith.constant 0 : i32
      %dma_start3A_14 = tpu.memref_slice %arg2[%run_scoped3A, %add3A, %dma_start3A, %dma_start3A_13] : memref<2x32x125x80xi32, #tpu.memory_space<hbm>> -> memref<1x1x125x80xi32, #tpu.memory_space<hbm>>
      %dma_start3A_15 = tpu.memref_squeeze %dma_start3A_14 : memref<1x1x125x80xi32, #tpu.memory_space<hbm>> -> memref<125x80xi32, #tpu.memory_space<hbm>>
      %dma_start3A_16 = arith.constant 0 : i32
      %dma_start3A_17 = arith.constant 0 : i32
      %dma_start3A_18 = tpu.memref_slice %arg2[%run_scoped3A, %add3A, %dma_start3A_16, %dma_start3A_17] : memref<2x32x125x80xi32, #tpu.memory_space<hbm>> -> memref<1x1x125x80xi32, #tpu.memory_space<hbm>>
      %dma_start3A_19 = tpu.memref_squeeze %dma_start3A_18 : memref<1x1x125x80xi32, #tpu.memory_space<hbm>> -> memref<125x80xi32, #tpu.memory_space<hbm>>
      tpu.enqueue_dma source(%dma_start3A_19 : memref<125x80xi32, #tpu.memory_space<hbm>>) target(%arg6 : memref<125x80xi32, #tpu.memory_space<vmem>>) target_semaphore(%run_scoped3A_12 : memref<!tpu.dma_semaphore, #tpu.memory_space<semaphore_mem>>)
      %dma_wait3A = arith.constant 0 : i32
      %dma_wait3A_20 = arith.constant 0 : i32
      %dma_wait3A_21 = tpu.memref_slice %arg2[%run_scoped3A, %add3A, %dma_wait3A, %dma_wait3A_20] : memref<2x32x125x80xi32, #tpu.memory_space<hbm>> -> memref<1x1x125x80xi32, #tpu.memory_space<hbm>>
      %dma_wait3A_22 = tpu.memref_squeeze %dma_wait3A_21 : memref<1x1x125x80xi32, #tpu.memory_space<hbm>> -> memref<125x80xi32, #tpu.memory_space<hbm>>
      %dma_wait3A_23 = arith.constant 0 : i32
      %dma_wait3A_24 = arith.constant 0 : i32
      %dma_wait3A_25 = tpu.memref_slice %arg2[%run_scoped3A, %add3A, %dma_wait3A_23, %dma_wait3A_24] : memref<2x32x125x80xi32, #tpu.memory_space<hbm>> -> memref<1x1x125x80xi32, #tpu.memory_space<hbm>>
      %dma_wait3A_26 = tpu.memref_squeeze %dma_wait3A_25 : memref<1x1x125x80xi32, #tpu.memory_space<hbm>> -> memref<125x80xi32, #tpu.memory_space<hbm>>
      tpu.wait_dma2 semaphore(%run_scoped3A_12 : memref<!tpu.dma_semaphore, #tpu.memory_space<semaphore_mem>>) src(%dma_wait3A_26 : memref<125x80xi32, #tpu.memory_space<hbm>>) dst(%arg6 : memref<125x80xi32, #tpu.memory_space<vmem>>)
      tpu.yield
    }) : () -> ()
    "tpu.region"() ({
      %run_scoped3A_12 = tpu.sem_alloc : memref<!tpu.dma_semaphore, #tpu.memory_space<semaphore_mem>>
      tpu.enqueue_dma source(%arg3 : memref<40xf32, #tpu.memory_space<hbm>>) target(%arg7 : memref<40xf32, #tpu.memory_space<vmem>>) target_semaphore(%run_scoped3A_12 : memref<!tpu.dma_semaphore, #tpu.memory_space<semaphore_mem>>)
      tpu.wait_dma2 semaphore(%run_scoped3A_12 : memref<!tpu.dma_semaphore, #tpu.memory_space<semaphore_mem>>) src(%arg3 : memref<40xf32, #tpu.memory_space<hbm>>) dst(%arg7 : memref<40xf32, #tpu.memory_space<vmem>>)
      tpu.yield
    }) : () -> ()
    %barrier3A = arith.constant 0 : index
    tpu.barrier barrier_id(%barrier3A)
    %scan3A = arith.constant 0 : i32
    %scan3A_3 = arith.constant 10 : i32
    %scan3A_4 = arith.addi %scan3A, %scan3A_3 : i32
    %scan3A_5 = arith.constant 1 : i32
    scf.for %scan3A_12 = %scan3A to %scan3A_4 step %scan3A_5  : i32 {
      %mul3A_13 = arith.constant 25 : i32
      %mul3A_14 = arith.muli %scan3A_12, %mul3A_13 : i32
      %add3A_15 = arith.constant 0 : i32
      %add3A_16 = arith.addi %add3A_15, %mul3A_14 : i32
      %scan3A_17 = arith.constant 0 : i32
      %scan3A_18 = arith.constant 25 : i32
      %scan3A_19 = arith.addi %scan3A_17, %scan3A_18 : i32
      %scan3A_20 = arith.constant 1 : i32
      scf.for %scan3A_27 = %scan3A_17 to %scan3A_19 step %scan3A_20  : i32 {
        %mul3A_28 = arith.constant 1 : i32
        %mul3A_29 = arith.muli %scan3A_27, %mul3A_28 : i32
        %add3A_30 = arith.constant 0 : i32
        %add3A_31 = arith.addi %add3A_30, %mul3A_29 : i32
        %add3A_32 = arith.addi %add3A_16, %add3A_31 : i32
        %jit3A = arith.constant 2 : i32
        %div3A = arith.divsi %add3A_32, %jit3A : i32
        %sign3A = arith.constant 0 : i32
        %sign3A_33 = arith.cmpi sgt, %add3A_32, %sign3A : i32
        %sign3A_34 = arith.extui %sign3A_33 : i1 to i32
        %sign3A_35 = arith.constant 0 : i32
        %sign3A_36 = arith.cmpi slt, %add3A_32, %sign3A_35 : i32
        %sign3A_37 = arith.extui %sign3A_36 : i1 to i32
        %sign3A_38 = arith.subi %sign3A_34, %sign3A_37 : i32
        %sign3A_39 = arith.constant 0 : i32
        %sign3A_40 = arith.cmpi sgt, %jit3A, %sign3A_39 : i32
        %sign3A_41 = arith.extui %sign3A_40 : i1 to i32
        %sign3A_42 = arith.constant 0 : i32
        %sign3A_43 = arith.cmpi slt, %jit3A, %sign3A_42 : i32
        %sign3A_44 = arith.extui %sign3A_43 : i1 to i32
        %sign3A_45 = arith.subi %sign3A_41, %sign3A_44 : i32
        %ne3A = arith.cmpi ne, %sign3A_38, %sign3A_45 : i32
        %rem3A = arith.remsi %add3A_32, %jit3A : i32
        %ne3A_46 = arith.constant 0 : i32
        %ne3A_47 = arith.cmpi ne, %rem3A, %ne3A_46 : i32
        %and3A = arith.andi %ne3A, %ne3A_47 : i1
        %sub3A = arith.constant 1 : i32
        %sub3A_48 = arith.subi %div3A, %sub3A : i32
        %select_n3A = arith.select %and3A, %sub3A_48, %div3A : i32
        %jit3A_49 = arith.constant 2 : i32
        %eq3A = arith.constant 0 : i32
        %eq3A_50 = arith.cmpi eq, %jit3A_49, %eq3A : i32
        %jit3A_51 = arith.constant 1 : i32
        %select_n3A_52 = arith.select %eq3A_50, %jit3A_51, %jit3A_49 : i32
        %rem3A_53 = arith.remsi %add3A_32, %select_n3A_52 : i32
        %ne3A_54 = arith.constant 0 : i32
        %ne3A_55 = arith.cmpi ne, %rem3A_53, %ne3A_54 : i32
        %lt3A = arith.constant 0 : i32
        %lt3A_56 = arith.cmpi slt, %rem3A_53, %lt3A : i32
        %lt3A_57 = arith.constant 0 : i32
        %lt3A_58 = arith.cmpi slt, %select_n3A_52, %lt3A_57 : i32
        %ne3A_59 = arith.xori %lt3A_56, %lt3A_58 : i1
        %and3A_60 = arith.andi %ne3A_59, %ne3A_55 : i1
        %add3A_61 = arith.addi %rem3A_53, %select_n3A_52 : i32
        %select_n3A_62 = arith.select %and3A_60, %add3A_61, %rem3A_53 : i32
        %mul3A_63 = arith.constant 40 : i32
        %mul3A_64 = arith.muli %select_n3A_62, %mul3A_63 : i32
        %dma_start3A = tpu.memref_slice %arg6[%select_n3A, %mul3A_64] : memref<125x80xi32, #tpu.memory_space<vmem>> -> memref<1x40xi32, #tpu.memory_space<vmem>>
        %dma_start3A_65 = tpu.memref_squeeze %dma_start3A : memref<1x40xi32, #tpu.memory_space<vmem>> -> memref<40xi32, #tpu.memory_space<vmem>>
        %dma_start3A_66 = arith.constant 0 : i32
        %dma_start3A_67 = tpu.memref_slice %arg8[%dma_start3A_66] : memref<10240xf32, #tpu.memory_space<vmem_shared>> -> memref<10240xf32, #tpu.memory_space<vmem_shared>>
        tpu.enqueue_indirect_dma source(%arg7 : memref<40xf32, #tpu.memory_space<vmem>>) target(%dma_start3A_67 : memref<10240xf32, #tpu.memory_space<vmem_shared>>) offsets(%dma_start3A_65 : memref<40xi32, #tpu.memory_space<vmem>>) semaphore(%arg9 : memref<!tpu.dma_semaphore, #tpu.memory_space<semaphore_mem>>) {add = true}
      }
      %scan3A_21 = arith.constant 25 : i32
      %scan3A_22 = arith.constant 0 : i32
      %scan3A_23 = arith.constant 25 : i32
      %scan3A_24 = arith.addi %scan3A_22, %scan3A_23 : i32
      %scan3A_25 = arith.constant 1 : i32
      scf.for %scan3A_27 = %scan3A_22 to %scan3A_24 step %scan3A_25  : i32 {
        %mul3A_28 = arith.constant 1 : i32
        %mul3A_29 = arith.muli %scan3A_27, %mul3A_28 : i32
        %add3A_30 = arith.constant 0 : i32
        %add3A_31 = arith.addi %add3A_30, %mul3A_29 : i32
        %dma_wait3A = arith.constant 0 : i32
        %dma_wait3A_32 = arith.constant 0 : i32
        %dma_wait3A_33 = tpu.memref_slice %arg6[%dma_wait3A, %dma_wait3A_32] : memref<125x80xi32, #tpu.memory_space<vmem>> -> memref<1x80xi32, #tpu.memory_space<vmem>>
        %dma_wait3A_34 = tpu.memref_squeeze %dma_wait3A_33 : memref<1x80xi32, #tpu.memory_space<vmem>> -> memref<80xi32, #tpu.memory_space<vmem>>
        %dma_wait3A_35 = arith.constant 0 : i32
        %dma_wait3A_36 = tpu.memref_slice %arg8[%dma_wait3A_35] : memref<10240xf32, #tpu.memory_space<vmem_shared>> -> memref<10240xf32, #tpu.memory_space<vmem_shared>>
        tpu.wait_indirect_dma semaphore(%arg9 : memref<!tpu.dma_semaphore, #tpu.memory_space<semaphore_mem>>) src(%arg7 : memref<40xf32, #tpu.memory_space<vmem>>) dst(%dma_wait3A_36 : memref<10240xf32, #tpu.memory_space<vmem_shared>>)
      }
      %scan3A_26 = arith.constant 25 : i32
    }
    %scan3A_6 = arith.constant 10 : i32
    %barrier3A_7 = arith.constant 0 : index
    tpu.barrier barrier_id(%barrier3A_7)
    %mul3A_8 = arith.constant 640 : i32
    %mul3A_9 = arith.muli %arg1, %mul3A_8 : i32
    %mul3A_10 = arith.constant 640 : i32
    %mul3A_11 = arith.muli %arg1, %mul3A_10 : i32
    "tpu.region"() ({
      %run_scoped3A_12 = tpu.sem_alloc : memref<!tpu.dma_semaphore, #tpu.memory_space<semaphore_mem>>
      %dma_start3A = tpu.memref_slice %arg5[%arg0, %mul3A_11] : memref<2x10240xf32, #tpu.memory_space<hbm>> -> memref<1x640xf32, #tpu.memory_space<hbm>>
      %dma_start3A_13 = tpu.memref_squeeze %dma_start3A : memref<1x640xf32, #tpu.memory_space<hbm>> -> memref<640xf32, #tpu.memory_space<hbm>>
      %dma_start3A_14 = tpu.memref_slice %arg8[%mul3A_9] : memref<10240xf32, #tpu.memory_space<vmem_shared>> -> memref<640xf32, #tpu.memory_space<vmem_shared>>
      tpu.enqueue_dma source(%dma_start3A_14 : memref<640xf32, #tpu.memory_space<vmem_shared>>) target(%dma_start3A_13 : memref<640xf32, #tpu.memory_space<hbm>>) target_semaphore(%run_scoped3A_12 : memref<!tpu.dma_semaphore, #tpu.memory_space<semaphore_mem>>)
      %dma_wait3A = tpu.memref_slice %arg5[%arg0, %mul3A_11] : memref<2x10240xf32, #tpu.memory_space<hbm>> -> memref<1x640xf32, #tpu.memory_space<hbm>>
      %dma_wait3A_15 = tpu.memref_squeeze %dma_wait3A : memref<1x640xf32, #tpu.memory_space<hbm>> -> memref<640xf32, #tpu.memory_space<hbm>>
      %dma_wait3A_16 = tpu.memref_slice %arg8[%mul3A_9] : memref<10240xf32, #tpu.memory_space<vmem_shared>> -> memref<640xf32, #tpu.memory_space<vmem_shared>>
      tpu.wait_dma2 semaphore(%run_scoped3A_12 : memref<!tpu.dma_semaphore, #tpu.memory_space<semaphore_mem>>) src(%dma_wait3A_16 : memref<640xf32, #tpu.memory_space<vmem_shared>>) dst(%dma_wait3A_15 : memref<640xf32, #tpu.memory_space<hbm>>)
      tpu.yield
    }) : () -> ()
    return
  }
}

#map = affine_map<(d0, d1) -> (0, 0)>
#map1 = affine_map<(d0, d1) -> (0, 0, 0, 0)>
#map2 = affine_map<(d0, d1) -> (0, 0, 0)>
module attributes {stable_mosaic.version = 14 : i64} {
  func.func @_agg(%arg0: i32, %arg1: i32, %arg2: memref<10000x128xf32, #tpu.memory_space<hbm>>, %arg3: memref<2x32x125x80xi32, #tpu.memory_space<hbm>>, %arg4: memref<640x128xf32, #tpu.memory_space<hbm>>, %arg5: memref<2x10240x128xf32, #tpu.memory_space<hbm>>, %arg6: memref<125x80xi32, #tpu.memory_space<vmem>>, %arg7: memref<125x80xi32, #tpu.memory_space<vmem>>, %arg8: memref<40x128xf32, #tpu.memory_space<vmem>>, %arg9: memref<40x128xf32, #tpu.memory_space<vmem>>, %arg10: memref<40x128xf32, #tpu.memory_space<vmem>>, %arg11: memref<40x128xf32, #tpu.memory_space<vmem>>, %arg12: memref<40x128xf32, #tpu.memory_space<vmem>>, %arg13: memref<10240x128xf32, #tpu.memory_space<vmem_shared>>, %arg14: memref<!tpu.dma_semaphore, #tpu.memory_space<semaphore_mem>>, %arg15: memref<!tpu.dma_semaphore, #tpu.memory_space<semaphore_mem>>, %arg16: memref<!tpu.dma_semaphore, #tpu.memory_space<semaphore_mem>>, %arg17: memref<!tpu.dma_semaphore, #tpu.memory_space<semaphore_mem>>, %arg18: memref<!tpu.dma_semaphore, #tpu.memory_space<semaphore_mem>>) attributes {dimension_semantics = [#tpu.dimension_semantics<core_parallel>, #tpu.dimension_semantics<subcore_parallel>], iteration_bounds = array<i64: 2, 16>, scalar_prefetch = 0 : i64, scratch_operands = 13 : i64, tpu.core_type = #tpu.core_type<sc_vector_subcore>, window_params = [{transform_indices = #map}, {transform_indices = #map1}, {transform_indices = #map}, {transform_indices = #map2}]} {
    %mul3A = arith.constant 16 : i32
    %mul3A_0 = arith.muli %arg0, %mul3A : i32
    %add3A = arith.addi %mul3A_0, %arg1 : i32
    %run_scoped3A = arith.constant 0 : i32
    "tpu.region"() ({
      %run_scoped3A_86 = tpu.sem_alloc : memref<!tpu.dma_semaphore, #tpu.memory_space<semaphore_mem>>
      %dma_start3A_87 = arith.constant 0 : i32
      %dma_start3A_88 = arith.constant 0 : i32
      %dma_start3A_89 = tpu.memref_slice %arg3[%run_scoped3A, %add3A, %dma_start3A_87, %dma_start3A_88] : memref<2x32x125x80xi32, #tpu.memory_space<hbm>> -> memref<1x1x125x80xi32, #tpu.memory_space<hbm>>
      %dma_start3A_90 = tpu.memref_squeeze %dma_start3A_89 : memref<1x1x125x80xi32, #tpu.memory_space<hbm>> -> memref<125x80xi32, #tpu.memory_space<hbm>>
      %dma_start3A_91 = arith.constant 0 : i32
      %dma_start3A_92 = arith.constant 0 : i32
      %dma_start3A_93 = tpu.memref_slice %arg3[%run_scoped3A, %add3A, %dma_start3A_91, %dma_start3A_92] : memref<2x32x125x80xi32, #tpu.memory_space<hbm>> -> memref<1x1x125x80xi32, #tpu.memory_space<hbm>>
      %dma_start3A_94 = tpu.memref_squeeze %dma_start3A_93 : memref<1x1x125x80xi32, #tpu.memory_space<hbm>> -> memref<125x80xi32, #tpu.memory_space<hbm>>
      tpu.enqueue_dma source(%dma_start3A_94 : memref<125x80xi32, #tpu.memory_space<hbm>>) target(%arg6 : memref<125x80xi32, #tpu.memory_space<vmem>>) target_semaphore(%run_scoped3A_86 : memref<!tpu.dma_semaphore, #tpu.memory_space<semaphore_mem>>)
      %dma_wait3A_95 = arith.constant 0 : i32
      %dma_wait3A_96 = arith.constant 0 : i32
      %dma_wait3A_97 = tpu.memref_slice %arg3[%run_scoped3A, %add3A, %dma_wait3A_95, %dma_wait3A_96] : memref<2x32x125x80xi32, #tpu.memory_space<hbm>> -> memref<1x1x125x80xi32, #tpu.memory_space<hbm>>
      %dma_wait3A_98 = tpu.memref_squeeze %dma_wait3A_97 : memref<1x1x125x80xi32, #tpu.memory_space<hbm>> -> memref<125x80xi32, #tpu.memory_space<hbm>>
      %dma_wait3A_99 = arith.constant 0 : i32
      %dma_wait3A_100 = arith.constant 0 : i32
      %dma_wait3A_101 = tpu.memref_slice %arg3[%run_scoped3A, %add3A, %dma_wait3A_99, %dma_wait3A_100] : memref<2x32x125x80xi32, #tpu.memory_space<hbm>> -> memref<1x1x125x80xi32, #tpu.memory_space<hbm>>
      %dma_wait3A_102 = tpu.memref_squeeze %dma_wait3A_101 : memref<1x1x125x80xi32, #tpu.memory_space<hbm>> -> memref<125x80xi32, #tpu.memory_space<hbm>>
      tpu.wait_dma2 semaphore(%run_scoped3A_86 : memref<!tpu.dma_semaphore, #tpu.memory_space<semaphore_mem>>) src(%dma_wait3A_102 : memref<125x80xi32, #tpu.memory_space<hbm>>) dst(%arg6 : memref<125x80xi32, #tpu.memory_space<vmem>>)
      tpu.yield
    }) : () -> ()
    %run_scoped3A_1 = arith.constant 1 : i32
    "tpu.region"() ({
      %run_scoped3A_86 = tpu.sem_alloc : memref<!tpu.dma_semaphore, #tpu.memory_space<semaphore_mem>>
      %dma_start3A_87 = arith.constant 0 : i32
      %dma_start3A_88 = arith.constant 0 : i32
      %dma_start3A_89 = tpu.memref_slice %arg3[%run_scoped3A_1, %add3A, %dma_start3A_87, %dma_start3A_88] : memref<2x32x125x80xi32, #tpu.memory_space<hbm>> -> memref<1x1x125x80xi32, #tpu.memory_space<hbm>>
      %dma_start3A_90 = tpu.memref_squeeze %dma_start3A_89 : memref<1x1x125x80xi32, #tpu.memory_space<hbm>> -> memref<125x80xi32, #tpu.memory_space<hbm>>
      %dma_start3A_91 = arith.constant 0 : i32
      %dma_start3A_92 = arith.constant 0 : i32
      %dma_start3A_93 = tpu.memref_slice %arg3[%run_scoped3A_1, %add3A, %dma_start3A_91, %dma_start3A_92] : memref<2x32x125x80xi32, #tpu.memory_space<hbm>> -> memref<1x1x125x80xi32, #tpu.memory_space<hbm>>
      %dma_start3A_94 = tpu.memref_squeeze %dma_start3A_93 : memref<1x1x125x80xi32, #tpu.memory_space<hbm>> -> memref<125x80xi32, #tpu.memory_space<hbm>>
      tpu.enqueue_dma source(%dma_start3A_94 : memref<125x80xi32, #tpu.memory_space<hbm>>) target(%arg7 : memref<125x80xi32, #tpu.memory_space<vmem>>) target_semaphore(%run_scoped3A_86 : memref<!tpu.dma_semaphore, #tpu.memory_space<semaphore_mem>>)
      %dma_wait3A_95 = arith.constant 0 : i32
      %dma_wait3A_96 = arith.constant 0 : i32
      %dma_wait3A_97 = tpu.memref_slice %arg3[%run_scoped3A_1, %add3A, %dma_wait3A_95, %dma_wait3A_96] : memref<2x32x125x80xi32, #tpu.memory_space<hbm>> -> memref<1x1x125x80xi32, #tpu.memory_space<hbm>>
      %dma_wait3A_98 = tpu.memref_squeeze %dma_wait3A_97 : memref<1x1x125x80xi32, #tpu.memory_space<hbm>> -> memref<125x80xi32, #tpu.memory_space<hbm>>
      %dma_wait3A_99 = arith.constant 0 : i32
      %dma_wait3A_100 = arith.constant 0 : i32
      %dma_wait3A_101 = tpu.memref_slice %arg3[%run_scoped3A_1, %add3A, %dma_wait3A_99, %dma_wait3A_100] : memref<2x32x125x80xi32, #tpu.memory_space<hbm>> -> memref<1x1x125x80xi32, #tpu.memory_space<hbm>>
      %dma_wait3A_102 = tpu.memref_squeeze %dma_wait3A_101 : memref<1x1x125x80xi32, #tpu.memory_space<hbm>> -> memref<125x80xi32, #tpu.memory_space<hbm>>
      tpu.wait_dma2 semaphore(%run_scoped3A_86 : memref<!tpu.dma_semaphore, #tpu.memory_space<semaphore_mem>>) src(%dma_wait3A_102 : memref<125x80xi32, #tpu.memory_space<hbm>>) dst(%arg7 : memref<125x80xi32, #tpu.memory_space<vmem>>)
      tpu.yield
    }) : () -> ()
    %mul3A_2 = arith.constant 640 : i32
    %mul3A_3 = arith.muli %arg1, %mul3A_2 : i32
    "tpu.region"() ({
      %run_scoped3A_86 = tpu.sem_alloc : memref<!tpu.dma_semaphore, #tpu.memory_space<semaphore_mem>>
      %dma_start3A_87 = arith.constant 0 : i32
      %dma_start3A_88 = tpu.memref_slice %arg13[%mul3A_3, %dma_start3A_87] : memref<10240x128xf32, #tpu.memory_space<vmem_shared>> -> memref<640x128xf32, #tpu.memory_space<vmem_shared>>
      tpu.enqueue_dma source(%arg4 : memref<640x128xf32, #tpu.memory_space<hbm>>) target(%dma_start3A_88 : memref<640x128xf32, #tpu.memory_space<vmem_shared>>) target_semaphore(%run_scoped3A_86 : memref<!tpu.dma_semaphore, #tpu.memory_space<semaphore_mem>>)
      %dma_wait3A_89 = arith.constant 0 : i32
      %dma_wait3A_90 = tpu.memref_slice %arg13[%mul3A_3, %dma_wait3A_89] : memref<10240x128xf32, #tpu.memory_space<vmem_shared>> -> memref<640x128xf32, #tpu.memory_space<vmem_shared>>
      tpu.wait_dma2 semaphore(%run_scoped3A_86 : memref<!tpu.dma_semaphore, #tpu.memory_space<semaphore_mem>>) src(%arg4 : memref<640x128xf32, #tpu.memory_space<hbm>>) dst(%dma_wait3A_90 : memref<640x128xf32, #tpu.memory_space<vmem_shared>>)
      tpu.yield
    }) : () -> ()
    %barrier3A = arith.constant 0 : index
    tpu.barrier barrier_id(%barrier3A)
    %dma_start3A = arith.constant 0 : i32
    %dma_start3A_4 = arith.constant 0 : i32
    %dma_start3A_5 = tpu.memref_slice %arg6[%dma_start3A, %dma_start3A_4] : memref<125x80xi32, #tpu.memory_space<vmem>> -> memref<1x40xi32, #tpu.memory_space<vmem>>
    %dma_start3A_6 = tpu.memref_squeeze %dma_start3A_5 : memref<1x40xi32, #tpu.memory_space<vmem>> -> memref<40xi32, #tpu.memory_space<vmem>>
    %dma_start3A_7 = arith.constant 0 : i32
    %dma_start3A_8 = arith.constant 0 : i32
    %dma_start3A_9 = tpu.memref_slice %arg2[%dma_start3A_7, %dma_start3A_8] : memref<10000x128xf32, #tpu.memory_space<hbm>> -> memref<10000x128xf32, #tpu.memory_space<hbm>>
    tpu.enqueue_indirect_dma source(%dma_start3A_9 : memref<10000x128xf32, #tpu.memory_space<hbm>>) target(%arg8 : memref<40x128xf32, #tpu.memory_space<vmem>>) offsets(%dma_start3A_6 : memref<40xi32, #tpu.memory_space<vmem>>) semaphore(%arg14 : memref<!tpu.dma_semaphore, #tpu.memory_space<semaphore_mem>>)
    %dma_start3A_10 = arith.constant 0 : i32
    %dma_start3A_11 = arith.constant 40 : i32
    %dma_start3A_12 = tpu.memref_slice %arg6[%dma_start3A_10, %dma_start3A_11] : memref<125x80xi32, #tpu.memory_space<vmem>> -> memref<1x40xi32, #tpu.memory_space<vmem>>
    %dma_start3A_13 = tpu.memref_squeeze %dma_start3A_12 : memref<1x40xi32, #tpu.memory_space<vmem>> -> memref<40xi32, #tpu.memory_space<vmem>>
    %dma_start3A_14 = arith.constant 0 : i32
    %dma_start3A_15 = arith.constant 0 : i32
    %dma_start3A_16 = tpu.memref_slice %arg2[%dma_start3A_14, %dma_start3A_15] : memref<10000x128xf32, #tpu.memory_space<hbm>> -> memref<10000x128xf32, #tpu.memory_space<hbm>>
    tpu.enqueue_indirect_dma source(%dma_start3A_16 : memref<10000x128xf32, #tpu.memory_space<hbm>>) target(%arg9 : memref<40x128xf32, #tpu.memory_space<vmem>>) offsets(%dma_start3A_13 : memref<40xi32, #tpu.memory_space<vmem>>) semaphore(%arg15 : memref<!tpu.dma_semaphore, #tpu.memory_space<semaphore_mem>>)
    %dma_start3A_17 = arith.constant 1 : i32
    %dma_start3A_18 = arith.constant 0 : i32
    %dma_start3A_19 = tpu.memref_slice %arg6[%dma_start3A_17, %dma_start3A_18] : memref<125x80xi32, #tpu.memory_space<vmem>> -> memref<1x40xi32, #tpu.memory_space<vmem>>
    %dma_start3A_20 = tpu.memref_squeeze %dma_start3A_19 : memref<1x40xi32, #tpu.memory_space<vmem>> -> memref<40xi32, #tpu.memory_space<vmem>>
    %dma_start3A_21 = arith.constant 0 : i32
    %dma_start3A_22 = arith.constant 0 : i32
    %dma_start3A_23 = tpu.memref_slice %arg2[%dma_start3A_21, %dma_start3A_22] : memref<10000x128xf32, #tpu.memory_space<hbm>> -> memref<10000x128xf32, #tpu.memory_space<hbm>>
    tpu.enqueue_indirect_dma source(%dma_start3A_23 : memref<10000x128xf32, #tpu.memory_space<hbm>>) target(%arg10 : memref<40x128xf32, #tpu.memory_space<vmem>>) offsets(%dma_start3A_20 : memref<40xi32, #tpu.memory_space<vmem>>) semaphore(%arg16 : memref<!tpu.dma_semaphore, #tpu.memory_space<semaphore_mem>>)
    %dma_start3A_24 = arith.constant 1 : i32
    %dma_start3A_25 = arith.constant 40 : i32
    %dma_start3A_26 = tpu.memref_slice %arg6[%dma_start3A_24, %dma_start3A_25] : memref<125x80xi32, #tpu.memory_space<vmem>> -> memref<1x40xi32, #tpu.memory_space<vmem>>
    %dma_start3A_27 = tpu.memref_squeeze %dma_start3A_26 : memref<1x40xi32, #tpu.memory_space<vmem>> -> memref<40xi32, #tpu.memory_space<vmem>>
    %dma_start3A_28 = arith.constant 0 : i32
    %dma_start3A_29 = arith.constant 0 : i32
    %dma_start3A_30 = tpu.memref_slice %arg2[%dma_start3A_28, %dma_start3A_29] : memref<10000x128xf32, #tpu.memory_space<hbm>> -> memref<10000x128xf32, #tpu.memory_space<hbm>>
    tpu.enqueue_indirect_dma source(%dma_start3A_30 : memref<10000x128xf32, #tpu.memory_space<hbm>>) target(%arg11 : memref<40x128xf32, #tpu.memory_space<vmem>>) offsets(%dma_start3A_27 : memref<40xi32, #tpu.memory_space<vmem>>) semaphore(%arg17 : memref<!tpu.dma_semaphore, #tpu.memory_space<semaphore_mem>>)
    %dma_start3A_31 = arith.constant 2 : i32
    %dma_start3A_32 = arith.constant 0 : i32
    %dma_start3A_33 = tpu.memref_slice %arg6[%dma_start3A_31, %dma_start3A_32] : memref<125x80xi32, #tpu.memory_space<vmem>> -> memref<1x40xi32, #tpu.memory_space<vmem>>
    %dma_start3A_34 = tpu.memref_squeeze %dma_start3A_33 : memref<1x40xi32, #tpu.memory_space<vmem>> -> memref<40xi32, #tpu.memory_space<vmem>>
    %dma_start3A_35 = arith.constant 0 : i32
    %dma_start3A_36 = arith.constant 0 : i32
    %dma_start3A_37 = tpu.memref_slice %arg2[%dma_start3A_35, %dma_start3A_36] : memref<10000x128xf32, #tpu.memory_space<hbm>> -> memref<10000x128xf32, #tpu.memory_space<hbm>>
    tpu.enqueue_indirect_dma source(%dma_start3A_37 : memref<10000x128xf32, #tpu.memory_space<hbm>>) target(%arg12 : memref<40x128xf32, #tpu.memory_space<vmem>>) offsets(%dma_start3A_34 : memref<40xi32, #tpu.memory_space<vmem>>) semaphore(%arg18 : memref<!tpu.dma_semaphore, #tpu.memory_space<semaphore_mem>>)
    %scan3A = arith.constant 0 : i32
    %scan3A_38 = arith.constant 49 : i32
    %scan3A_39 = arith.addi %scan3A, %scan3A_38 : i32
    %scan3A_40 = arith.constant 1 : i32
    scf.for %scan3A_86 = %scan3A to %scan3A_39 step %scan3A_40  : i32 {
      %mul3A_87 = arith.constant 5 : i32
      %mul3A_88 = arith.muli %scan3A_86, %mul3A_87 : i32
      %add3A_89 = arith.constant 0 : i32
      %add3A_90 = arith.addi %add3A_89, %mul3A_88 : i32
      %add3A_91 = arith.constant 0 : i32
      %add3A_92 = arith.addi %add3A_90, %add3A_91 : i32
      %jit3A = arith.constant 2 : i32
      %div3A = arith.divsi %add3A_92, %jit3A : i32
      %sign3A = arith.constant 0 : i32
      %sign3A_93 = arith.cmpi sgt, %add3A_92, %sign3A : i32
      %sign3A_94 = arith.extui %sign3A_93 : i1 to i32
      %sign3A_95 = arith.constant 0 : i32
      %sign3A_96 = arith.cmpi slt, %add3A_92, %sign3A_95 : i32
      %sign3A_97 = arith.extui %sign3A_96 : i1 to i32
      %sign3A_98 = arith.subi %sign3A_94, %sign3A_97 : i32
      %sign3A_99 = arith.constant 0 : i32
      %sign3A_100 = arith.cmpi sgt, %jit3A, %sign3A_99 : i32
      %sign3A_101 = arith.extui %sign3A_100 : i1 to i32
      %sign3A_102 = arith.constant 0 : i32
      %sign3A_103 = arith.cmpi slt, %jit3A, %sign3A_102 : i32
      %sign3A_104 = arith.extui %sign3A_103 : i1 to i32
      %sign3A_105 = arith.subi %sign3A_101, %sign3A_104 : i32
      %ne3A = arith.cmpi ne, %sign3A_98, %sign3A_105 : i32
      %rem3A = arith.remsi %add3A_92, %jit3A : i32
      %ne3A_106 = arith.constant 0 : i32
      %ne3A_107 = arith.cmpi ne, %rem3A, %ne3A_106 : i32
      %and3A = arith.andi %ne3A, %ne3A_107 : i1
      %sub3A = arith.constant 1 : i32
      %sub3A_108 = arith.subi %div3A, %sub3A : i32
      %select_n3A = arith.select %and3A, %sub3A_108, %div3A : i32
      %jit3A_109 = arith.constant 2 : i32
      %eq3A = arith.constant 0 : i32
      %eq3A_110 = arith.cmpi eq, %jit3A_109, %eq3A : i32
      %jit3A_111 = arith.constant 1 : i32
      %select_n3A_112 = arith.select %eq3A_110, %jit3A_111, %jit3A_109 : i32
      %rem3A_113 = arith.remsi %add3A_92, %select_n3A_112 : i32
      %ne3A_114 = arith.constant 0 : i32
      %ne3A_115 = arith.cmpi ne, %rem3A_113, %ne3A_114 : i32
      %lt3A = arith.constant 0 : i32
      %lt3A_116 = arith.cmpi slt, %rem3A_113, %lt3A : i32
      %lt3A_117 = arith.constant 0 : i32
      %lt3A_118 = arith.cmpi slt, %select_n3A_112, %lt3A_117 : i32
      %ne3A_119 = arith.xori %lt3A_116, %lt3A_118 : i1
      %and3A_120 = arith.andi %ne3A_119, %ne3A_115 : i1
      %add3A_121 = arith.addi %rem3A_113, %select_n3A_112 : i32
      %select_n3A_122 = arith.select %and3A_120, %add3A_121, %rem3A_113 : i32
      %mul3A_123 = arith.constant 40 : i32
      %mul3A_124 = arith.muli %select_n3A_122, %mul3A_123 : i32
      %dma_wait3A_125 = tpu.memref_slice %arg6[%select_n3A, %mul3A_124] : memref<125x80xi32, #tpu.memory_space<vmem>> -> memref<1x40xi32, #tpu.memory_space<vmem>>
      %dma_wait3A_126 = tpu.memref_squeeze %dma_wait3A_125 : memref<1x40xi32, #tpu.memory_space<vmem>> -> memref<40xi32, #tpu.memory_space<vmem>>
      %dma_wait3A_127 = arith.constant 0 : i32
      %dma_wait3A_128 = arith.constant 0 : i32
      %dma_wait3A_129 = tpu.memref_slice %arg2[%dma_wait3A_127, %dma_wait3A_128] : memref<10000x128xf32, #tpu.memory_space<hbm>> -> memref<10000x128xf32, #tpu.memory_space<hbm>>
      tpu.wait_indirect_dma semaphore(%arg14 : memref<!tpu.dma_semaphore, #tpu.memory_space<semaphore_mem>>) src(%dma_wait3A_129 : memref<10000x128xf32, #tpu.memory_space<hbm>>) dst(%arg8 : memref<40x128xf32, #tpu.memory_space<vmem>>)
      %add3A_130 = arith.constant 0 : i32
      %add3A_131 = arith.addi %add3A_90, %add3A_130 : i32
      %jit3A_132 = arith.constant 2 : i32
      %div3A_133 = arith.divsi %add3A_131, %jit3A_132 : i32
      %sign3A_134 = arith.constant 0 : i32
      %sign3A_135 = arith.cmpi sgt, %add3A_131, %sign3A_134 : i32
      %sign3A_136 = arith.extui %sign3A_135 : i1 to i32
      %sign3A_137 = arith.constant 0 : i32
      %sign3A_138 = arith.cmpi slt, %add3A_131, %sign3A_137 : i32
      %sign3A_139 = arith.extui %sign3A_138 : i1 to i32
      %sign3A_140 = arith.subi %sign3A_136, %sign3A_139 : i32
      %sign3A_141 = arith.constant 0 : i32
      %sign3A_142 = arith.cmpi sgt, %jit3A_132, %sign3A_141 : i32
      %sign3A_143 = arith.extui %sign3A_142 : i1 to i32
      %sign3A_144 = arith.constant 0 : i32
      %sign3A_145 = arith.cmpi slt, %jit3A_132, %sign3A_144 : i32
      %sign3A_146 = arith.extui %sign3A_145 : i1 to i32
      %sign3A_147 = arith.subi %sign3A_143, %sign3A_146 : i32
      %ne3A_148 = arith.cmpi ne, %sign3A_140, %sign3A_147 : i32
      %rem3A_149 = arith.remsi %add3A_131, %jit3A_132 : i32
      %ne3A_150 = arith.constant 0 : i32
      %ne3A_151 = arith.cmpi ne, %rem3A_149, %ne3A_150 : i32
      %and3A_152 = arith.andi %ne3A_148, %ne3A_151 : i1
      %sub3A_153 = arith.constant 1 : i32
      %sub3A_154 = arith.subi %div3A_133, %sub3A_153 : i32
      %select_n3A_155 = arith.select %and3A_152, %sub3A_154, %div3A_133 : i32
      %jit3A_156 = arith.constant 2 : i32
      %eq3A_157 = arith.constant 0 : i32
      %eq3A_158 = arith.cmpi eq, %jit3A_156, %eq3A_157 : i32
      %jit3A_159 = arith.constant 1 : i32
      %select_n3A_160 = arith.select %eq3A_158, %jit3A_159, %jit3A_156 : i32
      %rem3A_161 = arith.remsi %add3A_131, %select_n3A_160 : i32
      %ne3A_162 = arith.constant 0 : i32
      %ne3A_163 = arith.cmpi ne, %rem3A_161, %ne3A_162 : i32
      %lt3A_164 = arith.constant 0 : i32
      %lt3A_165 = arith.cmpi slt, %rem3A_161, %lt3A_164 : i32
      %lt3A_166 = arith.constant 0 : i32
      %lt3A_167 = arith.cmpi slt, %select_n3A_160, %lt3A_166 : i32
      %ne3A_168 = arith.xori %lt3A_165, %lt3A_167 : i1
      %and3A_169 = arith.andi %ne3A_168, %ne3A_163 : i1
      %add3A_170 = arith.addi %rem3A_161, %select_n3A_160 : i32
      %select_n3A_171 = arith.select %and3A_169, %add3A_170, %rem3A_161 : i32
      %mul3A_172 = arith.constant 40 : i32
      %mul3A_173 = arith.muli %select_n3A_171, %mul3A_172 : i32
      "tpu.region"() ({
        %run_scoped3A_801 = tpu.sem_alloc : memref<!tpu.dma_semaphore, #tpu.memory_space<semaphore_mem>>
        %dma_start3A_802 = tpu.memref_slice %arg7[%select_n3A_155, %mul3A_173] : memref<125x80xi32, #tpu.memory_space<vmem>> -> memref<1x40xi32, #tpu.memory_space<vmem>>
        %dma_start3A_803 = tpu.memref_squeeze %dma_start3A_802 : memref<1x40xi32, #tpu.memory_space<vmem>> -> memref<40xi32, #tpu.memory_space<vmem>>
        %dma_start3A_804 = arith.constant 0 : i32
        %dma_start3A_805 = arith.constant 0 : i32
        %dma_start3A_806 = tpu.memref_slice %arg13[%dma_start3A_804, %dma_start3A_805] : memref<10240x128xf32, #tpu.memory_space<vmem_shared>> -> memref<10240x128xf32, #tpu.memory_space<vmem_shared>>
        tpu.enqueue_indirect_dma source(%arg8 : memref<40x128xf32, #tpu.memory_space<vmem>>) target(%dma_start3A_806 : memref<10240x128xf32, #tpu.memory_space<vmem_shared>>) offsets(%dma_start3A_803 : memref<40xi32, #tpu.memory_space<vmem>>) semaphore(%run_scoped3A_801 : memref<!tpu.dma_semaphore, #tpu.memory_space<semaphore_mem>>) {add = true}
        %dma_wait3A_807 = tpu.memref_slice %arg7[%select_n3A_155, %mul3A_173] : memref<125x80xi32, #tpu.memory_space<vmem>> -> memref<1x40xi32, #tpu.memory_space<vmem>>
        %dma_wait3A_808 = tpu.memref_squeeze %dma_wait3A_807 : memref<1x40xi32, #tpu.memory_space<vmem>> -> memref<40xi32, #tpu.memory_space<vmem>>
        %dma_wait3A_809 = arith.constant 0 : i32
        %dma_wait3A_810 = arith.constant 0 : i32
        %dma_wait3A_811 = tpu.memref_slice %arg13[%dma_wait3A_809, %dma_wait3A_810] : memref<10240x128xf32, #tpu.memory_space<vmem_shared>> -> memref<10240x128xf32, #tpu.memory_space<vmem_shared>>
        tpu.wait_indirect_dma semaphore(%run_scoped3A_801 : memref<!tpu.dma_semaphore, #tpu.memory_space<semaphore_mem>>) src(%arg8 : memref<40x128xf32, #tpu.memory_space<vmem>>) dst(%dma_wait3A_811 : memref<10240x128xf32, #tpu.memory_space<vmem_shared>>)
        tpu.yield
      }) : () -> ()
      %add3A_174 = arith.constant 5 : i32
      %add3A_175 = arith.addi %add3A_90, %add3A_174 : i32
      %add3A_176 = arith.constant 0 : i32
      %add3A_177 = arith.addi %add3A_175, %add3A_176 : i32
      %jit3A_178 = arith.constant 2 : i32
      %div3A_179 = arith.divsi %add3A_177, %jit3A_178 : i32
      %sign3A_180 = arith.constant 0 : i32
      %sign3A_181 = arith.cmpi sgt, %add3A_177, %sign3A_180 : i32
      %sign3A_182 = arith.extui %sign3A_181 : i1 to i32
      %sign3A_183 = arith.constant 0 : i32
      %sign3A_184 = arith.cmpi slt, %add3A_177, %sign3A_183 : i32
      %sign3A_185 = arith.extui %sign3A_184 : i1 to i32
      %sign3A_186 = arith.subi %sign3A_182, %sign3A_185 : i32
      %sign3A_187 = arith.constant 0 : i32
      %sign3A_188 = arith.cmpi sgt, %jit3A_178, %sign3A_187 : i32
      %sign3A_189 = arith.extui %sign3A_188 : i1 to i32
      %sign3A_190 = arith.constant 0 : i32
      %sign3A_191 = arith.cmpi slt, %jit3A_178, %sign3A_190 : i32
      %sign3A_192 = arith.extui %sign3A_191 : i1 to i32
      %sign3A_193 = arith.subi %sign3A_189, %sign3A_192 : i32
      %ne3A_194 = arith.cmpi ne, %sign3A_186, %sign3A_193 : i32
      %rem3A_195 = arith.remsi %add3A_177, %jit3A_178 : i32
      %ne3A_196 = arith.constant 0 : i32
      %ne3A_197 = arith.cmpi ne, %rem3A_195, %ne3A_196 : i32
      %and3A_198 = arith.andi %ne3A_194, %ne3A_197 : i1
      %sub3A_199 = arith.constant 1 : i32
      %sub3A_200 = arith.subi %div3A_179, %sub3A_199 : i32
      %select_n3A_201 = arith.select %and3A_198, %sub3A_200, %div3A_179 : i32
      %jit3A_202 = arith.constant 2 : i32
      %eq3A_203 = arith.constant 0 : i32
      %eq3A_204 = arith.cmpi eq, %jit3A_202, %eq3A_203 : i32
      %jit3A_205 = arith.constant 1 : i32
      %select_n3A_206 = arith.select %eq3A_204, %jit3A_205, %jit3A_202 : i32
      %rem3A_207 = arith.remsi %add3A_177, %select_n3A_206 : i32
      %ne3A_208 = arith.constant 0 : i32
      %ne3A_209 = arith.cmpi ne, %rem3A_207, %ne3A_208 : i32
      %lt3A_210 = arith.constant 0 : i32
      %lt3A_211 = arith.cmpi slt, %rem3A_207, %lt3A_210 : i32
      %lt3A_212 = arith.constant 0 : i32
      %lt3A_213 = arith.cmpi slt, %select_n3A_206, %lt3A_212 : i32
      %ne3A_214 = arith.xori %lt3A_211, %lt3A_213 : i1
      %and3A_215 = arith.andi %ne3A_214, %ne3A_209 : i1
      %add3A_216 = arith.addi %rem3A_207, %select_n3A_206 : i32
      %select_n3A_217 = arith.select %and3A_215, %add3A_216, %rem3A_207 : i32
      %mul3A_218 = arith.constant 40 : i32
      %mul3A_219 = arith.muli %select_n3A_217, %mul3A_218 : i32
      %dma_start3A_220 = tpu.memref_slice %arg6[%select_n3A_201, %mul3A_219] : memref<125x80xi32, #tpu.memory_space<vmem>> -> memref<1x40xi32, #tpu.memory_space<vmem>>
      %dma_start3A_221 = tpu.memref_squeeze %dma_start3A_220 : memref<1x40xi32, #tpu.memory_space<vmem>> -> memref<40xi32, #tpu.memory_space<vmem>>
      %dma_start3A_222 = arith.constant 0 : i32
      %dma_start3A_223 = arith.constant 0 : i32
      %dma_start3A_224 = tpu.memref_slice %arg2[%dma_start3A_222, %dma_start3A_223] : memref<10000x128xf32, #tpu.memory_space<hbm>> -> memref<10000x128xf32, #tpu.memory_space<hbm>>
      tpu.enqueue_indirect_dma source(%dma_start3A_224 : memref<10000x128xf32, #tpu.memory_space<hbm>>) target(%arg8 : memref<40x128xf32, #tpu.memory_space<vmem>>) offsets(%dma_start3A_221 : memref<40xi32, #tpu.memory_space<vmem>>) semaphore(%arg14 : memref<!tpu.dma_semaphore, #tpu.memory_space<semaphore_mem>>)
      %add3A_225 = arith.constant 1 : i32
      %add3A_226 = arith.addi %add3A_90, %add3A_225 : i32
      %jit3A_227 = arith.constant 2 : i32
      %div3A_228 = arith.divsi %add3A_226, %jit3A_227 : i32
      %sign3A_229 = arith.constant 0 : i32
      %sign3A_230 = arith.cmpi sgt, %add3A_226, %sign3A_229 : i32
      %sign3A_231 = arith.extui %sign3A_230 : i1 to i32
      %sign3A_232 = arith.constant 0 : i32
      %sign3A_233 = arith.cmpi slt, %add3A_226, %sign3A_232 : i32
      %sign3A_234 = arith.extui %sign3A_233 : i1 to i32
      %sign3A_235 = arith.subi %sign3A_231, %sign3A_234 : i32
      %sign3A_236 = arith.constant 0 : i32
      %sign3A_237 = arith.cmpi sgt, %jit3A_227, %sign3A_236 : i32
      %sign3A_238 = arith.extui %sign3A_237 : i1 to i32
      %sign3A_239 = arith.constant 0 : i32
      %sign3A_240 = arith.cmpi slt, %jit3A_227, %sign3A_239 : i32
      %sign3A_241 = arith.extui %sign3A_240 : i1 to i32
      %sign3A_242 = arith.subi %sign3A_238, %sign3A_241 : i32
      %ne3A_243 = arith.cmpi ne, %sign3A_235, %sign3A_242 : i32
      %rem3A_244 = arith.remsi %add3A_226, %jit3A_227 : i32
      %ne3A_245 = arith.constant 0 : i32
      %ne3A_246 = arith.cmpi ne, %rem3A_244, %ne3A_245 : i32
      %and3A_247 = arith.andi %ne3A_243, %ne3A_246 : i1
      %sub3A_248 = arith.constant 1 : i32
      %sub3A_249 = arith.subi %div3A_228, %sub3A_248 : i32
      %select_n3A_250 = arith.select %and3A_247, %sub3A_249, %div3A_228 : i32
      %jit3A_251 = arith.constant 2 : i32
      %eq3A_252 = arith.constant 0 : i32
      %eq3A_253 = arith.cmpi eq, %jit3A_251, %eq3A_252 : i32
      %jit3A_254 = arith.constant 1 : i32
      %select_n3A_255 = arith.select %eq3A_253, %jit3A_254, %jit3A_251 : i32
      %rem3A_256 = arith.remsi %add3A_226, %select_n3A_255 : i32
      %ne3A_257 = arith.constant 0 : i32
      %ne3A_258 = arith.cmpi ne, %rem3A_256, %ne3A_257 : i32
      %lt3A_259 = arith.constant 0 : i32
      %lt3A_260 = arith.cmpi slt, %rem3A_256, %lt3A_259 : i32
      %lt3A_261 = arith.constant 0 : i32
      %lt3A_262 = arith.cmpi slt, %select_n3A_255, %lt3A_261 : i32
      %ne3A_263 = arith.xori %lt3A_260, %lt3A_262 : i1
      %and3A_264 = arith.andi %ne3A_263, %ne3A_258 : i1
      %add3A_265 = arith.addi %rem3A_256, %select_n3A_255 : i32
      %select_n3A_266 = arith.select %and3A_264, %add3A_265, %rem3A_256 : i32
      %mul3A_267 = arith.constant 40 : i32
      %mul3A_268 = arith.muli %select_n3A_266, %mul3A_267 : i32
      %dma_wait3A_269 = tpu.memref_slice %arg6[%select_n3A_250, %mul3A_268] : memref<125x80xi32, #tpu.memory_space<vmem>> -> memref<1x40xi32, #tpu.memory_space<vmem>>
      %dma_wait3A_270 = tpu.memref_squeeze %dma_wait3A_269 : memref<1x40xi32, #tpu.memory_space<vmem>> -> memref<40xi32, #tpu.memory_space<vmem>>
      %dma_wait3A_271 = arith.constant 0 : i32
      %dma_wait3A_272 = arith.constant 0 : i32
      %dma_wait3A_273 = tpu.memref_slice %arg2[%dma_wait3A_271, %dma_wait3A_272] : memref<10000x128xf32, #tpu.memory_space<hbm>> -> memref<10000x128xf32, #tpu.memory_space<hbm>>
      tpu.wait_indirect_dma semaphore(%arg15 : memref<!tpu.dma_semaphore, #tpu.memory_space<semaphore_mem>>) src(%dma_wait3A_273 : memref<10000x128xf32, #tpu.memory_space<hbm>>) dst(%arg9 : memref<40x128xf32, #tpu.memory_space<vmem>>)
      %add3A_274 = arith.constant 1 : i32
      %add3A_275 = arith.addi %add3A_90, %add3A_274 : i32
      %jit3A_276 = arith.constant 2 : i32
      %div3A_277 = arith.divsi %add3A_275, %jit3A_276 : i32
      %sign3A_278 = arith.constant 0 : i32
      %sign3A_279 = arith.cmpi sgt, %add3A_275, %sign3A_278 : i32
      %sign3A_280 = arith.extui %sign3A_279 : i1 to i32
      %sign3A_281 = arith.constant 0 : i32
      %sign3A_282 = arith.cmpi slt, %add3A_275, %sign3A_281 : i32
      %sign3A_283 = arith.extui %sign3A_282 : i1 to i32
      %sign3A_284 = arith.subi %sign3A_280, %sign3A_283 : i32
      %sign3A_285 = arith.constant 0 : i32
      %sign3A_286 = arith.cmpi sgt, %jit3A_276, %sign3A_285 : i32
      %sign3A_287 = arith.extui %sign3A_286 : i1 to i32
      %sign3A_288 = arith.constant 0 : i32
      %sign3A_289 = arith.cmpi slt, %jit3A_276, %sign3A_288 : i32
      %sign3A_290 = arith.extui %sign3A_289 : i1 to i32
      %sign3A_291 = arith.subi %sign3A_287, %sign3A_290 : i32
      %ne3A_292 = arith.cmpi ne, %sign3A_284, %sign3A_291 : i32
      %rem3A_293 = arith.remsi %add3A_275, %jit3A_276 : i32
      %ne3A_294 = arith.constant 0 : i32
      %ne3A_295 = arith.cmpi ne, %rem3A_293, %ne3A_294 : i32
      %and3A_296 = arith.andi %ne3A_292, %ne3A_295 : i1
      %sub3A_297 = arith.constant 1 : i32
      %sub3A_298 = arith.subi %div3A_277, %sub3A_297 : i32
      %select_n3A_299 = arith.select %and3A_296, %sub3A_298, %div3A_277 : i32
      %jit3A_300 = arith.constant 2 : i32
      %eq3A_301 = arith.constant 0 : i32
      %eq3A_302 = arith.cmpi eq, %jit3A_300, %eq3A_301 : i32
      %jit3A_303 = arith.constant 1 : i32
      %select_n3A_304 = arith.select %eq3A_302, %jit3A_303, %jit3A_300 : i32
      %rem3A_305 = arith.remsi %add3A_275, %select_n3A_304 : i32
      %ne3A_306 = arith.constant 0 : i32
      %ne3A_307 = arith.cmpi ne, %rem3A_305, %ne3A_306 : i32
      %lt3A_308 = arith.constant 0 : i32
      %lt3A_309 = arith.cmpi slt, %rem3A_305, %lt3A_308 : i32
      %lt3A_310 = arith.constant 0 : i32
      %lt3A_311 = arith.cmpi slt, %select_n3A_304, %lt3A_310 : i32
      %ne3A_312 = arith.xori %lt3A_309, %lt3A_311 : i1
      %and3A_313 = arith.andi %ne3A_312, %ne3A_307 : i1
      %add3A_314 = arith.addi %rem3A_305, %select_n3A_304 : i32
      %select_n3A_315 = arith.select %and3A_313, %add3A_314, %rem3A_305 : i32
      %mul3A_316 = arith.constant 40 : i32
      %mul3A_317 = arith.muli %select_n3A_315, %mul3A_316 : i32
      "tpu.region"() ({
        %run_scoped3A_801 = tpu.sem_alloc : memref<!tpu.dma_semaphore, #tpu.memory_space<semaphore_mem>>
        %dma_start3A_802 = tpu.memref_slice %arg7[%select_n3A_299, %mul3A_317] : memref<125x80xi32, #tpu.memory_space<vmem>> -> memref<1x40xi32, #tpu.memory_space<vmem>>
        %dma_start3A_803 = tpu.memref_squeeze %dma_start3A_802 : memref<1x40xi32, #tpu.memory_space<vmem>> -> memref<40xi32, #tpu.memory_space<vmem>>
        %dma_start3A_804 = arith.constant 0 : i32
        %dma_start3A_805 = arith.constant 0 : i32
        %dma_start3A_806 = tpu.memref_slice %arg13[%dma_start3A_804, %dma_start3A_805] : memref<10240x128xf32, #tpu.memory_space<vmem_shared>> -> memref<10240x128xf32, #tpu.memory_space<vmem_shared>>
        tpu.enqueue_indirect_dma source(%arg9 : memref<40x128xf32, #tpu.memory_space<vmem>>) target(%dma_start3A_806 : memref<10240x128xf32, #tpu.memory_space<vmem_shared>>) offsets(%dma_start3A_803 : memref<40xi32, #tpu.memory_space<vmem>>) semaphore(%run_scoped3A_801 : memref<!tpu.dma_semaphore, #tpu.memory_space<semaphore_mem>>) {add = true}
        %dma_wait3A_807 = tpu.memref_slice %arg7[%select_n3A_299, %mul3A_317] : memref<125x80xi32, #tpu.memory_space<vmem>> -> memref<1x40xi32, #tpu.memory_space<vmem>>
        %dma_wait3A_808 = tpu.memref_squeeze %dma_wait3A_807 : memref<1x40xi32, #tpu.memory_space<vmem>> -> memref<40xi32, #tpu.memory_space<vmem>>
        %dma_wait3A_809 = arith.constant 0 : i32
        %dma_wait3A_810 = arith.constant 0 : i32
        %dma_wait3A_811 = tpu.memref_slice %arg13[%dma_wait3A_809, %dma_wait3A_810] : memref<10240x128xf32, #tpu.memory_space<vmem_shared>> -> memref<10240x128xf32, #tpu.memory_space<vmem_shared>>
        tpu.wait_indirect_dma semaphore(%run_scoped3A_801 : memref<!tpu.dma_semaphore, #tpu.memory_space<semaphore_mem>>) src(%arg9 : memref<40x128xf32, #tpu.memory_space<vmem>>) dst(%dma_wait3A_811 : memref<10240x128xf32, #tpu.memory_space<vmem_shared>>)
        tpu.yield
      }) : () -> ()
      %add3A_318 = arith.constant 5 : i32
      %add3A_319 = arith.addi %add3A_90, %add3A_318 : i32
      %add3A_320 = arith.constant 1 : i32
      %add3A_321 = arith.addi %add3A_319, %add3A_320 : i32
      %jit3A_322 = arith.constant 2 : i32
      %div3A_323 = arith.divsi %add3A_321, %jit3A_322 : i32
      %sign3A_324 = arith.constant 0 : i32
      %sign3A_325 = arith.cmpi sgt, %add3A_321, %sign3A_324 : i32
      %sign3A_326 = arith.extui %sign3A_325 : i1 to i32
      %sign3A_327 = arith.constant 0 : i32
      %sign3A_328 = arith.cmpi slt, %add3A_321, %sign3A_327 : i32
      %sign3A_329 = arith.extui %sign3A_328 : i1 to i32
      %sign3A_330 = arith.subi %sign3A_326, %sign3A_329 : i32
      %sign3A_331 = arith.constant 0 : i32
      %sign3A_332 = arith.cmpi sgt, %jit3A_322, %sign3A_331 : i32
      %sign3A_333 = arith.extui %sign3A_332 : i1 to i32
      %sign3A_334 = arith.constant 0 : i32
      %sign3A_335 = arith.cmpi slt, %jit3A_322, %sign3A_334 : i32
      %sign3A_336 = arith.extui %sign3A_335 : i1 to i32
      %sign3A_337 = arith.subi %sign3A_333, %sign3A_336 : i32
      %ne3A_338 = arith.cmpi ne, %sign3A_330, %sign3A_337 : i32
      %rem3A_339 = arith.remsi %add3A_321, %jit3A_322 : i32
      %ne3A_340 = arith.constant 0 : i32
      %ne3A_341 = arith.cmpi ne, %rem3A_339, %ne3A_340 : i32
      %and3A_342 = arith.andi %ne3A_338, %ne3A_341 : i1
      %sub3A_343 = arith.constant 1 : i32
      %sub3A_344 = arith.subi %div3A_323, %sub3A_343 : i32
      %select_n3A_345 = arith.select %and3A_342, %sub3A_344, %div3A_323 : i32
      %jit3A_346 = arith.constant 2 : i32
      %eq3A_347 = arith.constant 0 : i32
      %eq3A_348 = arith.cmpi eq, %jit3A_346, %eq3A_347 : i32
      %jit3A_349 = arith.constant 1 : i32
      %select_n3A_350 = arith.select %eq3A_348, %jit3A_349, %jit3A_346 : i32
      %rem3A_351 = arith.remsi %add3A_321, %select_n3A_350 : i32
      %ne3A_352 = arith.constant 0 : i32
      %ne3A_353 = arith.cmpi ne, %rem3A_351, %ne3A_352 : i32
      %lt3A_354 = arith.constant 0 : i32
      %lt3A_355 = arith.cmpi slt, %rem3A_351, %lt3A_354 : i32
      %lt3A_356 = arith.constant 0 : i32
      %lt3A_357 = arith.cmpi slt, %select_n3A_350, %lt3A_356 : i32
      %ne3A_358 = arith.xori %lt3A_355, %lt3A_357 : i1
      %and3A_359 = arith.andi %ne3A_358, %ne3A_353 : i1
      %add3A_360 = arith.addi %rem3A_351, %select_n3A_350 : i32
      %select_n3A_361 = arith.select %and3A_359, %add3A_360, %rem3A_351 : i32
      %mul3A_362 = arith.constant 40 : i32
      %mul3A_363 = arith.muli %select_n3A_361, %mul3A_362 : i32
      %dma_start3A_364 = tpu.memref_slice %arg6[%select_n3A_345, %mul3A_363] : memref<125x80xi32, #tpu.memory_space<vmem>> -> memref<1x40xi32, #tpu.memory_space<vmem>>
      %dma_start3A_365 = tpu.memref_squeeze %dma_start3A_364 : memref<1x40xi32, #tpu.memory_space<vmem>> -> memref<40xi32, #tpu.memory_space<vmem>>
      %dma_start3A_366 = arith.constant 0 : i32
      %dma_start3A_367 = arith.constant 0 : i32
      %dma_start3A_368 = tpu.memref_slice %arg2[%dma_start3A_366, %dma_start3A_367] : memref<10000x128xf32, #tpu.memory_space<hbm>> -> memref<10000x128xf32, #tpu.memory_space<hbm>>
      tpu.enqueue_indirect_dma source(%dma_start3A_368 : memref<10000x128xf32, #tpu.memory_space<hbm>>) target(%arg9 : memref<40x128xf32, #tpu.memory_space<vmem>>) offsets(%dma_start3A_365 : memref<40xi32, #tpu.memory_space<vmem>>) semaphore(%arg15 : memref<!tpu.dma_semaphore, #tpu.memory_space<semaphore_mem>>)
      %add3A_369 = arith.constant 2 : i32
      %add3A_370 = arith.addi %add3A_90, %add3A_369 : i32
      %jit3A_371 = arith.constant 2 : i32
      %div3A_372 = arith.divsi %add3A_370, %jit3A_371 : i32
      %sign3A_373 = arith.constant 0 : i32
      %sign3A_374 = arith.cmpi sgt, %add3A_370, %sign3A_373 : i32
      %sign3A_375 = arith.extui %sign3A_374 : i1 to i32
      %sign3A_376 = arith.constant 0 : i32
      %sign3A_377 = arith.cmpi slt, %add3A_370, %sign3A_376 : i32
      %sign3A_378 = arith.extui %sign3A_377 : i1 to i32
      %sign3A_379 = arith.subi %sign3A_375, %sign3A_378 : i32
      %sign3A_380 = arith.constant 0 : i32
      %sign3A_381 = arith.cmpi sgt, %jit3A_371, %sign3A_380 : i32
      %sign3A_382 = arith.extui %sign3A_381 : i1 to i32
      %sign3A_383 = arith.constant 0 : i32
      %sign3A_384 = arith.cmpi slt, %jit3A_371, %sign3A_383 : i32
      %sign3A_385 = arith.extui %sign3A_384 : i1 to i32
      %sign3A_386 = arith.subi %sign3A_382, %sign3A_385 : i32
      %ne3A_387 = arith.cmpi ne, %sign3A_379, %sign3A_386 : i32
      %rem3A_388 = arith.remsi %add3A_370, %jit3A_371 : i32
      %ne3A_389 = arith.constant 0 : i32
      %ne3A_390 = arith.cmpi ne, %rem3A_388, %ne3A_389 : i32
      %and3A_391 = arith.andi %ne3A_387, %ne3A_390 : i1
      %sub3A_392 = arith.constant 1 : i32
      %sub3A_393 = arith.subi %div3A_372, %sub3A_392 : i32
      %select_n3A_394 = arith.select %and3A_391, %sub3A_393, %div3A_372 : i32
      %jit3A_395 = arith.constant 2 : i32
      %eq3A_396 = arith.constant 0 : i32
      %eq3A_397 = arith.cmpi eq, %jit3A_395, %eq3A_396 : i32
      %jit3A_398 = arith.constant 1 : i32
      %select_n3A_399 = arith.select %eq3A_397, %jit3A_398, %jit3A_395 : i32
      %rem3A_400 = arith.remsi %add3A_370, %select_n3A_399 : i32
      %ne3A_401 = arith.constant 0 : i32
      %ne3A_402 = arith.cmpi ne, %rem3A_400, %ne3A_401 : i32
      %lt3A_403 = arith.constant 0 : i32
      %lt3A_404 = arith.cmpi slt, %rem3A_400, %lt3A_403 : i32
      %lt3A_405 = arith.constant 0 : i32
      %lt3A_406 = arith.cmpi slt, %select_n3A_399, %lt3A_405 : i32
      %ne3A_407 = arith.xori %lt3A_404, %lt3A_406 : i1
      %and3A_408 = arith.andi %ne3A_407, %ne3A_402 : i1
      %add3A_409 = arith.addi %rem3A_400, %select_n3A_399 : i32
      %select_n3A_410 = arith.select %and3A_408, %add3A_409, %rem3A_400 : i32
      %mul3A_411 = arith.constant 40 : i32
      %mul3A_412 = arith.muli %select_n3A_410, %mul3A_411 : i32
      %dma_wait3A_413 = tpu.memref_slice %arg6[%select_n3A_394, %mul3A_412] : memref<125x80xi32, #tpu.memory_space<vmem>> -> memref<1x40xi32, #tpu.memory_space<vmem>>
      %dma_wait3A_414 = tpu.memref_squeeze %dma_wait3A_413 : memref<1x40xi32, #tpu.memory_space<vmem>> -> memref<40xi32, #tpu.memory_space<vmem>>
      %dma_wait3A_415 = arith.constant 0 : i32
      %dma_wait3A_416 = arith.constant 0 : i32
      %dma_wait3A_417 = tpu.memref_slice %arg2[%dma_wait3A_415, %dma_wait3A_416] : memref<10000x128xf32, #tpu.memory_space<hbm>> -> memref<10000x128xf32, #tpu.memory_space<hbm>>
      tpu.wait_indirect_dma semaphore(%arg16 : memref<!tpu.dma_semaphore, #tpu.memory_space<semaphore_mem>>) src(%dma_wait3A_417 : memref<10000x128xf32, #tpu.memory_space<hbm>>) dst(%arg10 : memref<40x128xf32, #tpu.memory_space<vmem>>)
      %add3A_418 = arith.constant 2 : i32
      %add3A_419 = arith.addi %add3A_90, %add3A_418 : i32
      %jit3A_420 = arith.constant 2 : i32
      %div3A_421 = arith.divsi %add3A_419, %jit3A_420 : i32
      %sign3A_422 = arith.constant 0 : i32
      %sign3A_423 = arith.cmpi sgt, %add3A_419, %sign3A_422 : i32
      %sign3A_424 = arith.extui %sign3A_423 : i1 to i32
      %sign3A_425 = arith.constant 0 : i32
      %sign3A_426 = arith.cmpi slt, %add3A_419, %sign3A_425 : i32
      %sign3A_427 = arith.extui %sign3A_426 : i1 to i32
      %sign3A_428 = arith.subi %sign3A_424, %sign3A_427 : i32
      %sign3A_429 = arith.constant 0 : i32
      %sign3A_430 = arith.cmpi sgt, %jit3A_420, %sign3A_429 : i32
      %sign3A_431 = arith.extui %sign3A_430 : i1 to i32
      %sign3A_432 = arith.constant 0 : i32
      %sign3A_433 = arith.cmpi slt, %jit3A_420, %sign3A_432 : i32
      %sign3A_434 = arith.extui %sign3A_433 : i1 to i32
      %sign3A_435 = arith.subi %sign3A_431, %sign3A_434 : i32
      %ne3A_436 = arith.cmpi ne, %sign3A_428, %sign3A_435 : i32
      %rem3A_437 = arith.remsi %add3A_419, %jit3A_420 : i32
      %ne3A_438 = arith.constant 0 : i32
      %ne3A_439 = arith.cmpi ne, %rem3A_437, %ne3A_438 : i32
      %and3A_440 = arith.andi %ne3A_436, %ne3A_439 : i1
      %sub3A_441 = arith.constant 1 : i32
      %sub3A_442 = arith.subi %div3A_421, %sub3A_441 : i32
      %select_n3A_443 = arith.select %and3A_440, %sub3A_442, %div3A_421 : i32
      %jit3A_444 = arith.constant 2 : i32
      %eq3A_445 = arith.constant 0 : i32
      %eq3A_446 = arith.cmpi eq, %jit3A_444, %eq3A_445 : i32
      %jit3A_447 = arith.constant 1 : i32
      %select_n3A_448 = arith.select %eq3A_446, %jit3A_447, %jit3A_444 : i32
      %rem3A_449 = arith.remsi %add3A_419, %select_n3A_448 : i32
      %ne3A_450 = arith.constant 0 : i32
      %ne3A_451 = arith.cmpi ne, %rem3A_449, %ne3A_450 : i32
      %lt3A_452 = arith.constant 0 : i32
      %lt3A_453 = arith.cmpi slt, %rem3A_449, %lt3A_452 : i32
      %lt3A_454 = arith.constant 0 : i32
      %lt3A_455 = arith.cmpi slt, %select_n3A_448, %lt3A_454 : i32
      %ne3A_456 = arith.xori %lt3A_453, %lt3A_455 : i1
      %and3A_457 = arith.andi %ne3A_456, %ne3A_451 : i1
      %add3A_458 = arith.addi %rem3A_449, %select_n3A_448 : i32
      %select_n3A_459 = arith.select %and3A_457, %add3A_458, %rem3A_449 : i32
      %mul3A_460 = arith.constant 40 : i32
      %mul3A_461 = arith.muli %select_n3A_459, %mul3A_460 : i32
      "tpu.region"() ({
        %run_scoped3A_801 = tpu.sem_alloc : memref<!tpu.dma_semaphore, #tpu.memory_space<semaphore_mem>>
        %dma_start3A_802 = tpu.memref_slice %arg7[%select_n3A_443, %mul3A_461] : memref<125x80xi32, #tpu.memory_space<vmem>> -> memref<1x40xi32, #tpu.memory_space<vmem>>
        %dma_start3A_803 = tpu.memref_squeeze %dma_start3A_802 : memref<1x40xi32, #tpu.memory_space<vmem>> -> memref<40xi32, #tpu.memory_space<vmem>>
        %dma_start3A_804 = arith.constant 0 : i32
        %dma_start3A_805 = arith.constant 0 : i32
        %dma_start3A_806 = tpu.memref_slice %arg13[%dma_start3A_804, %dma_start3A_805] : memref<10240x128xf32, #tpu.memory_space<vmem_shared>> -> memref<10240x128xf32, #tpu.memory_space<vmem_shared>>
        tpu.enqueue_indirect_dma source(%arg10 : memref<40x128xf32, #tpu.memory_space<vmem>>) target(%dma_start3A_806 : memref<10240x128xf32, #tpu.memory_space<vmem_shared>>) offsets(%dma_start3A_803 : memref<40xi32, #tpu.memory_space<vmem>>) semaphore(%run_scoped3A_801 : memref<!tpu.dma_semaphore, #tpu.memory_space<semaphore_mem>>) {add = true}
        %dma_wait3A_807 = tpu.memref_slice %arg7[%select_n3A_443, %mul3A_461] : memref<125x80xi32, #tpu.memory_space<vmem>> -> memref<1x40xi32, #tpu.memory_space<vmem>>
        %dma_wait3A_808 = tpu.memref_squeeze %dma_wait3A_807 : memref<1x40xi32, #tpu.memory_space<vmem>> -> memref<40xi32, #tpu.memory_space<vmem>>
        %dma_wait3A_809 = arith.constant 0 : i32
        %dma_wait3A_810 = arith.constant 0 : i32
        %dma_wait3A_811 = tpu.memref_slice %arg13[%dma_wait3A_809, %dma_wait3A_810] : memref<10240x128xf32, #tpu.memory_space<vmem_shared>> -> memref<10240x128xf32, #tpu.memory_space<vmem_shared>>
        tpu.wait_indirect_dma semaphore(%run_scoped3A_801 : memref<!tpu.dma_semaphore, #tpu.memory_space<semaphore_mem>>) src(%arg10 : memref<40x128xf32, #tpu.memory_space<vmem>>) dst(%dma_wait3A_811 : memref<10240x128xf32, #tpu.memory_space<vmem_shared>>)
        tpu.yield
      }) : () -> ()
      %add3A_462 = arith.constant 5 : i32
      %add3A_463 = arith.addi %add3A_90, %add3A_462 : i32
      %add3A_464 = arith.constant 2 : i32
      %add3A_465 = arith.addi %add3A_463, %add3A_464 : i32
      %jit3A_466 = arith.constant 2 : i32
      %div3A_467 = arith.divsi %add3A_465, %jit3A_466 : i32
      %sign3A_468 = arith.constant 0 : i32
      %sign3A_469 = arith.cmpi sgt, %add3A_465, %sign3A_468 : i32
      %sign3A_470 = arith.extui %sign3A_469 : i1 to i32
      %sign3A_471 = arith.constant 0 : i32
      %sign3A_472 = arith.cmpi slt, %add3A_465, %sign3A_471 : i32
      %sign3A_473 = arith.extui %sign3A_472 : i1 to i32
      %sign3A_474 = arith.subi %sign3A_470, %sign3A_473 : i32
      %sign3A_475 = arith.constant 0 : i32
      %sign3A_476 = arith.cmpi sgt, %jit3A_466, %sign3A_475 : i32
      %sign3A_477 = arith.extui %sign3A_476 : i1 to i32
      %sign3A_478 = arith.constant 0 : i32
      %sign3A_479 = arith.cmpi slt, %jit3A_466, %sign3A_478 : i32
      %sign3A_480 = arith.extui %sign3A_479 : i1 to i32
      %sign3A_481 = arith.subi %sign3A_477, %sign3A_480 : i32
      %ne3A_482 = arith.cmpi ne, %sign3A_474, %sign3A_481 : i32
      %rem3A_483 = arith.remsi %add3A_465, %jit3A_466 : i32
      %ne3A_484 = arith.constant 0 : i32
      %ne3A_485 = arith.cmpi ne, %rem3A_483, %ne3A_484 : i32
      %and3A_486 = arith.andi %ne3A_482, %ne3A_485 : i1
      %sub3A_487 = arith.constant 1 : i32
      %sub3A_488 = arith.subi %div3A_467, %sub3A_487 : i32
      %select_n3A_489 = arith.select %and3A_486, %sub3A_488, %div3A_467 : i32
      %jit3A_490 = arith.constant 2 : i32
      %eq3A_491 = arith.constant 0 : i32
      %eq3A_492 = arith.cmpi eq, %jit3A_490, %eq3A_491 : i32
      %jit3A_493 = arith.constant 1 : i32
      %select_n3A_494 = arith.select %eq3A_492, %jit3A_493, %jit3A_490 : i32
      %rem3A_495 = arith.remsi %add3A_465, %select_n3A_494 : i32
      %ne3A_496 = arith.constant 0 : i32
      %ne3A_497 = arith.cmpi ne, %rem3A_495, %ne3A_496 : i32
      %lt3A_498 = arith.constant 0 : i32
      %lt3A_499 = arith.cmpi slt, %rem3A_495, %lt3A_498 : i32
      %lt3A_500 = arith.constant 0 : i32
      %lt3A_501 = arith.cmpi slt, %select_n3A_494, %lt3A_500 : i32
      %ne3A_502 = arith.xori %lt3A_499, %lt3A_501 : i1
      %and3A_503 = arith.andi %ne3A_502, %ne3A_497 : i1
      %add3A_504 = arith.addi %rem3A_495, %select_n3A_494 : i32
      %select_n3A_505 = arith.select %and3A_503, %add3A_504, %rem3A_495 : i32
      %mul3A_506 = arith.constant 40 : i32
      %mul3A_507 = arith.muli %select_n3A_505, %mul3A_506 : i32
      %dma_start3A_508 = tpu.memref_slice %arg6[%select_n3A_489, %mul3A_507] : memref<125x80xi32, #tpu.memory_space<vmem>> -> memref<1x40xi32, #tpu.memory_space<vmem>>
      %dma_start3A_509 = tpu.memref_squeeze %dma_start3A_508 : memref<1x40xi32, #tpu.memory_space<vmem>> -> memref<40xi32, #tpu.memory_space<vmem>>
      %dma_start3A_510 = arith.constant 0 : i32
      %dma_start3A_511 = arith.constant 0 : i32
      %dma_start3A_512 = tpu.memref_slice %arg2[%dma_start3A_510, %dma_start3A_511] : memref<10000x128xf32, #tpu.memory_space<hbm>> -> memref<10000x128xf32, #tpu.memory_space<hbm>>
      tpu.enqueue_indirect_dma source(%dma_start3A_512 : memref<10000x128xf32, #tpu.memory_space<hbm>>) target(%arg10 : memref<40x128xf32, #tpu.memory_space<vmem>>) offsets(%dma_start3A_509 : memref<40xi32, #tpu.memory_space<vmem>>) semaphore(%arg16 : memref<!tpu.dma_semaphore, #tpu.memory_space<semaphore_mem>>)
      %add3A_513 = arith.constant 3 : i32
      %add3A_514 = arith.addi %add3A_90, %add3A_513 : i32
      %jit3A_515 = arith.constant 2 : i32
      %div3A_516 = arith.divsi %add3A_514, %jit3A_515 : i32
      %sign3A_517 = arith.constant 0 : i32
      %sign3A_518 = arith.cmpi sgt, %add3A_514, %sign3A_517 : i32
      %sign3A_519 = arith.extui %sign3A_518 : i1 to i32
      %sign3A_520 = arith.constant 0 : i32
      %sign3A_521 = arith.cmpi slt, %add3A_514, %sign3A_520 : i32
      %sign3A_522 = arith.extui %sign3A_521 : i1 to i32
      %sign3A_523 = arith.subi %sign3A_519, %sign3A_522 : i32
      %sign3A_524 = arith.constant 0 : i32
      %sign3A_525 = arith.cmpi sgt, %jit3A_515, %sign3A_524 : i32
      %sign3A_526 = arith.extui %sign3A_525 : i1 to i32
      %sign3A_527 = arith.constant 0 : i32
      %sign3A_528 = arith.cmpi slt, %jit3A_515, %sign3A_527 : i32
      %sign3A_529 = arith.extui %sign3A_528 : i1 to i32
      %sign3A_530 = arith.subi %sign3A_526, %sign3A_529 : i32
      %ne3A_531 = arith.cmpi ne, %sign3A_523, %sign3A_530 : i32
      %rem3A_532 = arith.remsi %add3A_514, %jit3A_515 : i32
      %ne3A_533 = arith.constant 0 : i32
      %ne3A_534 = arith.cmpi ne, %rem3A_532, %ne3A_533 : i32
      %and3A_535 = arith.andi %ne3A_531, %ne3A_534 : i1
      %sub3A_536 = arith.constant 1 : i32
      %sub3A_537 = arith.subi %div3A_516, %sub3A_536 : i32
      %select_n3A_538 = arith.select %and3A_535, %sub3A_537, %div3A_516 : i32
      %jit3A_539 = arith.constant 2 : i32
      %eq3A_540 = arith.constant 0 : i32
      %eq3A_541 = arith.cmpi eq, %jit3A_539, %eq3A_540 : i32
      %jit3A_542 = arith.constant 1 : i32
      %select_n3A_543 = arith.select %eq3A_541, %jit3A_542, %jit3A_539 : i32
      %rem3A_544 = arith.remsi %add3A_514, %select_n3A_543 : i32
      %ne3A_545 = arith.constant 0 : i32
      %ne3A_546 = arith.cmpi ne, %rem3A_544, %ne3A_545 : i32
      %lt3A_547 = arith.constant 0 : i32
      %lt3A_548 = arith.cmpi slt, %rem3A_544, %lt3A_547 : i32
      %lt3A_549 = arith.constant 0 : i32
      %lt3A_550 = arith.cmpi slt, %select_n3A_543, %lt3A_549 : i32
      %ne3A_551 = arith.xori %lt3A_548, %lt3A_550 : i1
      %and3A_552 = arith.andi %ne3A_551, %ne3A_546 : i1
      %add3A_553 = arith.addi %rem3A_544, %select_n3A_543 : i32
      %select_n3A_554 = arith.select %and3A_552, %add3A_553, %rem3A_544 : i32
      %mul3A_555 = arith.constant 40 : i32
      %mul3A_556 = arith.muli %select_n3A_554, %mul3A_555 : i32
      %dma_wait3A_557 = tpu.memref_slice %arg6[%select_n3A_538, %mul3A_556] : memref<125x80xi32, #tpu.memory_space<vmem>> -> memref<1x40xi32, #tpu.memory_space<vmem>>
      %dma_wait3A_558 = tpu.memref_squeeze %dma_wait3A_557 : memref<1x40xi32, #tpu.memory_space<vmem>> -> memref<40xi32, #tpu.memory_space<vmem>>
      %dma_wait3A_559 = arith.constant 0 : i32
      %dma_wait3A_560 = arith.constant 0 : i32
      %dma_wait3A_561 = tpu.memref_slice %arg2[%dma_wait3A_559, %dma_wait3A_560] : memref<10000x128xf32, #tpu.memory_space<hbm>> -> memref<10000x128xf32, #tpu.memory_space<hbm>>
      tpu.wait_indirect_dma semaphore(%arg17 : memref<!tpu.dma_semaphore, #tpu.memory_space<semaphore_mem>>) src(%dma_wait3A_561 : memref<10000x128xf32, #tpu.memory_space<hbm>>) dst(%arg11 : memref<40x128xf32, #tpu.memory_space<vmem>>)
      %add3A_562 = arith.constant 3 : i32
      %add3A_563 = arith.addi %add3A_90, %add3A_562 : i32
      %jit3A_564 = arith.constant 2 : i32
      %div3A_565 = arith.divsi %add3A_563, %jit3A_564 : i32
      %sign3A_566 = arith.constant 0 : i32
      %sign3A_567 = arith.cmpi sgt, %add3A_563, %sign3A_566 : i32
      %sign3A_568 = arith.extui %sign3A_567 : i1 to i32
      %sign3A_569 = arith.constant 0 : i32
      %sign3A_570 = arith.cmpi slt, %add3A_563, %sign3A_569 : i32
      %sign3A_571 = arith.extui %sign3A_570 : i1 to i32
      %sign3A_572 = arith.subi %sign3A_568, %sign3A_571 : i32
      %sign3A_573 = arith.constant 0 : i32
      %sign3A_574 = arith.cmpi sgt, %jit3A_564, %sign3A_573 : i32
      %sign3A_575 = arith.extui %sign3A_574 : i1 to i32
      %sign3A_576 = arith.constant 0 : i32
      %sign3A_577 = arith.cmpi slt, %jit3A_564, %sign3A_576 : i32
      %sign3A_578 = arith.extui %sign3A_577 : i1 to i32
      %sign3A_579 = arith.subi %sign3A_575, %sign3A_578 : i32
      %ne3A_580 = arith.cmpi ne, %sign3A_572, %sign3A_579 : i32
      %rem3A_581 = arith.remsi %add3A_563, %jit3A_564 : i32
      %ne3A_582 = arith.constant 0 : i32
      %ne3A_583 = arith.cmpi ne, %rem3A_581, %ne3A_582 : i32
      %and3A_584 = arith.andi %ne3A_580, %ne3A_583 : i1
      %sub3A_585 = arith.constant 1 : i32
      %sub3A_586 = arith.subi %div3A_565, %sub3A_585 : i32
      %select_n3A_587 = arith.select %and3A_584, %sub3A_586, %div3A_565 : i32
      %jit3A_588 = arith.constant 2 : i32
      %eq3A_589 = arith.constant 0 : i32
      %eq3A_590 = arith.cmpi eq, %jit3A_588, %eq3A_589 : i32
      %jit3A_591 = arith.constant 1 : i32
      %select_n3A_592 = arith.select %eq3A_590, %jit3A_591, %jit3A_588 : i32
      %rem3A_593 = arith.remsi %add3A_563, %select_n3A_592 : i32
      %ne3A_594 = arith.constant 0 : i32
      %ne3A_595 = arith.cmpi ne, %rem3A_593, %ne3A_594 : i32
      %lt3A_596 = arith.constant 0 : i32
      %lt3A_597 = arith.cmpi slt, %rem3A_593, %lt3A_596 : i32
      %lt3A_598 = arith.constant 0 : i32
      %lt3A_599 = arith.cmpi slt, %select_n3A_592, %lt3A_598 : i32
      %ne3A_600 = arith.xori %lt3A_597, %lt3A_599 : i1
      %and3A_601 = arith.andi %ne3A_600, %ne3A_595 : i1
      %add3A_602 = arith.addi %rem3A_593, %select_n3A_592 : i32
      %select_n3A_603 = arith.select %and3A_601, %add3A_602, %rem3A_593 : i32
      %mul3A_604 = arith.constant 40 : i32
      %mul3A_605 = arith.muli %select_n3A_603, %mul3A_604 : i32
      "tpu.region"() ({
        %run_scoped3A_801 = tpu.sem_alloc : memref<!tpu.dma_semaphore, #tpu.memory_space<semaphore_mem>>
        %dma_start3A_802 = tpu.memref_slice %arg7[%select_n3A_587, %mul3A_605] : memref<125x80xi32, #tpu.memory_space<vmem>> -> memref<1x40xi32, #tpu.memory_space<vmem>>
        %dma_start3A_803 = tpu.memref_squeeze %dma_start3A_802 : memref<1x40xi32, #tpu.memory_space<vmem>> -> memref<40xi32, #tpu.memory_space<vmem>>
        %dma_start3A_804 = arith.constant 0 : i32
        %dma_start3A_805 = arith.constant 0 : i32
        %dma_start3A_806 = tpu.memref_slice %arg13[%dma_start3A_804, %dma_start3A_805] : memref<10240x128xf32, #tpu.memory_space<vmem_shared>> -> memref<10240x128xf32, #tpu.memory_space<vmem_shared>>
        tpu.enqueue_indirect_dma source(%arg11 : memref<40x128xf32, #tpu.memory_space<vmem>>) target(%dma_start3A_806 : memref<10240x128xf32, #tpu.memory_space<vmem_shared>>) offsets(%dma_start3A_803 : memref<40xi32, #tpu.memory_space<vmem>>) semaphore(%run_scoped3A_801 : memref<!tpu.dma_semaphore, #tpu.memory_space<semaphore_mem>>) {add = true}
        %dma_wait3A_807 = tpu.memref_slice %arg7[%select_n3A_587, %mul3A_605] : memref<125x80xi32, #tpu.memory_space<vmem>> -> memref<1x40xi32, #tpu.memory_space<vmem>>
        %dma_wait3A_808 = tpu.memref_squeeze %dma_wait3A_807 : memref<1x40xi32, #tpu.memory_space<vmem>> -> memref<40xi32, #tpu.memory_space<vmem>>
        %dma_wait3A_809 = arith.constant 0 : i32
        %dma_wait3A_810 = arith.constant 0 : i32
        %dma_wait3A_811 = tpu.memref_slice %arg13[%dma_wait3A_809, %dma_wait3A_810] : memref<10240x128xf32, #tpu.memory_space<vmem_shared>> -> memref<10240x128xf32, #tpu.memory_space<vmem_shared>>
        tpu.wait_indirect_dma semaphore(%run_scoped3A_801 : memref<!tpu.dma_semaphore, #tpu.memory_space<semaphore_mem>>) src(%arg11 : memref<40x128xf32, #tpu.memory_space<vmem>>) dst(%dma_wait3A_811 : memref<10240x128xf32, #tpu.memory_space<vmem_shared>>)
        tpu.yield
      }) : () -> ()
      %add3A_606 = arith.constant 5 : i32
      %add3A_607 = arith.addi %add3A_90, %add3A_606 : i32
      %add3A_608 = arith.constant 3 : i32
      %add3A_609 = arith.addi %add3A_607, %add3A_608 : i32
      %jit3A_610 = arith.constant 2 : i32
      %div3A_611 = arith.divsi %add3A_609, %jit3A_610 : i32
      %sign3A_612 = arith.constant 0 : i32
      %sign3A_613 = arith.cmpi sgt, %add3A_609, %sign3A_612 : i32
      %sign3A_614 = arith.extui %sign3A_613 : i1 to i32
      %sign3A_615 = arith.constant 0 : i32
      %sign3A_616 = arith.cmpi slt, %add3A_609, %sign3A_615 : i32
      %sign3A_617 = arith.extui %sign3A_616 : i1 to i32
      %sign3A_618 = arith.subi %sign3A_614, %sign3A_617 : i32
      %sign3A_619 = arith.constant 0 : i32
      %sign3A_620 = arith.cmpi sgt, %jit3A_610, %sign3A_619 : i32
      %sign3A_621 = arith.extui %sign3A_620 : i1 to i32
      %sign3A_622 = arith.constant 0 : i32
      %sign3A_623 = arith.cmpi slt, %jit3A_610, %sign3A_622 : i32
      %sign3A_624 = arith.extui %sign3A_623 : i1 to i32
      %sign3A_625 = arith.subi %sign3A_621, %sign3A_624 : i32
      %ne3A_626 = arith.cmpi ne, %sign3A_618, %sign3A_625 : i32
      %rem3A_627 = arith.remsi %add3A_609, %jit3A_610 : i32
      %ne3A_628 = arith.constant 0 : i32
      %ne3A_629 = arith.cmpi ne, %rem3A_627, %ne3A_628 : i32
      %and3A_630 = arith.andi %ne3A_626, %ne3A_629 : i1
      %sub3A_631 = arith.constant 1 : i32
      %sub3A_632 = arith.subi %div3A_611, %sub3A_631 : i32
      %select_n3A_633 = arith.select %and3A_630, %sub3A_632, %div3A_611 : i32
      %jit3A_634 = arith.constant 2 : i32
      %eq3A_635 = arith.constant 0 : i32
      %eq3A_636 = arith.cmpi eq, %jit3A_634, %eq3A_635 : i32
      %jit3A_637 = arith.constant 1 : i32
      %select_n3A_638 = arith.select %eq3A_636, %jit3A_637, %jit3A_634 : i32
      %rem3A_639 = arith.remsi %add3A_609, %select_n3A_638 : i32
      %ne3A_640 = arith.constant 0 : i32
      %ne3A_641 = arith.cmpi ne, %rem3A_639, %ne3A_640 : i32
      %lt3A_642 = arith.constant 0 : i32
      %lt3A_643 = arith.cmpi slt, %rem3A_639, %lt3A_642 : i32
      %lt3A_644 = arith.constant 0 : i32
      %lt3A_645 = arith.cmpi slt, %select_n3A_638, %lt3A_644 : i32
      %ne3A_646 = arith.xori %lt3A_643, %lt3A_645 : i1
      %and3A_647 = arith.andi %ne3A_646, %ne3A_641 : i1
      %add3A_648 = arith.addi %rem3A_639, %select_n3A_638 : i32
      %select_n3A_649 = arith.select %and3A_647, %add3A_648, %rem3A_639 : i32
      %mul3A_650 = arith.constant 40 : i32
      %mul3A_651 = arith.muli %select_n3A_649, %mul3A_650 : i32
      %dma_start3A_652 = tpu.memref_slice %arg6[%select_n3A_633, %mul3A_651] : memref<125x80xi32, #tpu.memory_space<vmem>> -> memref<1x40xi32, #tpu.memory_space<vmem>>
      %dma_start3A_653 = tpu.memref_squeeze %dma_start3A_652 : memref<1x40xi32, #tpu.memory_space<vmem>> -> memref<40xi32, #tpu.memory_space<vmem>>
      %dma_start3A_654 = arith.constant 0 : i32
      %dma_start3A_655 = arith.constant 0 : i32
      %dma_start3A_656 = tpu.memref_slice %arg2[%dma_start3A_654, %dma_start3A_655] : memref<10000x128xf32, #tpu.memory_space<hbm>> -> memref<10000x128xf32, #tpu.memory_space<hbm>>
      tpu.enqueue_indirect_dma source(%dma_start3A_656 : memref<10000x128xf32, #tpu.memory_space<hbm>>) target(%arg11 : memref<40x128xf32, #tpu.memory_space<vmem>>) offsets(%dma_start3A_653 : memref<40xi32, #tpu.memory_space<vmem>>) semaphore(%arg17 : memref<!tpu.dma_semaphore, #tpu.memory_space<semaphore_mem>>)
      %add3A_657 = arith.constant 4 : i32
      %add3A_658 = arith.addi %add3A_90, %add3A_657 : i32
      %jit3A_659 = arith.constant 2 : i32
      %div3A_660 = arith.divsi %add3A_658, %jit3A_659 : i32
      %sign3A_661 = arith.constant 0 : i32
      %sign3A_662 = arith.cmpi sgt, %add3A_658, %sign3A_661 : i32
      %sign3A_663 = arith.extui %sign3A_662 : i1 to i32
      %sign3A_664 = arith.constant 0 : i32
      %sign3A_665 = arith.cmpi slt, %add3A_658, %sign3A_664 : i32
      %sign3A_666 = arith.extui %sign3A_665 : i1 to i32
      %sign3A_667 = arith.subi %sign3A_663, %sign3A_666 : i32
      %sign3A_668 = arith.constant 0 : i32
      %sign3A_669 = arith.cmpi sgt, %jit3A_659, %sign3A_668 : i32
      %sign3A_670 = arith.extui %sign3A_669 : i1 to i32
      %sign3A_671 = arith.constant 0 : i32
      %sign3A_672 = arith.cmpi slt, %jit3A_659, %sign3A_671 : i32
      %sign3A_673 = arith.extui %sign3A_672 : i1 to i32
      %sign3A_674 = arith.subi %sign3A_670, %sign3A_673 : i32
      %ne3A_675 = arith.cmpi ne, %sign3A_667, %sign3A_674 : i32
      %rem3A_676 = arith.remsi %add3A_658, %jit3A_659 : i32
      %ne3A_677 = arith.constant 0 : i32
      %ne3A_678 = arith.cmpi ne, %rem3A_676, %ne3A_677 : i32
      %and3A_679 = arith.andi %ne3A_675, %ne3A_678 : i1
      %sub3A_680 = arith.constant 1 : i32
      %sub3A_681 = arith.subi %div3A_660, %sub3A_680 : i32
      %select_n3A_682 = arith.select %and3A_679, %sub3A_681, %div3A_660 : i32
      %jit3A_683 = arith.constant 2 : i32
      %eq3A_684 = arith.constant 0 : i32
      %eq3A_685 = arith.cmpi eq, %jit3A_683, %eq3A_684 : i32
      %jit3A_686 = arith.constant 1 : i32
      %select_n3A_687 = arith.select %eq3A_685, %jit3A_686, %jit3A_683 : i32
      %rem3A_688 = arith.remsi %add3A_658, %select_n3A_687 : i32
      %ne3A_689 = arith.constant 0 : i32
      %ne3A_690 = arith.cmpi ne, %rem3A_688, %ne3A_689 : i32
      %lt3A_691 = arith.constant 0 : i32
      %lt3A_692 = arith.cmpi slt, %rem3A_688, %lt3A_691 : i32
      %lt3A_693 = arith.constant 0 : i32
      %lt3A_694 = arith.cmpi slt, %select_n3A_687, %lt3A_693 : i32
      %ne3A_695 = arith.xori %lt3A_692, %lt3A_694 : i1
      %and3A_696 = arith.andi %ne3A_695, %ne3A_690 : i1
      %add3A_697 = arith.addi %rem3A_688, %select_n3A_687 : i32
      %select_n3A_698 = arith.select %and3A_696, %add3A_697, %rem3A_688 : i32
      %mul3A_699 = arith.constant 40 : i32
      %mul3A_700 = arith.muli %select_n3A_698, %mul3A_699 : i32
      %dma_wait3A_701 = tpu.memref_slice %arg6[%select_n3A_682, %mul3A_700] : memref<125x80xi32, #tpu.memory_space<vmem>> -> memref<1x40xi32, #tpu.memory_space<vmem>>
      %dma_wait3A_702 = tpu.memref_squeeze %dma_wait3A_701 : memref<1x40xi32, #tpu.memory_space<vmem>> -> memref<40xi32, #tpu.memory_space<vmem>>
      %dma_wait3A_703 = arith.constant 0 : i32
      %dma_wait3A_704 = arith.constant 0 : i32
      %dma_wait3A_705 = tpu.memref_slice %arg2[%dma_wait3A_703, %dma_wait3A_704] : memref<10000x128xf32, #tpu.memory_space<hbm>> -> memref<10000x128xf32, #tpu.memory_space<hbm>>
      tpu.wait_indirect_dma semaphore(%arg18 : memref<!tpu.dma_semaphore, #tpu.memory_space<semaphore_mem>>) src(%dma_wait3A_705 : memref<10000x128xf32, #tpu.memory_space<hbm>>) dst(%arg12 : memref<40x128xf32, #tpu.memory_space<vmem>>)
      %add3A_706 = arith.constant 4 : i32
      %add3A_707 = arith.addi %add3A_90, %add3A_706 : i32
      %jit3A_708 = arith.constant 2 : i32
      %div3A_709 = arith.divsi %add3A_707, %jit3A_708 : i32
      %sign3A_710 = arith.constant 0 : i32
      %sign3A_711 = arith.cmpi sgt, %add3A_707, %sign3A_710 : i32
      %sign3A_712 = arith.extui %sign3A_711 : i1 to i32
      %sign3A_713 = arith.constant 0 : i32
      %sign3A_714 = arith.cmpi slt, %add3A_707, %sign3A_713 : i32
      %sign3A_715 = arith.extui %sign3A_714 : i1 to i32
      %sign3A_716 = arith.subi %sign3A_712, %sign3A_715 : i32
      %sign3A_717 = arith.constant 0 : i32
      %sign3A_718 = arith.cmpi sgt, %jit3A_708, %sign3A_717 : i32
      %sign3A_719 = arith.extui %sign3A_718 : i1 to i32
      %sign3A_720 = arith.constant 0 : i32
      %sign3A_721 = arith.cmpi slt, %jit3A_708, %sign3A_720 : i32
      %sign3A_722 = arith.extui %sign3A_721 : i1 to i32
      %sign3A_723 = arith.subi %sign3A_719, %sign3A_722 : i32
      %ne3A_724 = arith.cmpi ne, %sign3A_716, %sign3A_723 : i32
      %rem3A_725 = arith.remsi %add3A_707, %jit3A_708 : i32
      %ne3A_726 = arith.constant 0 : i32
      %ne3A_727 = arith.cmpi ne, %rem3A_725, %ne3A_726 : i32
      %and3A_728 = arith.andi %ne3A_724, %ne3A_727 : i1
      %sub3A_729 = arith.constant 1 : i32
      %sub3A_730 = arith.subi %div3A_709, %sub3A_729 : i32
      %select_n3A_731 = arith.select %and3A_728, %sub3A_730, %div3A_709 : i32
      %jit3A_732 = arith.constant 2 : i32
      %eq3A_733 = arith.constant 0 : i32
      %eq3A_734 = arith.cmpi eq, %jit3A_732, %eq3A_733 : i32
      %jit3A_735 = arith.constant 1 : i32
      %select_n3A_736 = arith.select %eq3A_734, %jit3A_735, %jit3A_732 : i32
      %rem3A_737 = arith.remsi %add3A_707, %select_n3A_736 : i32
      %ne3A_738 = arith.constant 0 : i32
      %ne3A_739 = arith.cmpi ne, %rem3A_737, %ne3A_738 : i32
      %lt3A_740 = arith.constant 0 : i32
      %lt3A_741 = arith.cmpi slt, %rem3A_737, %lt3A_740 : i32
      %lt3A_742 = arith.constant 0 : i32
      %lt3A_743 = arith.cmpi slt, %select_n3A_736, %lt3A_742 : i32
      %ne3A_744 = arith.xori %lt3A_741, %lt3A_743 : i1
      %and3A_745 = arith.andi %ne3A_744, %ne3A_739 : i1
      %add3A_746 = arith.addi %rem3A_737, %select_n3A_736 : i32
      %select_n3A_747 = arith.select %and3A_745, %add3A_746, %rem3A_737 : i32
      %mul3A_748 = arith.constant 40 : i32
      %mul3A_749 = arith.muli %select_n3A_747, %mul3A_748 : i32
      "tpu.region"() ({
        %run_scoped3A_801 = tpu.sem_alloc : memref<!tpu.dma_semaphore, #tpu.memory_space<semaphore_mem>>
        %dma_start3A_802 = tpu.memref_slice %arg7[%select_n3A_731, %mul3A_749] : memref<125x80xi32, #tpu.memory_space<vmem>> -> memref<1x40xi32, #tpu.memory_space<vmem>>
        %dma_start3A_803 = tpu.memref_squeeze %dma_start3A_802 : memref<1x40xi32, #tpu.memory_space<vmem>> -> memref<40xi32, #tpu.memory_space<vmem>>
        %dma_start3A_804 = arith.constant 0 : i32
        %dma_start3A_805 = arith.constant 0 : i32
        %dma_start3A_806 = tpu.memref_slice %arg13[%dma_start3A_804, %dma_start3A_805] : memref<10240x128xf32, #tpu.memory_space<vmem_shared>> -> memref<10240x128xf32, #tpu.memory_space<vmem_shared>>
        tpu.enqueue_indirect_dma source(%arg12 : memref<40x128xf32, #tpu.memory_space<vmem>>) target(%dma_start3A_806 : memref<10240x128xf32, #tpu.memory_space<vmem_shared>>) offsets(%dma_start3A_803 : memref<40xi32, #tpu.memory_space<vmem>>) semaphore(%run_scoped3A_801 : memref<!tpu.dma_semaphore, #tpu.memory_space<semaphore_mem>>) {add = true}
        %dma_wait3A_807 = tpu.memref_slice %arg7[%select_n3A_731, %mul3A_749] : memref<125x80xi32, #tpu.memory_space<vmem>> -> memref<1x40xi32, #tpu.memory_space<vmem>>
        %dma_wait3A_808 = tpu.memref_squeeze %dma_wait3A_807 : memref<1x40xi32, #tpu.memory_space<vmem>> -> memref<40xi32, #tpu.memory_space<vmem>>
        %dma_wait3A_809 = arith.constant 0 : i32
        %dma_wait3A_810 = arith.constant 0 : i32
        %dma_wait3A_811 = tpu.memref_slice %arg13[%dma_wait3A_809, %dma_wait3A_810] : memref<10240x128xf32, #tpu.memory_space<vmem_shared>> -> memref<10240x128xf32, #tpu.memory_space<vmem_shared>>
        tpu.wait_indirect_dma semaphore(%run_scoped3A_801 : memref<!tpu.dma_semaphore, #tpu.memory_space<semaphore_mem>>) src(%arg12 : memref<40x128xf32, #tpu.memory_space<vmem>>) dst(%dma_wait3A_811 : memref<10240x128xf32, #tpu.memory_space<vmem_shared>>)
        tpu.yield
      }) : () -> ()
      %add3A_750 = arith.constant 5 : i32
      %add3A_751 = arith.addi %add3A_90, %add3A_750 : i32
      %add3A_752 = arith.constant 4 : i32
      %add3A_753 = arith.addi %add3A_751, %add3A_752 : i32
      %jit3A_754 = arith.constant 2 : i32
      %div3A_755 = arith.divsi %add3A_753, %jit3A_754 : i32
      %sign3A_756 = arith.constant 0 : i32
      %sign3A_757 = arith.cmpi sgt, %add3A_753, %sign3A_756 : i32
      %sign3A_758 = arith.extui %sign3A_757 : i1 to i32
      %sign3A_759 = arith.constant 0 : i32
      %sign3A_760 = arith.cmpi slt, %add3A_753, %sign3A_759 : i32
      %sign3A_761 = arith.extui %sign3A_760 : i1 to i32
      %sign3A_762 = arith.subi %sign3A_758, %sign3A_761 : i32
      %sign3A_763 = arith.constant 0 : i32
      %sign3A_764 = arith.cmpi sgt, %jit3A_754, %sign3A_763 : i32
      %sign3A_765 = arith.extui %sign3A_764 : i1 to i32
      %sign3A_766 = arith.constant 0 : i32
      %sign3A_767 = arith.cmpi slt, %jit3A_754, %sign3A_766 : i32
      %sign3A_768 = arith.extui %sign3A_767 : i1 to i32
      %sign3A_769 = arith.subi %sign3A_765, %sign3A_768 : i32
      %ne3A_770 = arith.cmpi ne, %sign3A_762, %sign3A_769 : i32
      %rem3A_771 = arith.remsi %add3A_753, %jit3A_754 : i32
      %ne3A_772 = arith.constant 0 : i32
      %ne3A_773 = arith.cmpi ne, %rem3A_771, %ne3A_772 : i32
      %and3A_774 = arith.andi %ne3A_770, %ne3A_773 : i1
      %sub3A_775 = arith.constant 1 : i32
      %sub3A_776 = arith.subi %div3A_755, %sub3A_775 : i32
      %select_n3A_777 = arith.select %and3A_774, %sub3A_776, %div3A_755 : i32
      %jit3A_778 = arith.constant 2 : i32
      %eq3A_779 = arith.constant 0 : i32
      %eq3A_780 = arith.cmpi eq, %jit3A_778, %eq3A_779 : i32
      %jit3A_781 = arith.constant 1 : i32
      %select_n3A_782 = arith.select %eq3A_780, %jit3A_781, %jit3A_778 : i32
      %rem3A_783 = arith.remsi %add3A_753, %select_n3A_782 : i32
      %ne3A_784 = arith.constant 0 : i32
      %ne3A_785 = arith.cmpi ne, %rem3A_783, %ne3A_784 : i32
      %lt3A_786 = arith.constant 0 : i32
      %lt3A_787 = arith.cmpi slt, %rem3A_783, %lt3A_786 : i32
      %lt3A_788 = arith.constant 0 : i32
      %lt3A_789 = arith.cmpi slt, %select_n3A_782, %lt3A_788 : i32
      %ne3A_790 = arith.xori %lt3A_787, %lt3A_789 : i1
      %and3A_791 = arith.andi %ne3A_790, %ne3A_785 : i1
      %add3A_792 = arith.addi %rem3A_783, %select_n3A_782 : i32
      %select_n3A_793 = arith.select %and3A_791, %add3A_792, %rem3A_783 : i32
      %mul3A_794 = arith.constant 40 : i32
      %mul3A_795 = arith.muli %select_n3A_793, %mul3A_794 : i32
      %dma_start3A_796 = tpu.memref_slice %arg6[%select_n3A_777, %mul3A_795] : memref<125x80xi32, #tpu.memory_space<vmem>> -> memref<1x40xi32, #tpu.memory_space<vmem>>
      %dma_start3A_797 = tpu.memref_squeeze %dma_start3A_796 : memref<1x40xi32, #tpu.memory_space<vmem>> -> memref<40xi32, #tpu.memory_space<vmem>>
      %dma_start3A_798 = arith.constant 0 : i32
      %dma_start3A_799 = arith.constant 0 : i32
      %dma_start3A_800 = tpu.memref_slice %arg2[%dma_start3A_798, %dma_start3A_799] : memref<10000x128xf32, #tpu.memory_space<hbm>> -> memref<10000x128xf32, #tpu.memory_space<hbm>>
      tpu.enqueue_indirect_dma source(%dma_start3A_800 : memref<10000x128xf32, #tpu.memory_space<hbm>>) target(%arg12 : memref<40x128xf32, #tpu.memory_space<vmem>>) offsets(%dma_start3A_797 : memref<40xi32, #tpu.memory_space<vmem>>) semaphore(%arg18 : memref<!tpu.dma_semaphore, #tpu.memory_space<semaphore_mem>>)
    }
    %scan3A_41 = arith.constant 49 : i32
    %dma_wait3A = arith.constant 122 : i32
    %dma_wait3A_42 = arith.constant 40 : i32
    %dma_wait3A_43 = tpu.memref_slice %arg6[%dma_wait3A, %dma_wait3A_42] : memref<125x80xi32, #tpu.memory_space<vmem>> -> memref<1x40xi32, #tpu.memory_space<vmem>>
    %dma_wait3A_44 = tpu.memref_squeeze %dma_wait3A_43 : memref<1x40xi32, #tpu.memory_space<vmem>> -> memref<40xi32, #tpu.memory_space<vmem>>
    %dma_wait3A_45 = arith.constant 0 : i32
    %dma_wait3A_46 = arith.constant 0 : i32
    %dma_wait3A_47 = tpu.memref_slice %arg2[%dma_wait3A_45, %dma_wait3A_46] : memref<10000x128xf32, #tpu.memory_space<hbm>> -> memref<10000x128xf32, #tpu.memory_space<hbm>>
    tpu.wait_indirect_dma semaphore(%arg14 : memref<!tpu.dma_semaphore, #tpu.memory_space<semaphore_mem>>) src(%dma_wait3A_47 : memref<10000x128xf32, #tpu.memory_space<hbm>>) dst(%arg8 : memref<40x128xf32, #tpu.memory_space<vmem>>)
    %run_scoped3A_48 = arith.constant 122 : i32
    "tpu.region"() ({
      %run_scoped3A_86 = tpu.sem_alloc : memref<!tpu.dma_semaphore, #tpu.memory_space<semaphore_mem>>
      %dma_start3A_87 = arith.constant 40 : i32
      %dma_start3A_88 = tpu.memref_slice %arg7[%run_scoped3A_48, %dma_start3A_87] : memref<125x80xi32, #tpu.memory_space<vmem>> -> memref<1x40xi32, #tpu.memory_space<vmem>>
      %dma_start3A_89 = tpu.memref_squeeze %dma_start3A_88 : memref<1x40xi32, #tpu.memory_space<vmem>> -> memref<40xi32, #tpu.memory_space<vmem>>
      %dma_start3A_90 = arith.constant 0 : i32
      %dma_start3A_91 = arith.constant 0 : i32
      %dma_start3A_92 = tpu.memref_slice %arg13[%dma_start3A_90, %dma_start3A_91] : memref<10240x128xf32, #tpu.memory_space<vmem_shared>> -> memref<10240x128xf32, #tpu.memory_space<vmem_shared>>
      tpu.enqueue_indirect_dma source(%arg8 : memref<40x128xf32, #tpu.memory_space<vmem>>) target(%dma_start3A_92 : memref<10240x128xf32, #tpu.memory_space<vmem_shared>>) offsets(%dma_start3A_89 : memref<40xi32, #tpu.memory_space<vmem>>) semaphore(%run_scoped3A_86 : memref<!tpu.dma_semaphore, #tpu.memory_space<semaphore_mem>>) {add = true}
      %dma_wait3A_93 = arith.constant 40 : i32
      %dma_wait3A_94 = tpu.memref_slice %arg7[%run_scoped3A_48, %dma_wait3A_93] : memref<125x80xi32, #tpu.memory_space<vmem>> -> memref<1x40xi32, #tpu.memory_space<vmem>>
      %dma_wait3A_95 = tpu.memref_squeeze %dma_wait3A_94 : memref<1x40xi32, #tpu.memory_space<vmem>> -> memref<40xi32, #tpu.memory_space<vmem>>
      %dma_wait3A_96 = arith.constant 0 : i32
      %dma_wait3A_97 = arith.constant 0 : i32
      %dma_wait3A_98 = tpu.memref_slice %arg13[%dma_wait3A_96, %dma_wait3A_97] : memref<10240x128xf32, #tpu.memory_space<vmem_shared>> -> memref<10240x128xf32, #tpu.memory_space<vmem_shared>>
      tpu.wait_indirect_dma semaphore(%run_scoped3A_86 : memref<!tpu.dma_semaphore, #tpu.memory_space<semaphore_mem>>) src(%arg8 : memref<40x128xf32, #tpu.memory_space<vmem>>) dst(%dma_wait3A_98 : memref<10240x128xf32, #tpu.memory_space<vmem_shared>>)
      tpu.yield
    }) : () -> ()
    %dma_wait3A_49 = arith.constant 123 : i32
    %dma_wait3A_50 = arith.constant 0 : i32
    %dma_wait3A_51 = tpu.memref_slice %arg6[%dma_wait3A_49, %dma_wait3A_50] : memref<125x80xi32, #tpu.memory_space<vmem>> -> memref<1x40xi32, #tpu.memory_space<vmem>>
    %dma_wait3A_52 = tpu.memref_squeeze %dma_wait3A_51 : memref<1x40xi32, #tpu.memory_space<vmem>> -> memref<40xi32, #tpu.memory_space<vmem>>
    %dma_wait3A_53 = arith.constant 0 : i32
    %dma_wait3A_54 = arith.constant 0 : i32
    %dma_wait3A_55 = tpu.memref_slice %arg2[%dma_wait3A_53, %dma_wait3A_54] : memref<10000x128xf32, #tpu.memory_space<hbm>> -> memref<10000x128xf32, #tpu.memory_space<hbm>>
    tpu.wait_indirect_dma semaphore(%arg15 : memref<!tpu.dma_semaphore, #tpu.memory_space<semaphore_mem>>) src(%dma_wait3A_55 : memref<10000x128xf32, #tpu.memory_space<hbm>>) dst(%arg9 : memref<40x128xf32, #tpu.memory_space<vmem>>)
    %run_scoped3A_56 = arith.constant 123 : i32
    "tpu.region"() ({
      %run_scoped3A_86 = tpu.sem_alloc : memref<!tpu.dma_semaphore, #tpu.memory_space<semaphore_mem>>
      %dma_start3A_87 = arith.constant 0 : i32
      %dma_start3A_88 = tpu.memref_slice %arg7[%run_scoped3A_56, %dma_start3A_87] : memref<125x80xi32, #tpu.memory_space<vmem>> -> memref<1x40xi32, #tpu.memory_space<vmem>>
      %dma_start3A_89 = tpu.memref_squeeze %dma_start3A_88 : memref<1x40xi32, #tpu.memory_space<vmem>> -> memref<40xi32, #tpu.memory_space<vmem>>
      %dma_start3A_90 = arith.constant 0 : i32
      %dma_start3A_91 = arith.constant 0 : i32
      %dma_start3A_92 = tpu.memref_slice %arg13[%dma_start3A_90, %dma_start3A_91] : memref<10240x128xf32, #tpu.memory_space<vmem_shared>> -> memref<10240x128xf32, #tpu.memory_space<vmem_shared>>
      tpu.enqueue_indirect_dma source(%arg9 : memref<40x128xf32, #tpu.memory_space<vmem>>) target(%dma_start3A_92 : memref<10240x128xf32, #tpu.memory_space<vmem_shared>>) offsets(%dma_start3A_89 : memref<40xi32, #tpu.memory_space<vmem>>) semaphore(%run_scoped3A_86 : memref<!tpu.dma_semaphore, #tpu.memory_space<semaphore_mem>>) {add = true}
      %dma_wait3A_93 = arith.constant 0 : i32
      %dma_wait3A_94 = tpu.memref_slice %arg7[%run_scoped3A_56, %dma_wait3A_93] : memref<125x80xi32, #tpu.memory_space<vmem>> -> memref<1x40xi32, #tpu.memory_space<vmem>>
      %dma_wait3A_95 = tpu.memref_squeeze %dma_wait3A_94 : memref<1x40xi32, #tpu.memory_space<vmem>> -> memref<40xi32, #tpu.memory_space<vmem>>
      %dma_wait3A_96 = arith.constant 0 : i32
      %dma_wait3A_97 = arith.constant 0 : i32
      %dma_wait3A_98 = tpu.memref_slice %arg13[%dma_wait3A_96, %dma_wait3A_97] : memref<10240x128xf32, #tpu.memory_space<vmem_shared>> -> memref<10240x128xf32, #tpu.memory_space<vmem_shared>>
      tpu.wait_indirect_dma semaphore(%run_scoped3A_86 : memref<!tpu.dma_semaphore, #tpu.memory_space<semaphore_mem>>) src(%arg9 : memref<40x128xf32, #tpu.memory_space<vmem>>) dst(%dma_wait3A_98 : memref<10240x128xf32, #tpu.memory_space<vmem_shared>>)
      tpu.yield
    }) : () -> ()
    %dma_wait3A_57 = arith.constant 123 : i32
    %dma_wait3A_58 = arith.constant 40 : i32
    %dma_wait3A_59 = tpu.memref_slice %arg6[%dma_wait3A_57, %dma_wait3A_58] : memref<125x80xi32, #tpu.memory_space<vmem>> -> memref<1x40xi32, #tpu.memory_space<vmem>>
    %dma_wait3A_60 = tpu.memref_squeeze %dma_wait3A_59 : memref<1x40xi32, #tpu.memory_space<vmem>> -> memref<40xi32, #tpu.memory_space<vmem>>
    %dma_wait3A_61 = arith.constant 0 : i32
    %dma_wait3A_62 = arith.constant 0 : i32
    %dma_wait3A_63 = tpu.memref_slice %arg2[%dma_wait3A_61, %dma_wait3A_62] : memref<10000x128xf32, #tpu.memory_space<hbm>> -> memref<10000x128xf32, #tpu.memory_space<hbm>>
    tpu.wait_indirect_dma semaphore(%arg16 : memref<!tpu.dma_semaphore, #tpu.memory_space<semaphore_mem>>) src(%dma_wait3A_63 : memref<10000x128xf32, #tpu.memory_space<hbm>>) dst(%arg10 : memref<40x128xf32, #tpu.memory_space<vmem>>)
    %run_scoped3A_64 = arith.constant 123 : i32
    "tpu.region"() ({
      %run_scoped3A_86 = tpu.sem_alloc : memref<!tpu.dma_semaphore, #tpu.memory_space<semaphore_mem>>
      %dma_start3A_87 = arith.constant 40 : i32
      %dma_start3A_88 = tpu.memref_slice %arg7[%run_scoped3A_64, %dma_start3A_87] : memref<125x80xi32, #tpu.memory_space<vmem>> -> memref<1x40xi32, #tpu.memory_space<vmem>>
      %dma_start3A_89 = tpu.memref_squeeze %dma_start3A_88 : memref<1x40xi32, #tpu.memory_space<vmem>> -> memref<40xi32, #tpu.memory_space<vmem>>
      %dma_start3A_90 = arith.constant 0 : i32
      %dma_start3A_91 = arith.constant 0 : i32
      %dma_start3A_92 = tpu.memref_slice %arg13[%dma_start3A_90, %dma_start3A_91] : memref<10240x128xf32, #tpu.memory_space<vmem_shared>> -> memref<10240x128xf32, #tpu.memory_space<vmem_shared>>
      tpu.enqueue_indirect_dma source(%arg10 : memref<40x128xf32, #tpu.memory_space<vmem>>) target(%dma_start3A_92 : memref<10240x128xf32, #tpu.memory_space<vmem_shared>>) offsets(%dma_start3A_89 : memref<40xi32, #tpu.memory_space<vmem>>) semaphore(%run_scoped3A_86 : memref<!tpu.dma_semaphore, #tpu.memory_space<semaphore_mem>>) {add = true}
      %dma_wait3A_93 = arith.constant 40 : i32
      %dma_wait3A_94 = tpu.memref_slice %arg7[%run_scoped3A_64, %dma_wait3A_93] : memref<125x80xi32, #tpu.memory_space<vmem>> -> memref<1x40xi32, #tpu.memory_space<vmem>>
      %dma_wait3A_95 = tpu.memref_squeeze %dma_wait3A_94 : memref<1x40xi32, #tpu.memory_space<vmem>> -> memref<40xi32, #tpu.memory_space<vmem>>
      %dma_wait3A_96 = arith.constant 0 : i32
      %dma_wait3A_97 = arith.constant 0 : i32
      %dma_wait3A_98 = tpu.memref_slice %arg13[%dma_wait3A_96, %dma_wait3A_97] : memref<10240x128xf32, #tpu.memory_space<vmem_shared>> -> memref<10240x128xf32, #tpu.memory_space<vmem_shared>>
      tpu.wait_indirect_dma semaphore(%run_scoped3A_86 : memref<!tpu.dma_semaphore, #tpu.memory_space<semaphore_mem>>) src(%arg10 : memref<40x128xf32, #tpu.memory_space<vmem>>) dst(%dma_wait3A_98 : memref<10240x128xf32, #tpu.memory_space<vmem_shared>>)
      tpu.yield
    }) : () -> ()
    %dma_wait3A_65 = arith.constant 124 : i32
    %dma_wait3A_66 = arith.constant 0 : i32
    %dma_wait3A_67 = tpu.memref_slice %arg6[%dma_wait3A_65, %dma_wait3A_66] : memref<125x80xi32, #tpu.memory_space<vmem>> -> memref<1x40xi32, #tpu.memory_space<vmem>>
    %dma_wait3A_68 = tpu.memref_squeeze %dma_wait3A_67 : memref<1x40xi32, #tpu.memory_space<vmem>> -> memref<40xi32, #tpu.memory_space<vmem>>
    %dma_wait3A_69 = arith.constant 0 : i32
    %dma_wait3A_70 = arith.constant 0 : i32
    %dma_wait3A_71 = tpu.memref_slice %arg2[%dma_wait3A_69, %dma_wait3A_70] : memref<10000x128xf32, #tpu.memory_space<hbm>> -> memref<10000x128xf32, #tpu.memory_space<hbm>>
    tpu.wait_indirect_dma semaphore(%arg17 : memref<!tpu.dma_semaphore, #tpu.memory_space<semaphore_mem>>) src(%dma_wait3A_71 : memref<10000x128xf32, #tpu.memory_space<hbm>>) dst(%arg11 : memref<40x128xf32, #tpu.memory_space<vmem>>)
    %run_scoped3A_72 = arith.constant 124 : i32
    "tpu.region"() ({
      %run_scoped3A_86 = tpu.sem_alloc : memref<!tpu.dma_semaphore, #tpu.memory_space<semaphore_mem>>
      %dma_start3A_87 = arith.constant 0 : i32
      %dma_start3A_88 = tpu.memref_slice %arg7[%run_scoped3A_72, %dma_start3A_87] : memref<125x80xi32, #tpu.memory_space<vmem>> -> memref<1x40xi32, #tpu.memory_space<vmem>>
      %dma_start3A_89 = tpu.memref_squeeze %dma_start3A_88 : memref<1x40xi32, #tpu.memory_space<vmem>> -> memref<40xi32, #tpu.memory_space<vmem>>
      %dma_start3A_90 = arith.constant 0 : i32
      %dma_start3A_91 = arith.constant 0 : i32
      %dma_start3A_92 = tpu.memref_slice %arg13[%dma_start3A_90, %dma_start3A_91] : memref<10240x128xf32, #tpu.memory_space<vmem_shared>> -> memref<10240x128xf32, #tpu.memory_space<vmem_shared>>
      tpu.enqueue_indirect_dma source(%arg11 : memref<40x128xf32, #tpu.memory_space<vmem>>) target(%dma_start3A_92 : memref<10240x128xf32, #tpu.memory_space<vmem_shared>>) offsets(%dma_start3A_89 : memref<40xi32, #tpu.memory_space<vmem>>) semaphore(%run_scoped3A_86 : memref<!tpu.dma_semaphore, #tpu.memory_space<semaphore_mem>>) {add = true}
      %dma_wait3A_93 = arith.constant 0 : i32
      %dma_wait3A_94 = tpu.memref_slice %arg7[%run_scoped3A_72, %dma_wait3A_93] : memref<125x80xi32, #tpu.memory_space<vmem>> -> memref<1x40xi32, #tpu.memory_space<vmem>>
      %dma_wait3A_95 = tpu.memref_squeeze %dma_wait3A_94 : memref<1x40xi32, #tpu.memory_space<vmem>> -> memref<40xi32, #tpu.memory_space<vmem>>
      %dma_wait3A_96 = arith.constant 0 : i32
      %dma_wait3A_97 = arith.constant 0 : i32
      %dma_wait3A_98 = tpu.memref_slice %arg13[%dma_wait3A_96, %dma_wait3A_97] : memref<10240x128xf32, #tpu.memory_space<vmem_shared>> -> memref<10240x128xf32, #tpu.memory_space<vmem_shared>>
      tpu.wait_indirect_dma semaphore(%run_scoped3A_86 : memref<!tpu.dma_semaphore, #tpu.memory_space<semaphore_mem>>) src(%arg11 : memref<40x128xf32, #tpu.memory_space<vmem>>) dst(%dma_wait3A_98 : memref<10240x128xf32, #tpu.memory_space<vmem_shared>>)
      tpu.yield
    }) : () -> ()
    %dma_wait3A_73 = arith.constant 124 : i32
    %dma_wait3A_74 = arith.constant 40 : i32
    %dma_wait3A_75 = tpu.memref_slice %arg6[%dma_wait3A_73, %dma_wait3A_74] : memref<125x80xi32, #tpu.memory_space<vmem>> -> memref<1x40xi32, #tpu.memory_space<vmem>>
    %dma_wait3A_76 = tpu.memref_squeeze %dma_wait3A_75 : memref<1x40xi32, #tpu.memory_space<vmem>> -> memref<40xi32, #tpu.memory_space<vmem>>
    %dma_wait3A_77 = arith.constant 0 : i32
    %dma_wait3A_78 = arith.constant 0 : i32
    %dma_wait3A_79 = tpu.memref_slice %arg2[%dma_wait3A_77, %dma_wait3A_78] : memref<10000x128xf32, #tpu.memory_space<hbm>> -> memref<10000x128xf32, #tpu.memory_space<hbm>>
    tpu.wait_indirect_dma semaphore(%arg18 : memref<!tpu.dma_semaphore, #tpu.memory_space<semaphore_mem>>) src(%dma_wait3A_79 : memref<10000x128xf32, #tpu.memory_space<hbm>>) dst(%arg12 : memref<40x128xf32, #tpu.memory_space<vmem>>)
    %run_scoped3A_80 = arith.constant 124 : i32
    "tpu.region"() ({
      %run_scoped3A_86 = tpu.sem_alloc : memref<!tpu.dma_semaphore, #tpu.memory_space<semaphore_mem>>
      %dma_start3A_87 = arith.constant 40 : i32
      %dma_start3A_88 = tpu.memref_slice %arg7[%run_scoped3A_80, %dma_start3A_87] : memref<125x80xi32, #tpu.memory_space<vmem>> -> memref<1x40xi32, #tpu.memory_space<vmem>>
      %dma_start3A_89 = tpu.memref_squeeze %dma_start3A_88 : memref<1x40xi32, #tpu.memory_space<vmem>> -> memref<40xi32, #tpu.memory_space<vmem>>
      %dma_start3A_90 = arith.constant 0 : i32
      %dma_start3A_91 = arith.constant 0 : i32
      %dma_start3A_92 = tpu.memref_slice %arg13[%dma_start3A_90, %dma_start3A_91] : memref<10240x128xf32, #tpu.memory_space<vmem_shared>> -> memref<10240x128xf32, #tpu.memory_space<vmem_shared>>
      tpu.enqueue_indirect_dma source(%arg12 : memref<40x128xf32, #tpu.memory_space<vmem>>) target(%dma_start3A_92 : memref<10240x128xf32, #tpu.memory_space<vmem_shared>>) offsets(%dma_start3A_89 : memref<40xi32, #tpu.memory_space<vmem>>) semaphore(%run_scoped3A_86 : memref<!tpu.dma_semaphore, #tpu.memory_space<semaphore_mem>>) {add = true}
      %dma_wait3A_93 = arith.constant 40 : i32
      %dma_wait3A_94 = tpu.memref_slice %arg7[%run_scoped3A_80, %dma_wait3A_93] : memref<125x80xi32, #tpu.memory_space<vmem>> -> memref<1x40xi32, #tpu.memory_space<vmem>>
      %dma_wait3A_95 = tpu.memref_squeeze %dma_wait3A_94 : memref<1x40xi32, #tpu.memory_space<vmem>> -> memref<40xi32, #tpu.memory_space<vmem>>
      %dma_wait3A_96 = arith.constant 0 : i32
      %dma_wait3A_97 = arith.constant 0 : i32
      %dma_wait3A_98 = tpu.memref_slice %arg13[%dma_wait3A_96, %dma_wait3A_97] : memref<10240x128xf32, #tpu.memory_space<vmem_shared>> -> memref<10240x128xf32, #tpu.memory_space<vmem_shared>>
      tpu.wait_indirect_dma semaphore(%run_scoped3A_86 : memref<!tpu.dma_semaphore, #tpu.memory_space<semaphore_mem>>) src(%arg12 : memref<40x128xf32, #tpu.memory_space<vmem>>) dst(%dma_wait3A_98 : memref<10240x128xf32, #tpu.memory_space<vmem_shared>>)
      tpu.yield
    }) : () -> ()
    %barrier3A_81 = arith.constant 0 : index
    tpu.barrier barrier_id(%barrier3A_81)
    %mul3A_82 = arith.constant 640 : i32
    %mul3A_83 = arith.muli %arg1, %mul3A_82 : i32
    %mul3A_84 = arith.constant 640 : i32
    %mul3A_85 = arith.muli %arg1, %mul3A_84 : i32
    "tpu.region"() ({
      %run_scoped3A_86 = tpu.sem_alloc : memref<!tpu.dma_semaphore, #tpu.memory_space<semaphore_mem>>
      %dma_start3A_87 = arith.constant 0 : i32
      %dma_start3A_88 = tpu.memref_slice %arg5[%arg0, %mul3A_85, %dma_start3A_87] : memref<2x10240x128xf32, #tpu.memory_space<hbm>> -> memref<1x640x128xf32, #tpu.memory_space<hbm>>
      %dma_start3A_89 = tpu.memref_squeeze %dma_start3A_88 : memref<1x640x128xf32, #tpu.memory_space<hbm>> -> memref<640x128xf32, #tpu.memory_space<hbm>>
      %dma_start3A_90 = arith.constant 0 : i32
      %dma_start3A_91 = tpu.memref_slice %arg13[%mul3A_83, %dma_start3A_90] : memref<10240x128xf32, #tpu.memory_space<vmem_shared>> -> memref<640x128xf32, #tpu.memory_space<vmem_shared>>
      tpu.enqueue_dma source(%dma_start3A_91 : memref<640x128xf32, #tpu.memory_space<vmem_shared>>) target(%dma_start3A_89 : memref<640x128xf32, #tpu.memory_space<hbm>>) target_semaphore(%run_scoped3A_86 : memref<!tpu.dma_semaphore, #tpu.memory_space<semaphore_mem>>)
      %dma_wait3A_92 = arith.constant 0 : i32
      %dma_wait3A_93 = tpu.memref_slice %arg5[%arg0, %mul3A_85, %dma_wait3A_92] : memref<2x10240x128xf32, #tpu.memory_space<hbm>> -> memref<1x640x128xf32, #tpu.memory_space<hbm>>
      %dma_wait3A_94 = tpu.memref_squeeze %dma_wait3A_93 : memref<1x640x128xf32, #tpu.memory_space<hbm>> -> memref<640x128xf32, #tpu.memory_space<hbm>>
      %dma_wait3A_95 = arith.constant 0 : i32
      %dma_wait3A_96 = tpu.memref_slice %arg13[%mul3A_83, %dma_wait3A_95] : memref<10240x128xf32, #tpu.memory_space<vmem_shared>> -> memref<640x128xf32, #tpu.memory_space<vmem_shared>>
      tpu.wait_dma2 semaphore(%run_scoped3A_86 : memref<!tpu.dma_semaphore, #tpu.memory_space<semaphore_mem>>) src(%dma_wait3A_96 : memref<640x128xf32, #tpu.memory_space<vmem_shared>>) dst(%dma_wait3A_94 : memref<640x128xf32, #tpu.memory_space<hbm>>)
      tpu.yield
    }) : () -> ()
    return
  }
}

#map = affine_map<(d0, d1) -> (0, 0)>
#map1 = affine_map<(d0, d1) -> (0, 0, 0, 0)>
#map2 = affine_map<(d0, d1) -> (0, 0, 0)>
module attributes {stable_mosaic.version = 14 : i64} {
  func.func @_agg(%arg0: i32, %arg1: i32, %arg2: memref<10000x128xf32, #tpu.memory_space<hbm>>, %arg3: memref<2x32x125x80xi32, #tpu.memory_space<hbm>>, %arg4: memref<640x128xf32, #tpu.memory_space<hbm>>, %arg5: memref<2x10240x128xf32, #tpu.memory_space<hbm>>, %arg6: memref<125x80xi32, #tpu.memory_space<vmem>>, %arg7: memref<125x80xi32, #tpu.memory_space<vmem>>, %arg8: memref<40x128xf32, #tpu.memory_space<vmem>>, %arg9: memref<40x128xf32, #tpu.memory_space<vmem>>, %arg10: memref<40x128xf32, #tpu.memory_space<vmem>>, %arg11: memref<40x128xf32, #tpu.memory_space<vmem>>, %arg12: memref<40x128xf32, #tpu.memory_space<vmem>>, %arg13: memref<10240x128xf32, #tpu.memory_space<vmem_shared>>, %arg14: memref<!tpu.dma_semaphore, #tpu.memory_space<semaphore_mem>>, %arg15: memref<!tpu.dma_semaphore, #tpu.memory_space<semaphore_mem>>, %arg16: memref<!tpu.dma_semaphore, #tpu.memory_space<semaphore_mem>>, %arg17: memref<!tpu.dma_semaphore, #tpu.memory_space<semaphore_mem>>, %arg18: memref<!tpu.dma_semaphore, #tpu.memory_space<semaphore_mem>>) attributes {dimension_semantics = [#tpu.dimension_semantics<core_parallel>, #tpu.dimension_semantics<subcore_parallel>], iteration_bounds = array<i64: 2, 16>, scalar_prefetch = 0 : i64, scratch_operands = 13 : i64, tpu.core_type = #tpu.core_type<sc_vector_subcore>, window_params = [{transform_indices = #map}, {transform_indices = #map1}, {transform_indices = #map}, {transform_indices = #map2}]} {
    %mul3A = arith.constant 16 : i32
    %mul3A_0 = arith.muli %arg0, %mul3A : i32
    %add3A = arith.addi %mul3A_0, %arg1 : i32
    %run_scoped3A = arith.constant 0 : i32
    "tpu.region"() ({
      %run_scoped3A_86 = tpu.sem_alloc : memref<!tpu.dma_semaphore, #tpu.memory_space<semaphore_mem>>
      %dma_start3A_87 = arith.constant 0 : i32
      %dma_start3A_88 = arith.constant 0 : i32
      %dma_start3A_89 = tpu.memref_slice %arg3[%run_scoped3A, %add3A, %dma_start3A_87, %dma_start3A_88] : memref<2x32x125x80xi32, #tpu.memory_space<hbm>> -> memref<1x1x125x80xi32, #tpu.memory_space<hbm>>
      %dma_start3A_90 = tpu.memref_squeeze %dma_start3A_89 : memref<1x1x125x80xi32, #tpu.memory_space<hbm>> -> memref<125x80xi32, #tpu.memory_space<hbm>>
      %dma_start3A_91 = arith.constant 0 : i32
      %dma_start3A_92 = arith.constant 0 : i32
      %dma_start3A_93 = tpu.memref_slice %arg3[%run_scoped3A, %add3A, %dma_start3A_91, %dma_start3A_92] : memref<2x32x125x80xi32, #tpu.memory_space<hbm>> -> memref<1x1x125x80xi32, #tpu.memory_space<hbm>>
      %dma_start3A_94 = tpu.memref_squeeze %dma_start3A_93 : memref<1x1x125x80xi32, #tpu.memory_space<hbm>> -> memref<125x80xi32, #tpu.memory_space<hbm>>
      tpu.enqueue_dma source(%dma_start3A_94 : memref<125x80xi32, #tpu.memory_space<hbm>>) target(%arg6 : memref<125x80xi32, #tpu.memory_space<vmem>>) target_semaphore(%run_scoped3A_86 : memref<!tpu.dma_semaphore, #tpu.memory_space<semaphore_mem>>)
      %dma_wait3A_95 = arith.constant 0 : i32
      %dma_wait3A_96 = arith.constant 0 : i32
      %dma_wait3A_97 = tpu.memref_slice %arg3[%run_scoped3A, %add3A, %dma_wait3A_95, %dma_wait3A_96] : memref<2x32x125x80xi32, #tpu.memory_space<hbm>> -> memref<1x1x125x80xi32, #tpu.memory_space<hbm>>
      %dma_wait3A_98 = tpu.memref_squeeze %dma_wait3A_97 : memref<1x1x125x80xi32, #tpu.memory_space<hbm>> -> memref<125x80xi32, #tpu.memory_space<hbm>>
      %dma_wait3A_99 = arith.constant 0 : i32
      %dma_wait3A_100 = arith.constant 0 : i32
      %dma_wait3A_101 = tpu.memref_slice %arg3[%run_scoped3A, %add3A, %dma_wait3A_99, %dma_wait3A_100] : memref<2x32x125x80xi32, #tpu.memory_space<hbm>> -> memref<1x1x125x80xi32, #tpu.memory_space<hbm>>
      %dma_wait3A_102 = tpu.memref_squeeze %dma_wait3A_101 : memref<1x1x125x80xi32, #tpu.memory_space<hbm>> -> memref<125x80xi32, #tpu.memory_space<hbm>>
      tpu.wait_dma2 semaphore(%run_scoped3A_86 : memref<!tpu.dma_semaphore, #tpu.memory_space<semaphore_mem>>) src(%dma_wait3A_102 : memref<125x80xi32, #tpu.memory_space<hbm>>) dst(%arg6 : memref<125x80xi32, #tpu.memory_space<vmem>>)
      tpu.yield
    }) : () -> ()
    %run_scoped3A_1 = arith.constant 1 : i32
    "tpu.region"() ({
      %run_scoped3A_86 = tpu.sem_alloc : memref<!tpu.dma_semaphore, #tpu.memory_space<semaphore_mem>>
      %dma_start3A_87 = arith.constant 0 : i32
      %dma_start3A_88 = arith.constant 0 : i32
      %dma_start3A_89 = tpu.memref_slice %arg3[%run_scoped3A_1, %add3A, %dma_start3A_87, %dma_start3A_88] : memref<2x32x125x80xi32, #tpu.memory_space<hbm>> -> memref<1x1x125x80xi32, #tpu.memory_space<hbm>>
      %dma_start3A_90 = tpu.memref_squeeze %dma_start3A_89 : memref<1x1x125x80xi32, #tpu.memory_space<hbm>> -> memref<125x80xi32, #tpu.memory_space<hbm>>
      %dma_start3A_91 = arith.constant 0 : i32
      %dma_start3A_92 = arith.constant 0 : i32
      %dma_start3A_93 = tpu.memref_slice %arg3[%run_scoped3A_1, %add3A, %dma_start3A_91, %dma_start3A_92] : memref<2x32x125x80xi32, #tpu.memory_space<hbm>> -> memref<1x1x125x80xi32, #tpu.memory_space<hbm>>
      %dma_start3A_94 = tpu.memref_squeeze %dma_start3A_93 : memref<1x1x125x80xi32, #tpu.memory_space<hbm>> -> memref<125x80xi32, #tpu.memory_space<hbm>>
      tpu.enqueue_dma source(%dma_start3A_94 : memref<125x80xi32, #tpu.memory_space<hbm>>) target(%arg7 : memref<125x80xi32, #tpu.memory_space<vmem>>) target_semaphore(%run_scoped3A_86 : memref<!tpu.dma_semaphore, #tpu.memory_space<semaphore_mem>>)
      %dma_wait3A_95 = arith.constant 0 : i32
      %dma_wait3A_96 = arith.constant 0 : i32
      %dma_wait3A_97 = tpu.memref_slice %arg3[%run_scoped3A_1, %add3A, %dma_wait3A_95, %dma_wait3A_96] : memref<2x32x125x80xi32, #tpu.memory_space<hbm>> -> memref<1x1x125x80xi32, #tpu.memory_space<hbm>>
      %dma_wait3A_98 = tpu.memref_squeeze %dma_wait3A_97 : memref<1x1x125x80xi32, #tpu.memory_space<hbm>> -> memref<125x80xi32, #tpu.memory_space<hbm>>
      %dma_wait3A_99 = arith.constant 0 : i32
      %dma_wait3A_100 = arith.constant 0 : i32
      %dma_wait3A_101 = tpu.memref_slice %arg3[%run_scoped3A_1, %add3A, %dma_wait3A_99, %dma_wait3A_100] : memref<2x32x125x80xi32, #tpu.memory_space<hbm>> -> memref<1x1x125x80xi32, #tpu.memory_space<hbm>>
      %dma_wait3A_102 = tpu.memref_squeeze %dma_wait3A_101 : memref<1x1x125x80xi32, #tpu.memory_space<hbm>> -> memref<125x80xi32, #tpu.memory_space<hbm>>
      tpu.wait_dma2 semaphore(%run_scoped3A_86 : memref<!tpu.dma_semaphore, #tpu.memory_space<semaphore_mem>>) src(%dma_wait3A_102 : memref<125x80xi32, #tpu.memory_space<hbm>>) dst(%arg7 : memref<125x80xi32, #tpu.memory_space<vmem>>)
      tpu.yield
    }) : () -> ()
    %mul3A_2 = arith.constant 640 : i32
    %mul3A_3 = arith.muli %arg1, %mul3A_2 : i32
    "tpu.region"() ({
      %run_scoped3A_86 = tpu.sem_alloc : memref<!tpu.dma_semaphore, #tpu.memory_space<semaphore_mem>>
      %dma_start3A_87 = arith.constant 0 : i32
      %dma_start3A_88 = tpu.memref_slice %arg13[%mul3A_3, %dma_start3A_87] : memref<10240x128xf32, #tpu.memory_space<vmem_shared>> -> memref<640x128xf32, #tpu.memory_space<vmem_shared>>
      tpu.enqueue_dma source(%arg4 : memref<640x128xf32, #tpu.memory_space<hbm>>) target(%dma_start3A_88 : memref<640x128xf32, #tpu.memory_space<vmem_shared>>) target_semaphore(%run_scoped3A_86 : memref<!tpu.dma_semaphore, #tpu.memory_space<semaphore_mem>>)
      %dma_wait3A_89 = arith.constant 0 : i32
      %dma_wait3A_90 = tpu.memref_slice %arg13[%mul3A_3, %dma_wait3A_89] : memref<10240x128xf32, #tpu.memory_space<vmem_shared>> -> memref<640x128xf32, #tpu.memory_space<vmem_shared>>
      tpu.wait_dma2 semaphore(%run_scoped3A_86 : memref<!tpu.dma_semaphore, #tpu.memory_space<semaphore_mem>>) src(%arg4 : memref<640x128xf32, #tpu.memory_space<hbm>>) dst(%dma_wait3A_90 : memref<640x128xf32, #tpu.memory_space<vmem_shared>>)
      tpu.yield
    }) : () -> ()
    %barrier3A = arith.constant 0 : index
    tpu.barrier barrier_id(%barrier3A)
    %dma_start3A = arith.constant 0 : i32
    %dma_start3A_4 = arith.constant 0 : i32
    %dma_start3A_5 = tpu.memref_slice %arg6[%dma_start3A, %dma_start3A_4] : memref<125x80xi32, #tpu.memory_space<vmem>> -> memref<1x40xi32, #tpu.memory_space<vmem>>
    %dma_start3A_6 = tpu.memref_squeeze %dma_start3A_5 : memref<1x40xi32, #tpu.memory_space<vmem>> -> memref<40xi32, #tpu.memory_space<vmem>>
    %dma_start3A_7 = arith.constant 0 : i32
    %dma_start3A_8 = arith.constant 0 : i32
    %dma_start3A_9 = tpu.memref_slice %arg2[%dma_start3A_7, %dma_start3A_8] : memref<10000x128xf32, #tpu.memory_space<hbm>> -> memref<10000x128xf32, #tpu.memory_space<hbm>>
    tpu.enqueue_indirect_dma source(%dma_start3A_9 : memref<10000x128xf32, #tpu.memory_space<hbm>>) target(%arg8 : memref<40x128xf32, #tpu.memory_space<vmem>>) offsets(%dma_start3A_6 : memref<40xi32, #tpu.memory_space<vmem>>) semaphore(%arg14 : memref<!tpu.dma_semaphore, #tpu.memory_space<semaphore_mem>>)
    %dma_start3A_10 = arith.constant 0 : i32
    %dma_start3A_11 = arith.constant 40 : i32
    %dma_start3A_12 = tpu.memref_slice %arg6[%dma_start3A_10, %dma_start3A_11] : memref<125x80xi32, #tpu.memory_space<vmem>> -> memref<1x40xi32, #tpu.memory_space<vmem>>
    %dma_start3A_13 = tpu.memref_squeeze %dma_start3A_12 : memref<1x40xi32, #tpu.memory_space<vmem>> -> memref<40xi32, #tpu.memory_space<vmem>>
    %dma_start3A_14 = arith.constant 0 : i32
    %dma_start3A_15 = arith.constant 0 : i32
    %dma_start3A_16 = tpu.memref_slice %arg2[%dma_start3A_14, %dma_start3A_15] : memref<10000x128xf32, #tpu.memory_space<hbm>> -> memref<10000x128xf32, #tpu.memory_space<hbm>>
    tpu.enqueue_indirect_dma source(%dma_start3A_16 : memref<10000x128xf32, #tpu.memory_space<hbm>>) target(%arg9 : memref<40x128xf32, #tpu.memory_space<vmem>>) offsets(%dma_start3A_13 : memref<40xi32, #tpu.memory_space<vmem>>) semaphore(%arg15 : memref<!tpu.dma_semaphore, #tpu.memory_space<semaphore_mem>>)
    %dma_start3A_17 = arith.constant 1 : i32
    %dma_start3A_18 = arith.constant 0 : i32
    %dma_start3A_19 = tpu.memref_slice %arg6[%dma_start3A_17, %dma_start3A_18] : memref<125x80xi32, #tpu.memory_space<vmem>> -> memref<1x40xi32, #tpu.memory_space<vmem>>
    %dma_start3A_20 = tpu.memref_squeeze %dma_start3A_19 : memref<1x40xi32, #tpu.memory_space<vmem>> -> memref<40xi32, #tpu.memory_space<vmem>>
    %dma_start3A_21 = arith.constant 0 : i32
    %dma_start3A_22 = arith.constant 0 : i32
    %dma_start3A_23 = tpu.memref_slice %arg2[%dma_start3A_21, %dma_start3A_22] : memref<10000x128xf32, #tpu.memory_space<hbm>> -> memref<10000x128xf32, #tpu.memory_space<hbm>>
    tpu.enqueue_indirect_dma source(%dma_start3A_23 : memref<10000x128xf32, #tpu.memory_space<hbm>>) target(%arg10 : memref<40x128xf32, #tpu.memory_space<vmem>>) offsets(%dma_start3A_20 : memref<40xi32, #tpu.memory_space<vmem>>) semaphore(%arg16 : memref<!tpu.dma_semaphore, #tpu.memory_space<semaphore_mem>>)
    %dma_start3A_24 = arith.constant 1 : i32
    %dma_start3A_25 = arith.constant 40 : i32
    %dma_start3A_26 = tpu.memref_slice %arg6[%dma_start3A_24, %dma_start3A_25] : memref<125x80xi32, #tpu.memory_space<vmem>> -> memref<1x40xi32, #tpu.memory_space<vmem>>
    %dma_start3A_27 = tpu.memref_squeeze %dma_start3A_26 : memref<1x40xi32, #tpu.memory_space<vmem>> -> memref<40xi32, #tpu.memory_space<vmem>>
    %dma_start3A_28 = arith.constant 0 : i32
    %dma_start3A_29 = arith.constant 0 : i32
    %dma_start3A_30 = tpu.memref_slice %arg2[%dma_start3A_28, %dma_start3A_29] : memref<10000x128xf32, #tpu.memory_space<hbm>> -> memref<10000x128xf32, #tpu.memory_space<hbm>>
    tpu.enqueue_indirect_dma source(%dma_start3A_30 : memref<10000x128xf32, #tpu.memory_space<hbm>>) target(%arg11 : memref<40x128xf32, #tpu.memory_space<vmem>>) offsets(%dma_start3A_27 : memref<40xi32, #tpu.memory_space<vmem>>) semaphore(%arg17 : memref<!tpu.dma_semaphore, #tpu.memory_space<semaphore_mem>>)
    %dma_start3A_31 = arith.constant 2 : i32
    %dma_start3A_32 = arith.constant 0 : i32
    %dma_start3A_33 = tpu.memref_slice %arg6[%dma_start3A_31, %dma_start3A_32] : memref<125x80xi32, #tpu.memory_space<vmem>> -> memref<1x40xi32, #tpu.memory_space<vmem>>
    %dma_start3A_34 = tpu.memref_squeeze %dma_start3A_33 : memref<1x40xi32, #tpu.memory_space<vmem>> -> memref<40xi32, #tpu.memory_space<vmem>>
    %dma_start3A_35 = arith.constant 0 : i32
    %dma_start3A_36 = arith.constant 0 : i32
    %dma_start3A_37 = tpu.memref_slice %arg2[%dma_start3A_35, %dma_start3A_36] : memref<10000x128xf32, #tpu.memory_space<hbm>> -> memref<10000x128xf32, #tpu.memory_space<hbm>>
    tpu.enqueue_indirect_dma source(%dma_start3A_37 : memref<10000x128xf32, #tpu.memory_space<hbm>>) target(%arg12 : memref<40x128xf32, #tpu.memory_space<vmem>>) offsets(%dma_start3A_34 : memref<40xi32, #tpu.memory_space<vmem>>) semaphore(%arg18 : memref<!tpu.dma_semaphore, #tpu.memory_space<semaphore_mem>>)
    %scan3A = arith.constant 0 : i32
    %scan3A_38 = arith.constant 49 : i32
    %scan3A_39 = arith.addi %scan3A, %scan3A_38 : i32
    %scan3A_40 = arith.constant 1 : i32
    scf.for %scan3A_86 = %scan3A to %scan3A_39 step %scan3A_40  : i32 {
      %mul3A_87 = arith.constant 5 : i32
      %mul3A_88 = arith.muli %scan3A_86, %mul3A_87 : i32
      %add3A_89 = arith.constant 0 : i32
      %add3A_90 = arith.addi %add3A_89, %mul3A_88 : i32
      %add3A_91 = arith.constant 0 : i32
      %add3A_92 = arith.addi %add3A_90, %add3A_91 : i32
      %jit3A = arith.constant 2 : i32
      %div3A = arith.divsi %add3A_92, %jit3A : i32
      %sign3A = arith.constant 0 : i32
      %sign3A_93 = arith.cmpi sgt, %add3A_92, %sign3A : i32
      %sign3A_94 = arith.extui %sign3A_93 : i1 to i32
      %sign3A_95 = arith.constant 0 : i32
      %sign3A_96 = arith.cmpi slt, %add3A_92, %sign3A_95 : i32
      %sign3A_97 = arith.extui %sign3A_96 : i1 to i32
      %sign3A_98 = arith.subi %sign3A_94, %sign3A_97 : i32
      %sign3A_99 = arith.constant 0 : i32
      %sign3A_100 = arith.cmpi sgt, %jit3A, %sign3A_99 : i32
      %sign3A_101 = arith.extui %sign3A_100 : i1 to i32
      %sign3A_102 = arith.constant 0 : i32
      %sign3A_103 = arith.cmpi slt, %jit3A, %sign3A_102 : i32
      %sign3A_104 = arith.extui %sign3A_103 : i1 to i32
      %sign3A_105 = arith.subi %sign3A_101, %sign3A_104 : i32
      %ne3A = arith.cmpi ne, %sign3A_98, %sign3A_105 : i32
      %rem3A = arith.remsi %add3A_92, %jit3A : i32
      %ne3A_106 = arith.constant 0 : i32
      %ne3A_107 = arith.cmpi ne, %rem3A, %ne3A_106 : i32
      %and3A = arith.andi %ne3A, %ne3A_107 : i1
      %sub3A = arith.constant 1 : i32
      %sub3A_108 = arith.subi %div3A, %sub3A : i32
      %select_n3A = arith.select %and3A, %sub3A_108, %div3A : i32
      %jit3A_109 = arith.constant 2 : i32
      %eq3A = arith.constant 0 : i32
      %eq3A_110 = arith.cmpi eq, %jit3A_109, %eq3A : i32
      %jit3A_111 = arith.constant 1 : i32
      %select_n3A_112 = arith.select %eq3A_110, %jit3A_111, %jit3A_109 : i32
      %rem3A_113 = arith.remsi %add3A_92, %select_n3A_112 : i32
      %ne3A_114 = arith.constant 0 : i32
      %ne3A_115 = arith.cmpi ne, %rem3A_113, %ne3A_114 : i32
      %lt3A = arith.constant 0 : i32
      %lt3A_116 = arith.cmpi slt, %rem3A_113, %lt3A : i32
      %lt3A_117 = arith.constant 0 : i32
      %lt3A_118 = arith.cmpi slt, %select_n3A_112, %lt3A_117 : i32
      %ne3A_119 = arith.xori %lt3A_116, %lt3A_118 : i1
      %and3A_120 = arith.andi %ne3A_119, %ne3A_115 : i1
      %add3A_121 = arith.addi %rem3A_113, %select_n3A_112 : i32
      %select_n3A_122 = arith.select %and3A_120, %add3A_121, %rem3A_113 : i32
      %mul3A_123 = arith.constant 40 : i32
      %mul3A_124 = arith.muli %select_n3A_122, %mul3A_123 : i32
      %dma_wait3A_125 = tpu.memref_slice %arg6[%select_n3A, %mul3A_124] : memref<125x80xi32, #tpu.memory_space<vmem>> -> memref<1x40xi32, #tpu.memory_space<vmem>>
      %dma_wait3A_126 = tpu.memref_squeeze %dma_wait3A_125 : memref<1x40xi32, #tpu.memory_space<vmem>> -> memref<40xi32, #tpu.memory_space<vmem>>
      %dma_wait3A_127 = arith.constant 0 : i32
      %dma_wait3A_128 = arith.constant 0 : i32
      %dma_wait3A_129 = tpu.memref_slice %arg2[%dma_wait3A_127, %dma_wait3A_128] : memref<10000x128xf32, #tpu.memory_space<hbm>> -> memref<10000x128xf32, #tpu.memory_space<hbm>>
      tpu.wait_indirect_dma semaphore(%arg14 : memref<!tpu.dma_semaphore, #tpu.memory_space<semaphore_mem>>) src(%dma_wait3A_129 : memref<10000x128xf32, #tpu.memory_space<hbm>>) dst(%arg8 : memref<40x128xf32, #tpu.memory_space<vmem>>)
      %add3A_130 = arith.constant 0 : i32
      %add3A_131 = arith.addi %add3A_90, %add3A_130 : i32
      %jit3A_132 = arith.constant 2 : i32
      %div3A_133 = arith.divsi %add3A_131, %jit3A_132 : i32
      %sign3A_134 = arith.constant 0 : i32
      %sign3A_135 = arith.cmpi sgt, %add3A_131, %sign3A_134 : i32
      %sign3A_136 = arith.extui %sign3A_135 : i1 to i32
      %sign3A_137 = arith.constant 0 : i32
      %sign3A_138 = arith.cmpi slt, %add3A_131, %sign3A_137 : i32
      %sign3A_139 = arith.extui %sign3A_138 : i1 to i32
      %sign3A_140 = arith.subi %sign3A_136, %sign3A_139 : i32
      %sign3A_141 = arith.constant 0 : i32
      %sign3A_142 = arith.cmpi sgt, %jit3A_132, %sign3A_141 : i32
      %sign3A_143 = arith.extui %sign3A_142 : i1 to i32
      %sign3A_144 = arith.constant 0 : i32
      %sign3A_145 = arith.cmpi slt, %jit3A_132, %sign3A_144 : i32
      %sign3A_146 = arith.extui %sign3A_145 : i1 to i32
      %sign3A_147 = arith.subi %sign3A_143, %sign3A_146 : i32
      %ne3A_148 = arith.cmpi ne, %sign3A_140, %sign3A_147 : i32
      %rem3A_149 = arith.remsi %add3A_131, %jit3A_132 : i32
      %ne3A_150 = arith.constant 0 : i32
      %ne3A_151 = arith.cmpi ne, %rem3A_149, %ne3A_150 : i32
      %and3A_152 = arith.andi %ne3A_148, %ne3A_151 : i1
      %sub3A_153 = arith.constant 1 : i32
      %sub3A_154 = arith.subi %div3A_133, %sub3A_153 : i32
      %select_n3A_155 = arith.select %and3A_152, %sub3A_154, %div3A_133 : i32
      %jit3A_156 = arith.constant 2 : i32
      %eq3A_157 = arith.constant 0 : i32
      %eq3A_158 = arith.cmpi eq, %jit3A_156, %eq3A_157 : i32
      %jit3A_159 = arith.constant 1 : i32
      %select_n3A_160 = arith.select %eq3A_158, %jit3A_159, %jit3A_156 : i32
      %rem3A_161 = arith.remsi %add3A_131, %select_n3A_160 : i32
      %ne3A_162 = arith.constant 0 : i32
      %ne3A_163 = arith.cmpi ne, %rem3A_161, %ne3A_162 : i32
      %lt3A_164 = arith.constant 0 : i32
      %lt3A_165 = arith.cmpi slt, %rem3A_161, %lt3A_164 : i32
      %lt3A_166 = arith.constant 0 : i32
      %lt3A_167 = arith.cmpi slt, %select_n3A_160, %lt3A_166 : i32
      %ne3A_168 = arith.xori %lt3A_165, %lt3A_167 : i1
      %and3A_169 = arith.andi %ne3A_168, %ne3A_163 : i1
      %add3A_170 = arith.addi %rem3A_161, %select_n3A_160 : i32
      %select_n3A_171 = arith.select %and3A_169, %add3A_170, %rem3A_161 : i32
      %mul3A_172 = arith.constant 40 : i32
      %mul3A_173 = arith.muli %select_n3A_171, %mul3A_172 : i32
      "tpu.region"() ({
        %run_scoped3A_801 = tpu.sem_alloc : memref<!tpu.dma_semaphore, #tpu.memory_space<semaphore_mem>>
        %dma_start3A_802 = tpu.memref_slice %arg7[%select_n3A_155, %mul3A_173] : memref<125x80xi32, #tpu.memory_space<vmem>> -> memref<1x40xi32, #tpu.memory_space<vmem>>
        %dma_start3A_803 = tpu.memref_squeeze %dma_start3A_802 : memref<1x40xi32, #tpu.memory_space<vmem>> -> memref<40xi32, #tpu.memory_space<vmem>>
        %dma_start3A_804 = arith.constant 0 : i32
        %dma_start3A_805 = arith.constant 0 : i32
        %dma_start3A_806 = tpu.memref_slice %arg13[%dma_start3A_804, %dma_start3A_805] : memref<10240x128xf32, #tpu.memory_space<vmem_shared>> -> memref<10240x128xf32, #tpu.memory_space<vmem_shared>>
        tpu.enqueue_indirect_dma source(%arg8 : memref<40x128xf32, #tpu.memory_space<vmem>>) target(%dma_start3A_806 : memref<10240x128xf32, #tpu.memory_space<vmem_shared>>) offsets(%dma_start3A_803 : memref<40xi32, #tpu.memory_space<vmem>>) semaphore(%run_scoped3A_801 : memref<!tpu.dma_semaphore, #tpu.memory_space<semaphore_mem>>) {add = true}
        %dma_wait3A_807 = tpu.memref_slice %arg7[%select_n3A_155, %mul3A_173] : memref<125x80xi32, #tpu.memory_space<vmem>> -> memref<1x40xi32, #tpu.memory_space<vmem>>
        %dma_wait3A_808 = tpu.memref_squeeze %dma_wait3A_807 : memref<1x40xi32, #tpu.memory_space<vmem>> -> memref<40xi32, #tpu.memory_space<vmem>>
        %dma_wait3A_809 = arith.constant 0 : i32
        %dma_wait3A_810 = arith.constant 0 : i32
        %dma_wait3A_811 = tpu.memref_slice %arg13[%dma_wait3A_809, %dma_wait3A_810] : memref<10240x128xf32, #tpu.memory_space<vmem_shared>> -> memref<10240x128xf32, #tpu.memory_space<vmem_shared>>
        tpu.wait_indirect_dma semaphore(%run_scoped3A_801 : memref<!tpu.dma_semaphore, #tpu.memory_space<semaphore_mem>>) src(%arg8 : memref<40x128xf32, #tpu.memory_space<vmem>>) dst(%dma_wait3A_811 : memref<10240x128xf32, #tpu.memory_space<vmem_shared>>)
        tpu.yield
      }) : () -> ()
      %add3A_174 = arith.constant 5 : i32
      %add3A_175 = arith.addi %add3A_90, %add3A_174 : i32
      %add3A_176 = arith.constant 0 : i32
      %add3A_177 = arith.addi %add3A_175, %add3A_176 : i32
      %jit3A_178 = arith.constant 2 : i32
      %div3A_179 = arith.divsi %add3A_177, %jit3A_178 : i32
      %sign3A_180 = arith.constant 0 : i32
      %sign3A_181 = arith.cmpi sgt, %add3A_177, %sign3A_180 : i32
      %sign3A_182 = arith.extui %sign3A_181 : i1 to i32
      %sign3A_183 = arith.constant 0 : i32
      %sign3A_184 = arith.cmpi slt, %add3A_177, %sign3A_183 : i32
      %sign3A_185 = arith.extui %sign3A_184 : i1 to i32
      %sign3A_186 = arith.subi %sign3A_182, %sign3A_185 : i32
      %sign3A_187 = arith.constant 0 : i32
      %sign3A_188 = arith.cmpi sgt, %jit3A_178, %sign3A_187 : i32
      %sign3A_189 = arith.extui %sign3A_188 : i1 to i32
      %sign3A_190 = arith.constant 0 : i32
      %sign3A_191 = arith.cmpi slt, %jit3A_178, %sign3A_190 : i32
      %sign3A_192 = arith.extui %sign3A_191 : i1 to i32
      %sign3A_193 = arith.subi %sign3A_189, %sign3A_192 : i32
      %ne3A_194 = arith.cmpi ne, %sign3A_186, %sign3A_193 : i32
      %rem3A_195 = arith.remsi %add3A_177, %jit3A_178 : i32
      %ne3A_196 = arith.constant 0 : i32
      %ne3A_197 = arith.cmpi ne, %rem3A_195, %ne3A_196 : i32
      %and3A_198 = arith.andi %ne3A_194, %ne3A_197 : i1
      %sub3A_199 = arith.constant 1 : i32
      %sub3A_200 = arith.subi %div3A_179, %sub3A_199 : i32
      %select_n3A_201 = arith.select %and3A_198, %sub3A_200, %div3A_179 : i32
      %jit3A_202 = arith.constant 2 : i32
      %eq3A_203 = arith.constant 0 : i32
      %eq3A_204 = arith.cmpi eq, %jit3A_202, %eq3A_203 : i32
      %jit3A_205 = arith.constant 1 : i32
      %select_n3A_206 = arith.select %eq3A_204, %jit3A_205, %jit3A_202 : i32
      %rem3A_207 = arith.remsi %add3A_177, %select_n3A_206 : i32
      %ne3A_208 = arith.constant 0 : i32
      %ne3A_209 = arith.cmpi ne, %rem3A_207, %ne3A_208 : i32
      %lt3A_210 = arith.constant 0 : i32
      %lt3A_211 = arith.cmpi slt, %rem3A_207, %lt3A_210 : i32
      %lt3A_212 = arith.constant 0 : i32
      %lt3A_213 = arith.cmpi slt, %select_n3A_206, %lt3A_212 : i32
      %ne3A_214 = arith.xori %lt3A_211, %lt3A_213 : i1
      %and3A_215 = arith.andi %ne3A_214, %ne3A_209 : i1
      %add3A_216 = arith.addi %rem3A_207, %select_n3A_206 : i32
      %select_n3A_217 = arith.select %and3A_215, %add3A_216, %rem3A_207 : i32
      %mul3A_218 = arith.constant 40 : i32
      %mul3A_219 = arith.muli %select_n3A_217, %mul3A_218 : i32
      %dma_start3A_220 = tpu.memref_slice %arg6[%select_n3A_201, %mul3A_219] : memref<125x80xi32, #tpu.memory_space<vmem>> -> memref<1x40xi32, #tpu.memory_space<vmem>>
      %dma_start3A_221 = tpu.memref_squeeze %dma_start3A_220 : memref<1x40xi32, #tpu.memory_space<vmem>> -> memref<40xi32, #tpu.memory_space<vmem>>
      %dma_start3A_222 = arith.constant 0 : i32
      %dma_start3A_223 = arith.constant 0 : i32
      %dma_start3A_224 = tpu.memref_slice %arg2[%dma_start3A_222, %dma_start3A_223] : memref<10000x128xf32, #tpu.memory_space<hbm>> -> memref<10000x128xf32, #tpu.memory_space<hbm>>
      tpu.enqueue_indirect_dma source(%dma_start3A_224 : memref<10000x128xf32, #tpu.memory_space<hbm>>) target(%arg8 : memref<40x128xf32, #tpu.memory_space<vmem>>) offsets(%dma_start3A_221 : memref<40xi32, #tpu.memory_space<vmem>>) semaphore(%arg14 : memref<!tpu.dma_semaphore, #tpu.memory_space<semaphore_mem>>)
      %add3A_225 = arith.constant 1 : i32
      %add3A_226 = arith.addi %add3A_90, %add3A_225 : i32
      %jit3A_227 = arith.constant 2 : i32
      %div3A_228 = arith.divsi %add3A_226, %jit3A_227 : i32
      %sign3A_229 = arith.constant 0 : i32
      %sign3A_230 = arith.cmpi sgt, %add3A_226, %sign3A_229 : i32
      %sign3A_231 = arith.extui %sign3A_230 : i1 to i32
      %sign3A_232 = arith.constant 0 : i32
      %sign3A_233 = arith.cmpi slt, %add3A_226, %sign3A_232 : i32
      %sign3A_234 = arith.extui %sign3A_233 : i1 to i32
      %sign3A_235 = arith.subi %sign3A_231, %sign3A_234 : i32
      %sign3A_236 = arith.constant 0 : i32
      %sign3A_237 = arith.cmpi sgt, %jit3A_227, %sign3A_236 : i32
      %sign3A_238 = arith.extui %sign3A_237 : i1 to i32
      %sign3A_239 = arith.constant 0 : i32
      %sign3A_240 = arith.cmpi slt, %jit3A_227, %sign3A_239 : i32
      %sign3A_241 = arith.extui %sign3A_240 : i1 to i32
      %sign3A_242 = arith.subi %sign3A_238, %sign3A_241 : i32
      %ne3A_243 = arith.cmpi ne, %sign3A_235, %sign3A_242 : i32
      %rem3A_244 = arith.remsi %add3A_226, %jit3A_227 : i32
      %ne3A_245 = arith.constant 0 : i32
      %ne3A_246 = arith.cmpi ne, %rem3A_244, %ne3A_245 : i32
      %and3A_247 = arith.andi %ne3A_243, %ne3A_246 : i1
      %sub3A_248 = arith.constant 1 : i32
      %sub3A_249 = arith.subi %div3A_228, %sub3A_248 : i32
      %select_n3A_250 = arith.select %and3A_247, %sub3A_249, %div3A_228 : i32
      %jit3A_251 = arith.constant 2 : i32
      %eq3A_252 = arith.constant 0 : i32
      %eq3A_253 = arith.cmpi eq, %jit3A_251, %eq3A_252 : i32
      %jit3A_254 = arith.constant 1 : i32
      %select_n3A_255 = arith.select %eq3A_253, %jit3A_254, %jit3A_251 : i32
      %rem3A_256 = arith.remsi %add3A_226, %select_n3A_255 : i32
      %ne3A_257 = arith.constant 0 : i32
      %ne3A_258 = arith.cmpi ne, %rem3A_256, %ne3A_257 : i32
      %lt3A_259 = arith.constant 0 : i32
      %lt3A_260 = arith.cmpi slt, %rem3A_256, %lt3A_259 : i32
      %lt3A_261 = arith.constant 0 : i32
      %lt3A_262 = arith.cmpi slt, %select_n3A_255, %lt3A_261 : i32
      %ne3A_263 = arith.xori %lt3A_260, %lt3A_262 : i1
      %and3A_264 = arith.andi %ne3A_263, %ne3A_258 : i1
      %add3A_265 = arith.addi %rem3A_256, %select_n3A_255 : i32
      %select_n3A_266 = arith.select %and3A_264, %add3A_265, %rem3A_256 : i32
      %mul3A_267 = arith.constant 40 : i32
      %mul3A_268 = arith.muli %select_n3A_266, %mul3A_267 : i32
      %dma_wait3A_269 = tpu.memref_slice %arg6[%select_n3A_250, %mul3A_268] : memref<125x80xi32, #tpu.memory_space<vmem>> -> memref<1x40xi32, #tpu.memory_space<vmem>>
      %dma_wait3A_270 = tpu.memref_squeeze %dma_wait3A_269 : memref<1x40xi32, #tpu.memory_space<vmem>> -> memref<40xi32, #tpu.memory_space<vmem>>
      %dma_wait3A_271 = arith.constant 0 : i32
      %dma_wait3A_272 = arith.constant 0 : i32
      %dma_wait3A_273 = tpu.memref_slice %arg2[%dma_wait3A_271, %dma_wait3A_272] : memref<10000x128xf32, #tpu.memory_space<hbm>> -> memref<10000x128xf32, #tpu.memory_space<hbm>>
      tpu.wait_indirect_dma semaphore(%arg15 : memref<!tpu.dma_semaphore, #tpu.memory_space<semaphore_mem>>) src(%dma_wait3A_273 : memref<10000x128xf32, #tpu.memory_space<hbm>>) dst(%arg9 : memref<40x128xf32, #tpu.memory_space<vmem>>)
      %add3A_274 = arith.constant 1 : i32
      %add3A_275 = arith.addi %add3A_90, %add3A_274 : i32
      %jit3A_276 = arith.constant 2 : i32
      %div3A_277 = arith.divsi %add3A_275, %jit3A_276 : i32
      %sign3A_278 = arith.constant 0 : i32
      %sign3A_279 = arith.cmpi sgt, %add3A_275, %sign3A_278 : i32
      %sign3A_280 = arith.extui %sign3A_279 : i1 to i32
      %sign3A_281 = arith.constant 0 : i32
      %sign3A_282 = arith.cmpi slt, %add3A_275, %sign3A_281 : i32
      %sign3A_283 = arith.extui %sign3A_282 : i1 to i32
      %sign3A_284 = arith.subi %sign3A_280, %sign3A_283 : i32
      %sign3A_285 = arith.constant 0 : i32
      %sign3A_286 = arith.cmpi sgt, %jit3A_276, %sign3A_285 : i32
      %sign3A_287 = arith.extui %sign3A_286 : i1 to i32
      %sign3A_288 = arith.constant 0 : i32
      %sign3A_289 = arith.cmpi slt, %jit3A_276, %sign3A_288 : i32
      %sign3A_290 = arith.extui %sign3A_289 : i1 to i32
      %sign3A_291 = arith.subi %sign3A_287, %sign3A_290 : i32
      %ne3A_292 = arith.cmpi ne, %sign3A_284, %sign3A_291 : i32
      %rem3A_293 = arith.remsi %add3A_275, %jit3A_276 : i32
      %ne3A_294 = arith.constant 0 : i32
      %ne3A_295 = arith.cmpi ne, %rem3A_293, %ne3A_294 : i32
      %and3A_296 = arith.andi %ne3A_292, %ne3A_295 : i1
      %sub3A_297 = arith.constant 1 : i32
      %sub3A_298 = arith.subi %div3A_277, %sub3A_297 : i32
      %select_n3A_299 = arith.select %and3A_296, %sub3A_298, %div3A_277 : i32
      %jit3A_300 = arith.constant 2 : i32
      %eq3A_301 = arith.constant 0 : i32
      %eq3A_302 = arith.cmpi eq, %jit3A_300, %eq3A_301 : i32
      %jit3A_303 = arith.constant 1 : i32
      %select_n3A_304 = arith.select %eq3A_302, %jit3A_303, %jit3A_300 : i32
      %rem3A_305 = arith.remsi %add3A_275, %select_n3A_304 : i32
      %ne3A_306 = arith.constant 0 : i32
      %ne3A_307 = arith.cmpi ne, %rem3A_305, %ne3A_306 : i32
      %lt3A_308 = arith.constant 0 : i32
      %lt3A_309 = arith.cmpi slt, %rem3A_305, %lt3A_308 : i32
      %lt3A_310 = arith.constant 0 : i32
      %lt3A_311 = arith.cmpi slt, %select_n3A_304, %lt3A_310 : i32
      %ne3A_312 = arith.xori %lt3A_309, %lt3A_311 : i1
      %and3A_313 = arith.andi %ne3A_312, %ne3A_307 : i1
      %add3A_314 = arith.addi %rem3A_305, %select_n3A_304 : i32
      %select_n3A_315 = arith.select %and3A_313, %add3A_314, %rem3A_305 : i32
      %mul3A_316 = arith.constant 40 : i32
      %mul3A_317 = arith.muli %select_n3A_315, %mul3A_316 : i32
      "tpu.region"() ({
        %run_scoped3A_801 = tpu.sem_alloc : memref<!tpu.dma_semaphore, #tpu.memory_space<semaphore_mem>>
        %dma_start3A_802 = tpu.memref_slice %arg7[%select_n3A_299, %mul3A_317] : memref<125x80xi32, #tpu.memory_space<vmem>> -> memref<1x40xi32, #tpu.memory_space<vmem>>
        %dma_start3A_803 = tpu.memref_squeeze %dma_start3A_802 : memref<1x40xi32, #tpu.memory_space<vmem>> -> memref<40xi32, #tpu.memory_space<vmem>>
        %dma_start3A_804 = arith.constant 0 : i32
        %dma_start3A_805 = arith.constant 0 : i32
        %dma_start3A_806 = tpu.memref_slice %arg13[%dma_start3A_804, %dma_start3A_805] : memref<10240x128xf32, #tpu.memory_space<vmem_shared>> -> memref<10240x128xf32, #tpu.memory_space<vmem_shared>>
        tpu.enqueue_indirect_dma source(%arg9 : memref<40x128xf32, #tpu.memory_space<vmem>>) target(%dma_start3A_806 : memref<10240x128xf32, #tpu.memory_space<vmem_shared>>) offsets(%dma_start3A_803 : memref<40xi32, #tpu.memory_space<vmem>>) semaphore(%run_scoped3A_801 : memref<!tpu.dma_semaphore, #tpu.memory_space<semaphore_mem>>) {add = true}
        %dma_wait3A_807 = tpu.memref_slice %arg7[%select_n3A_299, %mul3A_317] : memref<125x80xi32, #tpu.memory_space<vmem>> -> memref<1x40xi32, #tpu.memory_space<vmem>>
        %dma_wait3A_808 = tpu.memref_squeeze %dma_wait3A_807 : memref<1x40xi32, #tpu.memory_space<vmem>> -> memref<40xi32, #tpu.memory_space<vmem>>
        %dma_wait3A_809 = arith.constant 0 : i32
        %dma_wait3A_810 = arith.constant 0 : i32
        %dma_wait3A_811 = tpu.memref_slice %arg13[%dma_wait3A_809, %dma_wait3A_810] : memref<10240x128xf32, #tpu.memory_space<vmem_shared>> -> memref<10240x128xf32, #tpu.memory_space<vmem_shared>>
        tpu.wait_indirect_dma semaphore(%run_scoped3A_801 : memref<!tpu.dma_semaphore, #tpu.memory_space<semaphore_mem>>) src(%arg9 : memref<40x128xf32, #tpu.memory_space<vmem>>) dst(%dma_wait3A_811 : memref<10240x128xf32, #tpu.memory_space<vmem_shared>>)
        tpu.yield
      }) : () -> ()
      %add3A_318 = arith.constant 5 : i32
      %add3A_319 = arith.addi %add3A_90, %add3A_318 : i32
      %add3A_320 = arith.constant 1 : i32
      %add3A_321 = arith.addi %add3A_319, %add3A_320 : i32
      %jit3A_322 = arith.constant 2 : i32
      %div3A_323 = arith.divsi %add3A_321, %jit3A_322 : i32
      %sign3A_324 = arith.constant 0 : i32
      %sign3A_325 = arith.cmpi sgt, %add3A_321, %sign3A_324 : i32
      %sign3A_326 = arith.extui %sign3A_325 : i1 to i32
      %sign3A_327 = arith.constant 0 : i32
      %sign3A_328 = arith.cmpi slt, %add3A_321, %sign3A_327 : i32
      %sign3A_329 = arith.extui %sign3A_328 : i1 to i32
      %sign3A_330 = arith.subi %sign3A_326, %sign3A_329 : i32
      %sign3A_331 = arith.constant 0 : i32
      %sign3A_332 = arith.cmpi sgt, %jit3A_322, %sign3A_331 : i32
      %sign3A_333 = arith.extui %sign3A_332 : i1 to i32
      %sign3A_334 = arith.constant 0 : i32
      %sign3A_335 = arith.cmpi slt, %jit3A_322, %sign3A_334 : i32
      %sign3A_336 = arith.extui %sign3A_335 : i1 to i32
      %sign3A_337 = arith.subi %sign3A_333, %sign3A_336 : i32
      %ne3A_338 = arith.cmpi ne, %sign3A_330, %sign3A_337 : i32
      %rem3A_339 = arith.remsi %add3A_321, %jit3A_322 : i32
      %ne3A_340 = arith.constant 0 : i32
      %ne3A_341 = arith.cmpi ne, %rem3A_339, %ne3A_340 : i32
      %and3A_342 = arith.andi %ne3A_338, %ne3A_341 : i1
      %sub3A_343 = arith.constant 1 : i32
      %sub3A_344 = arith.subi %div3A_323, %sub3A_343 : i32
      %select_n3A_345 = arith.select %and3A_342, %sub3A_344, %div3A_323 : i32
      %jit3A_346 = arith.constant 2 : i32
      %eq3A_347 = arith.constant 0 : i32
      %eq3A_348 = arith.cmpi eq, %jit3A_346, %eq3A_347 : i32
      %jit3A_349 = arith.constant 1 : i32
      %select_n3A_350 = arith.select %eq3A_348, %jit3A_349, %jit3A_346 : i32
      %rem3A_351 = arith.remsi %add3A_321, %select_n3A_350 : i32
      %ne3A_352 = arith.constant 0 : i32
      %ne3A_353 = arith.cmpi ne, %rem3A_351, %ne3A_352 : i32
      %lt3A_354 = arith.constant 0 : i32
      %lt3A_355 = arith.cmpi slt, %rem3A_351, %lt3A_354 : i32
      %lt3A_356 = arith.constant 0 : i32
      %lt3A_357 = arith.cmpi slt, %select_n3A_350, %lt3A_356 : i32
      %ne3A_358 = arith.xori %lt3A_355, %lt3A_357 : i1
      %and3A_359 = arith.andi %ne3A_358, %ne3A_353 : i1
      %add3A_360 = arith.addi %rem3A_351, %select_n3A_350 : i32
      %select_n3A_361 = arith.select %and3A_359, %add3A_360, %rem3A_351 : i32
      %mul3A_362 = arith.constant 40 : i32
      %mul3A_363 = arith.muli %select_n3A_361, %mul3A_362 : i32
      %dma_start3A_364 = tpu.memref_slice %arg6[%select_n3A_345, %mul3A_363] : memref<125x80xi32, #tpu.memory_space<vmem>> -> memref<1x40xi32, #tpu.memory_space<vmem>>
      %dma_start3A_365 = tpu.memref_squeeze %dma_start3A_364 : memref<1x40xi32, #tpu.memory_space<vmem>> -> memref<40xi32, #tpu.memory_space<vmem>>
      %dma_start3A_366 = arith.constant 0 : i32
      %dma_start3A_367 = arith.constant 0 : i32
      %dma_start3A_368 = tpu.memref_slice %arg2[%dma_start3A_366, %dma_start3A_367] : memref<10000x128xf32, #tpu.memory_space<hbm>> -> memref<10000x128xf32, #tpu.memory_space<hbm>>
      tpu.enqueue_indirect_dma source(%dma_start3A_368 : memref<10000x128xf32, #tpu.memory_space<hbm>>) target(%arg9 : memref<40x128xf32, #tpu.memory_space<vmem>>) offsets(%dma_start3A_365 : memref<40xi32, #tpu.memory_space<vmem>>) semaphore(%arg15 : memref<!tpu.dma_semaphore, #tpu.memory_space<semaphore_mem>>)
      %add3A_369 = arith.constant 2 : i32
      %add3A_370 = arith.addi %add3A_90, %add3A_369 : i32
      %jit3A_371 = arith.constant 2 : i32
      %div3A_372 = arith.divsi %add3A_370, %jit3A_371 : i32
      %sign3A_373 = arith.constant 0 : i32
      %sign3A_374 = arith.cmpi sgt, %add3A_370, %sign3A_373 : i32
      %sign3A_375 = arith.extui %sign3A_374 : i1 to i32
      %sign3A_376 = arith.constant 0 : i32
      %sign3A_377 = arith.cmpi slt, %add3A_370, %sign3A_376 : i32
      %sign3A_378 = arith.extui %sign3A_377 : i1 to i32
      %sign3A_379 = arith.subi %sign3A_375, %sign3A_378 : i32
      %sign3A_380 = arith.constant 0 : i32
      %sign3A_381 = arith.cmpi sgt, %jit3A_371, %sign3A_380 : i32
      %sign3A_382 = arith.extui %sign3A_381 : i1 to i32
      %sign3A_383 = arith.constant 0 : i32
      %sign3A_384 = arith.cmpi slt, %jit3A_371, %sign3A_383 : i32
      %sign3A_385 = arith.extui %sign3A_384 : i1 to i32
      %sign3A_386 = arith.subi %sign3A_382, %sign3A_385 : i32
      %ne3A_387 = arith.cmpi ne, %sign3A_379, %sign3A_386 : i32
      %rem3A_388 = arith.remsi %add3A_370, %jit3A_371 : i32
      %ne3A_389 = arith.constant 0 : i32
      %ne3A_390 = arith.cmpi ne, %rem3A_388, %ne3A_389 : i32
      %and3A_391 = arith.andi %ne3A_387, %ne3A_390 : i1
      %sub3A_392 = arith.constant 1 : i32
      %sub3A_393 = arith.subi %div3A_372, %sub3A_392 : i32
      %select_n3A_394 = arith.select %and3A_391, %sub3A_393, %div3A_372 : i32
      %jit3A_395 = arith.constant 2 : i32
      %eq3A_396 = arith.constant 0 : i32
      %eq3A_397 = arith.cmpi eq, %jit3A_395, %eq3A_396 : i32
      %jit3A_398 = arith.constant 1 : i32
      %select_n3A_399 = arith.select %eq3A_397, %jit3A_398, %jit3A_395 : i32
      %rem3A_400 = arith.remsi %add3A_370, %select_n3A_399 : i32
      %ne3A_401 = arith.constant 0 : i32
      %ne3A_402 = arith.cmpi ne, %rem3A_400, %ne3A_401 : i32
      %lt3A_403 = arith.constant 0 : i32
      %lt3A_404 = arith.cmpi slt, %rem3A_400, %lt3A_403 : i32
      %lt3A_405 = arith.constant 0 : i32
      %lt3A_406 = arith.cmpi slt, %select_n3A_399, %lt3A_405 : i32
      %ne3A_407 = arith.xori %lt3A_404, %lt3A_406 : i1
      %and3A_408 = arith.andi %ne3A_407, %ne3A_402 : i1
      %add3A_409 = arith.addi %rem3A_400, %select_n3A_399 : i32
      %select_n3A_410 = arith.select %and3A_408, %add3A_409, %rem3A_400 : i32
      %mul3A_411 = arith.constant 40 : i32
      %mul3A_412 = arith.muli %select_n3A_410, %mul3A_411 : i32
      %dma_wait3A_413 = tpu.memref_slice %arg6[%select_n3A_394, %mul3A_412] : memref<125x80xi32, #tpu.memory_space<vmem>> -> memref<1x40xi32, #tpu.memory_space<vmem>>
      %dma_wait3A_414 = tpu.memref_squeeze %dma_wait3A_413 : memref<1x40xi32, #tpu.memory_space<vmem>> -> memref<40xi32, #tpu.memory_space<vmem>>
      %dma_wait3A_415 = arith.constant 0 : i32
      %dma_wait3A_416 = arith.constant 0 : i32
      %dma_wait3A_417 = tpu.memref_slice %arg2[%dma_wait3A_415, %dma_wait3A_416] : memref<10000x128xf32, #tpu.memory_space<hbm>> -> memref<10000x128xf32, #tpu.memory_space<hbm>>
      tpu.wait_indirect_dma semaphore(%arg16 : memref<!tpu.dma_semaphore, #tpu.memory_space<semaphore_mem>>) src(%dma_wait3A_417 : memref<10000x128xf32, #tpu.memory_space<hbm>>) dst(%arg10 : memref<40x128xf32, #tpu.memory_space<vmem>>)
      %add3A_418 = arith.constant 2 : i32
      %add3A_419 = arith.addi %add3A_90, %add3A_418 : i32
      %jit3A_420 = arith.constant 2 : i32
      %div3A_421 = arith.divsi %add3A_419, %jit3A_420 : i32
      %sign3A_422 = arith.constant 0 : i32
      %sign3A_423 = arith.cmpi sgt, %add3A_419, %sign3A_422 : i32
      %sign3A_424 = arith.extui %sign3A_423 : i1 to i32
      %sign3A_425 = arith.constant 0 : i32
      %sign3A_426 = arith.cmpi slt, %add3A_419, %sign3A_425 : i32
      %sign3A_427 = arith.extui %sign3A_426 : i1 to i32
      %sign3A_428 = arith.subi %sign3A_424, %sign3A_427 : i32
      %sign3A_429 = arith.constant 0 : i32
      %sign3A_430 = arith.cmpi sgt, %jit3A_420, %sign3A_429 : i32
      %sign3A_431 = arith.extui %sign3A_430 : i1 to i32
      %sign3A_432 = arith.constant 0 : i32
      %sign3A_433 = arith.cmpi slt, %jit3A_420, %sign3A_432 : i32
      %sign3A_434 = arith.extui %sign3A_433 : i1 to i32
      %sign3A_435 = arith.subi %sign3A_431, %sign3A_434 : i32
      %ne3A_436 = arith.cmpi ne, %sign3A_428, %sign3A_435 : i32
      %rem3A_437 = arith.remsi %add3A_419, %jit3A_420 : i32
      %ne3A_438 = arith.constant 0 : i32
      %ne3A_439 = arith.cmpi ne, %rem3A_437, %ne3A_438 : i32
      %and3A_440 = arith.andi %ne3A_436, %ne3A_439 : i1
      %sub3A_441 = arith.constant 1 : i32
      %sub3A_442 = arith.subi %div3A_421, %sub3A_441 : i32
      %select_n3A_443 = arith.select %and3A_440, %sub3A_442, %div3A_421 : i32
      %jit3A_444 = arith.constant 2 : i32
      %eq3A_445 = arith.constant 0 : i32
      %eq3A_446 = arith.cmpi eq, %jit3A_444, %eq3A_445 : i32
      %jit3A_447 = arith.constant 1 : i32
      %select_n3A_448 = arith.select %eq3A_446, %jit3A_447, %jit3A_444 : i32
      %rem3A_449 = arith.remsi %add3A_419, %select_n3A_448 : i32
      %ne3A_450 = arith.constant 0 : i32
      %ne3A_451 = arith.cmpi ne, %rem3A_449, %ne3A_450 : i32
      %lt3A_452 = arith.constant 0 : i32
      %lt3A_453 = arith.cmpi slt, %rem3A_449, %lt3A_452 : i32
      %lt3A_454 = arith.constant 0 : i32
      %lt3A_455 = arith.cmpi slt, %select_n3A_448, %lt3A_454 : i32
      %ne3A_456 = arith.xori %lt3A_453, %lt3A_455 : i1
      %and3A_457 = arith.andi %ne3A_456, %ne3A_451 : i1
      %add3A_458 = arith.addi %rem3A_449, %select_n3A_448 : i32
      %select_n3A_459 = arith.select %and3A_457, %add3A_458, %rem3A_449 : i32
      %mul3A_460 = arith.constant 40 : i32
      %mul3A_461 = arith.muli %select_n3A_459, %mul3A_460 : i32
      "tpu.region"() ({
        %run_scoped3A_801 = tpu.sem_alloc : memref<!tpu.dma_semaphore, #tpu.memory_space<semaphore_mem>>
        %dma_start3A_802 = tpu.memref_slice %arg7[%select_n3A_443, %mul3A_461] : memref<125x80xi32, #tpu.memory_space<vmem>> -> memref<1x40xi32, #tpu.memory_space<vmem>>
        %dma_start3A_803 = tpu.memref_squeeze %dma_start3A_802 : memref<1x40xi32, #tpu.memory_space<vmem>> -> memref<40xi32, #tpu.memory_space<vmem>>
        %dma_start3A_804 = arith.constant 0 : i32
        %dma_start3A_805 = arith.constant 0 : i32
        %dma_start3A_806 = tpu.memref_slice %arg13[%dma_start3A_804, %dma_start3A_805] : memref<10240x128xf32, #tpu.memory_space<vmem_shared>> -> memref<10240x128xf32, #tpu.memory_space<vmem_shared>>
        tpu.enqueue_indirect_dma source(%arg10 : memref<40x128xf32, #tpu.memory_space<vmem>>) target(%dma_start3A_806 : memref<10240x128xf32, #tpu.memory_space<vmem_shared>>) offsets(%dma_start3A_803 : memref<40xi32, #tpu.memory_space<vmem>>) semaphore(%run_scoped3A_801 : memref<!tpu.dma_semaphore, #tpu.memory_space<semaphore_mem>>) {add = true}
        %dma_wait3A_807 = tpu.memref_slice %arg7[%select_n3A_443, %mul3A_461] : memref<125x80xi32, #tpu.memory_space<vmem>> -> memref<1x40xi32, #tpu.memory_space<vmem>>
        %dma_wait3A_808 = tpu.memref_squeeze %dma_wait3A_807 : memref<1x40xi32, #tpu.memory_space<vmem>> -> memref<40xi32, #tpu.memory_space<vmem>>
        %dma_wait3A_809 = arith.constant 0 : i32
        %dma_wait3A_810 = arith.constant 0 : i32
        %dma_wait3A_811 = tpu.memref_slice %arg13[%dma_wait3A_809, %dma_wait3A_810] : memref<10240x128xf32, #tpu.memory_space<vmem_shared>> -> memref<10240x128xf32, #tpu.memory_space<vmem_shared>>
        tpu.wait_indirect_dma semaphore(%run_scoped3A_801 : memref<!tpu.dma_semaphore, #tpu.memory_space<semaphore_mem>>) src(%arg10 : memref<40x128xf32, #tpu.memory_space<vmem>>) dst(%dma_wait3A_811 : memref<10240x128xf32, #tpu.memory_space<vmem_shared>>)
        tpu.yield
      }) : () -> ()
      %add3A_462 = arith.constant 5 : i32
      %add3A_463 = arith.addi %add3A_90, %add3A_462 : i32
      %add3A_464 = arith.constant 2 : i32
      %add3A_465 = arith.addi %add3A_463, %add3A_464 : i32
      %jit3A_466 = arith.constant 2 : i32
      %div3A_467 = arith.divsi %add3A_465, %jit3A_466 : i32
      %sign3A_468 = arith.constant 0 : i32
      %sign3A_469 = arith.cmpi sgt, %add3A_465, %sign3A_468 : i32
      %sign3A_470 = arith.extui %sign3A_469 : i1 to i32
      %sign3A_471 = arith.constant 0 : i32
      %sign3A_472 = arith.cmpi slt, %add3A_465, %sign3A_471 : i32
      %sign3A_473 = arith.extui %sign3A_472 : i1 to i32
      %sign3A_474 = arith.subi %sign3A_470, %sign3A_473 : i32
      %sign3A_475 = arith.constant 0 : i32
      %sign3A_476 = arith.cmpi sgt, %jit3A_466, %sign3A_475 : i32
      %sign3A_477 = arith.extui %sign3A_476 : i1 to i32
      %sign3A_478 = arith.constant 0 : i32
      %sign3A_479 = arith.cmpi slt, %jit3A_466, %sign3A_478 : i32
      %sign3A_480 = arith.extui %sign3A_479 : i1 to i32
      %sign3A_481 = arith.subi %sign3A_477, %sign3A_480 : i32
      %ne3A_482 = arith.cmpi ne, %sign3A_474, %sign3A_481 : i32
      %rem3A_483 = arith.remsi %add3A_465, %jit3A_466 : i32
      %ne3A_484 = arith.constant 0 : i32
      %ne3A_485 = arith.cmpi ne, %rem3A_483, %ne3A_484 : i32
      %and3A_486 = arith.andi %ne3A_482, %ne3A_485 : i1
      %sub3A_487 = arith.constant 1 : i32
      %sub3A_488 = arith.subi %div3A_467, %sub3A_487 : i32
      %select_n3A_489 = arith.select %and3A_486, %sub3A_488, %div3A_467 : i32
      %jit3A_490 = arith.constant 2 : i32
      %eq3A_491 = arith.constant 0 : i32
      %eq3A_492 = arith.cmpi eq, %jit3A_490, %eq3A_491 : i32
      %jit3A_493 = arith.constant 1 : i32
      %select_n3A_494 = arith.select %eq3A_492, %jit3A_493, %jit3A_490 : i32
      %rem3A_495 = arith.remsi %add3A_465, %select_n3A_494 : i32
      %ne3A_496 = arith.constant 0 : i32
      %ne3A_497 = arith.cmpi ne, %rem3A_495, %ne3A_496 : i32
      %lt3A_498 = arith.constant 0 : i32
      %lt3A_499 = arith.cmpi slt, %rem3A_495, %lt3A_498 : i32
      %lt3A_500 = arith.constant 0 : i32
      %lt3A_501 = arith.cmpi slt, %select_n3A_494, %lt3A_500 : i32
      %ne3A_502 = arith.xori %lt3A_499, %lt3A_501 : i1
      %and3A_503 = arith.andi %ne3A_502, %ne3A_497 : i1
      %add3A_504 = arith.addi %rem3A_495, %select_n3A_494 : i32
      %select_n3A_505 = arith.select %and3A_503, %add3A_504, %rem3A_495 : i32
      %mul3A_506 = arith.constant 40 : i32
      %mul3A_507 = arith.muli %select_n3A_505, %mul3A_506 : i32
      %dma_start3A_508 = tpu.memref_slice %arg6[%select_n3A_489, %mul3A_507] : memref<125x80xi32, #tpu.memory_space<vmem>> -> memref<1x40xi32, #tpu.memory_space<vmem>>
      %dma_start3A_509 = tpu.memref_squeeze %dma_start3A_508 : memref<1x40xi32, #tpu.memory_space<vmem>> -> memref<40xi32, #tpu.memory_space<vmem>>
      %dma_start3A_510 = arith.constant 0 : i32
      %dma_start3A_511 = arith.constant 0 : i32
      %dma_start3A_512 = tpu.memref_slice %arg2[%dma_start3A_510, %dma_start3A_511] : memref<10000x128xf32, #tpu.memory_space<hbm>> -> memref<10000x128xf32, #tpu.memory_space<hbm>>
      tpu.enqueue_indirect_dma source(%dma_start3A_512 : memref<10000x128xf32, #tpu.memory_space<hbm>>) target(%arg10 : memref<40x128xf32, #tpu.memory_space<vmem>>) offsets(%dma_start3A_509 : memref<40xi32, #tpu.memory_space<vmem>>) semaphore(%arg16 : memref<!tpu.dma_semaphore, #tpu.memory_space<semaphore_mem>>)
      %add3A_513 = arith.constant 3 : i32
      %add3A_514 = arith.addi %add3A_90, %add3A_513 : i32
      %jit3A_515 = arith.constant 2 : i32
      %div3A_516 = arith.divsi %add3A_514, %jit3A_515 : i32
      %sign3A_517 = arith.constant 0 : i32
      %sign3A_518 = arith.cmpi sgt, %add3A_514, %sign3A_517 : i32
      %sign3A_519 = arith.extui %sign3A_518 : i1 to i32
      %sign3A_520 = arith.constant 0 : i32
      %sign3A_521 = arith.cmpi slt, %add3A_514, %sign3A_520 : i32
      %sign3A_522 = arith.extui %sign3A_521 : i1 to i32
      %sign3A_523 = arith.subi %sign3A_519, %sign3A_522 : i32
      %sign3A_524 = arith.constant 0 : i32
      %sign3A_525 = arith.cmpi sgt, %jit3A_515, %sign3A_524 : i32
      %sign3A_526 = arith.extui %sign3A_525 : i1 to i32
      %sign3A_527 = arith.constant 0 : i32
      %sign3A_528 = arith.cmpi slt, %jit3A_515, %sign3A_527 : i32
      %sign3A_529 = arith.extui %sign3A_528 : i1 to i32
      %sign3A_530 = arith.subi %sign3A_526, %sign3A_529 : i32
      %ne3A_531 = arith.cmpi ne, %sign3A_523, %sign3A_530 : i32
      %rem3A_532 = arith.remsi %add3A_514, %jit3A_515 : i32
      %ne3A_533 = arith.constant 0 : i32
      %ne3A_534 = arith.cmpi ne, %rem3A_532, %ne3A_533 : i32
      %and3A_535 = arith.andi %ne3A_531, %ne3A_534 : i1
      %sub3A_536 = arith.constant 1 : i32
      %sub3A_537 = arith.subi %div3A_516, %sub3A_536 : i32
      %select_n3A_538 = arith.select %and3A_535, %sub3A_537, %div3A_516 : i32
      %jit3A_539 = arith.constant 2 : i32
      %eq3A_540 = arith.constant 0 : i32
      %eq3A_541 = arith.cmpi eq, %jit3A_539, %eq3A_540 : i32
      %jit3A_542 = arith.constant 1 : i32
      %select_n3A_543 = arith.select %eq3A_541, %jit3A_542, %jit3A_539 : i32
      %rem3A_544 = arith.remsi %add3A_514, %select_n3A_543 : i32
      %ne3A_545 = arith.constant 0 : i32
      %ne3A_546 = arith.cmpi ne, %rem3A_544, %ne3A_545 : i32
      %lt3A_547 = arith.constant 0 : i32
      %lt3A_548 = arith.cmpi slt, %rem3A_544, %lt3A_547 : i32
      %lt3A_549 = arith.constant 0 : i32
      %lt3A_550 = arith.cmpi slt, %select_n3A_543, %lt3A_549 : i32
      %ne3A_551 = arith.xori %lt3A_548, %lt3A_550 : i1
      %and3A_552 = arith.andi %ne3A_551, %ne3A_546 : i1
      %add3A_553 = arith.addi %rem3A_544, %select_n3A_543 : i32
      %select_n3A_554 = arith.select %and3A_552, %add3A_553, %rem3A_544 : i32
      %mul3A_555 = arith.constant 40 : i32
      %mul3A_556 = arith.muli %select_n3A_554, %mul3A_555 : i32
      %dma_wait3A_557 = tpu.memref_slice %arg6[%select_n3A_538, %mul3A_556] : memref<125x80xi32, #tpu.memory_space<vmem>> -> memref<1x40xi32, #tpu.memory_space<vmem>>
      %dma_wait3A_558 = tpu.memref_squeeze %dma_wait3A_557 : memref<1x40xi32, #tpu.memory_space<vmem>> -> memref<40xi32, #tpu.memory_space<vmem>>
      %dma_wait3A_559 = arith.constant 0 : i32
      %dma_wait3A_560 = arith.constant 0 : i32
      %dma_wait3A_561 = tpu.memref_slice %arg2[%dma_wait3A_559, %dma_wait3A_560] : memref<10000x128xf32, #tpu.memory_space<hbm>> -> memref<10000x128xf32, #tpu.memory_space<hbm>>
      tpu.wait_indirect_dma semaphore(%arg17 : memref<!tpu.dma_semaphore, #tpu.memory_space<semaphore_mem>>) src(%dma_wait3A_561 : memref<10000x128xf32, #tpu.memory_space<hbm>>) dst(%arg11 : memref<40x128xf32, #tpu.memory_space<vmem>>)
      %add3A_562 = arith.constant 3 : i32
      %add3A_563 = arith.addi %add3A_90, %add3A_562 : i32
      %jit3A_564 = arith.constant 2 : i32
      %div3A_565 = arith.divsi %add3A_563, %jit3A_564 : i32
      %sign3A_566 = arith.constant 0 : i32
      %sign3A_567 = arith.cmpi sgt, %add3A_563, %sign3A_566 : i32
      %sign3A_568 = arith.extui %sign3A_567 : i1 to i32
      %sign3A_569 = arith.constant 0 : i32
      %sign3A_570 = arith.cmpi slt, %add3A_563, %sign3A_569 : i32
      %sign3A_571 = arith.extui %sign3A_570 : i1 to i32
      %sign3A_572 = arith.subi %sign3A_568, %sign3A_571 : i32
      %sign3A_573 = arith.constant 0 : i32
      %sign3A_574 = arith.cmpi sgt, %jit3A_564, %sign3A_573 : i32
      %sign3A_575 = arith.extui %sign3A_574 : i1 to i32
      %sign3A_576 = arith.constant 0 : i32
      %sign3A_577 = arith.cmpi slt, %jit3A_564, %sign3A_576 : i32
      %sign3A_578 = arith.extui %sign3A_577 : i1 to i32
      %sign3A_579 = arith.subi %sign3A_575, %sign3A_578 : i32
      %ne3A_580 = arith.cmpi ne, %sign3A_572, %sign3A_579 : i32
      %rem3A_581 = arith.remsi %add3A_563, %jit3A_564 : i32
      %ne3A_582 = arith.constant 0 : i32
      %ne3A_583 = arith.cmpi ne, %rem3A_581, %ne3A_582 : i32
      %and3A_584 = arith.andi %ne3A_580, %ne3A_583 : i1
      %sub3A_585 = arith.constant 1 : i32
      %sub3A_586 = arith.subi %div3A_565, %sub3A_585 : i32
      %select_n3A_587 = arith.select %and3A_584, %sub3A_586, %div3A_565 : i32
      %jit3A_588 = arith.constant 2 : i32
      %eq3A_589 = arith.constant 0 : i32
      %eq3A_590 = arith.cmpi eq, %jit3A_588, %eq3A_589 : i32
      %jit3A_591 = arith.constant 1 : i32
      %select_n3A_592 = arith.select %eq3A_590, %jit3A_591, %jit3A_588 : i32
      %rem3A_593 = arith.remsi %add3A_563, %select_n3A_592 : i32
      %ne3A_594 = arith.constant 0 : i32
      %ne3A_595 = arith.cmpi ne, %rem3A_593, %ne3A_594 : i32
      %lt3A_596 = arith.constant 0 : i32
      %lt3A_597 = arith.cmpi slt, %rem3A_593, %lt3A_596 : i32
      %lt3A_598 = arith.constant 0 : i32
      %lt3A_599 = arith.cmpi slt, %select_n3A_592, %lt3A_598 : i32
      %ne3A_600 = arith.xori %lt3A_597, %lt3A_599 : i1
      %and3A_601 = arith.andi %ne3A_600, %ne3A_595 : i1
      %add3A_602 = arith.addi %rem3A_593, %select_n3A_592 : i32
      %select_n3A_603 = arith.select %and3A_601, %add3A_602, %rem3A_593 : i32
      %mul3A_604 = arith.constant 40 : i32
      %mul3A_605 = arith.muli %select_n3A_603, %mul3A_604 : i32
      "tpu.region"() ({
        %run_scoped3A_801 = tpu.sem_alloc : memref<!tpu.dma_semaphore, #tpu.memory_space<semaphore_mem>>
        %dma_start3A_802 = tpu.memref_slice %arg7[%select_n3A_587, %mul3A_605] : memref<125x80xi32, #tpu.memory_space<vmem>> -> memref<1x40xi32, #tpu.memory_space<vmem>>
        %dma_start3A_803 = tpu.memref_squeeze %dma_start3A_802 : memref<1x40xi32, #tpu.memory_space<vmem>> -> memref<40xi32, #tpu.memory_space<vmem>>
        %dma_start3A_804 = arith.constant 0 : i32
        %dma_start3A_805 = arith.constant 0 : i32
        %dma_start3A_806 = tpu.memref_slice %arg13[%dma_start3A_804, %dma_start3A_805] : memref<10240x128xf32, #tpu.memory_space<vmem_shared>> -> memref<10240x128xf32, #tpu.memory_space<vmem_shared>>
        tpu.enqueue_indirect_dma source(%arg11 : memref<40x128xf32, #tpu.memory_space<vmem>>) target(%dma_start3A_806 : memref<10240x128xf32, #tpu.memory_space<vmem_shared>>) offsets(%dma_start3A_803 : memref<40xi32, #tpu.memory_space<vmem>>) semaphore(%run_scoped3A_801 : memref<!tpu.dma_semaphore, #tpu.memory_space<semaphore_mem>>) {add = true}
        %dma_wait3A_807 = tpu.memref_slice %arg7[%select_n3A_587, %mul3A_605] : memref<125x80xi32, #tpu.memory_space<vmem>> -> memref<1x40xi32, #tpu.memory_space<vmem>>
        %dma_wait3A_808 = tpu.memref_squeeze %dma_wait3A_807 : memref<1x40xi32, #tpu.memory_space<vmem>> -> memref<40xi32, #tpu.memory_space<vmem>>
        %dma_wait3A_809 = arith.constant 0 : i32
        %dma_wait3A_810 = arith.constant 0 : i32
        %dma_wait3A_811 = tpu.memref_slice %arg13[%dma_wait3A_809, %dma_wait3A_810] : memref<10240x128xf32, #tpu.memory_space<vmem_shared>> -> memref<10240x128xf32, #tpu.memory_space<vmem_shared>>
        tpu.wait_indirect_dma semaphore(%run_scoped3A_801 : memref<!tpu.dma_semaphore, #tpu.memory_space<semaphore_mem>>) src(%arg11 : memref<40x128xf32, #tpu.memory_space<vmem>>) dst(%dma_wait3A_811 : memref<10240x128xf32, #tpu.memory_space<vmem_shared>>)
        tpu.yield
      }) : () -> ()
      %add3A_606 = arith.constant 5 : i32
      %add3A_607 = arith.addi %add3A_90, %add3A_606 : i32
      %add3A_608 = arith.constant 3 : i32
      %add3A_609 = arith.addi %add3A_607, %add3A_608 : i32
      %jit3A_610 = arith.constant 2 : i32
      %div3A_611 = arith.divsi %add3A_609, %jit3A_610 : i32
      %sign3A_612 = arith.constant 0 : i32
      %sign3A_613 = arith.cmpi sgt, %add3A_609, %sign3A_612 : i32
      %sign3A_614 = arith.extui %sign3A_613 : i1 to i32
      %sign3A_615 = arith.constant 0 : i32
      %sign3A_616 = arith.cmpi slt, %add3A_609, %sign3A_615 : i32
      %sign3A_617 = arith.extui %sign3A_616 : i1 to i32
      %sign3A_618 = arith.subi %sign3A_614, %sign3A_617 : i32
      %sign3A_619 = arith.constant 0 : i32
      %sign3A_620 = arith.cmpi sgt, %jit3A_610, %sign3A_619 : i32
      %sign3A_621 = arith.extui %sign3A_620 : i1 to i32
      %sign3A_622 = arith.constant 0 : i32
      %sign3A_623 = arith.cmpi slt, %jit3A_610, %sign3A_622 : i32
      %sign3A_624 = arith.extui %sign3A_623 : i1 to i32
      %sign3A_625 = arith.subi %sign3A_621, %sign3A_624 : i32
      %ne3A_626 = arith.cmpi ne, %sign3A_618, %sign3A_625 : i32
      %rem3A_627 = arith.remsi %add3A_609, %jit3A_610 : i32
      %ne3A_628 = arith.constant 0 : i32
      %ne3A_629 = arith.cmpi ne, %rem3A_627, %ne3A_628 : i32
      %and3A_630 = arith.andi %ne3A_626, %ne3A_629 : i1
      %sub3A_631 = arith.constant 1 : i32
      %sub3A_632 = arith.subi %div3A_611, %sub3A_631 : i32
      %select_n3A_633 = arith.select %and3A_630, %sub3A_632, %div3A_611 : i32
      %jit3A_634 = arith.constant 2 : i32
      %eq3A_635 = arith.constant 0 : i32
      %eq3A_636 = arith.cmpi eq, %jit3A_634, %eq3A_635 : i32
      %jit3A_637 = arith.constant 1 : i32
      %select_n3A_638 = arith.select %eq3A_636, %jit3A_637, %jit3A_634 : i32
      %rem3A_639 = arith.remsi %add3A_609, %select_n3A_638 : i32
      %ne3A_640 = arith.constant 0 : i32
      %ne3A_641 = arith.cmpi ne, %rem3A_639, %ne3A_640 : i32
      %lt3A_642 = arith.constant 0 : i32
      %lt3A_643 = arith.cmpi slt, %rem3A_639, %lt3A_642 : i32
      %lt3A_644 = arith.constant 0 : i32
      %lt3A_645 = arith.cmpi slt, %select_n3A_638, %lt3A_644 : i32
      %ne3A_646 = arith.xori %lt3A_643, %lt3A_645 : i1
      %and3A_647 = arith.andi %ne3A_646, %ne3A_641 : i1
      %add3A_648 = arith.addi %rem3A_639, %select_n3A_638 : i32
      %select_n3A_649 = arith.select %and3A_647, %add3A_648, %rem3A_639 : i32
      %mul3A_650 = arith.constant 40 : i32
      %mul3A_651 = arith.muli %select_n3A_649, %mul3A_650 : i32
      %dma_start3A_652 = tpu.memref_slice %arg6[%select_n3A_633, %mul3A_651] : memref<125x80xi32, #tpu.memory_space<vmem>> -> memref<1x40xi32, #tpu.memory_space<vmem>>
      %dma_start3A_653 = tpu.memref_squeeze %dma_start3A_652 : memref<1x40xi32, #tpu.memory_space<vmem>> -> memref<40xi32, #tpu.memory_space<vmem>>
      %dma_start3A_654 = arith.constant 0 : i32
      %dma_start3A_655 = arith.constant 0 : i32
      %dma_start3A_656 = tpu.memref_slice %arg2[%dma_start3A_654, %dma_start3A_655] : memref<10000x128xf32, #tpu.memory_space<hbm>> -> memref<10000x128xf32, #tpu.memory_space<hbm>>
      tpu.enqueue_indirect_dma source(%dma_start3A_656 : memref<10000x128xf32, #tpu.memory_space<hbm>>) target(%arg11 : memref<40x128xf32, #tpu.memory_space<vmem>>) offsets(%dma_start3A_653 : memref<40xi32, #tpu.memory_space<vmem>>) semaphore(%arg17 : memref<!tpu.dma_semaphore, #tpu.memory_space<semaphore_mem>>)
      %add3A_657 = arith.constant 4 : i32
      %add3A_658 = arith.addi %add3A_90, %add3A_657 : i32
      %jit3A_659 = arith.constant 2 : i32
      %div3A_660 = arith.divsi %add3A_658, %jit3A_659 : i32
      %sign3A_661 = arith.constant 0 : i32
      %sign3A_662 = arith.cmpi sgt, %add3A_658, %sign3A_661 : i32
      %sign3A_663 = arith.extui %sign3A_662 : i1 to i32
      %sign3A_664 = arith.constant 0 : i32
      %sign3A_665 = arith.cmpi slt, %add3A_658, %sign3A_664 : i32
      %sign3A_666 = arith.extui %sign3A_665 : i1 to i32
      %sign3A_667 = arith.subi %sign3A_663, %sign3A_666 : i32
      %sign3A_668 = arith.constant 0 : i32
      %sign3A_669 = arith.cmpi sgt, %jit3A_659, %sign3A_668 : i32
      %sign3A_670 = arith.extui %sign3A_669 : i1 to i32
      %sign3A_671 = arith.constant 0 : i32
      %sign3A_672 = arith.cmpi slt, %jit3A_659, %sign3A_671 : i32
      %sign3A_673 = arith.extui %sign3A_672 : i1 to i32
      %sign3A_674 = arith.subi %sign3A_670, %sign3A_673 : i32
      %ne3A_675 = arith.cmpi ne, %sign3A_667, %sign3A_674 : i32
      %rem3A_676 = arith.remsi %add3A_658, %jit3A_659 : i32
      %ne3A_677 = arith.constant 0 : i32
      %ne3A_678 = arith.cmpi ne, %rem3A_676, %ne3A_677 : i32
      %and3A_679 = arith.andi %ne3A_675, %ne3A_678 : i1
      %sub3A_680 = arith.constant 1 : i32
      %sub3A_681 = arith.subi %div3A_660, %sub3A_680 : i32
      %select_n3A_682 = arith.select %and3A_679, %sub3A_681, %div3A_660 : i32
      %jit3A_683 = arith.constant 2 : i32
      %eq3A_684 = arith.constant 0 : i32
      %eq3A_685 = arith.cmpi eq, %jit3A_683, %eq3A_684 : i32
      %jit3A_686 = arith.constant 1 : i32
      %select_n3A_687 = arith.select %eq3A_685, %jit3A_686, %jit3A_683 : i32
      %rem3A_688 = arith.remsi %add3A_658, %select_n3A_687 : i32
      %ne3A_689 = arith.constant 0 : i32
      %ne3A_690 = arith.cmpi ne, %rem3A_688, %ne3A_689 : i32
      %lt3A_691 = arith.constant 0 : i32
      %lt3A_692 = arith.cmpi slt, %rem3A_688, %lt3A_691 : i32
      %lt3A_693 = arith.constant 0 : i32
      %lt3A_694 = arith.cmpi slt, %select_n3A_687, %lt3A_693 : i32
      %ne3A_695 = arith.xori %lt3A_692, %lt3A_694 : i1
      %and3A_696 = arith.andi %ne3A_695, %ne3A_690 : i1
      %add3A_697 = arith.addi %rem3A_688, %select_n3A_687 : i32
      %select_n3A_698 = arith.select %and3A_696, %add3A_697, %rem3A_688 : i32
      %mul3A_699 = arith.constant 40 : i32
      %mul3A_700 = arith.muli %select_n3A_698, %mul3A_699 : i32
      %dma_wait3A_701 = tpu.memref_slice %arg6[%select_n3A_682, %mul3A_700] : memref<125x80xi32, #tpu.memory_space<vmem>> -> memref<1x40xi32, #tpu.memory_space<vmem>>
      %dma_wait3A_702 = tpu.memref_squeeze %dma_wait3A_701 : memref<1x40xi32, #tpu.memory_space<vmem>> -> memref<40xi32, #tpu.memory_space<vmem>>
      %dma_wait3A_703 = arith.constant 0 : i32
      %dma_wait3A_704 = arith.constant 0 : i32
      %dma_wait3A_705 = tpu.memref_slice %arg2[%dma_wait3A_703, %dma_wait3A_704] : memref<10000x128xf32, #tpu.memory_space<hbm>> -> memref<10000x128xf32, #tpu.memory_space<hbm>>
      tpu.wait_indirect_dma semaphore(%arg18 : memref<!tpu.dma_semaphore, #tpu.memory_space<semaphore_mem>>) src(%dma_wait3A_705 : memref<10000x128xf32, #tpu.memory_space<hbm>>) dst(%arg12 : memref<40x128xf32, #tpu.memory_space<vmem>>)
      %add3A_706 = arith.constant 4 : i32
      %add3A_707 = arith.addi %add3A_90, %add3A_706 : i32
      %jit3A_708 = arith.constant 2 : i32
      %div3A_709 = arith.divsi %add3A_707, %jit3A_708 : i32
      %sign3A_710 = arith.constant 0 : i32
      %sign3A_711 = arith.cmpi sgt, %add3A_707, %sign3A_710 : i32
      %sign3A_712 = arith.extui %sign3A_711 : i1 to i32
      %sign3A_713 = arith.constant 0 : i32
      %sign3A_714 = arith.cmpi slt, %add3A_707, %sign3A_713 : i32
      %sign3A_715 = arith.extui %sign3A_714 : i1 to i32
      %sign3A_716 = arith.subi %sign3A_712, %sign3A_715 : i32
      %sign3A_717 = arith.constant 0 : i32
      %sign3A_718 = arith.cmpi sgt, %jit3A_708, %sign3A_717 : i32
      %sign3A_719 = arith.extui %sign3A_718 : i1 to i32
      %sign3A_720 = arith.constant 0 : i32
      %sign3A_721 = arith.cmpi slt, %jit3A_708, %sign3A_720 : i32
      %sign3A_722 = arith.extui %sign3A_721 : i1 to i32
      %sign3A_723 = arith.subi %sign3A_719, %sign3A_722 : i32
      %ne3A_724 = arith.cmpi ne, %sign3A_716, %sign3A_723 : i32
      %rem3A_725 = arith.remsi %add3A_707, %jit3A_708 : i32
      %ne3A_726 = arith.constant 0 : i32
      %ne3A_727 = arith.cmpi ne, %rem3A_725, %ne3A_726 : i32
      %and3A_728 = arith.andi %ne3A_724, %ne3A_727 : i1
      %sub3A_729 = arith.constant 1 : i32
      %sub3A_730 = arith.subi %div3A_709, %sub3A_729 : i32
      %select_n3A_731 = arith.select %and3A_728, %sub3A_730, %div3A_709 : i32
      %jit3A_732 = arith.constant 2 : i32
      %eq3A_733 = arith.constant 0 : i32
      %eq3A_734 = arith.cmpi eq, %jit3A_732, %eq3A_733 : i32
      %jit3A_735 = arith.constant 1 : i32
      %select_n3A_736 = arith.select %eq3A_734, %jit3A_735, %jit3A_732 : i32
      %rem3A_737 = arith.remsi %add3A_707, %select_n3A_736 : i32
      %ne3A_738 = arith.constant 0 : i32
      %ne3A_739 = arith.cmpi ne, %rem3A_737, %ne3A_738 : i32
      %lt3A_740 = arith.constant 0 : i32
      %lt3A_741 = arith.cmpi slt, %rem3A_737, %lt3A_740 : i32
      %lt3A_742 = arith.constant 0 : i32
      %lt3A_743 = arith.cmpi slt, %select_n3A_736, %lt3A_742 : i32
      %ne3A_744 = arith.xori %lt3A_741, %lt3A_743 : i1
      %and3A_745 = arith.andi %ne3A_744, %ne3A_739 : i1
      %add3A_746 = arith.addi %rem3A_737, %select_n3A_736 : i32
      %select_n3A_747 = arith.select %and3A_745, %add3A_746, %rem3A_737 : i32
      %mul3A_748 = arith.constant 40 : i32
      %mul3A_749 = arith.muli %select_n3A_747, %mul3A_748 : i32
      "tpu.region"() ({
        %run_scoped3A_801 = tpu.sem_alloc : memref<!tpu.dma_semaphore, #tpu.memory_space<semaphore_mem>>
        %dma_start3A_802 = tpu.memref_slice %arg7[%select_n3A_731, %mul3A_749] : memref<125x80xi32, #tpu.memory_space<vmem>> -> memref<1x40xi32, #tpu.memory_space<vmem>>
        %dma_start3A_803 = tpu.memref_squeeze %dma_start3A_802 : memref<1x40xi32, #tpu.memory_space<vmem>> -> memref<40xi32, #tpu.memory_space<vmem>>
        %dma_start3A_804 = arith.constant 0 : i32
        %dma_start3A_805 = arith.constant 0 : i32
        %dma_start3A_806 = tpu.memref_slice %arg13[%dma_start3A_804, %dma_start3A_805] : memref<10240x128xf32, #tpu.memory_space<vmem_shared>> -> memref<10240x128xf32, #tpu.memory_space<vmem_shared>>
        tpu.enqueue_indirect_dma source(%arg12 : memref<40x128xf32, #tpu.memory_space<vmem>>) target(%dma_start3A_806 : memref<10240x128xf32, #tpu.memory_space<vmem_shared>>) offsets(%dma_start3A_803 : memref<40xi32, #tpu.memory_space<vmem>>) semaphore(%run_scoped3A_801 : memref<!tpu.dma_semaphore, #tpu.memory_space<semaphore_mem>>) {add = true}
        %dma_wait3A_807 = tpu.memref_slice %arg7[%select_n3A_731, %mul3A_749] : memref<125x80xi32, #tpu.memory_space<vmem>> -> memref<1x40xi32, #tpu.memory_space<vmem>>
        %dma_wait3A_808 = tpu.memref_squeeze %dma_wait3A_807 : memref<1x40xi32, #tpu.memory_space<vmem>> -> memref<40xi32, #tpu.memory_space<vmem>>
        %dma_wait3A_809 = arith.constant 0 : i32
        %dma_wait3A_810 = arith.constant 0 : i32
        %dma_wait3A_811 = tpu.memref_slice %arg13[%dma_wait3A_809, %dma_wait3A_810] : memref<10240x128xf32, #tpu.memory_space<vmem_shared>> -> memref<10240x128xf32, #tpu.memory_space<vmem_shared>>
        tpu.wait_indirect_dma semaphore(%run_scoped3A_801 : memref<!tpu.dma_semaphore, #tpu.memory_space<semaphore_mem>>) src(%arg12 : memref<40x128xf32, #tpu.memory_space<vmem>>) dst(%dma_wait3A_811 : memref<10240x128xf32, #tpu.memory_space<vmem_shared>>)
        tpu.yield
      }) : () -> ()
      %add3A_750 = arith.constant 5 : i32
      %add3A_751 = arith.addi %add3A_90, %add3A_750 : i32
      %add3A_752 = arith.constant 4 : i32
      %add3A_753 = arith.addi %add3A_751, %add3A_752 : i32
      %jit3A_754 = arith.constant 2 : i32
      %div3A_755 = arith.divsi %add3A_753, %jit3A_754 : i32
      %sign3A_756 = arith.constant 0 : i32
      %sign3A_757 = arith.cmpi sgt, %add3A_753, %sign3A_756 : i32
      %sign3A_758 = arith.extui %sign3A_757 : i1 to i32
      %sign3A_759 = arith.constant 0 : i32
      %sign3A_760 = arith.cmpi slt, %add3A_753, %sign3A_759 : i32
      %sign3A_761 = arith.extui %sign3A_760 : i1 to i32
      %sign3A_762 = arith.subi %sign3A_758, %sign3A_761 : i32
      %sign3A_763 = arith.constant 0 : i32
      %sign3A_764 = arith.cmpi sgt, %jit3A_754, %sign3A_763 : i32
      %sign3A_765 = arith.extui %sign3A_764 : i1 to i32
      %sign3A_766 = arith.constant 0 : i32
      %sign3A_767 = arith.cmpi slt, %jit3A_754, %sign3A_766 : i32
      %sign3A_768 = arith.extui %sign3A_767 : i1 to i32
      %sign3A_769 = arith.subi %sign3A_765, %sign3A_768 : i32
      %ne3A_770 = arith.cmpi ne, %sign3A_762, %sign3A_769 : i32
      %rem3A_771 = arith.remsi %add3A_753, %jit3A_754 : i32
      %ne3A_772 = arith.constant 0 : i32
      %ne3A_773 = arith.cmpi ne, %rem3A_771, %ne3A_772 : i32
      %and3A_774 = arith.andi %ne3A_770, %ne3A_773 : i1
      %sub3A_775 = arith.constant 1 : i32
      %sub3A_776 = arith.subi %div3A_755, %sub3A_775 : i32
      %select_n3A_777 = arith.select %and3A_774, %sub3A_776, %div3A_755 : i32
      %jit3A_778 = arith.constant 2 : i32
      %eq3A_779 = arith.constant 0 : i32
      %eq3A_780 = arith.cmpi eq, %jit3A_778, %eq3A_779 : i32
      %jit3A_781 = arith.constant 1 : i32
      %select_n3A_782 = arith.select %eq3A_780, %jit3A_781, %jit3A_778 : i32
      %rem3A_783 = arith.remsi %add3A_753, %select_n3A_782 : i32
      %ne3A_784 = arith.constant 0 : i32
      %ne3A_785 = arith.cmpi ne, %rem3A_783, %ne3A_784 : i32
      %lt3A_786 = arith.constant 0 : i32
      %lt3A_787 = arith.cmpi slt, %rem3A_783, %lt3A_786 : i32
      %lt3A_788 = arith.constant 0 : i32
      %lt3A_789 = arith.cmpi slt, %select_n3A_782, %lt3A_788 : i32
      %ne3A_790 = arith.xori %lt3A_787, %lt3A_789 : i1
      %and3A_791 = arith.andi %ne3A_790, %ne3A_785 : i1
      %add3A_792 = arith.addi %rem3A_783, %select_n3A_782 : i32
      %select_n3A_793 = arith.select %and3A_791, %add3A_792, %rem3A_783 : i32
      %mul3A_794 = arith.constant 40 : i32
      %mul3A_795 = arith.muli %select_n3A_793, %mul3A_794 : i32
      %dma_start3A_796 = tpu.memref_slice %arg6[%select_n3A_777, %mul3A_795] : memref<125x80xi32, #tpu.memory_space<vmem>> -> memref<1x40xi32, #tpu.memory_space<vmem>>
      %dma_start3A_797 = tpu.memref_squeeze %dma_start3A_796 : memref<1x40xi32, #tpu.memory_space<vmem>> -> memref<40xi32, #tpu.memory_space<vmem>>
      %dma_start3A_798 = arith.constant 0 : i32
      %dma_start3A_799 = arith.constant 0 : i32
      %dma_start3A_800 = tpu.memref_slice %arg2[%dma_start3A_798, %dma_start3A_799] : memref<10000x128xf32, #tpu.memory_space<hbm>> -> memref<10000x128xf32, #tpu.memory_space<hbm>>
      tpu.enqueue_indirect_dma source(%dma_start3A_800 : memref<10000x128xf32, #tpu.memory_space<hbm>>) target(%arg12 : memref<40x128xf32, #tpu.memory_space<vmem>>) offsets(%dma_start3A_797 : memref<40xi32, #tpu.memory_space<vmem>>) semaphore(%arg18 : memref<!tpu.dma_semaphore, #tpu.memory_space<semaphore_mem>>)
    }
    %scan3A_41 = arith.constant 49 : i32
    %dma_wait3A = arith.constant 122 : i32
    %dma_wait3A_42 = arith.constant 40 : i32
    %dma_wait3A_43 = tpu.memref_slice %arg6[%dma_wait3A, %dma_wait3A_42] : memref<125x80xi32, #tpu.memory_space<vmem>> -> memref<1x40xi32, #tpu.memory_space<vmem>>
    %dma_wait3A_44 = tpu.memref_squeeze %dma_wait3A_43 : memref<1x40xi32, #tpu.memory_space<vmem>> -> memref<40xi32, #tpu.memory_space<vmem>>
    %dma_wait3A_45 = arith.constant 0 : i32
    %dma_wait3A_46 = arith.constant 0 : i32
    %dma_wait3A_47 = tpu.memref_slice %arg2[%dma_wait3A_45, %dma_wait3A_46] : memref<10000x128xf32, #tpu.memory_space<hbm>> -> memref<10000x128xf32, #tpu.memory_space<hbm>>
    tpu.wait_indirect_dma semaphore(%arg14 : memref<!tpu.dma_semaphore, #tpu.memory_space<semaphore_mem>>) src(%dma_wait3A_47 : memref<10000x128xf32, #tpu.memory_space<hbm>>) dst(%arg8 : memref<40x128xf32, #tpu.memory_space<vmem>>)
    %run_scoped3A_48 = arith.constant 122 : i32
    "tpu.region"() ({
      %run_scoped3A_86 = tpu.sem_alloc : memref<!tpu.dma_semaphore, #tpu.memory_space<semaphore_mem>>
      %dma_start3A_87 = arith.constant 40 : i32
      %dma_start3A_88 = tpu.memref_slice %arg7[%run_scoped3A_48, %dma_start3A_87] : memref<125x80xi32, #tpu.memory_space<vmem>> -> memref<1x40xi32, #tpu.memory_space<vmem>>
      %dma_start3A_89 = tpu.memref_squeeze %dma_start3A_88 : memref<1x40xi32, #tpu.memory_space<vmem>> -> memref<40xi32, #tpu.memory_space<vmem>>
      %dma_start3A_90 = arith.constant 0 : i32
      %dma_start3A_91 = arith.constant 0 : i32
      %dma_start3A_92 = tpu.memref_slice %arg13[%dma_start3A_90, %dma_start3A_91] : memref<10240x128xf32, #tpu.memory_space<vmem_shared>> -> memref<10240x128xf32, #tpu.memory_space<vmem_shared>>
      tpu.enqueue_indirect_dma source(%arg8 : memref<40x128xf32, #tpu.memory_space<vmem>>) target(%dma_start3A_92 : memref<10240x128xf32, #tpu.memory_space<vmem_shared>>) offsets(%dma_start3A_89 : memref<40xi32, #tpu.memory_space<vmem>>) semaphore(%run_scoped3A_86 : memref<!tpu.dma_semaphore, #tpu.memory_space<semaphore_mem>>) {add = true}
      %dma_wait3A_93 = arith.constant 40 : i32
      %dma_wait3A_94 = tpu.memref_slice %arg7[%run_scoped3A_48, %dma_wait3A_93] : memref<125x80xi32, #tpu.memory_space<vmem>> -> memref<1x40xi32, #tpu.memory_space<vmem>>
      %dma_wait3A_95 = tpu.memref_squeeze %dma_wait3A_94 : memref<1x40xi32, #tpu.memory_space<vmem>> -> memref<40xi32, #tpu.memory_space<vmem>>
      %dma_wait3A_96 = arith.constant 0 : i32
      %dma_wait3A_97 = arith.constant 0 : i32
      %dma_wait3A_98 = tpu.memref_slice %arg13[%dma_wait3A_96, %dma_wait3A_97] : memref<10240x128xf32, #tpu.memory_space<vmem_shared>> -> memref<10240x128xf32, #tpu.memory_space<vmem_shared>>
      tpu.wait_indirect_dma semaphore(%run_scoped3A_86 : memref<!tpu.dma_semaphore, #tpu.memory_space<semaphore_mem>>) src(%arg8 : memref<40x128xf32, #tpu.memory_space<vmem>>) dst(%dma_wait3A_98 : memref<10240x128xf32, #tpu.memory_space<vmem_shared>>)
      tpu.yield
    }) : () -> ()
    %dma_wait3A_49 = arith.constant 123 : i32
    %dma_wait3A_50 = arith.constant 0 : i32
    %dma_wait3A_51 = tpu.memref_slice %arg6[%dma_wait3A_49, %dma_wait3A_50] : memref<125x80xi32, #tpu.memory_space<vmem>> -> memref<1x40xi32, #tpu.memory_space<vmem>>
    %dma_wait3A_52 = tpu.memref_squeeze %dma_wait3A_51 : memref<1x40xi32, #tpu.memory_space<vmem>> -> memref<40xi32, #tpu.memory_space<vmem>>
    %dma_wait3A_53 = arith.constant 0 : i32
    %dma_wait3A_54 = arith.constant 0 : i32
    %dma_wait3A_55 = tpu.memref_slice %arg2[%dma_wait3A_53, %dma_wait3A_54] : memref<10000x128xf32, #tpu.memory_space<hbm>> -> memref<10000x128xf32, #tpu.memory_space<hbm>>
    tpu.wait_indirect_dma semaphore(%arg15 : memref<!tpu.dma_semaphore, #tpu.memory_space<semaphore_mem>>) src(%dma_wait3A_55 : memref<10000x128xf32, #tpu.memory_space<hbm>>) dst(%arg9 : memref<40x128xf32, #tpu.memory_space<vmem>>)
    %run_scoped3A_56 = arith.constant 123 : i32
    "tpu.region"() ({
      %run_scoped3A_86 = tpu.sem_alloc : memref<!tpu.dma_semaphore, #tpu.memory_space<semaphore_mem>>
      %dma_start3A_87 = arith.constant 0 : i32
      %dma_start3A_88 = tpu.memref_slice %arg7[%run_scoped3A_56, %dma_start3A_87] : memref<125x80xi32, #tpu.memory_space<vmem>> -> memref<1x40xi32, #tpu.memory_space<vmem>>
      %dma_start3A_89 = tpu.memref_squeeze %dma_start3A_88 : memref<1x40xi32, #tpu.memory_space<vmem>> -> memref<40xi32, #tpu.memory_space<vmem>>
      %dma_start3A_90 = arith.constant 0 : i32
      %dma_start3A_91 = arith.constant 0 : i32
      %dma_start3A_92 = tpu.memref_slice %arg13[%dma_start3A_90, %dma_start3A_91] : memref<10240x128xf32, #tpu.memory_space<vmem_shared>> -> memref<10240x128xf32, #tpu.memory_space<vmem_shared>>
      tpu.enqueue_indirect_dma source(%arg9 : memref<40x128xf32, #tpu.memory_space<vmem>>) target(%dma_start3A_92 : memref<10240x128xf32, #tpu.memory_space<vmem_shared>>) offsets(%dma_start3A_89 : memref<40xi32, #tpu.memory_space<vmem>>) semaphore(%run_scoped3A_86 : memref<!tpu.dma_semaphore, #tpu.memory_space<semaphore_mem>>) {add = true}
      %dma_wait3A_93 = arith.constant 0 : i32
      %dma_wait3A_94 = tpu.memref_slice %arg7[%run_scoped3A_56, %dma_wait3A_93] : memref<125x80xi32, #tpu.memory_space<vmem>> -> memref<1x40xi32, #tpu.memory_space<vmem>>
      %dma_wait3A_95 = tpu.memref_squeeze %dma_wait3A_94 : memref<1x40xi32, #tpu.memory_space<vmem>> -> memref<40xi32, #tpu.memory_space<vmem>>
      %dma_wait3A_96 = arith.constant 0 : i32
      %dma_wait3A_97 = arith.constant 0 : i32
      %dma_wait3A_98 = tpu.memref_slice %arg13[%dma_wait3A_96, %dma_wait3A_97] : memref<10240x128xf32, #tpu.memory_space<vmem_shared>> -> memref<10240x128xf32, #tpu.memory_space<vmem_shared>>
      tpu.wait_indirect_dma semaphore(%run_scoped3A_86 : memref<!tpu.dma_semaphore, #tpu.memory_space<semaphore_mem>>) src(%arg9 : memref<40x128xf32, #tpu.memory_space<vmem>>) dst(%dma_wait3A_98 : memref<10240x128xf32, #tpu.memory_space<vmem_shared>>)
      tpu.yield
    }) : () -> ()
    %dma_wait3A_57 = arith.constant 123 : i32
    %dma_wait3A_58 = arith.constant 40 : i32
    %dma_wait3A_59 = tpu.memref_slice %arg6[%dma_wait3A_57, %dma_wait3A_58] : memref<125x80xi32, #tpu.memory_space<vmem>> -> memref<1x40xi32, #tpu.memory_space<vmem>>
    %dma_wait3A_60 = tpu.memref_squeeze %dma_wait3A_59 : memref<1x40xi32, #tpu.memory_space<vmem>> -> memref<40xi32, #tpu.memory_space<vmem>>
    %dma_wait3A_61 = arith.constant 0 : i32
    %dma_wait3A_62 = arith.constant 0 : i32
    %dma_wait3A_63 = tpu.memref_slice %arg2[%dma_wait3A_61, %dma_wait3A_62] : memref<10000x128xf32, #tpu.memory_space<hbm>> -> memref<10000x128xf32, #tpu.memory_space<hbm>>
    tpu.wait_indirect_dma semaphore(%arg16 : memref<!tpu.dma_semaphore, #tpu.memory_space<semaphore_mem>>) src(%dma_wait3A_63 : memref<10000x128xf32, #tpu.memory_space<hbm>>) dst(%arg10 : memref<40x128xf32, #tpu.memory_space<vmem>>)
    %run_scoped3A_64 = arith.constant 123 : i32
    "tpu.region"() ({
      %run_scoped3A_86 = tpu.sem_alloc : memref<!tpu.dma_semaphore, #tpu.memory_space<semaphore_mem>>
      %dma_start3A_87 = arith.constant 40 : i32
      %dma_start3A_88 = tpu.memref_slice %arg7[%run_scoped3A_64, %dma_start3A_87] : memref<125x80xi32, #tpu.memory_space<vmem>> -> memref<1x40xi32, #tpu.memory_space<vmem>>
      %dma_start3A_89 = tpu.memref_squeeze %dma_start3A_88 : memref<1x40xi32, #tpu.memory_space<vmem>> -> memref<40xi32, #tpu.memory_space<vmem>>
      %dma_start3A_90 = arith.constant 0 : i32
      %dma_start3A_91 = arith.constant 0 : i32
      %dma_start3A_92 = tpu.memref_slice %arg13[%dma_start3A_90, %dma_start3A_91] : memref<10240x128xf32, #tpu.memory_space<vmem_shared>> -> memref<10240x128xf32, #tpu.memory_space<vmem_shared>>
      tpu.enqueue_indirect_dma source(%arg10 : memref<40x128xf32, #tpu.memory_space<vmem>>) target(%dma_start3A_92 : memref<10240x128xf32, #tpu.memory_space<vmem_shared>>) offsets(%dma_start3A_89 : memref<40xi32, #tpu.memory_space<vmem>>) semaphore(%run_scoped3A_86 : memref<!tpu.dma_semaphore, #tpu.memory_space<semaphore_mem>>) {add = true}
      %dma_wait3A_93 = arith.constant 40 : i32
      %dma_wait3A_94 = tpu.memref_slice %arg7[%run_scoped3A_64, %dma_wait3A_93] : memref<125x80xi32, #tpu.memory_space<vmem>> -> memref<1x40xi32, #tpu.memory_space<vmem>>
      %dma_wait3A_95 = tpu.memref_squeeze %dma_wait3A_94 : memref<1x40xi32, #tpu.memory_space<vmem>> -> memref<40xi32, #tpu.memory_space<vmem>>
      %dma_wait3A_96 = arith.constant 0 : i32
      %dma_wait3A_97 = arith.constant 0 : i32
      %dma_wait3A_98 = tpu.memref_slice %arg13[%dma_wait3A_96, %dma_wait3A_97] : memref<10240x128xf32, #tpu.memory_space<vmem_shared>> -> memref<10240x128xf32, #tpu.memory_space<vmem_shared>>
      tpu.wait_indirect_dma semaphore(%run_scoped3A_86 : memref<!tpu.dma_semaphore, #tpu.memory_space<semaphore_mem>>) src(%arg10 : memref<40x128xf32, #tpu.memory_space<vmem>>) dst(%dma_wait3A_98 : memref<10240x128xf32, #tpu.memory_space<vmem_shared>>)
      tpu.yield
    }) : () -> ()
    %dma_wait3A_65 = arith.constant 124 : i32
    %dma_wait3A_66 = arith.constant 0 : i32
    %dma_wait3A_67 = tpu.memref_slice %arg6[%dma_wait3A_65, %dma_wait3A_66] : memref<125x80xi32, #tpu.memory_space<vmem>> -> memref<1x40xi32, #tpu.memory_space<vmem>>
    %dma_wait3A_68 = tpu.memref_squeeze %dma_wait3A_67 : memref<1x40xi32, #tpu.memory_space<vmem>> -> memref<40xi32, #tpu.memory_space<vmem>>
    %dma_wait3A_69 = arith.constant 0 : i32
    %dma_wait3A_70 = arith.constant 0 : i32
    %dma_wait3A_71 = tpu.memref_slice %arg2[%dma_wait3A_69, %dma_wait3A_70] : memref<10000x128xf32, #tpu.memory_space<hbm>> -> memref<10000x128xf32, #tpu.memory_space<hbm>>
    tpu.wait_indirect_dma semaphore(%arg17 : memref<!tpu.dma_semaphore, #tpu.memory_space<semaphore_mem>>) src(%dma_wait3A_71 : memref<10000x128xf32, #tpu.memory_space<hbm>>) dst(%arg11 : memref<40x128xf32, #tpu.memory_space<vmem>>)
    %run_scoped3A_72 = arith.constant 124 : i32
    "tpu.region"() ({
      %run_scoped3A_86 = tpu.sem_alloc : memref<!tpu.dma_semaphore, #tpu.memory_space<semaphore_mem>>
      %dma_start3A_87 = arith.constant 0 : i32
      %dma_start3A_88 = tpu.memref_slice %arg7[%run_scoped3A_72, %dma_start3A_87] : memref<125x80xi32, #tpu.memory_space<vmem>> -> memref<1x40xi32, #tpu.memory_space<vmem>>
      %dma_start3A_89 = tpu.memref_squeeze %dma_start3A_88 : memref<1x40xi32, #tpu.memory_space<vmem>> -> memref<40xi32, #tpu.memory_space<vmem>>
      %dma_start3A_90 = arith.constant 0 : i32
      %dma_start3A_91 = arith.constant 0 : i32
      %dma_start3A_92 = tpu.memref_slice %arg13[%dma_start3A_90, %dma_start3A_91] : memref<10240x128xf32, #tpu.memory_space<vmem_shared>> -> memref<10240x128xf32, #tpu.memory_space<vmem_shared>>
      tpu.enqueue_indirect_dma source(%arg11 : memref<40x128xf32, #tpu.memory_space<vmem>>) target(%dma_start3A_92 : memref<10240x128xf32, #tpu.memory_space<vmem_shared>>) offsets(%dma_start3A_89 : memref<40xi32, #tpu.memory_space<vmem>>) semaphore(%run_scoped3A_86 : memref<!tpu.dma_semaphore, #tpu.memory_space<semaphore_mem>>) {add = true}
      %dma_wait3A_93 = arith.constant 0 : i32
      %dma_wait3A_94 = tpu.memref_slice %arg7[%run_scoped3A_72, %dma_wait3A_93] : memref<125x80xi32, #tpu.memory_space<vmem>> -> memref<1x40xi32, #tpu.memory_space<vmem>>
      %dma_wait3A_95 = tpu.memref_squeeze %dma_wait3A_94 : memref<1x40xi32, #tpu.memory_space<vmem>> -> memref<40xi32, #tpu.memory_space<vmem>>
      %dma_wait3A_96 = arith.constant 0 : i32
      %dma_wait3A_97 = arith.constant 0 : i32
      %dma_wait3A_98 = tpu.memref_slice %arg13[%dma_wait3A_96, %dma_wait3A_97] : memref<10240x128xf32, #tpu.memory_space<vmem_shared>> -> memref<10240x128xf32, #tpu.memory_space<vmem_shared>>
      tpu.wait_indirect_dma semaphore(%run_scoped3A_86 : memref<!tpu.dma_semaphore, #tpu.memory_space<semaphore_mem>>) src(%arg11 : memref<40x128xf32, #tpu.memory_space<vmem>>) dst(%dma_wait3A_98 : memref<10240x128xf32, #tpu.memory_space<vmem_shared>>)
      tpu.yield
    }) : () -> ()
    %dma_wait3A_73 = arith.constant 124 : i32
    %dma_wait3A_74 = arith.constant 40 : i32
    %dma_wait3A_75 = tpu.memref_slice %arg6[%dma_wait3A_73, %dma_wait3A_74] : memref<125x80xi32, #tpu.memory_space<vmem>> -> memref<1x40xi32, #tpu.memory_space<vmem>>
    %dma_wait3A_76 = tpu.memref_squeeze %dma_wait3A_75 : memref<1x40xi32, #tpu.memory_space<vmem>> -> memref<40xi32, #tpu.memory_space<vmem>>
    %dma_wait3A_77 = arith.constant 0 : i32
    %dma_wait3A_78 = arith.constant 0 : i32
    %dma_wait3A_79 = tpu.memref_slice %arg2[%dma_wait3A_77, %dma_wait3A_78] : memref<10000x128xf32, #tpu.memory_space<hbm>> -> memref<10000x128xf32, #tpu.memory_space<hbm>>
    tpu.wait_indirect_dma semaphore(%arg18 : memref<!tpu.dma_semaphore, #tpu.memory_space<semaphore_mem>>) src(%dma_wait3A_79 : memref<10000x128xf32, #tpu.memory_space<hbm>>) dst(%arg12 : memref<40x128xf32, #tpu.memory_space<vmem>>)
    %run_scoped3A_80 = arith.constant 124 : i32
    "tpu.region"() ({
      %run_scoped3A_86 = tpu.sem_alloc : memref<!tpu.dma_semaphore, #tpu.memory_space<semaphore_mem>>
      %dma_start3A_87 = arith.constant 40 : i32
      %dma_start3A_88 = tpu.memref_slice %arg7[%run_scoped3A_80, %dma_start3A_87] : memref<125x80xi32, #tpu.memory_space<vmem>> -> memref<1x40xi32, #tpu.memory_space<vmem>>
      %dma_start3A_89 = tpu.memref_squeeze %dma_start3A_88 : memref<1x40xi32, #tpu.memory_space<vmem>> -> memref<40xi32, #tpu.memory_space<vmem>>
      %dma_start3A_90 = arith.constant 0 : i32
      %dma_start3A_91 = arith.constant 0 : i32
      %dma_start3A_92 = tpu.memref_slice %arg13[%dma_start3A_90, %dma_start3A_91] : memref<10240x128xf32, #tpu.memory_space<vmem_shared>> -> memref<10240x128xf32, #tpu.memory_space<vmem_shared>>
      tpu.enqueue_indirect_dma source(%arg12 : memref<40x128xf32, #tpu.memory_space<vmem>>) target(%dma_start3A_92 : memref<10240x128xf32, #tpu.memory_space<vmem_shared>>) offsets(%dma_start3A_89 : memref<40xi32, #tpu.memory_space<vmem>>) semaphore(%run_scoped3A_86 : memref<!tpu.dma_semaphore, #tpu.memory_space<semaphore_mem>>) {add = true}
      %dma_wait3A_93 = arith.constant 40 : i32
      %dma_wait3A_94 = tpu.memref_slice %arg7[%run_scoped3A_80, %dma_wait3A_93] : memref<125x80xi32, #tpu.memory_space<vmem>> -> memref<1x40xi32, #tpu.memory_space<vmem>>
      %dma_wait3A_95 = tpu.memref_squeeze %dma_wait3A_94 : memref<1x40xi32, #tpu.memory_space<vmem>> -> memref<40xi32, #tpu.memory_space<vmem>>
      %dma_wait3A_96 = arith.constant 0 : i32
      %dma_wait3A_97 = arith.constant 0 : i32
      %dma_wait3A_98 = tpu.memref_slice %arg13[%dma_wait3A_96, %dma_wait3A_97] : memref<10240x128xf32, #tpu.memory_space<vmem_shared>> -> memref<10240x128xf32, #tpu.memory_space<vmem_shared>>
      tpu.wait_indirect_dma semaphore(%run_scoped3A_86 : memref<!tpu.dma_semaphore, #tpu.memory_space<semaphore_mem>>) src(%arg12 : memref<40x128xf32, #tpu.memory_space<vmem>>) dst(%dma_wait3A_98 : memref<10240x128xf32, #tpu.memory_space<vmem_shared>>)
      tpu.yield
    }) : () -> ()
    %barrier3A_81 = arith.constant 0 : index
    tpu.barrier barrier_id(%barrier3A_81)
    %mul3A_82 = arith.constant 640 : i32
    %mul3A_83 = arith.muli %arg1, %mul3A_82 : i32
    %mul3A_84 = arith.constant 640 : i32
    %mul3A_85 = arith.muli %arg1, %mul3A_84 : i32
    "tpu.region"() ({
      %run_scoped3A_86 = tpu.sem_alloc : memref<!tpu.dma_semaphore, #tpu.memory_space<semaphore_mem>>
      %dma_start3A_87 = arith.constant 0 : i32
      %dma_start3A_88 = tpu.memref_slice %arg5[%arg0, %mul3A_85, %dma_start3A_87] : memref<2x10240x128xf32, #tpu.memory_space<hbm>> -> memref<1x640x128xf32, #tpu.memory_space<hbm>>
      %dma_start3A_89 = tpu.memref_squeeze %dma_start3A_88 : memref<1x640x128xf32, #tpu.memory_space<hbm>> -> memref<640x128xf32, #tpu.memory_space<hbm>>
      %dma_start3A_90 = arith.constant 0 : i32
      %dma_start3A_91 = tpu.memref_slice %arg13[%mul3A_83, %dma_start3A_90] : memref<10240x128xf32, #tpu.memory_space<vmem_shared>> -> memref<640x128xf32, #tpu.memory_space<vmem_shared>>
      tpu.enqueue_dma source(%dma_start3A_91 : memref<640x128xf32, #tpu.memory_space<vmem_shared>>) target(%dma_start3A_89 : memref<640x128xf32, #tpu.memory_space<hbm>>) target_semaphore(%run_scoped3A_86 : memref<!tpu.dma_semaphore, #tpu.memory_space<semaphore_mem>>)
      %dma_wait3A_92 = arith.constant 0 : i32
      %dma_wait3A_93 = tpu.memref_slice %arg5[%arg0, %mul3A_85, %dma_wait3A_92] : memref<2x10240x128xf32, #tpu.memory_space<hbm>> -> memref<1x640x128xf32, #tpu.memory_space<hbm>>
      %dma_wait3A_94 = tpu.memref_squeeze %dma_wait3A_93 : memref<1x640x128xf32, #tpu.memory_space<hbm>> -> memref<640x128xf32, #tpu.memory_space<hbm>>
      %dma_wait3A_95 = arith.constant 0 : i32
      %dma_wait3A_96 = tpu.memref_slice %arg13[%mul3A_83, %dma_wait3A_95] : memref<10240x128xf32, #tpu.memory_space<vmem_shared>> -> memref<640x128xf32, #tpu.memory_space<vmem_shared>>
      tpu.wait_dma2 semaphore(%run_scoped3A_86 : memref<!tpu.dma_semaphore, #tpu.memory_space<semaphore_mem>>) src(%dma_wait3A_96 : memref<640x128xf32, #tpu.memory_space<vmem_shared>>) dst(%dma_wait3A_94 : memref<640x128xf32, #tpu.memory_space<hbm>>)
      tpu.yield
    }) : () -> ()
    return
  }
}

#map = affine_map<(d0, d1) -> (0, 0)>
#map1 = affine_map<(d0, d1) -> (0, 0, 0, 0)>
#map2 = affine_map<(d0, d1) -> (0, 0, 0)>
module attributes {stable_mosaic.version = 14 : i64} {
  func.func @_agg(%arg0: i32, %arg1: i32, %arg2: memref<10000x32xf32, #tpu.memory_space<hbm>>, %arg3: memref<2x32x125x80xi32, #tpu.memory_space<hbm>>, %arg4: memref<640x32xf32, #tpu.memory_space<hbm>>, %arg5: memref<2x10240x32xf32, #tpu.memory_space<hbm>>, %arg6: memref<125x80xi32, #tpu.memory_space<vmem>>, %arg7: memref<125x80xi32, #tpu.memory_space<vmem>>, %arg8: memref<80x32xf32, #tpu.memory_space<vmem>>, %arg9: memref<80x32xf32, #tpu.memory_space<vmem>>, %arg10: memref<80x32xf32, #tpu.memory_space<vmem>>, %arg11: memref<80x32xf32, #tpu.memory_space<vmem>>, %arg12: memref<80x32xf32, #tpu.memory_space<vmem>>, %arg13: memref<10240x32xf32, #tpu.memory_space<vmem_shared>>, %arg14: memref<!tpu.dma_semaphore, #tpu.memory_space<semaphore_mem>>, %arg15: memref<!tpu.dma_semaphore, #tpu.memory_space<semaphore_mem>>, %arg16: memref<!tpu.dma_semaphore, #tpu.memory_space<semaphore_mem>>, %arg17: memref<!tpu.dma_semaphore, #tpu.memory_space<semaphore_mem>>, %arg18: memref<!tpu.dma_semaphore, #tpu.memory_space<semaphore_mem>>) attributes {dimension_semantics = [#tpu.dimension_semantics<core_parallel>, #tpu.dimension_semantics<subcore_parallel>], iteration_bounds = array<i64: 2, 16>, scalar_prefetch = 0 : i64, scratch_operands = 13 : i64, tpu.core_type = #tpu.core_type<sc_vector_subcore>, window_params = [{transform_indices = #map}, {transform_indices = #map1}, {transform_indices = #map}, {transform_indices = #map2}]} {
    %mul3A = arith.constant 16 : i32
    %mul3A_0 = arith.muli %arg0, %mul3A : i32
    %add3A = arith.addi %mul3A_0, %arg1 : i32
    %run_scoped3A = arith.constant 0 : i32
    "tpu.region"() ({
      %run_scoped3A_86 = tpu.sem_alloc : memref<!tpu.dma_semaphore, #tpu.memory_space<semaphore_mem>>
      %dma_start3A_87 = arith.constant 0 : i32
      %dma_start3A_88 = arith.constant 0 : i32
      %dma_start3A_89 = tpu.memref_slice %arg3[%run_scoped3A, %add3A, %dma_start3A_87, %dma_start3A_88] : memref<2x32x125x80xi32, #tpu.memory_space<hbm>> -> memref<1x1x125x80xi32, #tpu.memory_space<hbm>>
      %dma_start3A_90 = tpu.memref_squeeze %dma_start3A_89 : memref<1x1x125x80xi32, #tpu.memory_space<hbm>> -> memref<125x80xi32, #tpu.memory_space<hbm>>
      %dma_start3A_91 = arith.constant 0 : i32
      %dma_start3A_92 = arith.constant 0 : i32
      %dma_start3A_93 = tpu.memref_slice %arg3[%run_scoped3A, %add3A, %dma_start3A_91, %dma_start3A_92] : memref<2x32x125x80xi32, #tpu.memory_space<hbm>> -> memref<1x1x125x80xi32, #tpu.memory_space<hbm>>
      %dma_start3A_94 = tpu.memref_squeeze %dma_start3A_93 : memref<1x1x125x80xi32, #tpu.memory_space<hbm>> -> memref<125x80xi32, #tpu.memory_space<hbm>>
      tpu.enqueue_dma source(%dma_start3A_94 : memref<125x80xi32, #tpu.memory_space<hbm>>) target(%arg6 : memref<125x80xi32, #tpu.memory_space<vmem>>) target_semaphore(%run_scoped3A_86 : memref<!tpu.dma_semaphore, #tpu.memory_space<semaphore_mem>>)
      %dma_wait3A_95 = arith.constant 0 : i32
      %dma_wait3A_96 = arith.constant 0 : i32
      %dma_wait3A_97 = tpu.memref_slice %arg3[%run_scoped3A, %add3A, %dma_wait3A_95, %dma_wait3A_96] : memref<2x32x125x80xi32, #tpu.memory_space<hbm>> -> memref<1x1x125x80xi32, #tpu.memory_space<hbm>>
      %dma_wait3A_98 = tpu.memref_squeeze %dma_wait3A_97 : memref<1x1x125x80xi32, #tpu.memory_space<hbm>> -> memref<125x80xi32, #tpu.memory_space<hbm>>
      %dma_wait3A_99 = arith.constant 0 : i32
      %dma_wait3A_100 = arith.constant 0 : i32
      %dma_wait3A_101 = tpu.memref_slice %arg3[%run_scoped3A, %add3A, %dma_wait3A_99, %dma_wait3A_100] : memref<2x32x125x80xi32, #tpu.memory_space<hbm>> -> memref<1x1x125x80xi32, #tpu.memory_space<hbm>>
      %dma_wait3A_102 = tpu.memref_squeeze %dma_wait3A_101 : memref<1x1x125x80xi32, #tpu.memory_space<hbm>> -> memref<125x80xi32, #tpu.memory_space<hbm>>
      tpu.wait_dma2 semaphore(%run_scoped3A_86 : memref<!tpu.dma_semaphore, #tpu.memory_space<semaphore_mem>>) src(%dma_wait3A_102 : memref<125x80xi32, #tpu.memory_space<hbm>>) dst(%arg6 : memref<125x80xi32, #tpu.memory_space<vmem>>)
      tpu.yield
    }) : () -> ()
    %run_scoped3A_1 = arith.constant 1 : i32
    "tpu.region"() ({
      %run_scoped3A_86 = tpu.sem_alloc : memref<!tpu.dma_semaphore, #tpu.memory_space<semaphore_mem>>
      %dma_start3A_87 = arith.constant 0 : i32
      %dma_start3A_88 = arith.constant 0 : i32
      %dma_start3A_89 = tpu.memref_slice %arg3[%run_scoped3A_1, %add3A, %dma_start3A_87, %dma_start3A_88] : memref<2x32x125x80xi32, #tpu.memory_space<hbm>> -> memref<1x1x125x80xi32, #tpu.memory_space<hbm>>
      %dma_start3A_90 = tpu.memref_squeeze %dma_start3A_89 : memref<1x1x125x80xi32, #tpu.memory_space<hbm>> -> memref<125x80xi32, #tpu.memory_space<hbm>>
      %dma_start3A_91 = arith.constant 0 : i32
      %dma_start3A_92 = arith.constant 0 : i32
      %dma_start3A_93 = tpu.memref_slice %arg3[%run_scoped3A_1, %add3A, %dma_start3A_91, %dma_start3A_92] : memref<2x32x125x80xi32, #tpu.memory_space<hbm>> -> memref<1x1x125x80xi32, #tpu.memory_space<hbm>>
      %dma_start3A_94 = tpu.memref_squeeze %dma_start3A_93 : memref<1x1x125x80xi32, #tpu.memory_space<hbm>> -> memref<125x80xi32, #tpu.memory_space<hbm>>
      tpu.enqueue_dma source(%dma_start3A_94 : memref<125x80xi32, #tpu.memory_space<hbm>>) target(%arg7 : memref<125x80xi32, #tpu.memory_space<vmem>>) target_semaphore(%run_scoped3A_86 : memref<!tpu.dma_semaphore, #tpu.memory_space<semaphore_mem>>)
      %dma_wait3A_95 = arith.constant 0 : i32
      %dma_wait3A_96 = arith.constant 0 : i32
      %dma_wait3A_97 = tpu.memref_slice %arg3[%run_scoped3A_1, %add3A, %dma_wait3A_95, %dma_wait3A_96] : memref<2x32x125x80xi32, #tpu.memory_space<hbm>> -> memref<1x1x125x80xi32, #tpu.memory_space<hbm>>
      %dma_wait3A_98 = tpu.memref_squeeze %dma_wait3A_97 : memref<1x1x125x80xi32, #tpu.memory_space<hbm>> -> memref<125x80xi32, #tpu.memory_space<hbm>>
      %dma_wait3A_99 = arith.constant 0 : i32
      %dma_wait3A_100 = arith.constant 0 : i32
      %dma_wait3A_101 = tpu.memref_slice %arg3[%run_scoped3A_1, %add3A, %dma_wait3A_99, %dma_wait3A_100] : memref<2x32x125x80xi32, #tpu.memory_space<hbm>> -> memref<1x1x125x80xi32, #tpu.memory_space<hbm>>
      %dma_wait3A_102 = tpu.memref_squeeze %dma_wait3A_101 : memref<1x1x125x80xi32, #tpu.memory_space<hbm>> -> memref<125x80xi32, #tpu.memory_space<hbm>>
      tpu.wait_dma2 semaphore(%run_scoped3A_86 : memref<!tpu.dma_semaphore, #tpu.memory_space<semaphore_mem>>) src(%dma_wait3A_102 : memref<125x80xi32, #tpu.memory_space<hbm>>) dst(%arg7 : memref<125x80xi32, #tpu.memory_space<vmem>>)
      tpu.yield
    }) : () -> ()
    %mul3A_2 = arith.constant 640 : i32
    %mul3A_3 = arith.muli %arg1, %mul3A_2 : i32
    "tpu.region"() ({
      %run_scoped3A_86 = tpu.sem_alloc : memref<!tpu.dma_semaphore, #tpu.memory_space<semaphore_mem>>
      %dma_start3A_87 = arith.constant 0 : i32
      %dma_start3A_88 = tpu.memref_slice %arg13[%mul3A_3, %dma_start3A_87] : memref<10240x32xf32, #tpu.memory_space<vmem_shared>> -> memref<640x32xf32, #tpu.memory_space<vmem_shared>>
      tpu.enqueue_dma source(%arg4 : memref<640x32xf32, #tpu.memory_space<hbm>>) target(%dma_start3A_88 : memref<640x32xf32, #tpu.memory_space<vmem_shared>>) target_semaphore(%run_scoped3A_86 : memref<!tpu.dma_semaphore, #tpu.memory_space<semaphore_mem>>)
      %dma_wait3A_89 = arith.constant 0 : i32
      %dma_wait3A_90 = tpu.memref_slice %arg13[%mul3A_3, %dma_wait3A_89] : memref<10240x32xf32, #tpu.memory_space<vmem_shared>> -> memref<640x32xf32, #tpu.memory_space<vmem_shared>>
      tpu.wait_dma2 semaphore(%run_scoped3A_86 : memref<!tpu.dma_semaphore, #tpu.memory_space<semaphore_mem>>) src(%arg4 : memref<640x32xf32, #tpu.memory_space<hbm>>) dst(%dma_wait3A_90 : memref<640x32xf32, #tpu.memory_space<vmem_shared>>)
      tpu.yield
    }) : () -> ()
    %barrier3A = arith.constant 0 : index
    tpu.barrier barrier_id(%barrier3A)
    %dma_start3A = arith.constant 0 : i32
    %dma_start3A_4 = arith.constant 0 : i32
    %dma_start3A_5 = tpu.memref_slice %arg6[%dma_start3A, %dma_start3A_4] : memref<125x80xi32, #tpu.memory_space<vmem>> -> memref<1x80xi32, #tpu.memory_space<vmem>>
    %dma_start3A_6 = tpu.memref_squeeze %dma_start3A_5 : memref<1x80xi32, #tpu.memory_space<vmem>> -> memref<80xi32, #tpu.memory_space<vmem>>
    %dma_start3A_7 = arith.constant 0 : i32
    %dma_start3A_8 = arith.constant 0 : i32
    %dma_start3A_9 = tpu.memref_slice %arg2[%dma_start3A_7, %dma_start3A_8] : memref<10000x32xf32, #tpu.memory_space<hbm>> -> memref<10000x32xf32, #tpu.memory_space<hbm>>
    tpu.enqueue_indirect_dma source(%dma_start3A_9 : memref<10000x32xf32, #tpu.memory_space<hbm>>) target(%arg8 : memref<80x32xf32, #tpu.memory_space<vmem>>) offsets(%dma_start3A_6 : memref<80xi32, #tpu.memory_space<vmem>>) semaphore(%arg14 : memref<!tpu.dma_semaphore, #tpu.memory_space<semaphore_mem>>)
    %dma_start3A_10 = arith.constant 1 : i32
    %dma_start3A_11 = arith.constant 0 : i32
    %dma_start3A_12 = tpu.memref_slice %arg6[%dma_start3A_10, %dma_start3A_11] : memref<125x80xi32, #tpu.memory_space<vmem>> -> memref<1x80xi32, #tpu.memory_space<vmem>>
    %dma_start3A_13 = tpu.memref_squeeze %dma_start3A_12 : memref<1x80xi32, #tpu.memory_space<vmem>> -> memref<80xi32, #tpu.memory_space<vmem>>
    %dma_start3A_14 = arith.constant 0 : i32
    %dma_start3A_15 = arith.constant 0 : i32
    %dma_start3A_16 = tpu.memref_slice %arg2[%dma_start3A_14, %dma_start3A_15] : memref<10000x32xf32, #tpu.memory_space<hbm>> -> memref<10000x32xf32, #tpu.memory_space<hbm>>
    tpu.enqueue_indirect_dma source(%dma_start3A_16 : memref<10000x32xf32, #tpu.memory_space<hbm>>) target(%arg9 : memref<80x32xf32, #tpu.memory_space<vmem>>) offsets(%dma_start3A_13 : memref<80xi32, #tpu.memory_space<vmem>>) semaphore(%arg15 : memref<!tpu.dma_semaphore, #tpu.memory_space<semaphore_mem>>)
    %dma_start3A_17 = arith.constant 2 : i32
    %dma_start3A_18 = arith.constant 0 : i32
    %dma_start3A_19 = tpu.memref_slice %arg6[%dma_start3A_17, %dma_start3A_18] : memref<125x80xi32, #tpu.memory_space<vmem>> -> memref<1x80xi32, #tpu.memory_space<vmem>>
    %dma_start3A_20 = tpu.memref_squeeze %dma_start3A_19 : memref<1x80xi32, #tpu.memory_space<vmem>> -> memref<80xi32, #tpu.memory_space<vmem>>
    %dma_start3A_21 = arith.constant 0 : i32
    %dma_start3A_22 = arith.constant 0 : i32
    %dma_start3A_23 = tpu.memref_slice %arg2[%dma_start3A_21, %dma_start3A_22] : memref<10000x32xf32, #tpu.memory_space<hbm>> -> memref<10000x32xf32, #tpu.memory_space<hbm>>
    tpu.enqueue_indirect_dma source(%dma_start3A_23 : memref<10000x32xf32, #tpu.memory_space<hbm>>) target(%arg10 : memref<80x32xf32, #tpu.memory_space<vmem>>) offsets(%dma_start3A_20 : memref<80xi32, #tpu.memory_space<vmem>>) semaphore(%arg16 : memref<!tpu.dma_semaphore, #tpu.memory_space<semaphore_mem>>)
    %dma_start3A_24 = arith.constant 3 : i32
    %dma_start3A_25 = arith.constant 0 : i32
    %dma_start3A_26 = tpu.memref_slice %arg6[%dma_start3A_24, %dma_start3A_25] : memref<125x80xi32, #tpu.memory_space<vmem>> -> memref<1x80xi32, #tpu.memory_space<vmem>>
    %dma_start3A_27 = tpu.memref_squeeze %dma_start3A_26 : memref<1x80xi32, #tpu.memory_space<vmem>> -> memref<80xi32, #tpu.memory_space<vmem>>
    %dma_start3A_28 = arith.constant 0 : i32
    %dma_start3A_29 = arith.constant 0 : i32
    %dma_start3A_30 = tpu.memref_slice %arg2[%dma_start3A_28, %dma_start3A_29] : memref<10000x32xf32, #tpu.memory_space<hbm>> -> memref<10000x32xf32, #tpu.memory_space<hbm>>
    tpu.enqueue_indirect_dma source(%dma_start3A_30 : memref<10000x32xf32, #tpu.memory_space<hbm>>) target(%arg11 : memref<80x32xf32, #tpu.memory_space<vmem>>) offsets(%dma_start3A_27 : memref<80xi32, #tpu.memory_space<vmem>>) semaphore(%arg17 : memref<!tpu.dma_semaphore, #tpu.memory_space<semaphore_mem>>)
    %dma_start3A_31 = arith.constant 4 : i32
    %dma_start3A_32 = arith.constant 0 : i32
    %dma_start3A_33 = tpu.memref_slice %arg6[%dma_start3A_31, %dma_start3A_32] : memref<125x80xi32, #tpu.memory_space<vmem>> -> memref<1x80xi32, #tpu.memory_space<vmem>>
    %dma_start3A_34 = tpu.memref_squeeze %dma_start3A_33 : memref<1x80xi32, #tpu.memory_space<vmem>> -> memref<80xi32, #tpu.memory_space<vmem>>
    %dma_start3A_35 = arith.constant 0 : i32
    %dma_start3A_36 = arith.constant 0 : i32
    %dma_start3A_37 = tpu.memref_slice %arg2[%dma_start3A_35, %dma_start3A_36] : memref<10000x32xf32, #tpu.memory_space<hbm>> -> memref<10000x32xf32, #tpu.memory_space<hbm>>
    tpu.enqueue_indirect_dma source(%dma_start3A_37 : memref<10000x32xf32, #tpu.memory_space<hbm>>) target(%arg12 : memref<80x32xf32, #tpu.memory_space<vmem>>) offsets(%dma_start3A_34 : memref<80xi32, #tpu.memory_space<vmem>>) semaphore(%arg18 : memref<!tpu.dma_semaphore, #tpu.memory_space<semaphore_mem>>)
    %scan3A = arith.constant 0 : i32
    %scan3A_38 = arith.constant 24 : i32
    %scan3A_39 = arith.addi %scan3A, %scan3A_38 : i32
    %scan3A_40 = arith.constant 1 : i32
    scf.for %scan3A_86 = %scan3A to %scan3A_39 step %scan3A_40  : i32 {
      %mul3A_87 = arith.constant 5 : i32
      %mul3A_88 = arith.muli %scan3A_86, %mul3A_87 : i32
      %add3A_89 = arith.constant 0 : i32
      %add3A_90 = arith.addi %add3A_89, %mul3A_88 : i32
      %add3A_91 = arith.constant 0 : i32
      %add3A_92 = arith.addi %add3A_90, %add3A_91 : i32
      %dma_wait3A_93 = arith.constant 0 : i32
      %dma_wait3A_94 = tpu.memref_slice %arg6[%add3A_92, %dma_wait3A_93] : memref<125x80xi32, #tpu.memory_space<vmem>> -> memref<1x80xi32, #tpu.memory_space<vmem>>
      %dma_wait3A_95 = tpu.memref_squeeze %dma_wait3A_94 : memref<1x80xi32, #tpu.memory_space<vmem>> -> memref<80xi32, #tpu.memory_space<vmem>>
      %dma_wait3A_96 = arith.constant 0 : i32
      %dma_wait3A_97 = arith.constant 0 : i32
      %dma_wait3A_98 = tpu.memref_slice %arg2[%dma_wait3A_96, %dma_wait3A_97] : memref<10000x32xf32, #tpu.memory_space<hbm>> -> memref<10000x32xf32, #tpu.memory_space<hbm>>
      tpu.wait_indirect_dma semaphore(%arg14 : memref<!tpu.dma_semaphore, #tpu.memory_space<semaphore_mem>>) src(%dma_wait3A_98 : memref<10000x32xf32, #tpu.memory_space<hbm>>) dst(%arg8 : memref<80x32xf32, #tpu.memory_space<vmem>>)
      %add3A_99 = arith.constant 0 : i32
      %add3A_100 = arith.addi %add3A_90, %add3A_99 : i32
      "tpu.region"() ({
        %run_scoped3A_191 = tpu.sem_alloc : memref<!tpu.dma_semaphore, #tpu.memory_space<semaphore_mem>>
        %dma_start3A_192 = arith.constant 0 : i32
        %dma_start3A_193 = tpu.memref_slice %arg7[%add3A_100, %dma_start3A_192] : memref<125x80xi32, #tpu.memory_space<vmem>> -> memref<1x80xi32, #tpu.memory_space<vmem>>
        %dma_start3A_194 = tpu.memref_squeeze %dma_start3A_193 : memref<1x80xi32, #tpu.memory_space<vmem>> -> memref<80xi32, #tpu.memory_space<vmem>>
        %dma_start3A_195 = arith.constant 0 : i32
        %dma_start3A_196 = arith.constant 0 : i32
        %dma_start3A_197 = tpu.memref_slice %arg13[%dma_start3A_195, %dma_start3A_196] : memref<10240x32xf32, #tpu.memory_space<vmem_shared>> -> memref<10240x32xf32, #tpu.memory_space<vmem_shared>>
        tpu.enqueue_indirect_dma source(%arg8 : memref<80x32xf32, #tpu.memory_space<vmem>>) target(%dma_start3A_197 : memref<10240x32xf32, #tpu.memory_space<vmem_shared>>) offsets(%dma_start3A_194 : memref<80xi32, #tpu.memory_space<vmem>>) semaphore(%run_scoped3A_191 : memref<!tpu.dma_semaphore, #tpu.memory_space<semaphore_mem>>) {add = true}
        %dma_wait3A_198 = arith.constant 0 : i32
        %dma_wait3A_199 = tpu.memref_slice %arg7[%add3A_100, %dma_wait3A_198] : memref<125x80xi32, #tpu.memory_space<vmem>> -> memref<1x80xi32, #tpu.memory_space<vmem>>
        %dma_wait3A_200 = tpu.memref_squeeze %dma_wait3A_199 : memref<1x80xi32, #tpu.memory_space<vmem>> -> memref<80xi32, #tpu.memory_space<vmem>>
        %dma_wait3A_201 = arith.constant 0 : i32
        %dma_wait3A_202 = arith.constant 0 : i32
        %dma_wait3A_203 = tpu.memref_slice %arg13[%dma_wait3A_201, %dma_wait3A_202] : memref<10240x32xf32, #tpu.memory_space<vmem_shared>> -> memref<10240x32xf32, #tpu.memory_space<vmem_shared>>
        tpu.wait_indirect_dma semaphore(%run_scoped3A_191 : memref<!tpu.dma_semaphore, #tpu.memory_space<semaphore_mem>>) src(%arg8 : memref<80x32xf32, #tpu.memory_space<vmem>>) dst(%dma_wait3A_203 : memref<10240x32xf32, #tpu.memory_space<vmem_shared>>)
        tpu.yield
      }) : () -> ()
      %add3A_101 = arith.constant 5 : i32
      %add3A_102 = arith.addi %add3A_90, %add3A_101 : i32
      %add3A_103 = arith.constant 0 : i32
      %add3A_104 = arith.addi %add3A_102, %add3A_103 : i32
      %dma_start3A_105 = arith.constant 0 : i32
      %dma_start3A_106 = tpu.memref_slice %arg6[%add3A_104, %dma_start3A_105] : memref<125x80xi32, #tpu.memory_space<vmem>> -> memref<1x80xi32, #tpu.memory_space<vmem>>
      %dma_start3A_107 = tpu.memref_squeeze %dma_start3A_106 : memref<1x80xi32, #tpu.memory_space<vmem>> -> memref<80xi32, #tpu.memory_space<vmem>>
      %dma_start3A_108 = arith.constant 0 : i32
      %dma_start3A_109 = arith.constant 0 : i32
      %dma_start3A_110 = tpu.memref_slice %arg2[%dma_start3A_108, %dma_start3A_109] : memref<10000x32xf32, #tpu.memory_space<hbm>> -> memref<10000x32xf32, #tpu.memory_space<hbm>>
      tpu.enqueue_indirect_dma source(%dma_start3A_110 : memref<10000x32xf32, #tpu.memory_space<hbm>>) target(%arg8 : memref<80x32xf32, #tpu.memory_space<vmem>>) offsets(%dma_start3A_107 : memref<80xi32, #tpu.memory_space<vmem>>) semaphore(%arg14 : memref<!tpu.dma_semaphore, #tpu.memory_space<semaphore_mem>>)
      %add3A_111 = arith.constant 1 : i32
      %add3A_112 = arith.addi %add3A_90, %add3A_111 : i32
      %dma_wait3A_113 = arith.constant 0 : i32
      %dma_wait3A_114 = tpu.memref_slice %arg6[%add3A_112, %dma_wait3A_113] : memref<125x80xi32, #tpu.memory_space<vmem>> -> memref<1x80xi32, #tpu.memory_space<vmem>>
      %dma_wait3A_115 = tpu.memref_squeeze %dma_wait3A_114 : memref<1x80xi32, #tpu.memory_space<vmem>> -> memref<80xi32, #tpu.memory_space<vmem>>
      %dma_wait3A_116 = arith.constant 0 : i32
      %dma_wait3A_117 = arith.constant 0 : i32
      %dma_wait3A_118 = tpu.memref_slice %arg2[%dma_wait3A_116, %dma_wait3A_117] : memref<10000x32xf32, #tpu.memory_space<hbm>> -> memref<10000x32xf32, #tpu.memory_space<hbm>>
      tpu.wait_indirect_dma semaphore(%arg15 : memref<!tpu.dma_semaphore, #tpu.memory_space<semaphore_mem>>) src(%dma_wait3A_118 : memref<10000x32xf32, #tpu.memory_space<hbm>>) dst(%arg9 : memref<80x32xf32, #tpu.memory_space<vmem>>)
      %add3A_119 = arith.constant 1 : i32
      %add3A_120 = arith.addi %add3A_90, %add3A_119 : i32
      "tpu.region"() ({
        %run_scoped3A_191 = tpu.sem_alloc : memref<!tpu.dma_semaphore, #tpu.memory_space<semaphore_mem>>
        %dma_start3A_192 = arith.constant 0 : i32
        %dma_start3A_193 = tpu.memref_slice %arg7[%add3A_120, %dma_start3A_192] : memref<125x80xi32, #tpu.memory_space<vmem>> -> memref<1x80xi32, #tpu.memory_space<vmem>>
        %dma_start3A_194 = tpu.memref_squeeze %dma_start3A_193 : memref<1x80xi32, #tpu.memory_space<vmem>> -> memref<80xi32, #tpu.memory_space<vmem>>
        %dma_start3A_195 = arith.constant 0 : i32
        %dma_start3A_196 = arith.constant 0 : i32
        %dma_start3A_197 = tpu.memref_slice %arg13[%dma_start3A_195, %dma_start3A_196] : memref<10240x32xf32, #tpu.memory_space<vmem_shared>> -> memref<10240x32xf32, #tpu.memory_space<vmem_shared>>
        tpu.enqueue_indirect_dma source(%arg9 : memref<80x32xf32, #tpu.memory_space<vmem>>) target(%dma_start3A_197 : memref<10240x32xf32, #tpu.memory_space<vmem_shared>>) offsets(%dma_start3A_194 : memref<80xi32, #tpu.memory_space<vmem>>) semaphore(%run_scoped3A_191 : memref<!tpu.dma_semaphore, #tpu.memory_space<semaphore_mem>>) {add = true}
        %dma_wait3A_198 = arith.constant 0 : i32
        %dma_wait3A_199 = tpu.memref_slice %arg7[%add3A_120, %dma_wait3A_198] : memref<125x80xi32, #tpu.memory_space<vmem>> -> memref<1x80xi32, #tpu.memory_space<vmem>>
        %dma_wait3A_200 = tpu.memref_squeeze %dma_wait3A_199 : memref<1x80xi32, #tpu.memory_space<vmem>> -> memref<80xi32, #tpu.memory_space<vmem>>
        %dma_wait3A_201 = arith.constant 0 : i32
        %dma_wait3A_202 = arith.constant 0 : i32
        %dma_wait3A_203 = tpu.memref_slice %arg13[%dma_wait3A_201, %dma_wait3A_202] : memref<10240x32xf32, #tpu.memory_space<vmem_shared>> -> memref<10240x32xf32, #tpu.memory_space<vmem_shared>>
        tpu.wait_indirect_dma semaphore(%run_scoped3A_191 : memref<!tpu.dma_semaphore, #tpu.memory_space<semaphore_mem>>) src(%arg9 : memref<80x32xf32, #tpu.memory_space<vmem>>) dst(%dma_wait3A_203 : memref<10240x32xf32, #tpu.memory_space<vmem_shared>>)
        tpu.yield
      }) : () -> ()
      %add3A_121 = arith.constant 5 : i32
      %add3A_122 = arith.addi %add3A_90, %add3A_121 : i32
      %add3A_123 = arith.constant 1 : i32
      %add3A_124 = arith.addi %add3A_122, %add3A_123 : i32
      %dma_start3A_125 = arith.constant 0 : i32
      %dma_start3A_126 = tpu.memref_slice %arg6[%add3A_124, %dma_start3A_125] : memref<125x80xi32, #tpu.memory_space<vmem>> -> memref<1x80xi32, #tpu.memory_space<vmem>>
      %dma_start3A_127 = tpu.memref_squeeze %dma_start3A_126 : memref<1x80xi32, #tpu.memory_space<vmem>> -> memref<80xi32, #tpu.memory_space<vmem>>
      %dma_start3A_128 = arith.constant 0 : i32
      %dma_start3A_129 = arith.constant 0 : i32
      %dma_start3A_130 = tpu.memref_slice %arg2[%dma_start3A_128, %dma_start3A_129] : memref<10000x32xf32, #tpu.memory_space<hbm>> -> memref<10000x32xf32, #tpu.memory_space<hbm>>
      tpu.enqueue_indirect_dma source(%dma_start3A_130 : memref<10000x32xf32, #tpu.memory_space<hbm>>) target(%arg9 : memref<80x32xf32, #tpu.memory_space<vmem>>) offsets(%dma_start3A_127 : memref<80xi32, #tpu.memory_space<vmem>>) semaphore(%arg15 : memref<!tpu.dma_semaphore, #tpu.memory_space<semaphore_mem>>)
      %add3A_131 = arith.constant 2 : i32
      %add3A_132 = arith.addi %add3A_90, %add3A_131 : i32
      %dma_wait3A_133 = arith.constant 0 : i32
      %dma_wait3A_134 = tpu.memref_slice %arg6[%add3A_132, %dma_wait3A_133] : memref<125x80xi32, #tpu.memory_space<vmem>> -> memref<1x80xi32, #tpu.memory_space<vmem>>
      %dma_wait3A_135 = tpu.memref_squeeze %dma_wait3A_134 : memref<1x80xi32, #tpu.memory_space<vmem>> -> memref<80xi32, #tpu.memory_space<vmem>>
      %dma_wait3A_136 = arith.constant 0 : i32
      %dma_wait3A_137 = arith.constant 0 : i32
      %dma_wait3A_138 = tpu.memref_slice %arg2[%dma_wait3A_136, %dma_wait3A_137] : memref<10000x32xf32, #tpu.memory_space<hbm>> -> memref<10000x32xf32, #tpu.memory_space<hbm>>
      tpu.wait_indirect_dma semaphore(%arg16 : memref<!tpu.dma_semaphore, #tpu.memory_space<semaphore_mem>>) src(%dma_wait3A_138 : memref<10000x32xf32, #tpu.memory_space<hbm>>) dst(%arg10 : memref<80x32xf32, #tpu.memory_space<vmem>>)
      %add3A_139 = arith.constant 2 : i32
      %add3A_140 = arith.addi %add3A_90, %add3A_139 : i32
      "tpu.region"() ({
        %run_scoped3A_191 = tpu.sem_alloc : memref<!tpu.dma_semaphore, #tpu.memory_space<semaphore_mem>>
        %dma_start3A_192 = arith.constant 0 : i32
        %dma_start3A_193 = tpu.memref_slice %arg7[%add3A_140, %dma_start3A_192] : memref<125x80xi32, #tpu.memory_space<vmem>> -> memref<1x80xi32, #tpu.memory_space<vmem>>
        %dma_start3A_194 = tpu.memref_squeeze %dma_start3A_193 : memref<1x80xi32, #tpu.memory_space<vmem>> -> memref<80xi32, #tpu.memory_space<vmem>>
        %dma_start3A_195 = arith.constant 0 : i32
        %dma_start3A_196 = arith.constant 0 : i32
        %dma_start3A_197 = tpu.memref_slice %arg13[%dma_start3A_195, %dma_start3A_196] : memref<10240x32xf32, #tpu.memory_space<vmem_shared>> -> memref<10240x32xf32, #tpu.memory_space<vmem_shared>>
        tpu.enqueue_indirect_dma source(%arg10 : memref<80x32xf32, #tpu.memory_space<vmem>>) target(%dma_start3A_197 : memref<10240x32xf32, #tpu.memory_space<vmem_shared>>) offsets(%dma_start3A_194 : memref<80xi32, #tpu.memory_space<vmem>>) semaphore(%run_scoped3A_191 : memref<!tpu.dma_semaphore, #tpu.memory_space<semaphore_mem>>) {add = true}
        %dma_wait3A_198 = arith.constant 0 : i32
        %dma_wait3A_199 = tpu.memref_slice %arg7[%add3A_140, %dma_wait3A_198] : memref<125x80xi32, #tpu.memory_space<vmem>> -> memref<1x80xi32, #tpu.memory_space<vmem>>
        %dma_wait3A_200 = tpu.memref_squeeze %dma_wait3A_199 : memref<1x80xi32, #tpu.memory_space<vmem>> -> memref<80xi32, #tpu.memory_space<vmem>>
        %dma_wait3A_201 = arith.constant 0 : i32
        %dma_wait3A_202 = arith.constant 0 : i32
        %dma_wait3A_203 = tpu.memref_slice %arg13[%dma_wait3A_201, %dma_wait3A_202] : memref<10240x32xf32, #tpu.memory_space<vmem_shared>> -> memref<10240x32xf32, #tpu.memory_space<vmem_shared>>
        tpu.wait_indirect_dma semaphore(%run_scoped3A_191 : memref<!tpu.dma_semaphore, #tpu.memory_space<semaphore_mem>>) src(%arg10 : memref<80x32xf32, #tpu.memory_space<vmem>>) dst(%dma_wait3A_203 : memref<10240x32xf32, #tpu.memory_space<vmem_shared>>)
        tpu.yield
      }) : () -> ()
      %add3A_141 = arith.constant 5 : i32
      %add3A_142 = arith.addi %add3A_90, %add3A_141 : i32
      %add3A_143 = arith.constant 2 : i32
      %add3A_144 = arith.addi %add3A_142, %add3A_143 : i32
      %dma_start3A_145 = arith.constant 0 : i32
      %dma_start3A_146 = tpu.memref_slice %arg6[%add3A_144, %dma_start3A_145] : memref<125x80xi32, #tpu.memory_space<vmem>> -> memref<1x80xi32, #tpu.memory_space<vmem>>
      %dma_start3A_147 = tpu.memref_squeeze %dma_start3A_146 : memref<1x80xi32, #tpu.memory_space<vmem>> -> memref<80xi32, #tpu.memory_space<vmem>>
      %dma_start3A_148 = arith.constant 0 : i32
      %dma_start3A_149 = arith.constant 0 : i32
      %dma_start3A_150 = tpu.memref_slice %arg2[%dma_start3A_148, %dma_start3A_149] : memref<10000x32xf32, #tpu.memory_space<hbm>> -> memref<10000x32xf32, #tpu.memory_space<hbm>>
      tpu.enqueue_indirect_dma source(%dma_start3A_150 : memref<10000x32xf32, #tpu.memory_space<hbm>>) target(%arg10 : memref<80x32xf32, #tpu.memory_space<vmem>>) offsets(%dma_start3A_147 : memref<80xi32, #tpu.memory_space<vmem>>) semaphore(%arg16 : memref<!tpu.dma_semaphore, #tpu.memory_space<semaphore_mem>>)
      %add3A_151 = arith.constant 3 : i32
      %add3A_152 = arith.addi %add3A_90, %add3A_151 : i32
      %dma_wait3A_153 = arith.constant 0 : i32
      %dma_wait3A_154 = tpu.memref_slice %arg6[%add3A_152, %dma_wait3A_153] : memref<125x80xi32, #tpu.memory_space<vmem>> -> memref<1x80xi32, #tpu.memory_space<vmem>>
      %dma_wait3A_155 = tpu.memref_squeeze %dma_wait3A_154 : memref<1x80xi32, #tpu.memory_space<vmem>> -> memref<80xi32, #tpu.memory_space<vmem>>
      %dma_wait3A_156 = arith.constant 0 : i32
      %dma_wait3A_157 = arith.constant 0 : i32
      %dma_wait3A_158 = tpu.memref_slice %arg2[%dma_wait3A_156, %dma_wait3A_157] : memref<10000x32xf32, #tpu.memory_space<hbm>> -> memref<10000x32xf32, #tpu.memory_space<hbm>>
      tpu.wait_indirect_dma semaphore(%arg17 : memref<!tpu.dma_semaphore, #tpu.memory_space<semaphore_mem>>) src(%dma_wait3A_158 : memref<10000x32xf32, #tpu.memory_space<hbm>>) dst(%arg11 : memref<80x32xf32, #tpu.memory_space<vmem>>)
      %add3A_159 = arith.constant 3 : i32
      %add3A_160 = arith.addi %add3A_90, %add3A_159 : i32
      "tpu.region"() ({
        %run_scoped3A_191 = tpu.sem_alloc : memref<!tpu.dma_semaphore, #tpu.memory_space<semaphore_mem>>
        %dma_start3A_192 = arith.constant 0 : i32
        %dma_start3A_193 = tpu.memref_slice %arg7[%add3A_160, %dma_start3A_192] : memref<125x80xi32, #tpu.memory_space<vmem>> -> memref<1x80xi32, #tpu.memory_space<vmem>>
        %dma_start3A_194 = tpu.memref_squeeze %dma_start3A_193 : memref<1x80xi32, #tpu.memory_space<vmem>> -> memref<80xi32, #tpu.memory_space<vmem>>
        %dma_start3A_195 = arith.constant 0 : i32
        %dma_start3A_196 = arith.constant 0 : i32
        %dma_start3A_197 = tpu.memref_slice %arg13[%dma_start3A_195, %dma_start3A_196] : memref<10240x32xf32, #tpu.memory_space<vmem_shared>> -> memref<10240x32xf32, #tpu.memory_space<vmem_shared>>
        tpu.enqueue_indirect_dma source(%arg11 : memref<80x32xf32, #tpu.memory_space<vmem>>) target(%dma_start3A_197 : memref<10240x32xf32, #tpu.memory_space<vmem_shared>>) offsets(%dma_start3A_194 : memref<80xi32, #tpu.memory_space<vmem>>) semaphore(%run_scoped3A_191 : memref<!tpu.dma_semaphore, #tpu.memory_space<semaphore_mem>>) {add = true}
        %dma_wait3A_198 = arith.constant 0 : i32
        %dma_wait3A_199 = tpu.memref_slice %arg7[%add3A_160, %dma_wait3A_198] : memref<125x80xi32, #tpu.memory_space<vmem>> -> memref<1x80xi32, #tpu.memory_space<vmem>>
        %dma_wait3A_200 = tpu.memref_squeeze %dma_wait3A_199 : memref<1x80xi32, #tpu.memory_space<vmem>> -> memref<80xi32, #tpu.memory_space<vmem>>
        %dma_wait3A_201 = arith.constant 0 : i32
        %dma_wait3A_202 = arith.constant 0 : i32
        %dma_wait3A_203 = tpu.memref_slice %arg13[%dma_wait3A_201, %dma_wait3A_202] : memref<10240x32xf32, #tpu.memory_space<vmem_shared>> -> memref<10240x32xf32, #tpu.memory_space<vmem_shared>>
        tpu.wait_indirect_dma semaphore(%run_scoped3A_191 : memref<!tpu.dma_semaphore, #tpu.memory_space<semaphore_mem>>) src(%arg11 : memref<80x32xf32, #tpu.memory_space<vmem>>) dst(%dma_wait3A_203 : memref<10240x32xf32, #tpu.memory_space<vmem_shared>>)
        tpu.yield
      }) : () -> ()
      %add3A_161 = arith.constant 5 : i32
      %add3A_162 = arith.addi %add3A_90, %add3A_161 : i32
      %add3A_163 = arith.constant 3 : i32
      %add3A_164 = arith.addi %add3A_162, %add3A_163 : i32
      %dma_start3A_165 = arith.constant 0 : i32
      %dma_start3A_166 = tpu.memref_slice %arg6[%add3A_164, %dma_start3A_165] : memref<125x80xi32, #tpu.memory_space<vmem>> -> memref<1x80xi32, #tpu.memory_space<vmem>>
      %dma_start3A_167 = tpu.memref_squeeze %dma_start3A_166 : memref<1x80xi32, #tpu.memory_space<vmem>> -> memref<80xi32, #tpu.memory_space<vmem>>
      %dma_start3A_168 = arith.constant 0 : i32
      %dma_start3A_169 = arith.constant 0 : i32
      %dma_start3A_170 = tpu.memref_slice %arg2[%dma_start3A_168, %dma_start3A_169] : memref<10000x32xf32, #tpu.memory_space<hbm>> -> memref<10000x32xf32, #tpu.memory_space<hbm>>
      tpu.enqueue_indirect_dma source(%dma_start3A_170 : memref<10000x32xf32, #tpu.memory_space<hbm>>) target(%arg11 : memref<80x32xf32, #tpu.memory_space<vmem>>) offsets(%dma_start3A_167 : memref<80xi32, #tpu.memory_space<vmem>>) semaphore(%arg17 : memref<!tpu.dma_semaphore, #tpu.memory_space<semaphore_mem>>)
      %add3A_171 = arith.constant 4 : i32
      %add3A_172 = arith.addi %add3A_90, %add3A_171 : i32
      %dma_wait3A_173 = arith.constant 0 : i32
      %dma_wait3A_174 = tpu.memref_slice %arg6[%add3A_172, %dma_wait3A_173] : memref<125x80xi32, #tpu.memory_space<vmem>> -> memref<1x80xi32, #tpu.memory_space<vmem>>
      %dma_wait3A_175 = tpu.memref_squeeze %dma_wait3A_174 : memref<1x80xi32, #tpu.memory_space<vmem>> -> memref<80xi32, #tpu.memory_space<vmem>>
      %dma_wait3A_176 = arith.constant 0 : i32
      %dma_wait3A_177 = arith.constant 0 : i32
      %dma_wait3A_178 = tpu.memref_slice %arg2[%dma_wait3A_176, %dma_wait3A_177] : memref<10000x32xf32, #tpu.memory_space<hbm>> -> memref<10000x32xf32, #tpu.memory_space<hbm>>
      tpu.wait_indirect_dma semaphore(%arg18 : memref<!tpu.dma_semaphore, #tpu.memory_space<semaphore_mem>>) src(%dma_wait3A_178 : memref<10000x32xf32, #tpu.memory_space<hbm>>) dst(%arg12 : memref<80x32xf32, #tpu.memory_space<vmem>>)
      %add3A_179 = arith.constant 4 : i32
      %add3A_180 = arith.addi %add3A_90, %add3A_179 : i32
      "tpu.region"() ({
        %run_scoped3A_191 = tpu.sem_alloc : memref<!tpu.dma_semaphore, #tpu.memory_space<semaphore_mem>>
        %dma_start3A_192 = arith.constant 0 : i32
        %dma_start3A_193 = tpu.memref_slice %arg7[%add3A_180, %dma_start3A_192] : memref<125x80xi32, #tpu.memory_space<vmem>> -> memref<1x80xi32, #tpu.memory_space<vmem>>
        %dma_start3A_194 = tpu.memref_squeeze %dma_start3A_193 : memref<1x80xi32, #tpu.memory_space<vmem>> -> memref<80xi32, #tpu.memory_space<vmem>>
        %dma_start3A_195 = arith.constant 0 : i32
        %dma_start3A_196 = arith.constant 0 : i32
        %dma_start3A_197 = tpu.memref_slice %arg13[%dma_start3A_195, %dma_start3A_196] : memref<10240x32xf32, #tpu.memory_space<vmem_shared>> -> memref<10240x32xf32, #tpu.memory_space<vmem_shared>>
        tpu.enqueue_indirect_dma source(%arg12 : memref<80x32xf32, #tpu.memory_space<vmem>>) target(%dma_start3A_197 : memref<10240x32xf32, #tpu.memory_space<vmem_shared>>) offsets(%dma_start3A_194 : memref<80xi32, #tpu.memory_space<vmem>>) semaphore(%run_scoped3A_191 : memref<!tpu.dma_semaphore, #tpu.memory_space<semaphore_mem>>) {add = true}
        %dma_wait3A_198 = arith.constant 0 : i32
        %dma_wait3A_199 = tpu.memref_slice %arg7[%add3A_180, %dma_wait3A_198] : memref<125x80xi32, #tpu.memory_space<vmem>> -> memref<1x80xi32, #tpu.memory_space<vmem>>
        %dma_wait3A_200 = tpu.memref_squeeze %dma_wait3A_199 : memref<1x80xi32, #tpu.memory_space<vmem>> -> memref<80xi32, #tpu.memory_space<vmem>>
        %dma_wait3A_201 = arith.constant 0 : i32
        %dma_wait3A_202 = arith.constant 0 : i32
        %dma_wait3A_203 = tpu.memref_slice %arg13[%dma_wait3A_201, %dma_wait3A_202] : memref<10240x32xf32, #tpu.memory_space<vmem_shared>> -> memref<10240x32xf32, #tpu.memory_space<vmem_shared>>
        tpu.wait_indirect_dma semaphore(%run_scoped3A_191 : memref<!tpu.dma_semaphore, #tpu.memory_space<semaphore_mem>>) src(%arg12 : memref<80x32xf32, #tpu.memory_space<vmem>>) dst(%dma_wait3A_203 : memref<10240x32xf32, #tpu.memory_space<vmem_shared>>)
        tpu.yield
      }) : () -> ()
      %add3A_181 = arith.constant 5 : i32
      %add3A_182 = arith.addi %add3A_90, %add3A_181 : i32
      %add3A_183 = arith.constant 4 : i32
      %add3A_184 = arith.addi %add3A_182, %add3A_183 : i32
      %dma_start3A_185 = arith.constant 0 : i32
      %dma_start3A_186 = tpu.memref_slice %arg6[%add3A_184, %dma_start3A_185] : memref<125x80xi32, #tpu.memory_space<vmem>> -> memref<1x80xi32, #tpu.memory_space<vmem>>
      %dma_start3A_187 = tpu.memref_squeeze %dma_start3A_186 : memref<1x80xi32, #tpu.memory_space<vmem>> -> memref<80xi32, #tpu.memory_space<vmem>>
      %dma_start3A_188 = arith.constant 0 : i32
      %dma_start3A_189 = arith.constant 0 : i32
      %dma_start3A_190 = tpu.memref_slice %arg2[%dma_start3A_188, %dma_start3A_189] : memref<10000x32xf32, #tpu.memory_space<hbm>> -> memref<10000x32xf32, #tpu.memory_space<hbm>>
      tpu.enqueue_indirect_dma source(%dma_start3A_190 : memref<10000x32xf32, #tpu.memory_space<hbm>>) target(%arg12 : memref<80x32xf32, #tpu.memory_space<vmem>>) offsets(%dma_start3A_187 : memref<80xi32, #tpu.memory_space<vmem>>) semaphore(%arg18 : memref<!tpu.dma_semaphore, #tpu.memory_space<semaphore_mem>>)
    }
    %scan3A_41 = arith.constant 24 : i32
    %dma_wait3A = arith.constant 120 : i32
    %dma_wait3A_42 = arith.constant 0 : i32
    %dma_wait3A_43 = tpu.memref_slice %arg6[%dma_wait3A, %dma_wait3A_42] : memref<125x80xi32, #tpu.memory_space<vmem>> -> memref<1x80xi32, #tpu.memory_space<vmem>>
    %dma_wait3A_44 = tpu.memref_squeeze %dma_wait3A_43 : memref<1x80xi32, #tpu.memory_space<vmem>> -> memref<80xi32, #tpu.memory_space<vmem>>
    %dma_wait3A_45 = arith.constant 0 : i32
    %dma_wait3A_46 = arith.constant 0 : i32
    %dma_wait3A_47 = tpu.memref_slice %arg2[%dma_wait3A_45, %dma_wait3A_46] : memref<10000x32xf32, #tpu.memory_space<hbm>> -> memref<10000x32xf32, #tpu.memory_space<hbm>>
    tpu.wait_indirect_dma semaphore(%arg14 : memref<!tpu.dma_semaphore, #tpu.memory_space<semaphore_mem>>) src(%dma_wait3A_47 : memref<10000x32xf32, #tpu.memory_space<hbm>>) dst(%arg8 : memref<80x32xf32, #tpu.memory_space<vmem>>)
    %run_scoped3A_48 = arith.constant 120 : i32
    "tpu.region"() ({
      %run_scoped3A_86 = tpu.sem_alloc : memref<!tpu.dma_semaphore, #tpu.memory_space<semaphore_mem>>
      %dma_start3A_87 = arith.constant 0 : i32
      %dma_start3A_88 = tpu.memref_slice %arg7[%run_scoped3A_48, %dma_start3A_87] : memref<125x80xi32, #tpu.memory_space<vmem>> -> memref<1x80xi32, #tpu.memory_space<vmem>>
      %dma_start3A_89 = tpu.memref_squeeze %dma_start3A_88 : memref<1x80xi32, #tpu.memory_space<vmem>> -> memref<80xi32, #tpu.memory_space<vmem>>
      %dma_start3A_90 = arith.constant 0 : i32
      %dma_start3A_91 = arith.constant 0 : i32
      %dma_start3A_92 = tpu.memref_slice %arg13[%dma_start3A_90, %dma_start3A_91] : memref<10240x32xf32, #tpu.memory_space<vmem_shared>> -> memref<10240x32xf32, #tpu.memory_space<vmem_shared>>
      tpu.enqueue_indirect_dma source(%arg8 : memref<80x32xf32, #tpu.memory_space<vmem>>) target(%dma_start3A_92 : memref<10240x32xf32, #tpu.memory_space<vmem_shared>>) offsets(%dma_start3A_89 : memref<80xi32, #tpu.memory_space<vmem>>) semaphore(%run_scoped3A_86 : memref<!tpu.dma_semaphore, #tpu.memory_space<semaphore_mem>>) {add = true}
      %dma_wait3A_93 = arith.constant 0 : i32
      %dma_wait3A_94 = tpu.memref_slice %arg7[%run_scoped3A_48, %dma_wait3A_93] : memref<125x80xi32, #tpu.memory_space<vmem>> -> memref<1x80xi32, #tpu.memory_space<vmem>>
      %dma_wait3A_95 = tpu.memref_squeeze %dma_wait3A_94 : memref<1x80xi32, #tpu.memory_space<vmem>> -> memref<80xi32, #tpu.memory_space<vmem>>
      %dma_wait3A_96 = arith.constant 0 : i32
      %dma_wait3A_97 = arith.constant 0 : i32
      %dma_wait3A_98 = tpu.memref_slice %arg13[%dma_wait3A_96, %dma_wait3A_97] : memref<10240x32xf32, #tpu.memory_space<vmem_shared>> -> memref<10240x32xf32, #tpu.memory_space<vmem_shared>>
      tpu.wait_indirect_dma semaphore(%run_scoped3A_86 : memref<!tpu.dma_semaphore, #tpu.memory_space<semaphore_mem>>) src(%arg8 : memref<80x32xf32, #tpu.memory_space<vmem>>) dst(%dma_wait3A_98 : memref<10240x32xf32, #tpu.memory_space<vmem_shared>>)
      tpu.yield
    }) : () -> ()
    %dma_wait3A_49 = arith.constant 121 : i32
    %dma_wait3A_50 = arith.constant 0 : i32
    %dma_wait3A_51 = tpu.memref_slice %arg6[%dma_wait3A_49, %dma_wait3A_50] : memref<125x80xi32, #tpu.memory_space<vmem>> -> memref<1x80xi32, #tpu.memory_space<vmem>>
    %dma_wait3A_52 = tpu.memref_squeeze %dma_wait3A_51 : memref<1x80xi32, #tpu.memory_space<vmem>> -> memref<80xi32, #tpu.memory_space<vmem>>
    %dma_wait3A_53 = arith.constant 0 : i32
    %dma_wait3A_54 = arith.constant 0 : i32
    %dma_wait3A_55 = tpu.memref_slice %arg2[%dma_wait3A_53, %dma_wait3A_54] : memref<10000x32xf32, #tpu.memory_space<hbm>> -> memref<10000x32xf32, #tpu.memory_space<hbm>>
    tpu.wait_indirect_dma semaphore(%arg15 : memref<!tpu.dma_semaphore, #tpu.memory_space<semaphore_mem>>) src(%dma_wait3A_55 : memref<10000x32xf32, #tpu.memory_space<hbm>>) dst(%arg9 : memref<80x32xf32, #tpu.memory_space<vmem>>)
    %run_scoped3A_56 = arith.constant 121 : i32
    "tpu.region"() ({
      %run_scoped3A_86 = tpu.sem_alloc : memref<!tpu.dma_semaphore, #tpu.memory_space<semaphore_mem>>
      %dma_start3A_87 = arith.constant 0 : i32
      %dma_start3A_88 = tpu.memref_slice %arg7[%run_scoped3A_56, %dma_start3A_87] : memref<125x80xi32, #tpu.memory_space<vmem>> -> memref<1x80xi32, #tpu.memory_space<vmem>>
      %dma_start3A_89 = tpu.memref_squeeze %dma_start3A_88 : memref<1x80xi32, #tpu.memory_space<vmem>> -> memref<80xi32, #tpu.memory_space<vmem>>
      %dma_start3A_90 = arith.constant 0 : i32
      %dma_start3A_91 = arith.constant 0 : i32
      %dma_start3A_92 = tpu.memref_slice %arg13[%dma_start3A_90, %dma_start3A_91] : memref<10240x32xf32, #tpu.memory_space<vmem_shared>> -> memref<10240x32xf32, #tpu.memory_space<vmem_shared>>
      tpu.enqueue_indirect_dma source(%arg9 : memref<80x32xf32, #tpu.memory_space<vmem>>) target(%dma_start3A_92 : memref<10240x32xf32, #tpu.memory_space<vmem_shared>>) offsets(%dma_start3A_89 : memref<80xi32, #tpu.memory_space<vmem>>) semaphore(%run_scoped3A_86 : memref<!tpu.dma_semaphore, #tpu.memory_space<semaphore_mem>>) {add = true}
      %dma_wait3A_93 = arith.constant 0 : i32
      %dma_wait3A_94 = tpu.memref_slice %arg7[%run_scoped3A_56, %dma_wait3A_93] : memref<125x80xi32, #tpu.memory_space<vmem>> -> memref<1x80xi32, #tpu.memory_space<vmem>>
      %dma_wait3A_95 = tpu.memref_squeeze %dma_wait3A_94 : memref<1x80xi32, #tpu.memory_space<vmem>> -> memref<80xi32, #tpu.memory_space<vmem>>
      %dma_wait3A_96 = arith.constant 0 : i32
      %dma_wait3A_97 = arith.constant 0 : i32
      %dma_wait3A_98 = tpu.memref_slice %arg13[%dma_wait3A_96, %dma_wait3A_97] : memref<10240x32xf32, #tpu.memory_space<vmem_shared>> -> memref<10240x32xf32, #tpu.memory_space<vmem_shared>>
      tpu.wait_indirect_dma semaphore(%run_scoped3A_86 : memref<!tpu.dma_semaphore, #tpu.memory_space<semaphore_mem>>) src(%arg9 : memref<80x32xf32, #tpu.memory_space<vmem>>) dst(%dma_wait3A_98 : memref<10240x32xf32, #tpu.memory_space<vmem_shared>>)
      tpu.yield
    }) : () -> ()
    %dma_wait3A_57 = arith.constant 122 : i32
    %dma_wait3A_58 = arith.constant 0 : i32
    %dma_wait3A_59 = tpu.memref_slice %arg6[%dma_wait3A_57, %dma_wait3A_58] : memref<125x80xi32, #tpu.memory_space<vmem>> -> memref<1x80xi32, #tpu.memory_space<vmem>>
    %dma_wait3A_60 = tpu.memref_squeeze %dma_wait3A_59 : memref<1x80xi32, #tpu.memory_space<vmem>> -> memref<80xi32, #tpu.memory_space<vmem>>
    %dma_wait3A_61 = arith.constant 0 : i32
    %dma_wait3A_62 = arith.constant 0 : i32
    %dma_wait3A_63 = tpu.memref_slice %arg2[%dma_wait3A_61, %dma_wait3A_62] : memref<10000x32xf32, #tpu.memory_space<hbm>> -> memref<10000x32xf32, #tpu.memory_space<hbm>>
    tpu.wait_indirect_dma semaphore(%arg16 : memref<!tpu.dma_semaphore, #tpu.memory_space<semaphore_mem>>) src(%dma_wait3A_63 : memref<10000x32xf32, #tpu.memory_space<hbm>>) dst(%arg10 : memref<80x32xf32, #tpu.memory_space<vmem>>)
    %run_scoped3A_64 = arith.constant 122 : i32
    "tpu.region"() ({
      %run_scoped3A_86 = tpu.sem_alloc : memref<!tpu.dma_semaphore, #tpu.memory_space<semaphore_mem>>
      %dma_start3A_87 = arith.constant 0 : i32
      %dma_start3A_88 = tpu.memref_slice %arg7[%run_scoped3A_64, %dma_start3A_87] : memref<125x80xi32, #tpu.memory_space<vmem>> -> memref<1x80xi32, #tpu.memory_space<vmem>>
      %dma_start3A_89 = tpu.memref_squeeze %dma_start3A_88 : memref<1x80xi32, #tpu.memory_space<vmem>> -> memref<80xi32, #tpu.memory_space<vmem>>
      %dma_start3A_90 = arith.constant 0 : i32
      %dma_start3A_91 = arith.constant 0 : i32
      %dma_start3A_92 = tpu.memref_slice %arg13[%dma_start3A_90, %dma_start3A_91] : memref<10240x32xf32, #tpu.memory_space<vmem_shared>> -> memref<10240x32xf32, #tpu.memory_space<vmem_shared>>
      tpu.enqueue_indirect_dma source(%arg10 : memref<80x32xf32, #tpu.memory_space<vmem>>) target(%dma_start3A_92 : memref<10240x32xf32, #tpu.memory_space<vmem_shared>>) offsets(%dma_start3A_89 : memref<80xi32, #tpu.memory_space<vmem>>) semaphore(%run_scoped3A_86 : memref<!tpu.dma_semaphore, #tpu.memory_space<semaphore_mem>>) {add = true}
      %dma_wait3A_93 = arith.constant 0 : i32
      %dma_wait3A_94 = tpu.memref_slice %arg7[%run_scoped3A_64, %dma_wait3A_93] : memref<125x80xi32, #tpu.memory_space<vmem>> -> memref<1x80xi32, #tpu.memory_space<vmem>>
      %dma_wait3A_95 = tpu.memref_squeeze %dma_wait3A_94 : memref<1x80xi32, #tpu.memory_space<vmem>> -> memref<80xi32, #tpu.memory_space<vmem>>
      %dma_wait3A_96 = arith.constant 0 : i32
      %dma_wait3A_97 = arith.constant 0 : i32
      %dma_wait3A_98 = tpu.memref_slice %arg13[%dma_wait3A_96, %dma_wait3A_97] : memref<10240x32xf32, #tpu.memory_space<vmem_shared>> -> memref<10240x32xf32, #tpu.memory_space<vmem_shared>>
      tpu.wait_indirect_dma semaphore(%run_scoped3A_86 : memref<!tpu.dma_semaphore, #tpu.memory_space<semaphore_mem>>) src(%arg10 : memref<80x32xf32, #tpu.memory_space<vmem>>) dst(%dma_wait3A_98 : memref<10240x32xf32, #tpu.memory_space<vmem_shared>>)
      tpu.yield
    }) : () -> ()
    %dma_wait3A_65 = arith.constant 123 : i32
    %dma_wait3A_66 = arith.constant 0 : i32
    %dma_wait3A_67 = tpu.memref_slice %arg6[%dma_wait3A_65, %dma_wait3A_66] : memref<125x80xi32, #tpu.memory_space<vmem>> -> memref<1x80xi32, #tpu.memory_space<vmem>>
    %dma_wait3A_68 = tpu.memref_squeeze %dma_wait3A_67 : memref<1x80xi32, #tpu.memory_space<vmem>> -> memref<80xi32, #tpu.memory_space<vmem>>
    %dma_wait3A_69 = arith.constant 0 : i32
    %dma_wait3A_70 = arith.constant 0 : i32
    %dma_wait3A_71 = tpu.memref_slice %arg2[%dma_wait3A_69, %dma_wait3A_70] : memref<10000x32xf32, #tpu.memory_space<hbm>> -> memref<10000x32xf32, #tpu.memory_space<hbm>>
    tpu.wait_indirect_dma semaphore(%arg17 : memref<!tpu.dma_semaphore, #tpu.memory_space<semaphore_mem>>) src(%dma_wait3A_71 : memref<10000x32xf32, #tpu.memory_space<hbm>>) dst(%arg11 : memref<80x32xf32, #tpu.memory_space<vmem>>)
    %run_scoped3A_72 = arith.constant 123 : i32
    "tpu.region"() ({
      %run_scoped3A_86 = tpu.sem_alloc : memref<!tpu.dma_semaphore, #tpu.memory_space<semaphore_mem>>
      %dma_start3A_87 = arith.constant 0 : i32
      %dma_start3A_88 = tpu.memref_slice %arg7[%run_scoped3A_72, %dma_start3A_87] : memref<125x80xi32, #tpu.memory_space<vmem>> -> memref<1x80xi32, #tpu.memory_space<vmem>>
      %dma_start3A_89 = tpu.memref_squeeze %dma_start3A_88 : memref<1x80xi32, #tpu.memory_space<vmem>> -> memref<80xi32, #tpu.memory_space<vmem>>
      %dma_start3A_90 = arith.constant 0 : i32
      %dma_start3A_91 = arith.constant 0 : i32
      %dma_start3A_92 = tpu.memref_slice %arg13[%dma_start3A_90, %dma_start3A_91] : memref<10240x32xf32, #tpu.memory_space<vmem_shared>> -> memref<10240x32xf32, #tpu.memory_space<vmem_shared>>
      tpu.enqueue_indirect_dma source(%arg11 : memref<80x32xf32, #tpu.memory_space<vmem>>) target(%dma_start3A_92 : memref<10240x32xf32, #tpu.memory_space<vmem_shared>>) offsets(%dma_start3A_89 : memref<80xi32, #tpu.memory_space<vmem>>) semaphore(%run_scoped3A_86 : memref<!tpu.dma_semaphore, #tpu.memory_space<semaphore_mem>>) {add = true}
      %dma_wait3A_93 = arith.constant 0 : i32
      %dma_wait3A_94 = tpu.memref_slice %arg7[%run_scoped3A_72, %dma_wait3A_93] : memref<125x80xi32, #tpu.memory_space<vmem>> -> memref<1x80xi32, #tpu.memory_space<vmem>>
      %dma_wait3A_95 = tpu.memref_squeeze %dma_wait3A_94 : memref<1x80xi32, #tpu.memory_space<vmem>> -> memref<80xi32, #tpu.memory_space<vmem>>
      %dma_wait3A_96 = arith.constant 0 : i32
      %dma_wait3A_97 = arith.constant 0 : i32
      %dma_wait3A_98 = tpu.memref_slice %arg13[%dma_wait3A_96, %dma_wait3A_97] : memref<10240x32xf32, #tpu.memory_space<vmem_shared>> -> memref<10240x32xf32, #tpu.memory_space<vmem_shared>>
      tpu.wait_indirect_dma semaphore(%run_scoped3A_86 : memref<!tpu.dma_semaphore, #tpu.memory_space<semaphore_mem>>) src(%arg11 : memref<80x32xf32, #tpu.memory_space<vmem>>) dst(%dma_wait3A_98 : memref<10240x32xf32, #tpu.memory_space<vmem_shared>>)
      tpu.yield
    }) : () -> ()
    %dma_wait3A_73 = arith.constant 124 : i32
    %dma_wait3A_74 = arith.constant 0 : i32
    %dma_wait3A_75 = tpu.memref_slice %arg6[%dma_wait3A_73, %dma_wait3A_74] : memref<125x80xi32, #tpu.memory_space<vmem>> -> memref<1x80xi32, #tpu.memory_space<vmem>>
    %dma_wait3A_76 = tpu.memref_squeeze %dma_wait3A_75 : memref<1x80xi32, #tpu.memory_space<vmem>> -> memref<80xi32, #tpu.memory_space<vmem>>
    %dma_wait3A_77 = arith.constant 0 : i32
    %dma_wait3A_78 = arith.constant 0 : i32
    %dma_wait3A_79 = tpu.memref_slice %arg2[%dma_wait3A_77, %dma_wait3A_78] : memref<10000x32xf32, #tpu.memory_space<hbm>> -> memref<10000x32xf32, #tpu.memory_space<hbm>>
    tpu.wait_indirect_dma semaphore(%arg18 : memref<!tpu.dma_semaphore, #tpu.memory_space<semaphore_mem>>) src(%dma_wait3A_79 : memref<10000x32xf32, #tpu.memory_space<hbm>>) dst(%arg12 : memref<80x32xf32, #tpu.memory_space<vmem>>)
    %run_scoped3A_80 = arith.constant 124 : i32
    "tpu.region"() ({
      %run_scoped3A_86 = tpu.sem_alloc : memref<!tpu.dma_semaphore, #tpu.memory_space<semaphore_mem>>
      %dma_start3A_87 = arith.constant 0 : i32
      %dma_start3A_88 = tpu.memref_slice %arg7[%run_scoped3A_80, %dma_start3A_87] : memref<125x80xi32, #tpu.memory_space<vmem>> -> memref<1x80xi32, #tpu.memory_space<vmem>>
      %dma_start3A_89 = tpu.memref_squeeze %dma_start3A_88 : memref<1x80xi32, #tpu.memory_space<vmem>> -> memref<80xi32, #tpu.memory_space<vmem>>
      %dma_start3A_90 = arith.constant 0 : i32
      %dma_start3A_91 = arith.constant 0 : i32
      %dma_start3A_92 = tpu.memref_slice %arg13[%dma_start3A_90, %dma_start3A_91] : memref<10240x32xf32, #tpu.memory_space<vmem_shared>> -> memref<10240x32xf32, #tpu.memory_space<vmem_shared>>
      tpu.enqueue_indirect_dma source(%arg12 : memref<80x32xf32, #tpu.memory_space<vmem>>) target(%dma_start3A_92 : memref<10240x32xf32, #tpu.memory_space<vmem_shared>>) offsets(%dma_start3A_89 : memref<80xi32, #tpu.memory_space<vmem>>) semaphore(%run_scoped3A_86 : memref<!tpu.dma_semaphore, #tpu.memory_space<semaphore_mem>>) {add = true}
      %dma_wait3A_93 = arith.constant 0 : i32
      %dma_wait3A_94 = tpu.memref_slice %arg7[%run_scoped3A_80, %dma_wait3A_93] : memref<125x80xi32, #tpu.memory_space<vmem>> -> memref<1x80xi32, #tpu.memory_space<vmem>>
      %dma_wait3A_95 = tpu.memref_squeeze %dma_wait3A_94 : memref<1x80xi32, #tpu.memory_space<vmem>> -> memref<80xi32, #tpu.memory_space<vmem>>
      %dma_wait3A_96 = arith.constant 0 : i32
      %dma_wait3A_97 = arith.constant 0 : i32
      %dma_wait3A_98 = tpu.memref_slice %arg13[%dma_wait3A_96, %dma_wait3A_97] : memref<10240x32xf32, #tpu.memory_space<vmem_shared>> -> memref<10240x32xf32, #tpu.memory_space<vmem_shared>>
      tpu.wait_indirect_dma semaphore(%run_scoped3A_86 : memref<!tpu.dma_semaphore, #tpu.memory_space<semaphore_mem>>) src(%arg12 : memref<80x32xf32, #tpu.memory_space<vmem>>) dst(%dma_wait3A_98 : memref<10240x32xf32, #tpu.memory_space<vmem_shared>>)
      tpu.yield
    }) : () -> ()
    %barrier3A_81 = arith.constant 0 : index
    tpu.barrier barrier_id(%barrier3A_81)
    %mul3A_82 = arith.constant 640 : i32
    %mul3A_83 = arith.muli %arg1, %mul3A_82 : i32
    %mul3A_84 = arith.constant 640 : i32
    %mul3A_85 = arith.muli %arg1, %mul3A_84 : i32
    "tpu.region"() ({
      %run_scoped3A_86 = tpu.sem_alloc : memref<!tpu.dma_semaphore, #tpu.memory_space<semaphore_mem>>
      %dma_start3A_87 = arith.constant 0 : i32
      %dma_start3A_88 = tpu.memref_slice %arg5[%arg0, %mul3A_85, %dma_start3A_87] : memref<2x10240x32xf32, #tpu.memory_space<hbm>> -> memref<1x640x32xf32, #tpu.memory_space<hbm>>
      %dma_start3A_89 = tpu.memref_squeeze %dma_start3A_88 : memref<1x640x32xf32, #tpu.memory_space<hbm>> -> memref<640x32xf32, #tpu.memory_space<hbm>>
      %dma_start3A_90 = arith.constant 0 : i32
      %dma_start3A_91 = tpu.memref_slice %arg13[%mul3A_83, %dma_start3A_90] : memref<10240x32xf32, #tpu.memory_space<vmem_shared>> -> memref<640x32xf32, #tpu.memory_space<vmem_shared>>
      tpu.enqueue_dma source(%dma_start3A_91 : memref<640x32xf32, #tpu.memory_space<vmem_shared>>) target(%dma_start3A_89 : memref<640x32xf32, #tpu.memory_space<hbm>>) target_semaphore(%run_scoped3A_86 : memref<!tpu.dma_semaphore, #tpu.memory_space<semaphore_mem>>)
      %dma_wait3A_92 = arith.constant 0 : i32
      %dma_wait3A_93 = tpu.memref_slice %arg5[%arg0, %mul3A_85, %dma_wait3A_92] : memref<2x10240x32xf32, #tpu.memory_space<hbm>> -> memref<1x640x32xf32, #tpu.memory_space<hbm>>
      %dma_wait3A_94 = tpu.memref_squeeze %dma_wait3A_93 : memref<1x640x32xf32, #tpu.memory_space<hbm>> -> memref<640x32xf32, #tpu.memory_space<hbm>>
      %dma_wait3A_95 = arith.constant 0 : i32
      %dma_wait3A_96 = tpu.memref_slice %arg13[%mul3A_83, %dma_wait3A_95] : memref<10240x32xf32, #tpu.memory_space<vmem_shared>> -> memref<640x32xf32, #tpu.memory_space<vmem_shared>>
      tpu.wait_dma2 semaphore(%run_scoped3A_86 : memref<!tpu.dma_semaphore, #tpu.memory_space<semaphore_mem>>) src(%dma_wait3A_96 : memref<640x32xf32, #tpu.memory_space<vmem_shared>>) dst(%dma_wait3A_94 : memref<640x32xf32, #tpu.memory_space<hbm>>)
      tpu.yield
    }) : () -> ()
    return
  }
}

module attributes {stable_mosaic.version = 14 : i64} {
  func.func @_k0_body(%arg0: i32, %arg1: memref<2x2000x1xf32, #tpu.memory_space<vmem>>, %arg2: memref<2000x128xf32, #tpu.memory_space<vmem>>, %arg3: memref<2000x128xf32, #tpu.memory_space<vmem>>, %arg4: memref<2000x128xf32, #tpu.memory_space<vmem>>) attributes {dimension_semantics = [#tpu.dimension_semantics<arbitrary>], iteration_bounds = array<i64: 5>, scalar_prefetch = 0 : i64, scratch_operands = 0 : i64, tpu.core_type = #tpu.core_type<tc>, window_params = [{transform_indices = @transform_0, window_bounds = array<i64: 2, 2000, 1>}, {transform_indices = @transform_1, window_bounds = array<i64: 2000, 128>}, {transform_indices = @transform_2, window_bounds = array<i64: 2000, 128>}, {transform_indices = @transform_3, window_bounds = array<i64: 2000, 128>}]} {
    %get3A = arith.constant 0 : index
    %get3A_0 = arith.constant 0 : index
    %get3A_1 = arith.constant 0 : index
    %get3A_2 = vector.load %arg1[%get3A, %get3A_0, %get3A_1] : memref<2x2000x1xf32, #tpu.memory_space<vmem>>, vector<1x2000x1xf32>
    %get3A_3 = vector.shape_cast %get3A_2 : vector<1x2000x1xf32> to vector<2000x1xf32>
    %get3A_4 = arith.constant 1 : index
    %get3A_5 = arith.constant 0 : index
    %get3A_6 = arith.constant 0 : index
    %get3A_7 = vector.load %arg1[%get3A_4, %get3A_5, %get3A_6] : memref<2x2000x1xf32, #tpu.memory_space<vmem>>, vector<1x2000x1xf32>
    %get3A_8 = vector.shape_cast %get3A_7 : vector<1x2000x1xf32> to vector<2000x1xf32>
    %add3A = arith.addf %get3A_3, %get3A_8 : vector<2000x1xf32>
    %add3A_9 = arith.constant 1.000000e+00 : f32
    %add3A_10 = vector.broadcast %add3A_9 : f32 to vector<2000x1xf32>
    %add3A_11 = arith.addf %add3A, %add3A_10 : vector<2000x1xf32>
    %sqrt3A = math.sqrt %add3A_11 : vector<2000x1xf32>
    %div3A = arith.constant 1.000000e+00 : f32
    %div3A_12 = vector.broadcast %div3A : f32 to vector<2000x1xf32>
    %div3A_13 = arith.divf %div3A_12, %sqrt3A : vector<2000x1xf32>
    %broadcast_in_dim3A = vector.shape_cast %div3A_13 : vector<2000x1xf32> to vector<2000x1xf32>
    %broadcast_in_dim3A_14 = vector.broadcast %broadcast_in_dim3A : vector<2000x1xf32> to vector<2000x128xf32>
    %swap3A = arith.constant 0 : index
    %swap3A_15 = arith.constant 0 : index
    %swap3A_16 = vector.load %arg3[%swap3A, %swap3A_15] : memref<2000x128xf32, #tpu.memory_space<vmem>>, vector<2000x128xf32>
    tpu.vector_store %arg3[%swap3A, %swap3A_15], %broadcast_in_dim3A_14 {strides = array<i32>} : memref<2000x128xf32, #tpu.memory_space<vmem>>, vector<2000x128xf32>,
    %get3A_17 = arith.constant 0 : index
    %get3A_18 = arith.constant 0 : index
    %get3A_19 = vector.load %arg2[%get3A_17, %get3A_18] : memref<2000x128xf32, #tpu.memory_space<vmem>>, vector<2000x128xf32>
    %mul3A = vector.broadcast %div3A_13 : vector<2000x1xf32> to vector<2000x128xf32>
    %mul3A_20 = arith.mulf %get3A_19, %mul3A : vector<2000x128xf32>
    %swap3A_21 = arith.constant 0 : index
    %swap3A_22 = arith.constant 0 : index
    %swap3A_23 = vector.load %arg4[%swap3A_21, %swap3A_22] : memref<2000x128xf32, #tpu.memory_space<vmem>>, vector<2000x128xf32>
    tpu.vector_store %arg4[%swap3A_21, %swap3A_22], %mul3A_20 {strides = array<i32>} : memref<2000x128xf32, #tpu.memory_space<vmem>>, vector<2000x128xf32>,
    return
  }
  func.func @transform_0(%arg0: i32) -> (i32, i32, i32) {
    %c0_i32 = arith.constant 0 : i32
    %c0_i32_0 = arith.constant 0 : i32
    %c0_i32_1 = arith.constant 0 : i32
    return %c0_i32, %arg0, %c0_i32_0 : i32, i32, i32
  }
  func.func @transform_1(%arg0: i32) -> (i32, i32) {
    %c0_i32 = arith.constant 0 : i32
    %c0_i32_0 = arith.constant 0 : i32
    return %arg0, %c0_i32 : i32, i32
  }
  func.func @transform_2(%arg0: i32) -> (i32, i32) {
    %c0_i32 = arith.constant 0 : i32
    %c0_i32_0 = arith.constant 0 : i32
    return %arg0, %c0_i32 : i32, i32
  }
  func.func @transform_3(%arg0: i32) -> (i32, i32) {
    %c0_i32 = arith.constant 0 : i32
    %c0_i32_0 = arith.constant 0 : i32
    return %arg0, %c0_i32 : i32, i32
  }
}

module attributes {stable_mosaic.version = 14 : i64} {
  func.func @body(%arg0: i32, %arg1: i32, %arg2: memref<2x2000x128xf32, #tpu.memory_space<vmem>>, %arg3: memref<2000x128xf32, #tpu.memory_space<vmem>>, %arg4: memref<2000x128xf32, #tpu.memory_space<vmem>>, %arg5: memref<128x256xf32, #tpu.memory_space<vmem>>, %arg6: memref<1x256xf32, #tpu.memory_space<vmem>>, %arg7: memref<1x256xf32, #tpu.memory_space<vmem>>, %arg8: memref<1x256xf32, #tpu.memory_space<vmem>>, %arg9: memref<256x128xf32, #tpu.memory_space<vmem>>, %arg10: memref<2000x128xf32, #tpu.memory_space<vmem>>, %arg11: memref<10000x256xf32, #tpu.memory_space<vmem>>, %arg12: memref<8x256xf32, #tpu.memory_space<vmem>>) attributes {dimension_semantics = [#tpu.dimension_semantics<arbitrary>, #tpu.dimension_semantics<arbitrary>], iteration_bounds = array<i64: 2, 5>, scalar_prefetch = 0 : i64, scratch_operands = 2 : i64, tpu.core_type = #tpu.core_type<tc>, window_params = [{transform_indices = @transform_0, window_bounds = array<i64: 2, 2000, 128>}, {transform_indices = @transform_1, window_bounds = array<i64: 2000, 128>}, {transform_indices = @transform_2, window_bounds = array<i64: 2000, 128>}, {pipeline_mode = #tpu.pipeline_mode<synchronous>, transform_indices = @transform_3, window_bounds = array<i64: 128, 256>}, {pipeline_mode = #tpu.pipeline_mode<synchronous>, transform_indices = @transform_4, window_bounds = array<i64: 1, 256>}, {pipeline_mode = #tpu.pipeline_mode<synchronous>, transform_indices = @transform_5, window_bounds = array<i64: 1, 256>}, {pipeline_mode = #tpu.pipeline_mode<synchronous>, transform_indices = @transform_6, window_bounds = array<i64: 1, 256>}, {pipeline_mode = #tpu.pipeline_mode<synchronous>, transform_indices = @transform_7, window_bounds = array<i64: 256, 128>}, {transform_indices = @transform_8, window_bounds = array<i64: 2000, 128>}]} {
    %eq3A = arith.constant 0 : i32
    %eq3A_0 = arith.cmpi eq, %arg0, %eq3A : i32
    %convert_element_type3A = arith.extui %eq3A_0 : i1 to i32
    %cond3A = arith.constant 0 : i32
    %cond3A_1 = arith.cmpi ne, %convert_element_type3A, %cond3A : i32
    scf.if %cond3A_1 {
      %get3A = arith.constant 0 : index
      %get3A_7 = arith.constant 0 : index
      %get3A_8 = arith.constant 0 : index
      %get3A_9 = vector.load %arg2[%get3A, %get3A_7, %get3A_8] : memref<2x2000x128xf32, #tpu.memory_space<vmem>>, vector<1x2000x128xf32>
      %get3A_10 = vector.shape_cast %get3A_9 : vector<1x2000x128xf32> to vector<2000x128xf32>
      %get3A_11 = arith.constant 1 : index
      %get3A_12 = arith.constant 0 : index
      %get3A_13 = arith.constant 0 : index
      %get3A_14 = vector.load %arg2[%get3A_11, %get3A_12, %get3A_13] : memref<2x2000x128xf32, #tpu.memory_space<vmem>>, vector<1x2000x128xf32>
      %get3A_15 = vector.shape_cast %get3A_14 : vector<1x2000x128xf32> to vector<2000x128xf32>
      %add3A = arith.addf %get3A_10, %get3A_15 : vector<2000x128xf32>
      %get3A_16 = arith.constant 0 : index
      %get3A_17 = arith.constant 0 : index
      %get3A_18 = vector.load %arg3[%get3A_16, %get3A_17] : memref<2000x128xf32, #tpu.memory_space<vmem>>, vector<2000x128xf32>
      %add3A_19 = arith.addf %add3A, %get3A_18 : vector<2000x128xf32>
      %get3A_20 = arith.constant 0 : index
      %get3A_21 = arith.constant 0 : index
      %get3A_22 = vector.load %arg4[%get3A_20, %get3A_21] : memref<2000x128xf32, #tpu.memory_space<vmem>>, vector<2000x128xf32>
      %mul3A = arith.mulf %add3A_19, %get3A_22 : vector<2000x128xf32>
      %get3A_23 = arith.constant 0 : index
      %get3A_24 = arith.constant 0 : index
      %get3A_25 = vector.load %arg5[%get3A_23, %get3A_24] : memref<128x256xf32, #tpu.memory_space<vmem>>, vector<128x256xf32>
      %dot_general3A = arith.constant dense<0.000000e+00> : vector<2000x256xf32>
      %dot_general3A_26 = tpu.matmul %mul3A, %get3A_25, %dot_general3A {dimension_numbers = #tpu.dot_dimension_numbers<[1], [0], [0], [1], [0, 0, 1, 1], [], []>, precision = #tpu.contract_precision<fp32>, transpose_lhs_hint = false} : vector<2000x128xf32>, vector<128x256xf32>, vector<2000x256xf32> -> vector<2000x256xf32>
      %get3A_27 = arith.constant 0 : index
      %get3A_28 = arith.constant 0 : index
      %get3A_29 = vector.load %arg6[%get3A_27, %get3A_28] : memref<1x256xf32, #tpu.memory_space<vmem>>, vector<1x256xf32>
      %add3A_30 = vector.broadcast %get3A_29 : vector<1x256xf32> to vector<2000x256xf32>
      %add3A_31 = arith.addf %dot_general3A_26, %add3A_30 : vector<2000x256xf32>
      %mul3A_32 = arith.constant 2000 : i32
      %mul3A_33 = arith.muli %arg1, %mul3A_32 : i32
      %swap3A = arith.index_cast %mul3A_33 : i32 to index
      %swap3A_34 = arith.constant 0 : index
      %swap3A_35 = vector.load %arg11[%swap3A, %swap3A_34] : memref<10000x256xf32, #tpu.memory_space<vmem>>, vector<2000x256xf32>
      tpu.vector_store %arg11[%swap3A, %swap3A_34], %add3A_31 {strides = array<i32>} : memref<10000x256xf32, #tpu.memory_space<vmem>>, vector<2000x256xf32>,
      %reduce_sum3A = arith.constant dense<0.000000e+00> : vector<256xf32>
      %reduce_sum3A_36 = vector.multi_reduction <add>, %add3A_31, %reduce_sum3A [0] : vector<2000x256xf32> to vector<256xf32>
      %broadcast_in_dim3A = vector.shape_cast %reduce_sum3A_36 : vector<256xf32> to vector<1x256xf32>
      %mul3A_37 = arith.constant 5.000000e-04 : f32
      %mul3A_38 = vector.broadcast %mul3A_37 : f32 to vector<1x256xf32>
      %mul3A_39 = arith.mulf %broadcast_in_dim3A, %mul3A_38 : vector<1x256xf32>
      %sub3A = vector.broadcast %mul3A_39 : vector<1x256xf32> to vector<2000x256xf32>
      %sub3A_40 = arith.subf %add3A_31, %sub3A : vector<2000x256xf32>
      %integer_pow3A = arith.mulf %sub3A_40, %sub3A_40 : vector<2000x256xf32>
      %reduce_sum3A_41 = arith.constant dense<0.000000e+00> : vector<256xf32>
      %reduce_sum3A_42 = vector.multi_reduction <add>, %integer_pow3A, %reduce_sum3A_41 [0] : vector<2000x256xf32> to vector<256xf32>
      %broadcast_in_dim3A_43 = vector.shape_cast %reduce_sum3A_42 : vector<256xf32> to vector<1x256xf32>
      %iota3A = tpu.iota {dimensions = array<i32: 0>} : vector<8x256xi32>
      %eq3A_44 = arith.constant 1 : i32
      %eq3A_45 = vector.broadcast %eq3A_44 : i32 to vector<8x256xi32>
      %eq3A_46 = arith.cmpi eq, %iota3A, %eq3A_45 : vector<8x256xi32>
      %broadcast_in_dim3A_47 = vector.shape_cast %broadcast_in_dim3A_43 : vector<1x256xf32> to vector<1x256xf32>
      %broadcast_in_dim3A_48 = vector.broadcast %broadcast_in_dim3A_47 : vector<1x256xf32> to vector<8x256xf32>
      %jit3A = arith.constant 0.000000e+00 : f32
      %broadcast_in_dim3A_49 = vector.broadcast %jit3A : f32 to vector<8x256xf32>
      %select_n3A = arith.select %eq3A_46, %broadcast_in_dim3A_48, %broadcast_in_dim3A_49 : vector<8x256xi1>, vector<8x256xf32>
      %add3A_50 = arith.constant 2 : i32
      %add3A_51 = arith.addi %add3A_50, %arg1 : i32
      %eq3A_52 = vector.broadcast %add3A_51 : i32 to vector<8x256xi32>
      %eq3A_53 = arith.cmpi eq, %iota3A, %eq3A_52 : vector<8x256xi32>
      %broadcast_in_dim3A_54 = vector.shape_cast %mul3A_39 : vector<1x256xf32> to vector<1x256xf32>
      %broadcast_in_dim3A_55 = vector.broadcast %broadcast_in_dim3A_54 : vector<1x256xf32> to vector<8x256xf32>
      %jit3A_56 = arith.constant 0.000000e+00 : f32
      %broadcast_in_dim3A_57 = vector.broadcast %jit3A_56 : f32 to vector<8x256xf32>
      %select_n3A_58 = arith.select %eq3A_53, %broadcast_in_dim3A_55, %broadcast_in_dim3A_57 : vector<8x256xi1>, vector<8x256xf32>
      %add3A_59 = arith.addf %select_n3A, %select_n3A_58 : vector<8x256xf32>
      %eq3A_60 = arith.constant 0 : i32
      %eq3A_61 = arith.cmpi eq, %arg1, %eq3A_60 : i32
      %convert_element_type3A_62 = arith.extui %eq3A_61 : i1 to i32
      %cond3A_63 = arith.constant 0 : i32
      %cond3A_64 = arith.cmpi ne, %convert_element_type3A_62, %cond3A_63 : i32
      scf.if %cond3A_64 {
        %swap3A_69 = arith.constant 0 : index
        %swap3A_70 = arith.constant 0 : index
        %swap3A_71 = vector.load %arg12[%swap3A_69, %swap3A_70] : memref<8x256xf32, #tpu.memory_space<vmem>>, vector<8x256xf32>
        tpu.vector_store %arg12[%swap3A_69, %swap3A_70], %add3A_59 {strides = array<i32>} : memref<8x256xf32, #tpu.memory_space<vmem>>, vector<8x256xf32>,
      } else {
      }
      %gt3A = arith.constant 0 : i32
      %gt3A_65 = arith.cmpi sgt, %arg1, %gt3A : i32
      %convert_element_type3A_66 = arith.extui %gt3A_65 : i1 to i32
      %cond3A_67 = arith.constant 0 : i32
      %cond3A_68 = arith.cmpi ne, %convert_element_type3A_66, %cond3A_67 : i32
      scf.if %cond3A_68 {
        %get3A_69 = arith.constant 0 : index
        %get3A_70 = arith.constant 0 : index
        %get3A_71 = vector.load %arg12[%get3A_69, %get3A_70] : memref<8x256xf32, #tpu.memory_space<vmem>>, vector<8x256xf32>
        %add3A_72 = arith.addf %get3A_71, %add3A_59 : vector<8x256xf32>
        %swap3A_73 = arith.constant 0 : index
        %swap3A_74 = arith.constant 0 : index
        %swap3A_75 = vector.load %arg12[%swap3A_73, %swap3A_74] : memref<8x256xf32, #tpu.memory_space<vmem>>, vector<8x256xf32>
        tpu.vector_store %arg12[%swap3A_73, %swap3A_74], %add3A_72 {strides = array<i32>} : memref<8x256xf32, #tpu.memory_space<vmem>>, vector<8x256xf32>,
      } else {
      }
    } else {
    }
    %eq3A_2 = arith.constant 1 : i32
    %eq3A_3 = arith.cmpi eq, %arg0, %eq3A_2 : i32
    %convert_element_type3A_4 = arith.extui %eq3A_3 : i1 to i32
    %cond3A_5 = arith.constant 0 : i32
    %cond3A_6 = arith.cmpi ne, %convert_element_type3A_4, %cond3A_5 : i32
    scf.if %cond3A_6 {
      %mul3A = arith.constant 2000 : i32
      %mul3A_7 = arith.muli %arg1, %mul3A : i32
      %get3A = arith.index_cast %mul3A_7 : i32 to index
      %get3A_8 = arith.constant 0 : index
      %get3A_9 = vector.load %arg11[%get3A, %get3A_8] : memref<10000x256xf32, #tpu.memory_space<vmem>>, vector<2000x256xf32>
      %get3A_10 = arith.constant 2 : index
      %get3A_11 = arith.constant 0 : index
      %get3A_12 = vector.load %arg12[%get3A_10, %get3A_11] : memref<8x256xf32, #tpu.memory_space<vmem>>, vector<5x256xf32>
      %reduce_sum3A = arith.constant dense<0.000000e+00> : vector<256xf32>
      %reduce_sum3A_13 = vector.multi_reduction <add>, %get3A_12, %reduce_sum3A [0] : vector<5x256xf32> to vector<256xf32>
      %broadcast_in_dim3A = vector.shape_cast %reduce_sum3A_13 : vector<256xf32> to vector<1x256xf32>
      %div3A = arith.constant 5.000000e+00 : f32
      %div3A_14 = vector.broadcast %div3A : f32 to vector<1x256xf32>
      %div3A_15 = arith.divf %broadcast_in_dim3A, %div3A_14 : vector<1x256xf32>
      %get3A_16 = arith.constant 1 : index
      %get3A_17 = arith.constant 0 : index
      %get3A_18 = vector.load %arg12[%get3A_16, %get3A_17] : memref<8x256xf32, #tpu.memory_space<vmem>>, vector<1x256xf32>
      %sub3A = vector.broadcast %div3A_15 : vector<1x256xf32> to vector<5x256xf32>
      %sub3A_19 = arith.subf %get3A_12, %sub3A : vector<5x256xf32>
      %integer_pow3A = arith.mulf %sub3A_19, %sub3A_19 : vector<5x256xf32>
      %reduce_sum3A_20 = arith.constant dense<0.000000e+00> : vector<256xf32>
      %reduce_sum3A_21 = vector.multi_reduction <add>, %integer_pow3A, %reduce_sum3A_20 [0] : vector<5x256xf32> to vector<256xf32>
      %broadcast_in_dim3A_22 = vector.shape_cast %reduce_sum3A_21 : vector<256xf32> to vector<1x256xf32>
      %mul3A_23 = arith.constant 2.000000e+03 : f32
      %mul3A_24 = vector.broadcast %mul3A_23 : f32 to vector<1x256xf32>
      %mul3A_25 = arith.mulf %mul3A_24, %broadcast_in_dim3A_22 : vector<1x256xf32>
      %add3A = arith.addf %get3A_18, %mul3A_25 : vector<1x256xf32>
      %mul3A_26 = arith.constant 9.99999974E-5 : f32
      %mul3A_27 = vector.broadcast %mul3A_26 : f32 to vector<1x256xf32>
      %mul3A_28 = arith.mulf %add3A, %mul3A_27 : vector<1x256xf32>
      %get3A_29 = arith.constant 0 : index
      %get3A_30 = arith.constant 0 : index
      %get3A_31 = vector.load %arg7[%get3A_29, %get3A_30] : memref<1x256xf32, #tpu.memory_space<vmem>>, vector<1x256xf32>
      %add3A_32 = arith.constant 9.99999974E-6 : f32
      %add3A_33 = vector.broadcast %add3A_32 : f32 to vector<1x256xf32>
      %add3A_34 = arith.addf %mul3A_28, %add3A_33 : vector<1x256xf32>
      %sqrt3A = math.sqrt %add3A_34 : vector<1x256xf32>
      %div3A_35 = arith.divf %get3A_31, %sqrt3A : vector<1x256xf32>
      %sub3A_36 = vector.broadcast %div3A_15 : vector<1x256xf32> to vector<2000x256xf32>
      %sub3A_37 = arith.subf %get3A_9, %sub3A_36 : vector<2000x256xf32>
      %mul3A_38 = vector.broadcast %div3A_35 : vector<1x256xf32> to vector<2000x256xf32>
      %mul3A_39 = arith.mulf %sub3A_37, %mul3A_38 : vector<2000x256xf32>
      %get3A_40 = arith.constant 0 : index
      %get3A_41 = arith.constant 0 : index
      %get3A_42 = vector.load %arg8[%get3A_40, %get3A_41] : memref<1x256xf32, #tpu.memory_space<vmem>>, vector<1x256xf32>
      %add3A_43 = vector.broadcast %get3A_42 : vector<1x256xf32> to vector<2000x256xf32>
      %add3A_44 = arith.addf %mul3A_39, %add3A_43 : vector<2000x256xf32>
      %max3A = arith.constant 0.000000e+00 : f32
      %max3A_45 = vector.broadcast %max3A : f32 to vector<2000x256xf32>
      %max3A_46 = arith.maximumf %add3A_44, %max3A_45 : vector<2000x256xf32>
      %get3A_47 = arith.constant 0 : index
      %get3A_48 = arith.constant 0 : index
      %get3A_49 = vector.load %arg9[%get3A_47, %get3A_48] : memref<256x128xf32, #tpu.memory_space<vmem>>, vector<256x128xf32>
      %dot_general3A = arith.constant dense<0.000000e+00> : vector<2000x128xf32>
      %dot_general3A_50 = tpu.matmul %max3A_46, %get3A_49, %dot_general3A {dimension_numbers = #tpu.dot_dimension_numbers<[1], [0], [0], [1], [0, 0, 1, 1], [], []>, transpose_lhs_hint = false} : vector<2000x256xf32>, vector<256x128xf32>, vector<2000x128xf32> -> vector<2000x128xf32>
      %get3A_51 = arith.constant 0 : index
      %get3A_52 = arith.constant 0 : index
      %get3A_53 = vector.load %arg4[%get3A_51, %get3A_52] : memref<2000x128xf32, #tpu.memory_space<vmem>>, vector<2000x128xf32>
      %mul3A_54 = arith.mulf %dot_general3A_50, %get3A_53 : vector<2000x128xf32>
      %swap3A = arith.constant 0 : index
      %swap3A_55 = arith.constant 0 : index
      %swap3A_56 = vector.load %arg10[%swap3A, %swap3A_55] : memref<2000x128xf32, #tpu.memory_space<vmem>>, vector<2000x128xf32>
      tpu.vector_store %arg10[%swap3A, %swap3A_55], %mul3A_54 {strides = array<i32>} : memref<2000x128xf32, #tpu.memory_space<vmem>>, vector<2000x128xf32>,
    } else {
    }
    return
  }
  func.func @transform_0(%arg0: i32, %arg1: i32) -> (i32, i32, i32) {
    %c0_i32 = arith.constant 0 : i32
    %c0_i32_0 = arith.constant 0 : i32
    %c0_i32_1 = arith.constant 0 : i32
    return %c0_i32, %arg1, %c0_i32_0 : i32, i32, i32
  }
  func.func @transform_1(%arg0: i32, %arg1: i32) -> (i32, i32) {
    %c0_i32 = arith.constant 0 : i32
    %c0_i32_0 = arith.constant 0 : i32
    return %arg1, %c0_i32 : i32, i32
  }
  func.func @transform_2(%arg0: i32, %arg1: i32) -> (i32, i32) {
    %c0_i32 = arith.constant 0 : i32
    %c0_i32_0 = arith.constant 0 : i32
    return %arg1, %c0_i32 : i32, i32
  }
  func.func @transform_3(%arg0: i32, %arg1: i32) -> (i32, i32) {
    %c0_i32 = arith.constant 0 : i32
    %c0_i32_0 = arith.constant 0 : i32
    %c0_i32_1 = arith.constant 0 : i32
    return %c0_i32, %c0_i32_0 : i32, i32
  }
  func.func @transform_4(%arg0: i32, %arg1: i32) -> (i32, i32) {
    %c0_i32 = arith.constant 0 : i32
    %c0_i32_0 = arith.constant 0 : i32
    %c0_i32_1 = arith.constant 0 : i32
    return %c0_i32, %c0_i32_0 : i32, i32
  }
  func.func @transform_5(%arg0: i32, %arg1: i32) -> (i32, i32) {
    %c0_i32 = arith.constant 0 : i32
    %c0_i32_0 = arith.constant 0 : i32
    %c0_i32_1 = arith.constant 0 : i32
    return %c0_i32, %c0_i32_0 : i32, i32
  }
  func.func @transform_6(%arg0: i32, %arg1: i32) -> (i32, i32) {
    %c0_i32 = arith.constant 0 : i32
    %c0_i32_0 = arith.constant 0 : i32
    %c0_i32_1 = arith.constant 0 : i32
    return %c0_i32, %c0_i32_0 : i32, i32
  }
  func.func @transform_7(%arg0: i32, %arg1: i32) -> (i32, i32) {
    %c0_i32 = arith.constant 0 : i32
    %c0_i32_0 = arith.constant 0 : i32
    %c0_i32_1 = arith.constant 0 : i32
    return %c0_i32, %c0_i32_0 : i32, i32
  }
  func.func @transform_8(%arg0: i32, %arg1: i32) -> (i32, i32) {
    %c0_i32 = arith.constant 0 : i32
    %c0_i32_0 = arith.constant 0 : i32
    return %arg1, %c0_i32 : i32, i32
  }
}

module attributes {stable_mosaic.version = 14 : i64} {
  func.func @body(%arg0: i32, %arg1: i32, %arg2: memref<2x2000x128xf32, #tpu.memory_space<vmem>>, %arg3: memref<2000x128xf32, #tpu.memory_space<vmem>>, %arg4: memref<2000x128xf32, #tpu.memory_space<vmem>>, %arg5: memref<1x128xf32, #tpu.memory_space<vmem>>, %arg6: memref<1x128xf32, #tpu.memory_space<vmem>>, %arg7: memref<1x128xf32, #tpu.memory_space<vmem>>, %arg8: memref<128x64xf32, #tpu.memory_space<vmem>>, %arg9: memref<2000x64xf32, #tpu.memory_space<vmem>>, %arg10: memref<10000x128xf32, #tpu.memory_space<vmem>>, %arg11: memref<8x128xf32, #tpu.memory_space<vmem>>) attributes {dimension_semantics = [#tpu.dimension_semantics<arbitrary>, #tpu.dimension_semantics<arbitrary>], iteration_bounds = array<i64: 2, 5>, scalar_prefetch = 0 : i64, scratch_operands = 2 : i64, tpu.core_type = #tpu.core_type<tc>, window_params = [{transform_indices = @transform_0, window_bounds = array<i64: 2, 2000, 128>}, {transform_indices = @transform_1, window_bounds = array<i64: 2000, 128>}, {transform_indices = @transform_2, window_bounds = array<i64: 2000, 128>}, {pipeline_mode = #tpu.pipeline_mode<synchronous>, transform_indices = @transform_3, window_bounds = array<i64: 1, 128>}, {pipeline_mode = #tpu.pipeline_mode<synchronous>, transform_indices = @transform_4, window_bounds = array<i64: 1, 128>}, {pipeline_mode = #tpu.pipeline_mode<synchronous>, transform_indices = @transform_5, window_bounds = array<i64: 1, 128>}, {pipeline_mode = #tpu.pipeline_mode<synchronous>, transform_indices = @transform_6, window_bounds = array<i64: 128, 64>}, {transform_indices = @transform_7, window_bounds = array<i64: 2000, 64>}]} {
    %eq3A = arith.constant 0 : i32
    %eq3A_0 = arith.cmpi eq, %arg0, %eq3A : i32
    %convert_element_type3A = arith.extui %eq3A_0 : i1 to i32
    %cond3A = arith.constant 0 : i32
    %cond3A_1 = arith.cmpi ne, %convert_element_type3A, %cond3A : i32
    scf.if %cond3A_1 {
      %get3A = arith.constant 0 : index
      %get3A_7 = arith.constant 0 : index
      %get3A_8 = arith.constant 0 : index
      %get3A_9 = vector.load %arg2[%get3A, %get3A_7, %get3A_8] : memref<2x2000x128xf32, #tpu.memory_space<vmem>>, vector<1x2000x128xf32>
      %get3A_10 = vector.shape_cast %get3A_9 : vector<1x2000x128xf32> to vector<2000x128xf32>
      %get3A_11 = arith.constant 1 : index
      %get3A_12 = arith.constant 0 : index
      %get3A_13 = arith.constant 0 : index
      %get3A_14 = vector.load %arg2[%get3A_11, %get3A_12, %get3A_13] : memref<2x2000x128xf32, #tpu.memory_space<vmem>>, vector<1x2000x128xf32>
      %get3A_15 = vector.shape_cast %get3A_14 : vector<1x2000x128xf32> to vector<2000x128xf32>
      %add3A = arith.addf %get3A_10, %get3A_15 : vector<2000x128xf32>
      %get3A_16 = arith.constant 0 : index
      %get3A_17 = arith.constant 0 : index
      %get3A_18 = vector.load %arg3[%get3A_16, %get3A_17] : memref<2000x128xf32, #tpu.memory_space<vmem>>, vector<2000x128xf32>
      %add3A_19 = arith.addf %add3A, %get3A_18 : vector<2000x128xf32>
      %get3A_20 = arith.constant 0 : index
      %get3A_21 = arith.constant 0 : index
      %get3A_22 = vector.load %arg4[%get3A_20, %get3A_21] : memref<2000x128xf32, #tpu.memory_space<vmem>>, vector<2000x128xf32>
      %mul3A = arith.mulf %add3A_19, %get3A_22 : vector<2000x128xf32>
      %get3A_23 = arith.constant 0 : index
      %get3A_24 = arith.constant 0 : index
      %get3A_25 = vector.load %arg5[%get3A_23, %get3A_24] : memref<1x128xf32, #tpu.memory_space<vmem>>, vector<1x128xf32>
      %add3A_26 = vector.broadcast %get3A_25 : vector<1x128xf32> to vector<2000x128xf32>
      %add3A_27 = arith.addf %mul3A, %add3A_26 : vector<2000x128xf32>
      %mul3A_28 = arith.constant 2000 : i32
      %mul3A_29 = arith.muli %arg1, %mul3A_28 : i32
      %swap3A = arith.index_cast %mul3A_29 : i32 to index
      %swap3A_30 = arith.constant 0 : index
      %swap3A_31 = vector.load %arg10[%swap3A, %swap3A_30] : memref<10000x128xf32, #tpu.memory_space<vmem>>, vector<2000x128xf32>
      tpu.vector_store %arg10[%swap3A, %swap3A_30], %add3A_27 {strides = array<i32>} : memref<10000x128xf32, #tpu.memory_space<vmem>>, vector<2000x128xf32>,
      %reduce_sum3A = arith.constant dense<0.000000e+00> : vector<128xf32>
      %reduce_sum3A_32 = vector.multi_reduction <add>, %add3A_27, %reduce_sum3A [0] : vector<2000x128xf32> to vector<128xf32>
      %broadcast_in_dim3A = vector.shape_cast %reduce_sum3A_32 : vector<128xf32> to vector<1x128xf32>
      %mul3A_33 = arith.constant 5.000000e-04 : f32
      %mul3A_34 = vector.broadcast %mul3A_33 : f32 to vector<1x128xf32>
      %mul3A_35 = arith.mulf %broadcast_in_dim3A, %mul3A_34 : vector<1x128xf32>
      %sub3A = vector.broadcast %mul3A_35 : vector<1x128xf32> to vector<2000x128xf32>
      %sub3A_36 = arith.subf %add3A_27, %sub3A : vector<2000x128xf32>
      %integer_pow3A = arith.mulf %sub3A_36, %sub3A_36 : vector<2000x128xf32>
      %reduce_sum3A_37 = arith.constant dense<0.000000e+00> : vector<128xf32>
      %reduce_sum3A_38 = vector.multi_reduction <add>, %integer_pow3A, %reduce_sum3A_37 [0] : vector<2000x128xf32> to vector<128xf32>
      %broadcast_in_dim3A_39 = vector.shape_cast %reduce_sum3A_38 : vector<128xf32> to vector<1x128xf32>
      %iota3A = tpu.iota {dimensions = array<i32: 0>} : vector<8x128xi32>
      %eq3A_40 = arith.constant 1 : i32
      %eq3A_41 = vector.broadcast %eq3A_40 : i32 to vector<8x128xi32>
      %eq3A_42 = arith.cmpi eq, %iota3A, %eq3A_41 : vector<8x128xi32>
      %broadcast_in_dim3A_43 = vector.shape_cast %broadcast_in_dim3A_39 : vector<1x128xf32> to vector<1x128xf32>
      %broadcast_in_dim3A_44 = vector.broadcast %broadcast_in_dim3A_43 : vector<1x128xf32> to vector<8x128xf32>
      %jit3A = arith.constant 0.000000e+00 : f32
      %broadcast_in_dim3A_45 = vector.broadcast %jit3A : f32 to vector<8x128xf32>
      %select_n3A = arith.select %eq3A_42, %broadcast_in_dim3A_44, %broadcast_in_dim3A_45 : vector<8x128xi1>, vector<8x128xf32>
      %add3A_46 = arith.constant 2 : i32
      %add3A_47 = arith.addi %add3A_46, %arg1 : i32
      %eq3A_48 = vector.broadcast %add3A_47 : i32 to vector<8x128xi32>
      %eq3A_49 = arith.cmpi eq, %iota3A, %eq3A_48 : vector<8x128xi32>
      %broadcast_in_dim3A_50 = vector.shape_cast %mul3A_35 : vector<1x128xf32> to vector<1x128xf32>
      %broadcast_in_dim3A_51 = vector.broadcast %broadcast_in_dim3A_50 : vector<1x128xf32> to vector<8x128xf32>
      %jit3A_52 = arith.constant 0.000000e+00 : f32
      %broadcast_in_dim3A_53 = vector.broadcast %jit3A_52 : f32 to vector<8x128xf32>
      %select_n3A_54 = arith.select %eq3A_49, %broadcast_in_dim3A_51, %broadcast_in_dim3A_53 : vector<8x128xi1>, vector<8x128xf32>
      %add3A_55 = arith.addf %select_n3A, %select_n3A_54 : vector<8x128xf32>
      %eq3A_56 = arith.constant 0 : i32
      %eq3A_57 = arith.cmpi eq, %arg1, %eq3A_56 : i32
      %convert_element_type3A_58 = arith.extui %eq3A_57 : i1 to i32
      %cond3A_59 = arith.constant 0 : i32
      %cond3A_60 = arith.cmpi ne, %convert_element_type3A_58, %cond3A_59 : i32
      scf.if %cond3A_60 {
        %swap3A_65 = arith.constant 0 : index
        %swap3A_66 = arith.constant 0 : index
        %swap3A_67 = vector.load %arg11[%swap3A_65, %swap3A_66] : memref<8x128xf32, #tpu.memory_space<vmem>>, vector<8x128xf32>
        tpu.vector_store %arg11[%swap3A_65, %swap3A_66], %add3A_55 {strides = array<i32>} : memref<8x128xf32, #tpu.memory_space<vmem>>, vector<8x128xf32>,
      } else {
      }
      %gt3A = arith.constant 0 : i32
      %gt3A_61 = arith.cmpi sgt, %arg1, %gt3A : i32
      %convert_element_type3A_62 = arith.extui %gt3A_61 : i1 to i32
      %cond3A_63 = arith.constant 0 : i32
      %cond3A_64 = arith.cmpi ne, %convert_element_type3A_62, %cond3A_63 : i32
      scf.if %cond3A_64 {
        %get3A_65 = arith.constant 0 : index
        %get3A_66 = arith.constant 0 : index
        %get3A_67 = vector.load %arg11[%get3A_65, %get3A_66] : memref<8x128xf32, #tpu.memory_space<vmem>>, vector<8x128xf32>
        %add3A_68 = arith.addf %get3A_67, %add3A_55 : vector<8x128xf32>
        %swap3A_69 = arith.constant 0 : index
        %swap3A_70 = arith.constant 0 : index
        %swap3A_71 = vector.load %arg11[%swap3A_69, %swap3A_70] : memref<8x128xf32, #tpu.memory_space<vmem>>, vector<8x128xf32>
        tpu.vector_store %arg11[%swap3A_69, %swap3A_70], %add3A_68 {strides = array<i32>} : memref<8x128xf32, #tpu.memory_space<vmem>>, vector<8x128xf32>,
      } else {
      }
    } else {
    }
    %eq3A_2 = arith.constant 1 : i32
    %eq3A_3 = arith.cmpi eq, %arg0, %eq3A_2 : i32
    %convert_element_type3A_4 = arith.extui %eq3A_3 : i1 to i32
    %cond3A_5 = arith.constant 0 : i32
    %cond3A_6 = arith.cmpi ne, %convert_element_type3A_4, %cond3A_5 : i32
    scf.if %cond3A_6 {
      %mul3A = arith.constant 2000 : i32
      %mul3A_7 = arith.muli %arg1, %mul3A : i32
      %get3A = arith.index_cast %mul3A_7 : i32 to index
      %get3A_8 = arith.constant 0 : index
      %get3A_9 = vector.load %arg10[%get3A, %get3A_8] : memref<10000x128xf32, #tpu.memory_space<vmem>>, vector<2000x128xf32>
      %get3A_10 = arith.constant 2 : index
      %get3A_11 = arith.constant 0 : index
      %get3A_12 = vector.load %arg11[%get3A_10, %get3A_11] : memref<8x128xf32, #tpu.memory_space<vmem>>, vector<5x128xf32>
      %reduce_sum3A = arith.constant dense<0.000000e+00> : vector<128xf32>
      %reduce_sum3A_13 = vector.multi_reduction <add>, %get3A_12, %reduce_sum3A [0] : vector<5x128xf32> to vector<128xf32>
      %broadcast_in_dim3A = vector.shape_cast %reduce_sum3A_13 : vector<128xf32> to vector<1x128xf32>
      %div3A = arith.constant 5.000000e+00 : f32
      %div3A_14 = vector.broadcast %div3A : f32 to vector<1x128xf32>
      %div3A_15 = arith.divf %broadcast_in_dim3A, %div3A_14 : vector<1x128xf32>
      %get3A_16 = arith.constant 1 : index
      %get3A_17 = arith.constant 0 : index
      %get3A_18 = vector.load %arg11[%get3A_16, %get3A_17] : memref<8x128xf32, #tpu.memory_space<vmem>>, vector<1x128xf32>
      %sub3A = vector.broadcast %div3A_15 : vector<1x128xf32> to vector<5x128xf32>
      %sub3A_19 = arith.subf %get3A_12, %sub3A : vector<5x128xf32>
      %integer_pow3A = arith.mulf %sub3A_19, %sub3A_19 : vector<5x128xf32>
      %reduce_sum3A_20 = arith.constant dense<0.000000e+00> : vector<128xf32>
      %reduce_sum3A_21 = vector.multi_reduction <add>, %integer_pow3A, %reduce_sum3A_20 [0] : vector<5x128xf32> to vector<128xf32>
      %broadcast_in_dim3A_22 = vector.shape_cast %reduce_sum3A_21 : vector<128xf32> to vector<1x128xf32>
      %mul3A_23 = arith.constant 2.000000e+03 : f32
      %mul3A_24 = vector.broadcast %mul3A_23 : f32 to vector<1x128xf32>
      %mul3A_25 = arith.mulf %mul3A_24, %broadcast_in_dim3A_22 : vector<1x128xf32>
      %add3A = arith.addf %get3A_18, %mul3A_25 : vector<1x128xf32>
      %mul3A_26 = arith.constant 9.99999974E-5 : f32
      %mul3A_27 = vector.broadcast %mul3A_26 : f32 to vector<1x128xf32>
      %mul3A_28 = arith.mulf %add3A, %mul3A_27 : vector<1x128xf32>
      %get3A_29 = arith.constant 0 : index
      %get3A_30 = arith.constant 0 : index
      %get3A_31 = vector.load %arg6[%get3A_29, %get3A_30] : memref<1x128xf32, #tpu.memory_space<vmem>>, vector<1x128xf32>
      %add3A_32 = arith.constant 9.99999974E-6 : f32
      %add3A_33 = vector.broadcast %add3A_32 : f32 to vector<1x128xf32>
      %add3A_34 = arith.addf %mul3A_28, %add3A_33 : vector<1x128xf32>
      %sqrt3A = math.sqrt %add3A_34 : vector<1x128xf32>
      %div3A_35 = arith.divf %get3A_31, %sqrt3A : vector<1x128xf32>
      %sub3A_36 = vector.broadcast %div3A_15 : vector<1x128xf32> to vector<2000x128xf32>
      %sub3A_37 = arith.subf %get3A_9, %sub3A_36 : vector<2000x128xf32>
      %mul3A_38 = vector.broadcast %div3A_35 : vector<1x128xf32> to vector<2000x128xf32>
      %mul3A_39 = arith.mulf %sub3A_37, %mul3A_38 : vector<2000x128xf32>
      %get3A_40 = arith.constant 0 : index
      %get3A_41 = arith.constant 0 : index
      %get3A_42 = vector.load %arg7[%get3A_40, %get3A_41] : memref<1x128xf32, #tpu.memory_space<vmem>>, vector<1x128xf32>
      %add3A_43 = vector.broadcast %get3A_42 : vector<1x128xf32> to vector<2000x128xf32>
      %add3A_44 = arith.addf %mul3A_39, %add3A_43 : vector<2000x128xf32>
      %max3A = arith.constant 0.000000e+00 : f32
      %max3A_45 = vector.broadcast %max3A : f32 to vector<2000x128xf32>
      %max3A_46 = arith.maximumf %add3A_44, %max3A_45 : vector<2000x128xf32>
      %get3A_47 = arith.constant 0 : index
      %get3A_48 = arith.constant 0 : index
      %get3A_49 = vector.load %arg8[%get3A_47, %get3A_48] : memref<128x64xf32, #tpu.memory_space<vmem>>, vector<128x64xf32>
      %dot_general3A = arith.constant dense<0.000000e+00> : vector<2000x64xf32>
      %dot_general3A_50 = tpu.matmul %max3A_46, %get3A_49, %dot_general3A {dimension_numbers = #tpu.dot_dimension_numbers<[1], [0], [0], [1], [0, 0, 1, 1], [], []>, transpose_lhs_hint = false} : vector<2000x128xf32>, vector<128x64xf32>, vector<2000x64xf32> -> vector<2000x64xf32>
      %get3A_51 = arith.constant 0 : index
      %get3A_52 = arith.constant 0 : index
      %get3A_53 = vector.load %arg4[%get3A_51, %get3A_52] : memref<2000x128xf32, #tpu.memory_space<vmem>>, vector<2000x64xf32>
      %mul3A_54 = arith.mulf %dot_general3A_50, %get3A_53 : vector<2000x64xf32>
      %swap3A = arith.constant 0 : index
      %swap3A_55 = arith.constant 0 : index
      %swap3A_56 = vector.load %arg9[%swap3A, %swap3A_55] : memref<2000x64xf32, #tpu.memory_space<vmem>>, vector<2000x64xf32>
      tpu.vector_store %arg9[%swap3A, %swap3A_55], %mul3A_54 {strides = array<i32>} : memref<2000x64xf32, #tpu.memory_space<vmem>>, vector<2000x64xf32>,
    } else {
    }
    return
  }
  func.func @transform_0(%arg0: i32, %arg1: i32) -> (i32, i32, i32) {
    %c0_i32 = arith.constant 0 : i32
    %c0_i32_0 = arith.constant 0 : i32
    %c0_i32_1 = arith.constant 0 : i32
    return %c0_i32, %arg1, %c0_i32_0 : i32, i32, i32
  }
  func.func @transform_1(%arg0: i32, %arg1: i32) -> (i32, i32) {
    %c0_i32 = arith.constant 0 : i32
    %c0_i32_0 = arith.constant 0 : i32
    return %arg1, %c0_i32 : i32, i32
  }
  func.func @transform_2(%arg0: i32, %arg1: i32) -> (i32, i32) {
    %c0_i32 = arith.constant 0 : i32
    %c0_i32_0 = arith.constant 0 : i32
    return %arg1, %c0_i32 : i32, i32
  }
  func.func @transform_3(%arg0: i32, %arg1: i32) -> (i32, i32) {
    %c0_i32 = arith.constant 0 : i32
    %c0_i32_0 = arith.constant 0 : i32
    %c0_i32_1 = arith.constant 0 : i32
    return %c0_i32, %c0_i32_0 : i32, i32
  }
  func.func @transform_4(%arg0: i32, %arg1: i32) -> (i32, i32) {
    %c0_i32 = arith.constant 0 : i32
    %c0_i32_0 = arith.constant 0 : i32
    %c0_i32_1 = arith.constant 0 : i32
    return %c0_i32, %c0_i32_0 : i32, i32
  }
  func.func @transform_5(%arg0: i32, %arg1: i32) -> (i32, i32) {
    %c0_i32 = arith.constant 0 : i32
    %c0_i32_0 = arith.constant 0 : i32
    %c0_i32_1 = arith.constant 0 : i32
    return %c0_i32, %c0_i32_0 : i32, i32
  }
  func.func @transform_6(%arg0: i32, %arg1: i32) -> (i32, i32) {
    %c0_i32 = arith.constant 0 : i32
    %c0_i32_0 = arith.constant 0 : i32
    %c0_i32_1 = arith.constant 0 : i32
    return %c0_i32, %c0_i32_0 : i32, i32
  }
  func.func @transform_7(%arg0: i32, %arg1: i32) -> (i32, i32) {
    %c0_i32 = arith.constant 0 : i32
    %c0_i32_0 = arith.constant 0 : i32
    return %arg1, %c0_i32 : i32, i32
  }
}

module attributes {stable_mosaic.version = 14 : i64} {
  func.func @body(%arg0: i32, %arg1: i32, %arg2: memref<2x2000x64xf32, #tpu.memory_space<vmem>>, %arg3: memref<2000x64xf32, #tpu.memory_space<vmem>>, %arg4: memref<2000x128xf32, #tpu.memory_space<vmem>>, %arg5: memref<1x64xf32, #tpu.memory_space<vmem>>, %arg6: memref<1x64xf32, #tpu.memory_space<vmem>>, %arg7: memref<1x64xf32, #tpu.memory_space<vmem>>, %arg8: memref<64x32xf32, #tpu.memory_space<vmem>>, %arg9: memref<2000x32xf32, #tpu.memory_space<vmem>>, %arg10: memref<10000x64xf32, #tpu.memory_space<vmem>>, %arg11: memref<8x64xf32, #tpu.memory_space<vmem>>) attributes {dimension_semantics = [#tpu.dimension_semantics<arbitrary>, #tpu.dimension_semantics<arbitrary>], iteration_bounds = array<i64: 2, 5>, scalar_prefetch = 0 : i64, scratch_operands = 2 : i64, tpu.core_type = #tpu.core_type<tc>, window_params = [{transform_indices = @transform_0, window_bounds = array<i64: 2, 2000, 64>}, {transform_indices = @transform_1, window_bounds = array<i64: 2000, 64>}, {transform_indices = @transform_2, window_bounds = array<i64: 2000, 128>}, {pipeline_mode = #tpu.pipeline_mode<synchronous>, transform_indices = @transform_3, window_bounds = array<i64: 1, 64>}, {pipeline_mode = #tpu.pipeline_mode<synchronous>, transform_indices = @transform_4, window_bounds = array<i64: 1, 64>}, {pipeline_mode = #tpu.pipeline_mode<synchronous>, transform_indices = @transform_5, window_bounds = array<i64: 1, 64>}, {pipeline_mode = #tpu.pipeline_mode<synchronous>, transform_indices = @transform_6, window_bounds = array<i64: 64, 32>}, {transform_indices = @transform_7, window_bounds = array<i64: 2000, 32>}]} {
    %eq3A = arith.constant 0 : i32
    %eq3A_0 = arith.cmpi eq, %arg0, %eq3A : i32
    %convert_element_type3A = arith.extui %eq3A_0 : i1 to i32
    %cond3A = arith.constant 0 : i32
    %cond3A_1 = arith.cmpi ne, %convert_element_type3A, %cond3A : i32
    scf.if %cond3A_1 {
      %get3A = arith.constant 0 : index
      %get3A_7 = arith.constant 0 : index
      %get3A_8 = arith.constant 0 : index
      %get3A_9 = vector.load %arg2[%get3A, %get3A_7, %get3A_8] : memref<2x2000x64xf32, #tpu.memory_space<vmem>>, vector<1x2000x64xf32>
      %get3A_10 = vector.shape_cast %get3A_9 : vector<1x2000x64xf32> to vector<2000x64xf32>
      %get3A_11 = arith.constant 1 : index
      %get3A_12 = arith.constant 0 : index
      %get3A_13 = arith.constant 0 : index
      %get3A_14 = vector.load %arg2[%get3A_11, %get3A_12, %get3A_13] : memref<2x2000x64xf32, #tpu.memory_space<vmem>>, vector<1x2000x64xf32>
      %get3A_15 = vector.shape_cast %get3A_14 : vector<1x2000x64xf32> to vector<2000x64xf32>
      %add3A = arith.addf %get3A_10, %get3A_15 : vector<2000x64xf32>
      %get3A_16 = arith.constant 0 : index
      %get3A_17 = arith.constant 0 : index
      %get3A_18 = vector.load %arg3[%get3A_16, %get3A_17] : memref<2000x64xf32, #tpu.memory_space<vmem>>, vector<2000x64xf32>
      %add3A_19 = arith.addf %add3A, %get3A_18 : vector<2000x64xf32>
      %get3A_20 = arith.constant 0 : index
      %get3A_21 = arith.constant 0 : index
      %get3A_22 = vector.load %arg4[%get3A_20, %get3A_21] : memref<2000x128xf32, #tpu.memory_space<vmem>>, vector<2000x64xf32>
      %mul3A = arith.mulf %add3A_19, %get3A_22 : vector<2000x64xf32>
      %get3A_23 = arith.constant 0 : index
      %get3A_24 = arith.constant 0 : index
      %get3A_25 = vector.load %arg5[%get3A_23, %get3A_24] : memref<1x64xf32, #tpu.memory_space<vmem>>, vector<1x64xf32>
      %add3A_26 = vector.broadcast %get3A_25 : vector<1x64xf32> to vector<2000x64xf32>
      %add3A_27 = arith.addf %mul3A, %add3A_26 : vector<2000x64xf32>
      %mul3A_28 = arith.constant 2000 : i32
      %mul3A_29 = arith.muli %arg1, %mul3A_28 : i32
      %swap3A = arith.index_cast %mul3A_29 : i32 to index
      %swap3A_30 = arith.constant 0 : index
      %swap3A_31 = vector.load %arg10[%swap3A, %swap3A_30] : memref<10000x64xf32, #tpu.memory_space<vmem>>, vector<2000x64xf32>
      tpu.vector_store %arg10[%swap3A, %swap3A_30], %add3A_27 {strides = array<i32>} : memref<10000x64xf32, #tpu.memory_space<vmem>>, vector<2000x64xf32>,
      %reduce_sum3A = arith.constant dense<0.000000e+00> : vector<64xf32>
      %reduce_sum3A_32 = vector.multi_reduction <add>, %add3A_27, %reduce_sum3A [0] : vector<2000x64xf32> to vector<64xf32>
      %broadcast_in_dim3A = vector.shape_cast %reduce_sum3A_32 : vector<64xf32> to vector<1x64xf32>
      %mul3A_33 = arith.constant 5.000000e-04 : f32
      %mul3A_34 = vector.broadcast %mul3A_33 : f32 to vector<1x64xf32>
      %mul3A_35 = arith.mulf %broadcast_in_dim3A, %mul3A_34 : vector<1x64xf32>
      %sub3A = vector.broadcast %mul3A_35 : vector<1x64xf32> to vector<2000x64xf32>
      %sub3A_36 = arith.subf %add3A_27, %sub3A : vector<2000x64xf32>
      %integer_pow3A = arith.mulf %sub3A_36, %sub3A_36 : vector<2000x64xf32>
      %reduce_sum3A_37 = arith.constant dense<0.000000e+00> : vector<64xf32>
      %reduce_sum3A_38 = vector.multi_reduction <add>, %integer_pow3A, %reduce_sum3A_37 [0] : vector<2000x64xf32> to vector<64xf32>
      %broadcast_in_dim3A_39 = vector.shape_cast %reduce_sum3A_38 : vector<64xf32> to vector<1x64xf32>
      %iota3A = tpu.iota {dimensions = array<i32: 0>} : vector<8x64xi32>
      %eq3A_40 = arith.constant 1 : i32
      %eq3A_41 = vector.broadcast %eq3A_40 : i32 to vector<8x64xi32>
      %eq3A_42 = arith.cmpi eq, %iota3A, %eq3A_41 : vector<8x64xi32>
      %broadcast_in_dim3A_43 = vector.shape_cast %broadcast_in_dim3A_39 : vector<1x64xf32> to vector<1x64xf32>
      %broadcast_in_dim3A_44 = vector.broadcast %broadcast_in_dim3A_43 : vector<1x64xf32> to vector<8x64xf32>
      %jit3A = arith.constant 0.000000e+00 : f32
      %broadcast_in_dim3A_45 = vector.broadcast %jit3A : f32 to vector<8x64xf32>
      %select_n3A = arith.select %eq3A_42, %broadcast_in_dim3A_44, %broadcast_in_dim3A_45 : vector<8x64xi1>, vector<8x64xf32>
      %add3A_46 = arith.constant 2 : i32
      %add3A_47 = arith.addi %add3A_46, %arg1 : i32
      %eq3A_48 = vector.broadcast %add3A_47 : i32 to vector<8x64xi32>
      %eq3A_49 = arith.cmpi eq, %iota3A, %eq3A_48 : vector<8x64xi32>
      %broadcast_in_dim3A_50 = vector.shape_cast %mul3A_35 : vector<1x64xf32> to vector<1x64xf32>
      %broadcast_in_dim3A_51 = vector.broadcast %broadcast_in_dim3A_50 : vector<1x64xf32> to vector<8x64xf32>
      %jit3A_52 = arith.constant 0.000000e+00 : f32
      %broadcast_in_dim3A_53 = vector.broadcast %jit3A_52 : f32 to vector<8x64xf32>
      %select_n3A_54 = arith.select %eq3A_49, %broadcast_in_dim3A_51, %broadcast_in_dim3A_53 : vector<8x64xi1>, vector<8x64xf32>
      %add3A_55 = arith.addf %select_n3A, %select_n3A_54 : vector<8x64xf32>
      %eq3A_56 = arith.constant 0 : i32
      %eq3A_57 = arith.cmpi eq, %arg1, %eq3A_56 : i32
      %convert_element_type3A_58 = arith.extui %eq3A_57 : i1 to i32
      %cond3A_59 = arith.constant 0 : i32
      %cond3A_60 = arith.cmpi ne, %convert_element_type3A_58, %cond3A_59 : i32
      scf.if %cond3A_60 {
        %swap3A_65 = arith.constant 0 : index
        %swap3A_66 = arith.constant 0 : index
        %swap3A_67 = vector.load %arg11[%swap3A_65, %swap3A_66] : memref<8x64xf32, #tpu.memory_space<vmem>>, vector<8x64xf32>
        tpu.vector_store %arg11[%swap3A_65, %swap3A_66], %add3A_55 {strides = array<i32>} : memref<8x64xf32, #tpu.memory_space<vmem>>, vector<8x64xf32>,
      } else {
      }
      %gt3A = arith.constant 0 : i32
      %gt3A_61 = arith.cmpi sgt, %arg1, %gt3A : i32
      %convert_element_type3A_62 = arith.extui %gt3A_61 : i1 to i32
      %cond3A_63 = arith.constant 0 : i32
      %cond3A_64 = arith.cmpi ne, %convert_element_type3A_62, %cond3A_63 : i32
      scf.if %cond3A_64 {
        %get3A_65 = arith.constant 0 : index
        %get3A_66 = arith.constant 0 : index
        %get3A_67 = vector.load %arg11[%get3A_65, %get3A_66] : memref<8x64xf32, #tpu.memory_space<vmem>>, vector<8x64xf32>
        %add3A_68 = arith.addf %get3A_67, %add3A_55 : vector<8x64xf32>
        %swap3A_69 = arith.constant 0 : index
        %swap3A_70 = arith.constant 0 : index
        %swap3A_71 = vector.load %arg11[%swap3A_69, %swap3A_70] : memref<8x64xf32, #tpu.memory_space<vmem>>, vector<8x64xf32>
        tpu.vector_store %arg11[%swap3A_69, %swap3A_70], %add3A_68 {strides = array<i32>} : memref<8x64xf32, #tpu.memory_space<vmem>>, vector<8x64xf32>,
      } else {
      }
    } else {
    }
    %eq3A_2 = arith.constant 1 : i32
    %eq3A_3 = arith.cmpi eq, %arg0, %eq3A_2 : i32
    %convert_element_type3A_4 = arith.extui %eq3A_3 : i1 to i32
    %cond3A_5 = arith.constant 0 : i32
    %cond3A_6 = arith.cmpi ne, %convert_element_type3A_4, %cond3A_5 : i32
    scf.if %cond3A_6 {
      %mul3A = arith.constant 2000 : i32
      %mul3A_7 = arith.muli %arg1, %mul3A : i32
      %get3A = arith.index_cast %mul3A_7 : i32 to index
      %get3A_8 = arith.constant 0 : index
      %get3A_9 = vector.load %arg10[%get3A, %get3A_8] : memref<10000x64xf32, #tpu.memory_space<vmem>>, vector<2000x64xf32>
      %get3A_10 = arith.constant 2 : index
      %get3A_11 = arith.constant 0 : index
      %get3A_12 = vector.load %arg11[%get3A_10, %get3A_11] : memref<8x64xf32, #tpu.memory_space<vmem>>, vector<5x64xf32>
      %reduce_sum3A = arith.constant dense<0.000000e+00> : vector<64xf32>
      %reduce_sum3A_13 = vector.multi_reduction <add>, %get3A_12, %reduce_sum3A [0] : vector<5x64xf32> to vector<64xf32>
      %broadcast_in_dim3A = vector.shape_cast %reduce_sum3A_13 : vector<64xf32> to vector<1x64xf32>
      %div3A = arith.constant 5.000000e+00 : f32
      %div3A_14 = vector.broadcast %div3A : f32 to vector<1x64xf32>
      %div3A_15 = arith.divf %broadcast_in_dim3A, %div3A_14 : vector<1x64xf32>
      %get3A_16 = arith.constant 1 : index
      %get3A_17 = arith.constant 0 : index
      %get3A_18 = vector.load %arg11[%get3A_16, %get3A_17] : memref<8x64xf32, #tpu.memory_space<vmem>>, vector<1x64xf32>
      %sub3A = vector.broadcast %div3A_15 : vector<1x64xf32> to vector<5x64xf32>
      %sub3A_19 = arith.subf %get3A_12, %sub3A : vector<5x64xf32>
      %integer_pow3A = arith.mulf %sub3A_19, %sub3A_19 : vector<5x64xf32>
      %reduce_sum3A_20 = arith.constant dense<0.000000e+00> : vector<64xf32>
      %reduce_sum3A_21 = vector.multi_reduction <add>, %integer_pow3A, %reduce_sum3A_20 [0] : vector<5x64xf32> to vector<64xf32>
      %broadcast_in_dim3A_22 = vector.shape_cast %reduce_sum3A_21 : vector<64xf32> to vector<1x64xf32>
      %mul3A_23 = arith.constant 2.000000e+03 : f32
      %mul3A_24 = vector.broadcast %mul3A_23 : f32 to vector<1x64xf32>
      %mul3A_25 = arith.mulf %mul3A_24, %broadcast_in_dim3A_22 : vector<1x64xf32>
      %add3A = arith.addf %get3A_18, %mul3A_25 : vector<1x64xf32>
      %mul3A_26 = arith.constant 9.99999974E-5 : f32
      %mul3A_27 = vector.broadcast %mul3A_26 : f32 to vector<1x64xf32>
      %mul3A_28 = arith.mulf %add3A, %mul3A_27 : vector<1x64xf32>
      %get3A_29 = arith.constant 0 : index
      %get3A_30 = arith.constant 0 : index
      %get3A_31 = vector.load %arg6[%get3A_29, %get3A_30] : memref<1x64xf32, #tpu.memory_space<vmem>>, vector<1x64xf32>
      %add3A_32 = arith.constant 9.99999974E-6 : f32
      %add3A_33 = vector.broadcast %add3A_32 : f32 to vector<1x64xf32>
      %add3A_34 = arith.addf %mul3A_28, %add3A_33 : vector<1x64xf32>
      %sqrt3A = math.sqrt %add3A_34 : vector<1x64xf32>
      %div3A_35 = arith.divf %get3A_31, %sqrt3A : vector<1x64xf32>
      %sub3A_36 = vector.broadcast %div3A_15 : vector<1x64xf32> to vector<2000x64xf32>
      %sub3A_37 = arith.subf %get3A_9, %sub3A_36 : vector<2000x64xf32>
      %mul3A_38 = vector.broadcast %div3A_35 : vector<1x64xf32> to vector<2000x64xf32>
      %mul3A_39 = arith.mulf %sub3A_37, %mul3A_38 : vector<2000x64xf32>
      %get3A_40 = arith.constant 0 : index
      %get3A_41 = arith.constant 0 : index
      %get3A_42 = vector.load %arg7[%get3A_40, %get3A_41] : memref<1x64xf32, #tpu.memory_space<vmem>>, vector<1x64xf32>
      %add3A_43 = vector.broadcast %get3A_42 : vector<1x64xf32> to vector<2000x64xf32>
      %add3A_44 = arith.addf %mul3A_39, %add3A_43 : vector<2000x64xf32>
      %max3A = arith.constant 0.000000e+00 : f32
      %max3A_45 = vector.broadcast %max3A : f32 to vector<2000x64xf32>
      %max3A_46 = arith.maximumf %add3A_44, %max3A_45 : vector<2000x64xf32>
      %get3A_47 = arith.constant 0 : index
      %get3A_48 = arith.constant 0 : index
      %get3A_49 = vector.load %arg8[%get3A_47, %get3A_48] : memref<64x32xf32, #tpu.memory_space<vmem>>, vector<64x32xf32>
      %dot_general3A = arith.constant dense<0.000000e+00> : vector<2000x32xf32>
      %dot_general3A_50 = tpu.matmul %max3A_46, %get3A_49, %dot_general3A {dimension_numbers = #tpu.dot_dimension_numbers<[1], [0], [0], [1], [0, 0, 1, 1], [], []>, transpose_lhs_hint = false} : vector<2000x64xf32>, vector<64x32xf32>, vector<2000x32xf32> -> vector<2000x32xf32>
      %get3A_51 = arith.constant 0 : index
      %get3A_52 = arith.constant 0 : index
      %get3A_53 = vector.load %arg4[%get3A_51, %get3A_52] : memref<2000x128xf32, #tpu.memory_space<vmem>>, vector<2000x32xf32>
      %mul3A_54 = arith.mulf %dot_general3A_50, %get3A_53 : vector<2000x32xf32>
      %swap3A = arith.constant 0 : index
      %swap3A_55 = arith.constant 0 : index
      %swap3A_56 = vector.load %arg9[%swap3A, %swap3A_55] : memref<2000x32xf32, #tpu.memory_space<vmem>>, vector<2000x32xf32>
      tpu.vector_store %arg9[%swap3A, %swap3A_55], %mul3A_54 {strides = array<i32>} : memref<2000x32xf32, #tpu.memory_space<vmem>>, vector<2000x32xf32>,
    } else {
    }
    return
  }
  func.func @transform_0(%arg0: i32, %arg1: i32) -> (i32, i32, i32) {
    %c0_i32 = arith.constant 0 : i32
    %c0_i32_0 = arith.constant 0 : i32
    %c0_i32_1 = arith.constant 0 : i32
    return %c0_i32, %arg1, %c0_i32_0 : i32, i32, i32
  }
  func.func @transform_1(%arg0: i32, %arg1: i32) -> (i32, i32) {
    %c0_i32 = arith.constant 0 : i32
    %c0_i32_0 = arith.constant 0 : i32
    return %arg1, %c0_i32 : i32, i32
  }
  func.func @transform_2(%arg0: i32, %arg1: i32) -> (i32, i32) {
    %c0_i32 = arith.constant 0 : i32
    %c0_i32_0 = arith.constant 0 : i32
    return %arg1, %c0_i32 : i32, i32
  }
  func.func @transform_3(%arg0: i32, %arg1: i32) -> (i32, i32) {
    %c0_i32 = arith.constant 0 : i32
    %c0_i32_0 = arith.constant 0 : i32
    %c0_i32_1 = arith.constant 0 : i32
    return %c0_i32, %c0_i32_0 : i32, i32
  }
  func.func @transform_4(%arg0: i32, %arg1: i32) -> (i32, i32) {
    %c0_i32 = arith.constant 0 : i32
    %c0_i32_0 = arith.constant 0 : i32
    %c0_i32_1 = arith.constant 0 : i32
    return %c0_i32, %c0_i32_0 : i32, i32
  }
  func.func @transform_5(%arg0: i32, %arg1: i32) -> (i32, i32) {
    %c0_i32 = arith.constant 0 : i32
    %c0_i32_0 = arith.constant 0 : i32
    %c0_i32_1 = arith.constant 0 : i32
    return %c0_i32, %c0_i32_0 : i32, i32
  }
  func.func @transform_6(%arg0: i32, %arg1: i32) -> (i32, i32) {
    %c0_i32 = arith.constant 0 : i32
    %c0_i32_0 = arith.constant 0 : i32
    %c0_i32_1 = arith.constant 0 : i32
    return %c0_i32, %c0_i32_0 : i32, i32
  }
  func.func @transform_7(%arg0: i32, %arg1: i32) -> (i32, i32) {
    %c0_i32 = arith.constant 0 : i32
    %c0_i32_0 = arith.constant 0 : i32
    return %arg1, %c0_i32 : i32, i32
  }
}

module attributes {stable_mosaic.version = 14 : i64} {
  func.func @_pool_body(%arg0: i32, %arg1: i32, %arg2: memref<2x2000x32xf32, #tpu.memory_space<vmem>>, %arg3: memref<2000x32xf32, #tpu.memory_space<vmem>>, %arg4: memref<2000x128xf32, #tpu.memory_space<vmem>>, %arg5: memref<1x32xf32, #tpu.memory_space<vmem>>, %arg6: memref<1x32xf32, #tpu.memory_space<vmem>>, %arg7: memref<1x32xf32, #tpu.memory_space<vmem>>, %arg8: memref<1x1x2000xi32, #tpu.memory_space<vmem>>, %arg9: memref<32x1xf32, #tpu.memory_space<vmem>>, %arg10: memref<1x1xf32, #tpu.memory_space<vmem>>, %arg11: memref<64x1xf32, #tpu.memory_space<vmem>>, %arg12: memref<10000x32xf32, #tpu.memory_space<vmem>>, %arg13: memref<8x32xf32, #tpu.memory_space<vmem>>, %arg14: memref<64x32xf32, #tpu.memory_space<vmem>>, %arg15: memref<64x1xf32, #tpu.memory_space<vmem>>) attributes {dimension_semantics = [#tpu.dimension_semantics<arbitrary>, #tpu.dimension_semantics<arbitrary>], iteration_bounds = array<i64: 2, 5>, scalar_prefetch = 0 : i64, scratch_operands = 4 : i64, tpu.core_type = #tpu.core_type<tc>, window_params = [{transform_indices = @transform_0, window_bounds = array<i64: 2, 2000, 32>}, {transform_indices = @transform_1, window_bounds = array<i64: 2000, 32>}, {transform_indices = @transform_2, window_bounds = array<i64: 2000, 128>}, {pipeline_mode = #tpu.pipeline_mode<synchronous>, transform_indices = @transform_3, window_bounds = array<i64: 1, 32>}, {pipeline_mode = #tpu.pipeline_mode<synchronous>, transform_indices = @transform_4, window_bounds = array<i64: 1, 32>}, {pipeline_mode = #tpu.pipeline_mode<synchronous>, transform_indices = @transform_5, window_bounds = array<i64: 1, 32>}, {transform_indices = @transform_6, window_bounds = array<i64: 1, 1, 2000>}, {pipeline_mode = #tpu.pipeline_mode<synchronous>, transform_indices = @transform_7, window_bounds = array<i64: 32, 1>}, {pipeline_mode = #tpu.pipeline_mode<synchronous>, transform_indices = @transform_8, window_bounds = array<i64: 1, 1>}, {pipeline_mode = #tpu.pipeline_mode<synchronous>, transform_indices = @transform_9, window_bounds = array<i64: 64, 1>}]} {
    %eq3A = arith.constant 0 : i32
    %eq3A_0 = arith.cmpi eq, %arg0, %eq3A : i32
    %convert_element_type3A = arith.extui %eq3A_0 : i1 to i32
    %cond3A = arith.constant 0 : i32
    %cond3A_1 = arith.cmpi ne, %convert_element_type3A, %cond3A : i32
    scf.if %cond3A_1 {
      %get3A = arith.constant 0 : index
      %get3A_7 = arith.constant 0 : index
      %get3A_8 = arith.constant 0 : index
      %get3A_9 = vector.load %arg2[%get3A, %get3A_7, %get3A_8] : memref<2x2000x32xf32, #tpu.memory_space<vmem>>, vector<1x2000x32xf32>
      %get3A_10 = vector.shape_cast %get3A_9 : vector<1x2000x32xf32> to vector<2000x32xf32>
      %get3A_11 = arith.constant 1 : index
      %get3A_12 = arith.constant 0 : index
      %get3A_13 = arith.constant 0 : index
      %get3A_14 = vector.load %arg2[%get3A_11, %get3A_12, %get3A_13] : memref<2x2000x32xf32, #tpu.memory_space<vmem>>, vector<1x2000x32xf32>
      %get3A_15 = vector.shape_cast %get3A_14 : vector<1x2000x32xf32> to vector<2000x32xf32>
      %add3A = arith.addf %get3A_10, %get3A_15 : vector<2000x32xf32>
      %get3A_16 = arith.constant 0 : index
      %get3A_17 = arith.constant 0 : index
      %get3A_18 = vector.load %arg3[%get3A_16, %get3A_17] : memref<2000x32xf32, #tpu.memory_space<vmem>>, vector<2000x32xf32>
      %add3A_19 = arith.addf %add3A, %get3A_18 : vector<2000x32xf32>
      %get3A_20 = arith.constant 0 : index
      %get3A_21 = arith.constant 0 : index
      %get3A_22 = vector.load %arg4[%get3A_20, %get3A_21] : memref<2000x128xf32, #tpu.memory_space<vmem>>, vector<2000x32xf32>
      %mul3A = arith.mulf %add3A_19, %get3A_22 : vector<2000x32xf32>
      %get3A_23 = arith.constant 0 : index
      %get3A_24 = arith.constant 0 : index
      %get3A_25 = vector.load %arg5[%get3A_23, %get3A_24] : memref<1x32xf32, #tpu.memory_space<vmem>>, vector<1x32xf32>
      %add3A_26 = vector.broadcast %get3A_25 : vector<1x32xf32> to vector<2000x32xf32>
      %add3A_27 = arith.addf %mul3A, %add3A_26 : vector<2000x32xf32>
      %mul3A_28 = arith.constant 2000 : i32
      %mul3A_29 = arith.muli %arg1, %mul3A_28 : i32
      %swap3A = arith.index_cast %mul3A_29 : i32 to index
      %swap3A_30 = arith.constant 0 : index
      %swap3A_31 = vector.load %arg12[%swap3A, %swap3A_30] : memref<10000x32xf32, #tpu.memory_space<vmem>>, vector<2000x32xf32>
      tpu.vector_store %arg12[%swap3A, %swap3A_30], %add3A_27 {strides = array<i32>} : memref<10000x32xf32, #tpu.memory_space<vmem>>, vector<2000x32xf32>,
      %reduce_sum3A = arith.constant dense<0.000000e+00> : vector<32xf32>
      %reduce_sum3A_32 = vector.multi_reduction <add>, %add3A_27, %reduce_sum3A [0] : vector<2000x32xf32> to vector<32xf32>
      %broadcast_in_dim3A = vector.shape_cast %reduce_sum3A_32 : vector<32xf32> to vector<1x32xf32>
      %mul3A_33 = arith.constant 5.000000e-04 : f32
      %mul3A_34 = vector.broadcast %mul3A_33 : f32 to vector<1x32xf32>
      %mul3A_35 = arith.mulf %broadcast_in_dim3A, %mul3A_34 : vector<1x32xf32>
      %sub3A = vector.broadcast %mul3A_35 : vector<1x32xf32> to vector<2000x32xf32>
      %sub3A_36 = arith.subf %add3A_27, %sub3A : vector<2000x32xf32>
      %integer_pow3A = arith.mulf %sub3A_36, %sub3A_36 : vector<2000x32xf32>
      %reduce_sum3A_37 = arith.constant dense<0.000000e+00> : vector<32xf32>
      %reduce_sum3A_38 = vector.multi_reduction <add>, %integer_pow3A, %reduce_sum3A_37 [0] : vector<2000x32xf32> to vector<32xf32>
      %broadcast_in_dim3A_39 = vector.shape_cast %reduce_sum3A_38 : vector<32xf32> to vector<1x32xf32>
      %iota3A = tpu.iota {dimensions = array<i32: 0>} : vector<8x32xi32>
      %eq3A_40 = arith.constant 1 : i32
      %eq3A_41 = vector.broadcast %eq3A_40 : i32 to vector<8x32xi32>
      %eq3A_42 = arith.cmpi eq, %iota3A, %eq3A_41 : vector<8x32xi32>
      %broadcast_in_dim3A_43 = vector.shape_cast %broadcast_in_dim3A_39 : vector<1x32xf32> to vector<1x32xf32>
      %broadcast_in_dim3A_44 = vector.broadcast %broadcast_in_dim3A_43 : vector<1x32xf32> to vector<8x32xf32>
      %jit3A = arith.constant 0.000000e+00 : f32
      %broadcast_in_dim3A_45 = vector.broadcast %jit3A : f32 to vector<8x32xf32>
      %select_n3A = arith.select %eq3A_42, %broadcast_in_dim3A_44, %broadcast_in_dim3A_45 : vector<8x32xi1>, vector<8x32xf32>
      %add3A_46 = arith.constant 2 : i32
      %add3A_47 = arith.addi %add3A_46, %arg1 : i32
      %eq3A_48 = vector.broadcast %add3A_47 : i32 to vector<8x32xi32>
      %eq3A_49 = arith.cmpi eq, %iota3A, %eq3A_48 : vector<8x32xi32>
      %broadcast_in_dim3A_50 = vector.shape_cast %mul3A_35 : vector<1x32xf32> to vector<1x32xf32>
      %broadcast_in_dim3A_51 = vector.broadcast %broadcast_in_dim3A_50 : vector<1x32xf32> to vector<8x32xf32>
      %jit3A_52 = arith.constant 0.000000e+00 : f32
      %broadcast_in_dim3A_53 = vector.broadcast %jit3A_52 : f32 to vector<8x32xf32>
      %select_n3A_54 = arith.select %eq3A_49, %broadcast_in_dim3A_51, %broadcast_in_dim3A_53 : vector<8x32xi1>, vector<8x32xf32>
      %add3A_55 = arith.addf %select_n3A, %select_n3A_54 : vector<8x32xf32>
      %eq3A_56 = arith.constant 0 : i32
      %eq3A_57 = arith.cmpi eq, %arg1, %eq3A_56 : i32
      %convert_element_type3A_58 = arith.extui %eq3A_57 : i1 to i32
      %cond3A_59 = arith.constant 0 : i32
      %cond3A_60 = arith.cmpi ne, %convert_element_type3A_58, %cond3A_59 : i32
      scf.if %cond3A_60 {
        %swap3A_65 = arith.constant 0 : index
        %swap3A_66 = arith.constant 0 : index
        %swap3A_67 = vector.load %arg13[%swap3A_65, %swap3A_66] : memref<8x32xf32, #tpu.memory_space<vmem>>, vector<8x32xf32>
        tpu.vector_store %arg13[%swap3A_65, %swap3A_66], %add3A_55 {strides = array<i32>} : memref<8x32xf32, #tpu.memory_space<vmem>>, vector<8x32xf32>,
      } else {
      }
      %gt3A = arith.constant 0 : i32
      %gt3A_61 = arith.cmpi sgt, %arg1, %gt3A : i32
      %convert_element_type3A_62 = arith.extui %gt3A_61 : i1 to i32
      %cond3A_63 = arith.constant 0 : i32
      %cond3A_64 = arith.cmpi ne, %convert_element_type3A_62, %cond3A_63 : i32
      scf.if %cond3A_64 {
        %get3A_65 = arith.constant 0 : index
        %get3A_66 = arith.constant 0 : index
        %get3A_67 = vector.load %arg13[%get3A_65, %get3A_66] : memref<8x32xf32, #tpu.memory_space<vmem>>, vector<8x32xf32>
        %add3A_68 = arith.addf %get3A_67, %add3A_55 : vector<8x32xf32>
        %swap3A_69 = arith.constant 0 : index
        %swap3A_70 = arith.constant 0 : index
        %swap3A_71 = vector.load %arg13[%swap3A_69, %swap3A_70] : memref<8x32xf32, #tpu.memory_space<vmem>>, vector<8x32xf32>
        tpu.vector_store %arg13[%swap3A_69, %swap3A_70], %add3A_68 {strides = array<i32>} : memref<8x32xf32, #tpu.memory_space<vmem>>, vector<8x32xf32>,
      } else {
      }
    } else {
    }
    %eq3A_2 = arith.constant 1 : i32
    %eq3A_3 = arith.cmpi eq, %arg0, %eq3A_2 : i32
    %convert_element_type3A_4 = arith.extui %eq3A_3 : i1 to i32
    %cond3A_5 = arith.constant 0 : i32
    %cond3A_6 = arith.cmpi ne, %convert_element_type3A_4, %cond3A_5 : i32
    scf.if %cond3A_6 {
      %mul3A = arith.constant 2000 : i32
      %mul3A_7 = arith.muli %arg1, %mul3A : i32
      %get3A = arith.index_cast %mul3A_7 : i32 to index
      %get3A_8 = arith.constant 0 : index
      %get3A_9 = vector.load %arg12[%get3A, %get3A_8] : memref<10000x32xf32, #tpu.memory_space<vmem>>, vector<2000x32xf32>
      %get3A_10 = arith.constant 2 : index
      %get3A_11 = arith.constant 0 : index
      %get3A_12 = vector.load %arg13[%get3A_10, %get3A_11] : memref<8x32xf32, #tpu.memory_space<vmem>>, vector<5x32xf32>
      %reduce_sum3A = arith.constant dense<0.000000e+00> : vector<32xf32>
      %reduce_sum3A_13 = vector.multi_reduction <add>, %get3A_12, %reduce_sum3A [0] : vector<5x32xf32> to vector<32xf32>
      %broadcast_in_dim3A = vector.shape_cast %reduce_sum3A_13 : vector<32xf32> to vector<1x32xf32>
      %div3A = arith.constant 5.000000e+00 : f32
      %div3A_14 = vector.broadcast %div3A : f32 to vector<1x32xf32>
      %div3A_15 = arith.divf %broadcast_in_dim3A, %div3A_14 : vector<1x32xf32>
      %get3A_16 = arith.constant 1 : index
      %get3A_17 = arith.constant 0 : index
      %get3A_18 = vector.load %arg13[%get3A_16, %get3A_17] : memref<8x32xf32, #tpu.memory_space<vmem>>, vector<1x32xf32>
      %sub3A = vector.broadcast %div3A_15 : vector<1x32xf32> to vector<5x32xf32>
      %sub3A_19 = arith.subf %get3A_12, %sub3A : vector<5x32xf32>
      %integer_pow3A = arith.mulf %sub3A_19, %sub3A_19 : vector<5x32xf32>
      %reduce_sum3A_20 = arith.constant dense<0.000000e+00> : vector<32xf32>
      %reduce_sum3A_21 = vector.multi_reduction <add>, %integer_pow3A, %reduce_sum3A_20 [0] : vector<5x32xf32> to vector<32xf32>
      %broadcast_in_dim3A_22 = vector.shape_cast %reduce_sum3A_21 : vector<32xf32> to vector<1x32xf32>
      %mul3A_23 = arith.constant 2.000000e+03 : f32
      %mul3A_24 = vector.broadcast %mul3A_23 : f32 to vector<1x32xf32>
      %mul3A_25 = arith.mulf %mul3A_24, %broadcast_in_dim3A_22 : vector<1x32xf32>
      %add3A = arith.addf %get3A_18, %mul3A_25 : vector<1x32xf32>
      %mul3A_26 = arith.constant 9.99999974E-5 : f32
      %mul3A_27 = vector.broadcast %mul3A_26 : f32 to vector<1x32xf32>
      %mul3A_28 = arith.mulf %add3A, %mul3A_27 : vector<1x32xf32>
      %get3A_29 = arith.constant 0 : index
      %get3A_30 = arith.constant 0 : index
      %get3A_31 = vector.load %arg6[%get3A_29, %get3A_30] : memref<1x32xf32, #tpu.memory_space<vmem>>, vector<1x32xf32>
      %add3A_32 = arith.constant 9.99999974E-6 : f32
      %add3A_33 = vector.broadcast %add3A_32 : f32 to vector<1x32xf32>
      %add3A_34 = arith.addf %mul3A_28, %add3A_33 : vector<1x32xf32>
      %sqrt3A = math.sqrt %add3A_34 : vector<1x32xf32>
      %div3A_35 = arith.divf %get3A_31, %sqrt3A : vector<1x32xf32>
      %sub3A_36 = vector.broadcast %div3A_15 : vector<1x32xf32> to vector<2000x32xf32>
      %sub3A_37 = arith.subf %get3A_9, %sub3A_36 : vector<2000x32xf32>
      %mul3A_38 = vector.broadcast %div3A_35 : vector<1x32xf32> to vector<2000x32xf32>
      %mul3A_39 = arith.mulf %sub3A_37, %mul3A_38 : vector<2000x32xf32>
      %get3A_40 = arith.constant 0 : index
      %get3A_41 = arith.constant 0 : index
      %get3A_42 = vector.load %arg7[%get3A_40, %get3A_41] : memref<1x32xf32, #tpu.memory_space<vmem>>, vector<1x32xf32>
      %add3A_43 = vector.broadcast %get3A_42 : vector<1x32xf32> to vector<2000x32xf32>
      %add3A_44 = arith.addf %mul3A_39, %add3A_43 : vector<2000x32xf32>
      %max3A = arith.constant 0.000000e+00 : f32
      %max3A_45 = vector.broadcast %max3A : f32 to vector<2000x32xf32>
      %max3A_46 = arith.maximumf %add3A_44, %max3A_45 : vector<2000x32xf32>
      %get3A_47 = arith.constant 0 : index
      %get3A_48 = arith.constant 0 : index
      %get3A_49 = arith.constant 0 : index
      %get3A_50 = vector.load %arg8[%get3A_47, %get3A_48, %get3A_49] : memref<1x1x2000xi32, #tpu.memory_space<vmem>>, vector<1x1x2000xi32>
      %get3A_51 = vector.shape_cast %get3A_50 : vector<1x1x2000xi32> to vector<1x2000xi32>
      %iota3A = tpu.iota {dimensions = array<i32: 0>} : vector<64x2000xi32>
      %eq3A_52 = vector.broadcast %get3A_51 : vector<1x2000xi32> to vector<64x2000xi32>
      %eq3A_53 = arith.cmpi eq, %iota3A, %eq3A_52 : vector<64x2000xi32>
      %convert_element_type3A_54 = arith.extui %eq3A_53 : vector<64x2000xi1> to vector<64x2000xi32>
      %convert_element_type3A_55 = arith.sitofp %convert_element_type3A_54 : vector<64x2000xi32> to vector<64x2000xf32>
      %dot_general3A = arith.constant dense<0.000000e+00> : vector<64x32xf32>
      %dot_general3A_56 = tpu.matmul %convert_element_type3A_55, %max3A_46, %dot_general3A {dimension_numbers = #tpu.dot_dimension_numbers<[1], [0], [0], [1], [0, 0, 1, 1], [], []>, precision = #tpu.contract_precision<fp32>, transpose_lhs_hint = false} : vector<64x2000xf32>, vector<2000x32xf32>, vector<64x32xf32> -> vector<64x32xf32>
      %reduce_sum3A_57 = arith.constant dense<0.000000e+00> : vector<64xf32>
      %reduce_sum3A_58 = vector.multi_reduction <add>, %convert_element_type3A_55, %reduce_sum3A_57 [1] : vector<64x2000xf32> to vector<64xf32>
      %broadcast_in_dim3A_59 = vector.shape_cast %reduce_sum3A_58 : vector<64xf32> to vector<64x1xf32>
      %eq3A_60 = arith.constant 0 : i32
      %eq3A_61 = arith.cmpi eq, %arg1, %eq3A_60 : i32
      %convert_element_type3A_62 = arith.extui %eq3A_61 : i1 to i32
      %cond3A_63 = arith.constant 0 : i32
      %cond3A_64 = arith.cmpi ne, %convert_element_type3A_62, %cond3A_63 : i32
      scf.if %cond3A_64 {
        %swap3A = arith.constant 0 : index
        %swap3A_74 = arith.constant 0 : index
        %swap3A_75 = vector.load %arg14[%swap3A, %swap3A_74] : memref<64x32xf32, #tpu.memory_space<vmem>>, vector<64x32xf32>
        tpu.vector_store %arg14[%swap3A, %swap3A_74], %dot_general3A_56 {strides = array<i32>} : memref<64x32xf32, #tpu.memory_space<vmem>>, vector<64x32xf32>,
        %swap3A_76 = arith.constant 0 : index
        %swap3A_77 = arith.constant 0 : index
        %swap3A_78 = vector.load %arg15[%swap3A_76, %swap3A_77] : memref<64x1xf32, #tpu.memory_space<vmem>>, vector<64x1xf32>
        tpu.vector_store %arg15[%swap3A_76, %swap3A_77], %broadcast_in_dim3A_59 {strides = array<i32>} : memref<64x1xf32, #tpu.memory_space<vmem>>, vector<64x1xf32>,
      } else {
      }
      %gt3A = arith.constant 0 : i32
      %gt3A_65 = arith.cmpi sgt, %arg1, %gt3A : i32
      %convert_element_type3A_66 = arith.extui %gt3A_65 : i1 to i32
      %cond3A_67 = arith.constant 0 : i32
      %cond3A_68 = arith.cmpi ne, %convert_element_type3A_66, %cond3A_67 : i32
      scf.if %cond3A_68 {
        %get3A_74 = arith.constant 0 : index
        %get3A_75 = arith.constant 0 : index
        %get3A_76 = vector.load %arg14[%get3A_74, %get3A_75] : memref<64x32xf32, #tpu.memory_space<vmem>>, vector<64x32xf32>
        %add3A_77 = arith.addf %get3A_76, %dot_general3A_56 : vector<64x32xf32>
        %swap3A = arith.constant 0 : index
        %swap3A_78 = arith.constant 0 : index
        %swap3A_79 = vector.load %arg14[%swap3A, %swap3A_78] : memref<64x32xf32, #tpu.memory_space<vmem>>, vector<64x32xf32>
        tpu.vector_store %arg14[%swap3A, %swap3A_78], %add3A_77 {strides = array<i32>} : memref<64x32xf32, #tpu.memory_space<vmem>>, vector<64x32xf32>,
        %get3A_80 = arith.constant 0 : index
        %get3A_81 = arith.constant 0 : index
        %get3A_82 = vector.load %arg15[%get3A_80, %get3A_81] : memref<64x1xf32, #tpu.memory_space<vmem>>, vector<64x1xf32>
        %add3A_83 = arith.addf %get3A_82, %broadcast_in_dim3A_59 : vector<64x1xf32>
        %swap3A_84 = arith.constant 0 : index
        %swap3A_85 = arith.constant 0 : index
        %swap3A_86 = vector.load %arg15[%swap3A_84, %swap3A_85] : memref<64x1xf32, #tpu.memory_space<vmem>>, vector<64x1xf32>
        tpu.vector_store %arg15[%swap3A_84, %swap3A_85], %add3A_83 {strides = array<i32>} : memref<64x1xf32, #tpu.memory_space<vmem>>, vector<64x1xf32>,
      } else {
      }
      %eq3A_69 = arith.constant 4 : i32
      %eq3A_70 = arith.cmpi eq, %arg1, %eq3A_69 : i32
      %convert_element_type3A_71 = arith.extui %eq3A_70 : i1 to i32
      %cond3A_72 = arith.constant 0 : i32
      %cond3A_73 = arith.cmpi ne, %convert_element_type3A_71, %cond3A_72 : i32
      scf.if %cond3A_73 {
        %get3A_74 = arith.constant 0 : index
        %get3A_75 = arith.constant 0 : index
        %get3A_76 = vector.load %arg14[%get3A_74, %get3A_75] : memref<64x32xf32, #tpu.memory_space<vmem>>, vector<64x32xf32>
        %get3A_77 = arith.constant 0 : index
        %get3A_78 = arith.constant 0 : index
        %get3A_79 = vector.load %arg15[%get3A_77, %get3A_78] : memref<64x1xf32, #tpu.memory_space<vmem>>, vector<64x1xf32>
        %max3A_80 = arith.constant 1.000000e+00 : f32
        %max3A_81 = vector.broadcast %max3A_80 : f32 to vector<64x1xf32>
        %max3A_82 = arith.maximumf %get3A_79, %max3A_81 : vector<64x1xf32>
        %div3A_83 = vector.broadcast %max3A_82 : vector<64x1xf32> to vector<64x32xf32>
        %div3A_84 = arith.divf %get3A_76, %div3A_83 : vector<64x32xf32>
        %get3A_85 = arith.constant 0 : index
        %get3A_86 = arith.constant 0 : index
        %get3A_87 = vector.load %arg9[%get3A_85, %get3A_86] : memref<32x1xf32, #tpu.memory_space<vmem>>, vector<32x1xf32>
        %dot_general3A_88 = arith.constant dense<0.000000e+00> : vector<64x1xf32>
        %dot_general3A_89 = tpu.matmul %div3A_84, %get3A_87, %dot_general3A_88 {dimension_numbers = #tpu.dot_dimension_numbers<[1], [0], [0], [1], [0, 0, 1, 1], [], []>, transpose_lhs_hint = false} : vector<64x32xf32>, vector<32x1xf32>, vector<64x1xf32> -> vector<64x1xf32>
        %get3A_90 = arith.constant 0 : index
        %get3A_91 = arith.constant 0 : index
        %get3A_92 = vector.load %arg10[%get3A_90, %get3A_91] : memref<1x1xf32, #tpu.memory_space<vmem>>, vector<1x1xf32>
        %add3A_93 = vector.broadcast %get3A_92 : vector<1x1xf32> to vector<64x1xf32>
        %add3A_94 = arith.addf %dot_general3A_89, %add3A_93 : vector<64x1xf32>
        %swap3A = arith.constant 0 : index
        %swap3A_95 = arith.constant 0 : index
        %swap3A_96 = vector.load %arg11[%swap3A, %swap3A_95] : memref<64x1xf32, #tpu.memory_space<vmem>>, vector<64x1xf32>
        tpu.vector_store %arg11[%swap3A, %swap3A_95], %add3A_94 {strides = array<i32>} : memref<64x1xf32, #tpu.memory_space<vmem>>, vector<64x1xf32>,
      } else {
      }
    } else {
    }
    return
  }
  func.func @transform_0(%arg0: i32, %arg1: i32) -> (i32, i32, i32) {
    %c0_i32 = arith.constant 0 : i32
    %c0_i32_0 = arith.constant 0 : i32
    %c0_i32_1 = arith.constant 0 : i32
    return %c0_i32, %arg1, %c0_i32_0 : i32, i32, i32
  }
  func.func @transform_1(%arg0: i32, %arg1: i32) -> (i32, i32) {
    %c0_i32 = arith.constant 0 : i32
    %c0_i32_0 = arith.constant 0 : i32
    return %arg1, %c0_i32 : i32, i32
  }
  func.func @transform_2(%arg0: i32, %arg1: i32) -> (i32, i32) {
    %c0_i32 = arith.constant 0 : i32
    %c0_i32_0 = arith.constant 0 : i32
    return %arg1, %c0_i32 : i32, i32
  }
  func.func @transform_3(%arg0: i32, %arg1: i32) -> (i32, i32) {
    %c0_i32 = arith.constant 0 : i32
    %c0_i32_0 = arith.constant 0 : i32
    %c0_i32_1 = arith.constant 0 : i32
    return %c0_i32, %c0_i32_0 : i32, i32
  }
  func.func @transform_4(%arg0: i32, %arg1: i32) -> (i32, i32) {
    %c0_i32 = arith.constant 0 : i32
    %c0_i32_0 = arith.constant 0 : i32
    %c0_i32_1 = arith.constant 0 : i32
    return %c0_i32, %c0_i32_0 : i32, i32
  }
  func.func @transform_5(%arg0: i32, %arg1: i32) -> (i32, i32) {
    %c0_i32 = arith.constant 0 : i32
    %c0_i32_0 = arith.constant 0 : i32
    %c0_i32_1 = arith.constant 0 : i32
    return %c0_i32, %c0_i32_0 : i32, i32
  }
  func.func @transform_6(%arg0: i32, %arg1: i32) -> (i32, i32, i32) {
    %c0_i32 = arith.constant 0 : i32
    %c0_i32_0 = arith.constant 0 : i32
    %c0_i32_1 = arith.constant 0 : i32
    return %arg1, %c0_i32, %c0_i32_0 : i32, i32, i32
  }
  func.func @transform_7(%arg0: i32, %arg1: i32) -> (i32, i32) {
    %c0_i32 = arith.constant 0 : i32
    %c0_i32_0 = arith.constant 0 : i32
    %c0_i32_1 = arith.constant 0 : i32
    return %c0_i32, %c0_i32_0 : i32, i32
  }
  func.func @transform_8(%arg0: i32, %arg1: i32) -> (i32, i32) {
    %c0_i32 = arith.constant 0 : i32
    %c0_i32_0 = arith.constant 0 : i32
    %c0_i32_1 = arith.constant 0 : i32
    return %c0_i32, %c0_i32_0 : i32, i32
  }
  func.func @transform_9(%arg0: i32, %arg1: i32) -> (i32, i32) {
    %c0_i32 = arith.constant 0 : i32
    %c0_i32_0 = arith.constant 0 : i32
    %c0_i32_1 = arith.constant 0 : i32
    return %c0_i32, %c0_i32_0 : i32, i32
  }
}

</mosaic_0001>

<sc_bundles>
// kernel: kernel.12.cloned.1.call-start
scs
__scs_entry_jumppad:
0x0: {  	(pc) =	sbr.rel $0x88, $3  }
0x1: {  	(tag) =	ssettag $0x0;
	lr =	simm.s32 $0x1  }
0x2: {  	[smem:$0x3F8C] =	sst lr;
	_ =	strace $0xD0000000  }
0x3: {  	_ = 	snop  }
0x4: {  	_ = 	snop  }
0x5: {  	_ = 	snop  }
0x6: {  	_ = 	snop  }
0x7: {  	_ = 	snop  }
__scs_overlays_trampoline_lowered:
0x8: {  	[smem:$0x3F9B] =	sst s0  }
0x9: {  	[smem:$0x3F9C] =	sst s1  }
0xa: {  	[smem:$0x3F9D] =	sst s2  }
0xb: {  	[smem:$0x3F9E] =	sst s3  }
0xc: {  	[smem:$0x3F9F] =	sst s4  }
0xd: {  	[smem:$0x3FA0] =	sst s5  }
0xe: {  	[smem:$0x3FA1] =	sst s6  }
0xf: {  	[smem:$0x3FA2] =	sst s7  }
0x10: {  	[smem:$0x3FA3] =	sst s8  }
0x11: {  	[smem:$0x3FA4] =	sst s9;
	s0 =	simm.s32 @!p0 $0x0  }
0x12: {  	s1 =	sld [smem:$0x3F8A];
	s0 =	simm.s32 @p0 $0x1  }
0x13: {  	[smem:$0x3FA5] =	sst s0;
	s0 =	simm.s32 @!p1 $0x0  }
0x14: {  	s2 =	sld [smem:$0x3F89];
	s0 =	simm.s32 @p1 $0x1  }
0x15: {  	[smem:$0x3FA6] =	sst s0;
	s0 =	simm.s32 @!p2 $0x0  }
0x16: {  	s3 =	sld [smem:$0x3FDB];
	s0 =	simm.s32 @p2 $0x1  }
0x17: {  	s4 =	simm.s32 $0x1BF5;
	[smem:$0x3FA8] =	sst s0  }
0x18: {  	s0 =	sld [smem:$0x3F8B];
	_ =	swait.ge [sflag:s4], $0x0  }
0x19: {  	s7 =	sld [smem:$0x3F8C]  }
0x1a: {  	s8 =	sadd.s32 $0xFFFFE003, lr  }
0x1b: {  	s9 =	sadd.s32 $0xFFFFFEF7, lr;
	s5 =	simm.s32 $0xFFFFFFFF;
	p2 =	slt.u32 s8, $0xFFFFF086  }
0x1c: {  	p1 =	slt.u32 s9, $0xF7A;
	s5 =	simm.s32 @!p2 $0x0  }
0x1d: {  	s5 =	simm.s32 @p1 $0x1;
	p0 =	seq.s32 s7, s2  }
0x1e: {  	s7 =	smul.u32 @!p0 $0xF7A, s2;
	p2 =	seq.s32 @!p0 s5, $0x0  }
0x1f: {  	s9 =	smul.u32 $0xF7A, s1;
	s8 =	simm.s32 @!p0 $0x1BF5;
	p2 =	por !p2, p0  }
0x20: {  	[sflag:s8] =	ssyncset.s32 @!p0 $0xFFFFF086;
	s6 =	sadd.s32 @!p0 s3, s7;
	s7 =	simm.s32 @!p0 $0x108  }
0x21: {  	s3 =	sadd.s32 s3, s9;
	s6 =	sadd.s32 @!p0 $0x88, s6;
	s7 =	simm.s32 @p2 $0x1082  }
0x22: {  	[simem:s7], [sflag:s8] =	dma.local @!p0 [hbm:s6], $0xF7A  }
0x23: {  	s9 =	sor.u32 $0xD0000000, s2;
	s6 =	simm.s32 $0x108;
	_ =	swait.ge @!p0 [sflag:s8], $0x0  }
0x24: {  	s3 =	sadd.s32 $0x88, s3;
	s6 =	simm.s32 @!p1 $0x1082;
	[sflag:s4] =	ssyncset.s32 $0xFFFFF086  }
0x25: {  	[simem:s6], [sflag:s4] =	dma.local [hbm:s3], $0xF7A  }
0x26: {  	[smem:$0x3F8C] =	sst s1;
	(tag) =	ssettag s2;
	_ =	strace s9  }
0x27: {  	s1 =	sld [smem:$0x3F9C]  }
0x28: {  	s2 =	sld [smem:$0x3F9D]  }
0x29: {  	s4 =	sld [smem:$0x3F9F]  }
0x2a: {  	p0 =	seq.s32 s5, $0x0;
	s5 =	sld [smem:$0x3FA0]  }
0x2b: {  	s6 =	sld [smem:$0x3FA1]  }
0x2c: {  	s7 =	sld [smem:$0x3FA2]  }
0x2d: {  	s3 =	simm.s32 $0x108;
	s8 =	sld [smem:$0x3FA3]  }
0x2e: {  	s3 =	simm.s32 @!p0 $0x1082;
	s9 =	sld [smem:$0x3FA4]  }
0x2f: {  	lr =	sadd.s32 s0, s3;
	s0 =	sld [smem:$0x3F9B]  }
0x30: {  	s3 =	sld [smem:$0x3F9E]  }
0x31: {  	[smem:$0x3FA7] =	sst s10  }
0x32: {  	s10 =	sld [smem:$0x3FA5];
	_ =	sdelay $0x3  }
0x33: {  	p0 =	seq.s32 s10, $0x1;
	s10 =	sld [smem:$0x3FA7];
	_ =	sdelay $0x3  }
0x34: {  	[smem:$0x3FA7] =	sst s10  }
0x35: {  	s10 =	sld [smem:$0x3FA6];
	_ =	sdelay $0x3  }
0x36: {  	p1 =	seq.s32 s10, $0x1;
	s10 =	sld [smem:$0x3FA7];
	_ =	sdelay $0x3  }
0x37: {  	[smem:$0x3FA7] =	sst s10  }
0x38: {  	s10 =	sld [smem:$0x3FA8]  }
0x39: {  	_ = 	snop;
	(pc) =	sbr.ind lr, $3  }
0x3a: {  	_ = 	snop  }
0x3b: {  	_ = 	snop  }
0x3c: {  	p2 =	seq.s32 s10, $0x1;
	s10 =	sld [smem:$0x3FA7]  }
0x3d: {  	_ =	shalt  }
0x3e: {  	_ =	shalt  }
0x3f: {  	_ =	shalt  }
0x40: {  	_ =	shalt  }
0x41: {  	_ =	shalt  }
0x42: {  	_ =	shalt  }
0x43: {  	_ =	shalt  }
0x44: {  	_ =	shalt  }
0x45: {  	_ =	shalt  }
0x46: {  	_ =	shalt  }
0x47: {  	_ =	shalt  }
0x48: {  	_ =	shalt  }
0x49: {  	_ =	shalt  }
0x4a: {  	_ =	shalt  }
0x4b: {  	_ =	shalt  }
0x4c: {  	_ =	shalt  }
0x4d: {  	_ =	shalt  }
0x4e: {  	_ =	shalt  }
0x4f: {  	_ =	shalt  }
0x50: {  	_ =	shalt  }
0x51: {  	_ =	shalt  }
0x52: {  	_ =	shalt  }
0x53: {  	_ =	shalt  }
0x54: {  	_ =	shalt  }
0x55: {  	_ =	shalt  }
0x56: {  	_ =	shalt  }
0x57: {  	_ =	shalt  }
0x58: {  	_ =	shalt  }
0x59: {  	_ =	shalt  }
0x5a: {  	_ =	shalt  }
0x5b: {  	_ =	shalt  }
0x5c: {  	_ =	shalt  }
0x5d: {  	_ =	shalt  }
0x5e: {  	_ =	shalt  }
0x5f: {  	_ =	shalt  }
0x60: {  	_ =	shalt  }
0x61: {  	_ =	shalt  }
0x62: {  	_ =	shalt  }
0x63: {  	_ =	shalt  }
0x64: {  	_ =	shalt  }
0x65: {  	_ =	shalt  }
0x66: {  	_ =	shalt  }
0x67: {  	_ =	shalt  }
0x68: {  	_ =	shalt  }
0x69: {  	_ =	shalt  }
0x6a: {  	_ =	shalt  }
0x6b: {  	_ =	shalt  }
0x6c: {  	_ =	shalt  }
0x6d: {  	_ =	shalt  }
0x6e: {  	_ =	shalt  }
0x6f: {  	_ =	shalt  }
0x70: {  	_ =	shalt  }
0x71: {  	_ =	shalt  }
0x72: {  	_ =	shalt  }
0x73: {  	_ =	shalt  }
0x74: {  	_ =	shalt  }
0x75: {  	_ =	shalt  }
0x76: {  	_ =	shalt  }
0x77: {  	_ =	shalt  }
0x78: {  	_ =	shalt  }
0x79: {  	_ =	shalt  }
0x7a: {  	_ =	shalt  }
0x7b: {  	_ =	shalt  }
0x7c: {  	_ =	shalt  }
0x7d: {  	_ =	shalt  }
0x7e: {  	_ =	shalt  }
0x7f: {  	_ =	shalt  }
0x80: {  	_ =	shalt  }
0x81: {  	_ =	shalt  }
0x82: {  	_ =	shalt  }
0x83: {  	_ =	shalt  }
0x84: {  	_ =	shalt  }
0x85: {  	_ =	shalt  }
0x86: {  	_ =	shalt  }
0x87: {  	_ =	shalt  }
.Lfunc_end0:
.L_simem_size_0:
called_computation_lowered:
.L_overlay_start_0:
0x88: {  	s2 =	sld [smem:$0x3FD9]  }
0x89: {  	s3 =	sld [smem:$0x3FFE];
	_ =	sdelay $0x1  }
0x8a: {  	s1 =	srdreg.scid  }
0x8b: {  	s0 =	sand.u32 $0x1, s1  }
0x8c: {  	s17 =	sshll.u32 s0, $0xA;
	s2 =	sadd.s32 s3, s2  }
0x8d: {  	s2 =	sadd.s32 s2, s17  }
0x8e: {  	[smem:$0x3FB3] =	sst s2  }
0x8f: {  	_ = 	snop  }
0x90: {  	s2 =	sld [smem:$0x3FD0];
	(tm) =	ssettm $0x1  }
0x91: {  	s18 =	sld [smem:$0x3FFB];
	_ =	sdelay $0x3  }
0x92: {  	_ =	strace s18  }
0x93: {  	s3 =	sld [smem:$0x3FFC];
	_ =	sdelay $0x3  }
0x94: {  	_ =	strace s3  }
0x95: {  	s3 =	sld [smem:$0x3FFD];
	_ =	sdelay $0x3  }
0x96: {  	_ =	strace s3  }
0x97: {  	_ =	strace $0x8FFFFFFF  }
0x98: {  	s19 =	sld [smem:$0x3FDB];
	_ =	sdelay $0x1  }
0x99: {  	s4 =	simm.s32 $_scs_section_size  }
0x9a: {  	s5 =	simm.s32 $_size__tile_overlayer_lowered;
	s6 =	simm.s32 $_tile_overlayer_lowered  }
0x9b: {  	s22 =	simm.s32 $0x1BFF;
	s21 =	sshll.u32 s6, $0x1;
	s3 =	sadd.s32 s4, s19  }
0x9c: {  	s7 =	simm.s32 $0x0;
	s20 =	sshll.u32 s5, $0x1;
	s5 =	sadd.s32 s21, s3  }
0x9d: {  	[timem:s7], [sflag:s22] =	dma.local [hbm:s5], s20  }
0x9e: {  	_ =	swait.ge [sflag:s22], s20  }
0x9f: {  	s4 =	ssub.s32 $0x0, s20;
	[sflag:s22] =	ssyncset.done $0x0  }
0xa0: {  	[sflag:s22] =	ssyncadd.s32 s4;
	_ =	sdelay $0x1  }
0xa1: {  	s23 =	simm.s32 $0x1B8B  }
0xa2: {  	_ =	swait.ge [sflag:s23], $0x1  }
0xa3: {  	[sflag:s23] =	ssyncset.done $0x0  }
0xa4: {  	s25 =	simm.s32 $0x1B8E;
	s24 =	sld [smem:$0x3FFE];
	[sflag:s23] =	ssyncadd.s32 $0xFFFFFFFF  }
0xa5: {  	s26 =	simm.s32 $execute0_lowered;
	[smem:$0x3FD2] =	sst s25  }
0xa6: {  	s5 =	sshll.u32 s26, $0x1;
	_ =	strace $0x80000046;
	[dreg:$0x1] =	wrdreg $0xFFFFFFFF  }
0xa7: {  	s28 =	simm.s32 $_size_execute0_lowered;
	s3 =	sadd.s32 s3, s5;
	[dreg:$0x0] =	wrdreg $0x0  }
0xa8: {  	s5 =	sshll.u32 s28, $0x1;
	[dreg:$0x2] =	wrdreg s3  }
0xa9: {  	[dreg:$0x3] =	wrdreg s5  }
0xaa: {  	[dreg:$0x4] =	wrdreg $0xC0  }
0xab: {  	_ =	task [dreg:s7], $0x5FFFF  }
0xac: {  	[dreg:$0x1] =	wrdreg $0xFFFFFFFF  }
0xad: {  	[dreg:$0x0] =	wrdreg $0x60  }
0xae: {  	[dreg:$0x2] =	wrdreg s24  }
0xaf: {  	[dreg:$0x3] =	wrdreg s2  }
0xb0: {  	[dreg:$0x4] =	wrdreg $0x27380  }
0xb1: {  	[dreg:$0x5] =	wrdreg $0x9  }
0xb2: {  	_ =	task.clear_ibuf [dreg:s7], $0x6FFFF;
	_ =	strace $0x90000046  }
0xb3: {  	s29 =	simm.s32 $0x9;
	_ =	strace $0x80000048  }
0xb4: {  	_ =	swait.ge [sflag:s29], $0x1  }
0xb5: {  	[sflag:s29] =	ssyncadd.s32 $0xFFFFFFFF  }
0xb6: {  	_ =	strace $0x90000048  }
0xb7: {  	_ =	sfence  }
0xb8: {  	s30 =	sld [smem:$0x0];
	_ =	sdelay $0x2  }
0xb9: {  	s31 =	sshll.u32 s1, $0xD;
	s1 =	sshrl.u32 s1, $0x2  }
0xba: {  	s3 =	sand.u32 $0x4000, s31;
	s1 =	sadd.s32 s1, s30  }
0xbb: {  	s0 =	sor.u32 s3, s0;
	s1 =	sshll.u32 s1, $0x11  }
0xbc: {  	s0 =	sor.u32 s1, s0  }
0xbd: {  	s0 =	sadd.s32 $0x8F2B, s0  }
0xbe: {  	[sflag:s0] =	ssyncadd.remote.s32 $0x1  }
0xbf: {  	_ =	sfence.sel $0xFFFF  }
0xc0: {  	[dreg:$0x0] =	wrdreg $0xFFFFFFFF;
	(pc) =	sbr.abs _section_cstart, $3  }
0xc1: {  	[dreg:$0x1] =	wrdreg $0xFFFFFFFF  }
0xc2: {  	_ =	task.clear_ibuf [dreg:s7], $0x2FFFF;
	_ =	strace $0x9FFFFFFF  }
0xc3: {  	(tm) =	ssettm $0x7FFFFFFF  }
tec
execute0_lowered:
.L_overlay_start_1:
0x0: {  	(tag) =	ssettag $0x1  }
0x1: {  	s7 =	rddreg [dreg:$0x0]  }
0x2: {  	s2 =	rddreg [dreg:$0x1];
	s1 =	srdreg.scid  }
0x3: {  	s0 =	stileid.u32;
	s3 =	rddreg [dreg:$0x2];
	s4 =	simm.s32 $0x0  }
0x4: {  	s13 =	simm.s32 $0x28;
	s14 =	simm.s32 $0x1;
	s15 =	simm.s32 $0x0  }
0x5: {  	s5 =	sand.u32 $0x1, s1;
	s6 =	smul.u32 $0x280, s0;
	s1 =	rddreg [dreg:$0x3]  }
0x6: {  	[smem:$0x7FF] =	sst s4;
	s31 =	sshll.u32 s0, $0x6;
	s8 =	smul.u32 $0x2800, s5  }
0x7: {  	s9 =	sshll.u32 s5, $0x4;
	_ =	strace $0x80000047;
	s10 =	ssub.s32 $0x2, s5  }
0x8: {  	s5 =	sadd.s32 $0x18400, s7;
	s9 =	sor.u32 s0, s9;
	s11 =	sshrl.u32 s10, $0x1  }
0x9: {  	s12 =	sadd.s32 s6, s3;
	s8 =	sadd.s32 s6, s8;
	s9 =	smul.u32 $0x2710, s9  }
0xa: {  	s10 =	ssub.s32 s10, s11;
	s6 =	sor.u32 $0x1C02, s31;
	s8 =	sshrl.u32 s8, $0x3  }
0xb: {  	s11 =	simm.s32 $0x2;
	s8 =	sadd.s32 s8, s7;
	s9 =	sshrl.u32 s9, $0x3  }
0xc: {  	s7 =	sadd.s32 s7, s9;
	s8 =	sadd.s32 $0x18600, s8;
	s9 =	smax.u32 s10, $0x1  }
0xd: {  	s10 =	sshrl.u32 s12, $0x3;
	s12 =	simm.s32 $0x2710;
	s7 =	sadd.s32 $0xE640, s7  }
.LBB2_1:
0xe: {  	[spmem:s10], [sflag:s6] =	dma.local [hbm:s5], $0x50  }
0xf: {  	_ =	swait.ge [sflag:s11], $0x50  }
0x10: {  	[sflag:s11] =	ssyncset.done $0x0  }
0x11: {  	[sflag:s11] =	ssyncadd.s32 $0xFFFFFFB0  }
0x12: {  	[tilespmem:s4], [sflag:$0x2] =	stream.linear.gather [hbm4b:s7+s4], $0x2710, $0x38;
	[tilespmem:$0x29B8] =	vst v63  }
0x13: {  	_ =	swait.ge [sflag:s11], $0x2710  }
0x14: {  	[sflag:s11] =	ssyncset.done $0x0  }
0x15: {  	[sflag:s11] =	ssyncadd.s32 $0xFFFFD8F0  }
0x16: {  	[tilespmem:s12], [sflag:$0x2] =	stream.linear.gather [hbm4b:s2+s4], $0x28, $0x38;
	[tilespmem:$0x29B8] =	vst v63  }
0x17: {  	_ =	swait.ge [sflag:s11], $0x28  }
0x18: {  	[sflag:s11] =	ssyncset.done $0x0  }
0x19: {  	[sflag:s11] =	ssyncadd.s32 $0xFFFFFFD8  }
0x1a: {  	s16 =	simm.s32 $0x0;
	s17 =	simm.s32 $0x0;
	[bflag:$0x0] =	sbarrier.arrive $0xFFFF  }
.LBB2_2:
0x1b: {  	s18 =	sadd.s32 $0x0, s16  }
0x1c: {  	s19 =	sshrl.u32 s18, $0x1  }
0x1d: {  	s18 =	sand.u32 $0x1, s18;
	s20 =	smul.u32 $0x140, s19  }
0x1e: {  	p0 =	seq.s32 s18, $0x1;
	s19 =	simm.s32 $0x28  }
0x1f: {  	s18 =	simm.s32 $0x1;
	s19 =	simm.s32 @!p0 $0x0;
	s20 =	sshra.s32 s20, $0x2  }
.LBB2_3:
0x20: {  	s21 =	sadd.s32 s18, s16;
	s19 =	sadd.s32 s19, s20;
	p0 =	sne.s32 s18, $0x18  }
0x21: {  	[spmem:s3] =	stream.indirect.scatter.add.f32 [tilespmem:s12], [sflag:$0x1], $0x1, s19, s13, $0xb8;
	[tilespmem:$0x29B8] =	vst v63  }
.Ltmp0:
0x22: {  	_ = 	snop;
	(pc) =	sbr.rel @p0 .LBB2_3-.Ltmp0, $4  }
0x23: {  	s18 =	sadd.s32 $0x1, s18;
	s19 =	sshrl.u32 s21, $0x1  }
0x24: {  	s20 =	sand.u32 $0x1, s21;
	s21 =	smul.u32 $0x140, s19  }
0x25: {  	p1 =	seq.s32 s20, $0x1;
	s19 =	simm.s32 $0x28  }
0x26: {  	s19 =	simm.s32 @!p1 $0x0;
	s20 =	sshra.s32 s21, $0x2  }
0x27: {  	s18 =	sadd.s32 s19, s20  }
0x28: {  	[spmem:s3] =	stream.indirect.scatter.add.f32 [tilespmem:s12], [sflag:$0x1], $0x1, s18, s13, $0xb8;
	[tilespmem:$0x29B8] =	vst v63  }
0x29: {  	_ =	swait.ge [sflag:s14], $0x28  }
0x2a: {  	[sflag:s14] =	ssyncset.done $0x0  }
0x2b: {  	[sflag:s14] =	ssyncadd.s32 $0xFFFFFFD8  }
0x2c: {  	_ =	swait.ge [sflag:s14], $0x28  }
0x2d: {  	[sflag:s14] =	ssyncset.done $0x0  }
0x2e: {  	[sflag:s14] =	ssyncadd.s32 $0xFFFFFFD8  }
0x2f: {  	_ =	swait.ge [sflag:s14], $0x28  }
0x30: {  	[sflag:s14] =	ssyncset.done $0x0  }
0x31: {  	[sflag:s14] =	ssyncadd.s32 $0xFFFFFFD8  }
0x32: {  	_ =	swait.ge [sflag:s14], $0x28  }
0x33: {  	[sflag:s14] =	ssyncset.done $0x0  }
0x34: {  	[sflag:s14] =	ssyncadd.s32 $0xFFFFFFD8  }
0x35: {  	_ =	swait.ge [sflag:s14], $0x28  }
0x36: {  	[sflag:s14] =	ssyncset.done $0x0  }
0x37: {  	[sflag:s14] =	ssyncadd.s32 $0xFFFFFFD8  }
0x38: {  	_ =	swait.ge [sflag:s14], $0x28  }
0x39: {  	[sflag:s14] =	ssyncset.done $0x0  }
0x3a: {  	[sflag:s14] =	ssyncadd.s32 $0xFFFFFFD8  }
0x3b: {  	_ =	swait.ge [sflag:s14], $0x28  }
0x3c: {  	[sflag:s14] =	ssyncset.done $0x0  }
0x3d: {  	[sflag:s14] =	ssyncadd.s32 $0xFFFFFFD8  }
0x3e: {  	_ =	swait.ge [sflag:s14], $0x28  }
0x3f: {  	[sflag:s14] =	ssyncset.done $0x0  }
0x40: {  	[sflag:s14] =	ssyncadd.s32 $0xFFFFFFD8  }
0x41: {  	_ =	swait.ge [sflag:s14], $0x28  }
0x42: {  	[sflag:s14] =	ssyncset.done $0x0  }
0x43: {  	[sflag:s14] =	ssyncadd.s32 $0xFFFFFFD8  }
0x44: {  	_ =	swait.ge [sflag:s14], $0x28  }
0x45: {  	[sflag:s14] =	ssyncset.done $0x0  }
0x46: {  	[sflag:s14] =	ssyncadd.s32 $0xFFFFFFD8  }
0x47: {  	_ =	swait.ge [sflag:s14], $0x28  }
0x48: {  	[sflag:s14] =	ssyncset.done $0x0  }
0x49: {  	[sflag:s14] =	ssyncadd.s32 $0xFFFFFFD8  }
0x4a: {  	_ =	swait.ge [sflag:s14], $0x28  }
0x4b: {  	[sflag:s14] =	ssyncset.done $0x0  }
0x4c: {  	[sflag:s14] =	ssyncadd.s32 $0xFFFFFFD8  }
0x4d: {  	_ =	swait.ge [sflag:s14], $0x28  }
0x4e: {  	[sflag:s14] =	ssyncset.done $0x0  }
0x4f: {  	[sflag:s14] =	ssyncadd.s32 $0xFFFFFFD8  }
0x50: {  	_ =	swait.ge [sflag:s14], $0x28  }
0x51: {  	[sflag:s14] =	ssyncset.done $0x0  }
0x52: {  	[sflag:s14] =	ssyncadd.s32 $0xFFFFFFD8  }
0x53: {  	_ =	swait.ge [sflag:s14], $0x28  }
0x54: {  	[sflag:s14] =	ssyncset.done $0x0  }
0x55: {  	[sflag:s14] =	ssyncadd.s32 $0xFFFFFFD8  }
0x56: {  	_ =	swait.ge [sflag:s14], $0x28  }
0x57: {  	[sflag:s14] =	ssyncset.done $0x0  }
0x58: {  	[sflag:s14] =	ssyncadd.s32 $0xFFFFFFD8  }
0x59: {  	_ =	swait.ge [sflag:s14], $0x28  }
0x5a: {  	[sflag:s14] =	ssyncset.done $0x0  }
0x5b: {  	[sflag:s14] =	ssyncadd.s32 $0xFFFFFFD8  }
0x5c: {  	_ =	swait.ge [sflag:s14], $0x28  }
0x5d: {  	[sflag:s14] =	ssyncset.done $0x0  }
0x5e: {  	[sflag:s14] =	ssyncadd.s32 $0xFFFFFFD8  }
0x5f: {  	_ =	swait.ge [sflag:s14], $0x28  }
0x60: {  	[sflag:s14] =	ssyncset.done $0x0  }
0x61: {  	[sflag:s14] =	ssyncadd.s32 $0xFFFFFFD8  }
0x62: {  	_ =	swait.ge [sflag:s14], $0x28  }
0x63: {  	[sflag:s14] =	ssyncset.done $0x0  }
0x64: {  	[sflag:s14] =	ssyncadd.s32 $0xFFFFFFD8  }
0x65: {  	_ =	swait.ge [sflag:s14], $0x28  }
0x66: {  	[sflag:s14] =	ssyncset.done $0x0  }
0x67: {  	[sflag:s14] =	ssyncadd.s32 $0xFFFFFFD8  }
0x68: {  	_ =	swait.ge [sflag:s14], $0x28  }
0x69: {  	[sflag:s14] =	ssyncset.done $0x0  }
0x6a: {  	[sflag:s14] =	ssyncadd.s32 $0xFFFFFFD8  }
0x6b: {  	_ =	swait.ge [sflag:s14], $0x28  }
0x6c: {  	[sflag:s14] =	ssyncset.done $0x0  }
0x6d: {  	s17 =	sadd.s32 $0x1, s17;
	[sflag:s14] =	ssyncadd.s32 $0xFFFFFFD8  }
0x6e: {  	p0 =	sne.s32 s17, $0xA;
	_ =	swait.ge [sflag:s14], $0x28  }
.Ltmp1:
0x6f: {  	[sflag:s14] =	ssyncset.done $0x0;
	(pc) =	sbr.rel @p0 .LBB2_2-.Ltmp1, $4  }
0x70: {  	[sflag:s14] =	ssyncadd.s32 $0xFFFFFFD8  }
0x71: {  	_ =	swait.ge [sflag:s14], $0x28  }
0x72: {  	[sflag:s14] =	ssyncset.done $0x0  }
0x73: {  	s16 =	sadd.s32 $0x19, s16;
	[sflag:s14] =	ssyncadd.s32 $0xFFFFFFD8  }
0x74: {  	s15 =	sadd.s32 $0x1, s15  }
0x75: {  	p0 =	sne.s32 s15, s9  }
.Ltmp2:
0x76: {  	[bflag:$0x0] =	sbarrier.arrive $0xFFFF;
	(pc) =	sbr.rel @p0 .LBB2_1-.Ltmp2, $4  }
0x77: {  	[hbm:s8], [sflag:s6] =	dma.local [spmem:s10], $0x50  }
0x78: {  	_ =	swait.ge [sflag:s11], $0x50  }
0x79: {  	[sflag:s11] =	ssyncset.done $0x0  }
0x7a: {  	[sflag:s11] =	ssyncadd.s32 $0xFFFFFFB0  }
0x7b: {  	_ =	sfence.sel $0x180000  }
0x7c: {  	[bflag:$0x0] =	sbarrier.arrive $0xFFFF  }
0x7d: {  	p0 =	sne.s32 s0, $0x0;
	_ =	strace $0x90000047  }
0x7e: {  	s0 =	sadd.s32 @!p0 $0x100000, s1;
	[bflag:$0x2] =	sbarrier.arrive $0xFFFF  }
0x7f: {  	[sflag:s0] =	ssyncadd.tile.s32 @!p0 $0x1;
	_ =	shalt  }
.Lfunc_end2:
_tile_overlayer_lowered:
.L_overlay_start_2:
0x80: {  	(tag) =	ssettag $0x2  }
0x81: {  	s0 =	rddreg [dreg:$0x0];
	s2 =	stileid.u32  }
0x82: {  	s1 =	rddreg [dreg:$0x1];
	p0 =	sne.s32 s2, $0x0  }
0x83: {  	s3 =	rddreg [dreg:$0x2];
	[bflag:$0x3] =	sbarrier.arrive $0xFFFF;
	s2 =	simm.s32 @!p0 $0x1C02  }
0x84: {  	[timem:s3], [sflag:s2] =	dma.local @!p0 [hbm:s0], s1  }
0x85: {  	s0 =	simm.s32 @!p0 $0x2  }
0x86: {  	_ =	swait.ge @!p0 [sflag:s0], s1  }
0x87: {  	s1 =	ssub.s32 @!p0 $0x0, s1;
	[sflag:s0] =	ssyncset.done @!p0 $0x0  }
0x88: {  	[sflag:s0] =	ssyncadd.s32 @!p0 s1  }
0x89: {  	[bflag:$0x3] =	sbarrier.arrive $0xFFFF  }
0x8a: {  	_ =	shalt  }

// kernel: kernel.15.cloned.1.call-start
scs
__scs_entry_jumppad:
0x0: {  	(pc) =	sbr.rel $0x88, $3  }
0x1: {  	(tag) =	ssettag $0x0;
	lr =	simm.s32 $0x1  }
0x2: {  	[smem:$0x3F8C] =	sst lr;
	_ =	strace $0xD0000000  }
0x3: {  	_ = 	snop  }
0x4: {  	_ = 	snop  }
0x5: {  	_ = 	snop  }
0x6: {  	_ = 	snop  }
0x7: {  	_ = 	snop  }
__scs_overlays_trampoline_lowered:
0x8: {  	[smem:$0x3F9B] =	sst s0  }
0x9: {  	[smem:$0x3F9C] =	sst s1  }
0xa: {  	[smem:$0x3F9D] =	sst s2  }
0xb: {  	[smem:$0x3F9E] =	sst s3  }
0xc: {  	[smem:$0x3F9F] =	sst s4  }
0xd: {  	[smem:$0x3FA0] =	sst s5  }
0xe: {  	[smem:$0x3FA1] =	sst s6  }
0xf: {  	[smem:$0x3FA2] =	sst s7  }
0x10: {  	[smem:$0x3FA3] =	sst s8  }
0x11: {  	[smem:$0x3FA4] =	sst s9;
	s0 =	simm.s32 @!p0 $0x0  }
0x12: {  	s1 =	sld [smem:$0x3F8A];
	s0 =	simm.s32 @p0 $0x1  }
0x13: {  	[smem:$0x3FA5] =	sst s0;
	s0 =	simm.s32 @!p1 $0x0  }
0x14: {  	s2 =	sld [smem:$0x3F89];
	s0 =	simm.s32 @p1 $0x1  }
0x15: {  	[smem:$0x3FA6] =	sst s0;
	s0 =	simm.s32 @!p2 $0x0  }
0x16: {  	s3 =	sld [smem:$0x3FDB];
	s0 =	simm.s32 @p2 $0x1  }
0x17: {  	s4 =	simm.s32 $0x1BF5;
	[smem:$0x3FA8] =	sst s0  }
0x18: {  	s0 =	sld [smem:$0x3F8B];
	_ =	swait.ge [sflag:s4], $0x0  }
0x19: {  	s7 =	sld [smem:$0x3F8C]  }
0x1a: {  	s8 =	sadd.s32 $0xFFFFE003, lr  }
0x1b: {  	s9 =	sadd.s32 $0xFFFFFEF7, lr;
	s5 =	simm.s32 $0xFFFFFFFF;
	p2 =	slt.u32 s8, $0xFFFFF086  }
0x1c: {  	p1 =	slt.u32 s9, $0xF7A;
	s5 =	simm.s32 @!p2 $0x0  }
0x1d: {  	s5 =	simm.s32 @p1 $0x1;
	p0 =	seq.s32 s7, s2  }
0x1e: {  	s7 =	smul.u32 @!p0 $0xF7A, s2;
	p2 =	seq.s32 @!p0 s5, $0x0  }
0x1f: {  	s9 =	smul.u32 $0xF7A, s1;
	s8 =	simm.s32 @!p0 $0x1BF5;
	p2 =	por !p2, p0  }
0x20: {  	[sflag:s8] =	ssyncset.s32 @!p0 $0xFFFFF086;
	s6 =	sadd.s32 @!p0 s3, s7;
	s7 =	simm.s32 @!p0 $0x108  }
0x21: {  	s3 =	sadd.s32 s3, s9;
	s6 =	sadd.s32 @!p0 $0x88, s6;
	s7 =	simm.s32 @p2 $0x1082  }
0x22: {  	[simem:s7], [sflag:s8] =	dma.local @!p0 [hbm:s6], $0xF7A  }
0x23: {  	s9 =	sor.u32 $0xD0000000, s2;
	s6 =	simm.s32 $0x108;
	_ =	swait.ge @!p0 [sflag:s8], $0x0  }
0x24: {  	s3 =	sadd.s32 $0x88, s3;
	s6 =	simm.s32 @!p1 $0x1082;
	[sflag:s4] =	ssyncset.s32 $0xFFFFF086  }
0x25: {  	[simem:s6], [sflag:s4] =	dma.local [hbm:s3], $0xF7A  }
0x26: {  	[smem:$0x3F8C] =	sst s1;
	(tag) =	ssettag s2;
	_ =	strace s9  }
0x27: {  	s1 =	sld [smem:$0x3F9C]  }
0x28: {  	s2 =	sld [smem:$0x3F9D]  }
0x29: {  	s4 =	sld [smem:$0x3F9F]  }
0x2a: {  	p0 =	seq.s32 s5, $0x0;
	s5 =	sld [smem:$0x3FA0]  }
0x2b: {  	s6 =	sld [smem:$0x3FA1]  }
0x2c: {  	s7 =	sld [smem:$0x3FA2]  }
0x2d: {  	s3 =	simm.s32 $0x108;
	s8 =	sld [smem:$0x3FA3]  }
0x2e: {  	s3 =	simm.s32 @!p0 $0x1082;
	s9 =	sld [smem:$0x3FA4]  }
0x2f: {  	lr =	sadd.s32 s0, s3;
	s0 =	sld [smem:$0x3F9B]  }
0x30: {  	s3 =	sld [smem:$0x3F9E]  }
0x31: {  	[smem:$0x3FA7] =	sst s10  }
0x32: {  	s10 =	sld [smem:$0x3FA5];
	_ =	sdelay $0x3  }
0x33: {  	p0 =	seq.s32 s10, $0x1;
	s10 =	sld [smem:$0x3FA7];
	_ =	sdelay $0x3  }
0x34: {  	[smem:$0x3FA7] =	sst s10  }
0x35: {  	s10 =	sld [smem:$0x3FA6];
	_ =	sdelay $0x3  }
0x36: {  	p1 =	seq.s32 s10, $0x1;
	s10 =	sld [smem:$0x3FA7];
	_ =	sdelay $0x3  }
0x37: {  	[smem:$0x3FA7] =	sst s10  }
0x38: {  	s10 =	sld [smem:$0x3FA8]  }
0x39: {  	_ = 	snop;
	(pc) =	sbr.ind lr, $3  }
0x3a: {  	_ = 	snop  }
0x3b: {  	_ = 	snop  }
0x3c: {  	p2 =	seq.s32 s10, $0x1;
	s10 =	sld [smem:$0x3FA7]  }
0x3d: {  	_ =	shalt  }
0x3e: {  	_ =	shalt  }
0x3f: {  	_ =	shalt  }
0x40: {  	_ =	shalt  }
0x41: {  	_ =	shalt  }
0x42: {  	_ =	shalt  }
0x43: {  	_ =	shalt  }
0x44: {  	_ =	shalt  }
0x45: {  	_ =	shalt  }
0x46: {  	_ =	shalt  }
0x47: {  	_ =	shalt  }
0x48: {  	_ =	shalt  }
0x49: {  	_ =	shalt  }
0x4a: {  	_ =	shalt  }
0x4b: {  	_ =	shalt  }
0x4c: {  	_ =	shalt  }
0x4d: {  	_ =	shalt  }
0x4e: {  	_ =	shalt  }
0x4f: {  	_ =	shalt  }
0x50: {  	_ =	shalt  }
0x51: {  	_ =	shalt  }
0x52: {  	_ =	shalt  }
0x53: {  	_ =	shalt  }
0x54: {  	_ =	shalt  }
0x55: {  	_ =	shalt  }
0x56: {  	_ =	shalt  }
0x57: {  	_ =	shalt  }
0x58: {  	_ =	shalt  }
0x59: {  	_ =	shalt  }
0x5a: {  	_ =	shalt  }
0x5b: {  	_ =	shalt  }
0x5c: {  	_ =	shalt  }
0x5d: {  	_ =	shalt  }
0x5e: {  	_ =	shalt  }
0x5f: {  	_ =	shalt  }
0x60: {  	_ =	shalt  }
0x61: {  	_ =	shalt  }
0x62: {  	_ =	shalt  }
0x63: {  	_ =	shalt  }
0x64: {  	_ =	shalt  }
0x65: {  	_ =	shalt  }
0x66: {  	_ =	shalt  }
0x67: {  	_ =	shalt  }
0x68: {  	_ =	shalt  }
0x69: {  	_ =	shalt  }
0x6a: {  	_ =	shalt  }
0x6b: {  	_ =	shalt  }
0x6c: {  	_ =	shalt  }
0x6d: {  	_ =	shalt  }
0x6e: {  	_ =	shalt  }
0x6f: {  	_ =	shalt  }
0x70: {  	_ =	shalt  }
0x71: {  	_ =	shalt  }
0x72: {  	_ =	shalt  }
0x73: {  	_ =	shalt  }
0x74: {  	_ =	shalt  }
0x75: {  	_ =	shalt  }
0x76: {  	_ =	shalt  }
0x77: {  	_ =	shalt  }
0x78: {  	_ =	shalt  }
0x79: {  	_ =	shalt  }
0x7a: {  	_ =	shalt  }
0x7b: {  	_ =	shalt  }
0x7c: {  	_ =	shalt  }
0x7d: {  	_ =	shalt  }
0x7e: {  	_ =	shalt  }
0x7f: {  	_ =	shalt  }
0x80: {  	_ =	shalt  }
0x81: {  	_ =	shalt  }
0x82: {  	_ =	shalt  }
0x83: {  	_ =	shalt  }
0x84: {  	_ =	shalt  }
0x85: {  	_ =	shalt  }
0x86: {  	_ =	shalt  }
0x87: {  	_ =	shalt  }
.Lfunc_end0:
.L_simem_size_0:
called_computation.1_lowered:
.L_overlay_start_0:
0x88: {  	s2 =	sld [smem:$0x3FD9]  }
0x89: {  	s3 =	sld [smem:$0x3FFE];
	_ =	sdelay $0x1  }
0x8a: {  	s1 =	srdreg.scid  }
0x8b: {  	s0 =	sand.u32 $0x1, s1  }
0x8c: {  	s16 =	sshll.u32 s0, $0xA;
	s2 =	sadd.s32 s3, s2  }
0x8d: {  	s2 =	sadd.s32 s2, s16  }
0x8e: {  	[smem:$0x3FB3] =	sst s2  }
0x8f: {  	_ = 	snop  }
0x90: {  	(tm) =	ssettm $0x1  }
0x91: {  	s17 =	sld [smem:$0x3FFB];
	_ =	sdelay $0x3  }
0x92: {  	_ =	strace s17  }
0x93: {  	s2 =	sld [smem:$0x3FFC];
	_ =	sdelay $0x3  }
0x94: {  	_ =	strace s2  }
0x95: {  	s2 =	sld [smem:$0x3FFD];
	_ =	sdelay $0x3  }
0x96: {  	_ =	strace s2  }
0x97: {  	_ =	strace $0x8FFFFFFF  }
0x98: {  	s18 =	sld [smem:$0x3FDB];
	_ =	sdelay $0x1  }
0x99: {  	s19 =	simm.s32 $_scs_section_size  }
0x9a: {  	s4 =	simm.s32 $_size__tile_overlayer_lowered;
	s5 =	simm.s32 $_tile_overlayer_lowered  }
0x9b: {  	s22 =	simm.s32 $0x1BFF;
	s21 =	sshll.u32 s5, $0x1;
	s2 =	sadd.s32 s19, s18  }
0x9c: {  	s6 =	simm.s32 $0x0;
	s20 =	sshll.u32 s4, $0x1;
	s4 =	sadd.s32 s21, s2  }
0x9d: {  	[timem:s6], [sflag:s22] =	dma.local [hbm:s4], s20  }
0x9e: {  	_ =	swait.ge [sflag:s22], s20  }
0x9f: {  	s3 =	ssub.s32 $0x0, s20;
	[sflag:s22] =	ssyncset.done $0x0  }
0xa0: {  	[sflag:s22] =	ssyncadd.s32 s3;
	_ =	sdelay $0x1  }
0xa1: {  	s23 =	simm.s32 $0x1B8B  }
0xa2: {  	_ =	swait.ge [sflag:s23], $0x1  }
0xa3: {  	[sflag:s23] =	ssyncset.done $0x0  }
0xa4: {  	s25 =	simm.s32 $0x1B8E;
	s24 =	sld [smem:$0x3FFE];
	[sflag:s23] =	ssyncadd.s32 $0xFFFFFFFF  }
0xa5: {  	s26 =	simm.s32 $execute0_lowered;
	[smem:$0x3FD2] =	sst s25  }
0xa6: {  	s4 =	sshll.u32 s26, $0x1;
	_ =	strace $0x80000049;
	[dreg:$0x1] =	wrdreg $0xFFFFFFFF  }
0xa7: {  	s28 =	simm.s32 $_size_execute0_lowered;
	s2 =	sadd.s32 s2, s4;
	[dreg:$0x0] =	wrdreg $0x0  }
0xa8: {  	s4 =	sshll.u32 s28, $0x1;
	[dreg:$0x2] =	wrdreg s2  }
0xa9: {  	[dreg:$0x3] =	wrdreg s4  }
0xaa: {  	[dreg:$0x4] =	wrdreg $0xC0  }
0xab: {  	_ =	task [dreg:s6], $0x5FFFF  }
0xac: {  	[dreg:$0x1] =	wrdreg $0xFFFFFFFF  }
0xad: {  	[dreg:$0x0] =	wrdreg $0x60  }
0xae: {  	[dreg:$0x2] =	wrdreg s24  }
0xaf: {  	[dreg:$0x3] =	wrdreg $0xB2200  }
0xb0: {  	[dreg:$0x4] =	wrdreg $0x9  }
0xb1: {  	_ =	task.clear_ibuf [dreg:s6], $0x5FFFF;
	_ =	strace $0x90000049  }
0xb2: {  	s29 =	simm.s32 $0x9;
	_ =	strace $0x8000004B  }
0xb3: {  	_ =	swait.ge [sflag:s29], $0x1  }
0xb4: {  	[sflag:s29] =	ssyncadd.s32 $0xFFFFFFFF  }
0xb5: {  	_ =	strace $0x9000004B  }
0xb6: {  	_ =	sfence  }
0xb7: {  	s30 =	sld [smem:$0x0];
	_ =	sdelay $0x2  }
0xb8: {  	s31 =	sshll.u32 s1, $0xD;
	s1 =	sshrl.u32 s1, $0x2  }
0xb9: {  	s3 =	sand.u32 $0x4000, s31;
	s1 =	sadd.s32 s1, s30  }
0xba: {  	s0 =	sor.u32 s3, s0;
	s1 =	sshll.u32 s1, $0x11  }
0xbb: {  	s0 =	sor.u32 s1, s0  }
0xbc: {  	s0 =	sadd.s32 $0x8F2B, s0  }
0xbd: {  	[sflag:s0] =	ssyncadd.remote.s32 $0x1  }
0xbe: {  	_ =	sfence.sel $0xFFFF  }
0xbf: {  	[dreg:$0x0] =	wrdreg $0xFFFFFFFF;
	(pc) =	sbr.abs _section_cstart, $3  }
0xc0: {  	[dreg:$0x1] =	wrdreg $0xFFFFFFFF  }
0xc1: {  	_ =	task.clear_ibuf [dreg:s6], $0x2FFFF;
	_ =	strace $0x9FFFFFFF  }
0xc2: {  	(tm) =	ssettm $0x7FFFFFFF  }
0xc3: {  	_ =	shalt  }
tec
execute0_lowered:
.L_overlay_start_1:
0x0: {  	(tag) =	ssettag $0x1  }
0x1: {  	s0 =	srdreg.scid;
	s5 =	rddreg [dreg:$0x0]  }
0x2: {  	s9 =	stileid.u32;
	s2 =	rddreg [dreg:$0x1]  }
0x3: {  	s3 =	simm.s32 $0x0;
	s14 =	simm.s32 $0x28;
	s15 =	simm.s32 $0x4E20  }
0x4: {  	s16 =	simm.s32 $0x6220;
	s18 =	simm.s32 $0x7620;
	s20 =	simm.s32 $0x8A20  }
0x5: {  	s22 =	simm.s32 $0x9E20;
	s23 =	simm.s32 $0x1;
	s24 =	simm.s32 $0x2  }
0x6: {  	s25 =	simm.s32 $0x3;
	s26 =	simm.s32 $0x4;
	s28 =	simm.s32 $0x5  }
0x7: {  	s11 =	simm.s32 $0x0;
	s0 =	sand.u32 $0x1, s0;
	s8 =	smul.u32 $0x14000, s9  }
0x8: {  	[smem:$0x7FF] =	sst s3;
	s4 =	sadd.s32 $0x18400, s5;
	s1 =	sshll.u32 s0, $0x4  }
0x9: {  	s10 =	sadd.s32 $0x3F600, s5;
	s6 =	smul.u32 $0x140000, s0;
	s1 =	sor.u32 s9, s1  }
0xa: {  	s31 =	sshll.u32 s9, $0x6;
	s0 =	ssub.s32 $0x2, s0;
	s1 =	smul.u32 $0x2710, s1  }
0xb: {  	_ =	strace $0x8000004A;
	[dreg:$0x3] =	wrdreg s10;
	s7 =	sshrl.u32 s0, $0x1  }
0xc: {  	s10 =	simm.s32 $0x6;
	s0 =	ssub.s32 s0, s7;
	s1 =	sshrl.u32 s1, $0x3  }
0xd: {  	s6 =	sadd.s32 s8, s6;
	s0 =	smax.u32 s0, $0x1;
	s1 =	sadd.s32 s1, s5  }
0xe: {  	s6 =	sshrl.u32 s6, $0x3;
	[dreg:$0x7] =	wrdreg s0;
	s29 =	sadd.s32 $0x4A00, s1  }
0xf: {  	s5 =	sadd.s32 s6, s5;
	s1 =	sadd.s32 $0xE640, s1;
	[dreg:$0x4] =	wrdreg s29  }
0x10: {  	s30 =	sadd.s32 s8, s2;
	s5 =	sadd.s32 $0x41E00, s5;
	[dreg:$0x5] =	wrdreg s1  }
0x11: {  	s12 =	sor.u32 $0x1C06, s31;
	s13 =	sshrl.u32 s30, $0x3;
	[dreg:$0x6] =	wrdreg s5  }
.LBB2_1:
0x12: {  	s0 =	rddreg [dreg:$0x4]  }
0x13: {  	[tilespmem:s3], [sflag:$0x6] =	stream.linear.gather [hbm4b:s0+s3], $0x2710, $0x38;
	[tilespmem:$0x1F220] =	vst v63  }
0x14: {  	_ =	swait.ge [sflag:s10], $0x2710  }
0x15: {  	s1 =	simm.s32 $0x2710;
	[sflag:s10] =	ssyncset.done $0x0  }
0x16: {  	s19 =	simm.s32 $0x50;
	s9 =	rddreg [dreg:$0x5];
	[sflag:s10] =	ssyncadd.s32 $0xFFFFD8F0  }
0x17: {  	[tilespmem:s1], [sflag:$0x6] =	stream.linear.gather [hbm4b:s9+s3], $0x2710, $0x38;
	[tilespmem:$0x1F220] =	vst v63  }
0x18: {  	s21 =	simm.s32 $0x78;
	s5 =	simm.s32 $0x0;
	_ =	swait.ge [sflag:s10], $0x2710  }
0x19: {  	s6 =	sand.u32 $0x1, s3;
	s8 =	simm.s32 $0x1;
	[sflag:s10] =	ssyncset.done $0x0  }
0x1a: {  	s29 =	simm.s32 $0x0;
	s17 =	rddreg [dreg:$0x3];
	[sflag:s10] =	ssyncadd.s32 $0xFFFFD8F0  }
0x1b: {  	[spmem:s13], [sflag:s12] =	dma.local [hbm:s17], $0x2800  }
0x1c: {  	s30 =	simm.s32 $0x28;
	s0 =	smul.u32 $0x140, s5;
	_ =	swait.ge [sflag:s10], $0x2800  }
0x1d: {  	s5 =	simm.s32 $0x2;
	p0 =	seq.s32 s6, $0x1;
	[sflag:s10] =	ssyncset.done $0x0  }
0x1e: {  	s29 =	smul.u32 $0x140, s29;
	s6 =	simm.s32 $0x3;
	[sflag:s10] =	ssyncadd.s32 $0xFFFFD800  }
0x1f: {  	s7 =	smul.u32 $0x140, s5;
	s5 =	sand.u32 $0x1, s8;
	[bflag:$0x0] =	sbarrier.arrive $0xFFFF  }
0x20: {  	[tilespmem:s15], [sflag:$0x1] =	stream.indirect.gather [hbm4b:s4+s14], $0x80, s3, s14, $0xb8;
	[tilespmem:$0x1F220] =	vst v63  }
0x21: {  	p1 =	seq.s32 s5, $0x1;
	s5 =	simm.s32 $0x28;
	s0 =	sshra.s32 s0, $0x2  }
0x22: {  	[tilespmem:s16], [sflag:$0x2] =	stream.indirect.gather [hbm4b:s4+s14], $0x80, s14, s14, $0xb8;
	[tilespmem:$0x1F220] =	vst v63  }
0x23: {  	s5 =	simm.s32 @!p1 $0x0;
	s7 =	sshra.s32 s7, $0x2;
	s9 =	sshra.s32 s29, $0x2  }
0x24: {  	[tilespmem:s18], [sflag:$0x3] =	stream.indirect.gather [hbm4b:s4+s14], $0x80, s19, s14, $0xb8;
	[tilespmem:$0x1F220] =	vst v63  }
0x25: {  	s1 =	simm.s32 $0xA0;
	s29 =	simm.s32 $0x2;
	s5 =	sadd.s32 s5, s9  }
0x26: {  	[tilespmem:s20], [sflag:$0x4] =	stream.indirect.gather [hbm4b:s4+s14], $0x80, s21, s14, $0xb8;
	[tilespmem:$0x1F220] =	vst v63  }
0x27: {  	s29 =	smul.u32 $0x140, s29;
	s9 =	sadd.s32 $0x2710, s5;
	s17 =	simm.s32 $0x28  }
0x28: {  	[tilespmem:s22], [sflag:$0x5] =	stream.indirect.gather [hbm4b:s4+s14], $0x80, s1, s14, $0xb8;
	[tilespmem:$0x1F220] =	vst v63  }
0x29: {  	s8 =	sshra.s32 s29, $0x2;
	s17 =	simm.s32 @!p0 $0x0;
	_ =	swait.ge [sflag:s23], $0x1400  }
0x2a: {  	s0 =	sadd.s32 s17, s0;
	s19 =	simm.s32 $0x5;
	[sflag:s23] =	ssyncset.done $0x0  }
0x2b: {  	s0 =	sadd.s32 $0x2710, s0;
	s21 =	sand.u32 $0x1, s19;
	[sflag:s23] =	ssyncadd.s32 $0xFFFFEC00  }
0x2c: {  	[spmem:s2] =	stream.indirect.scatter.add.f32 [tilespmem:s15], [sflag:$0x6], $0x80, s0, s14, $0xb8;
	[tilespmem:$0x1F220] =	vst v63  }
0x2d: {  	s29 =	simm.s32 $0x1;
	p0 =	seq.s32 s21, $0x1;
	_ =	swait.ge [sflag:s10], $0x1400  }
0x2e: {  	s29 =	smul.u32 $0x140, s29;
	s30 =	simm.s32 @!p0 $0x0;
	[sflag:s10] =	ssyncset.done $0x0  }
0x2f: {  	s21 =	smul.u32 $0x140, s6;
	s0 =	sadd.s32 s30, s7;
	[sflag:s10] =	ssyncadd.s32 $0xFFFFEC00  }
0x30: {  	[tilespmem:s15], [sflag:$0x1] =	stream.indirect.gather [hbm4b:s4+s14], $0x80, s0, s14, $0xb8;
	[tilespmem:$0x1F220] =	vst v63  }
0x31: {  	s6 =	simm.s32 $0x7;
	s21 =	sshra.s32 s21, $0x2;
	_ =	swait.ge [sflag:s24], $0x1400  }
0x32: {  	s30 =	sadd.s32 s17, s8;
	s7 =	simm.s32 $0x3;
	[sflag:s24] =	ssyncset.done $0x0  }
0x33: {  	s8 =	simm.s32 $0x3;
	s1 =	smul.u32 $0x140, s7;
	[sflag:s24] =	ssyncadd.s32 $0xFFFFEC00  }
0x34: {  	[spmem:s2] =	stream.indirect.scatter.add.f32 [tilespmem:s16], [sflag:$0x6], $0x80, s9, s14, $0xb8;
	[tilespmem:$0x1F220] =	vst v63  }
0x35: {  	s1 =	sshra.s32 s1, $0x2;
	s0 =	sadd.s32 s17, s21;
	_ =	swait.ge [sflag:s10], $0x1400  }
0x36: {  	s21 =	sshra.s32 s29, $0x2;
	s29 =	simm.s32 $0x1;
	[sflag:s10] =	ssyncset.done $0x0  }
0x37: {  	s5 =	sadd.s32 s17, s21;
	s21 =	sand.u32 $0x1, s6;
	[sflag:s10] =	ssyncadd.s32 $0xFFFFEC00  }
0x38: {  	[tilespmem:s16], [sflag:$0x2] =	stream.indirect.gather [hbm4b:s4+s14], $0x80, s0, s14, $0xb8;
	[tilespmem:$0x1F220] =	vst v63  }
0x39: {  	s29 =	smul.u32 $0x140, s29;
	p0 =	seq.s32 s21, $0x1;
	s0 =	simm.s32 $0x28  }
0x3a: {  	s21 =	sand.u32 $0x1, s8;
	s5 =	sadd.s32 $0x2710, s5;
	s0 =	simm.s32 @!p0 $0x0  }
0x3b: {  	p0 =	seq.s32 s21, $0x1;
	s21 =	simm.s32 $0x28;
	_ =	swait.ge [sflag:s25], $0x1400  }
0x3c: {  	s29 =	sshra.s32 s29, $0x2;
	s21 =	simm.s32 @!p0 $0x0;
	[sflag:s25] =	ssyncset.done $0x0  }
0x3d: {  	s21 =	sadd.s32 s21, s29;
	[sflag:s25] =	ssyncadd.s32 $0xFFFFEC00;
	s29 =	simm.s32 $0x4  }
0x3e: {  	[spmem:s2] =	stream.indirect.scatter.add.f32 [tilespmem:s18], [sflag:$0x6], $0x80, s5, s14, $0xb8;
	[tilespmem:$0x1F220] =	vst v63  }
0x3f: {  	s5 =	sadd.s32 s0, s1;
	s9 =	smul.u32 $0x140, s29;
	_ =	swait.ge [sflag:s10], $0x1400  }
0x40: {  	s0 =	sadd.s32 $0x2710, s21;
	s29 =	simm.s32 $0x9;
	[sflag:s10] =	ssyncset.done $0x0  }
0x41: {  	s31 =	sand.u32 $0x1, s29;
	s1 =	sshra.s32 s9, $0x2;
	[sflag:s10] =	ssyncadd.s32 $0xFFFFEC00  }
.LBB2_2:
0x42: {  	s6 =	sshrl.u32 s19, $0x1  }
0x43: {  	s7 =	sshrl.u32 s29, $0x1;
	s29 =	smov.u32 s19;
	s21 =	sadd.s32 $0x5, s19  }
0x44: {  	s30 =	sadd.s32 $0x2710, s30;
	s8 =	sand.u32 $0x1, s29;
	s6 =	smul.u32 $0x140, s6  }
0x45: {  	[tilespmem:s18], [sflag:$0x3] =	stream.indirect.gather [hbm4b:s4+s14], $0x80, s5, s14, $0xb8;
	[tilespmem:$0x1F220] =	vst v63  }
0x46: {  	s9 =	sand.u32 $0x1, s21;
	s5 =	sshrl.u32 s21, $0x1;
	_ =	swait.ge [sflag:s26], $0x1400  }
0x47: {  	p0 =	seq.s32 s8, $0x1;
	s8 =	sadd.s32 $0x4, s29;
	[sflag:s26] =	ssyncset.done $0x0  }
0x48: {  	p1 =	seq.s32 s31, $0x1;
	s7 =	smul.u32 $0x140, s7;
	[sflag:s26] =	ssyncadd.s32 $0xFFFFEC00  }
0x49: {  	[spmem:s2] =	stream.indirect.scatter.add.f32 [tilespmem:s20], [sflag:$0x6], $0x80, s0, s14, $0xb8;
	[tilespmem:$0x1F220] =	vst v63  }
0x4a: {  	s31 =	simm.s32 $0x28;
	s1 =	sadd.s32 s17, s1;
	s0 =	simm.s32 $0x28  }
0x4b: {  	s31 =	simm.s32 @!p0 $0x0;
	_ =	swait.ge [sflag:s10], $0x1400;
	s0 =	simm.s32 @!p1 $0x0  }
0x4c: {  	s17 =	sadd.s32 $0x1, s29;
	s7 =	sshra.s32 s7, $0x2;
	[sflag:s10] =	ssyncset.done $0x0  }
0x4d: {  	s5 =	smul.u32 $0x140, s5;
	p0 =	seq.s32 s9, $0x1;
	[sflag:s10] =	ssyncadd.s32 $0xFFFFEC00  }
0x4e: {  	[tilespmem:s20], [sflag:$0x4] =	stream.indirect.gather [hbm4b:s4+s14], $0x80, s1, s14, $0xb8;
	[tilespmem:$0x1F220] =	vst v63  }
0x4f: {  	s9 =	sshrl.u32 s17, $0x1;
	s1 =	sand.u32 $0x1, s17;
	_ =	swait.ge [sflag:s28], $0x1400  }
0x50: {  	s6 =	sshra.s32 s6, $0x2;
	s0 =	sadd.s32 s0, s7;
	[sflag:s28] =	ssyncset.done $0x0  }
0x51: {  	s7 =	sshrl.u32 s8, $0x1;
	s8 =	simm.s32 $0x28;
	[sflag:s28] =	ssyncadd.s32 $0xFFFFEC00  }
0x52: {  	[spmem:s2] =	stream.indirect.scatter.add.f32 [tilespmem:s22], [sflag:$0x6], $0x80, s30, s14, $0xb8;
	[tilespmem:$0x1F220] =	vst v63  }
0x53: {  	p1 =	seq.s32 s1, $0x1;
	s1 =	smul.u32 $0x140, s9;
	_ =	swait.ge [sflag:s10], $0x1400  }
0x54: {  	s6 =	sadd.s32 s31, s6;
	s8 =	simm.s32 @!p1 $0x0;
	[sflag:s10] =	ssyncset.done $0x0  }
0x55: {  	s9 =	sadd.s32 $0x6, s29;
	s1 =	sshra.s32 s1, $0x2;
	[sflag:s10] =	ssyncadd.s32 $0xFFFFEC00  }
0x56: {  	s7 =	smul.u32 $0x140, s7;
	s1 =	sadd.s32 s8, s1;
	s8 =	sshrl.u32 s9, $0x1  }
0x57: {  	[tilespmem:s22], [sflag:$0x5] =	stream.indirect.gather [hbm4b:s4+s14], $0x80, s0, s14, $0xb8;
	[tilespmem:$0x1F220] =	vst v63  }
0x58: {  	s0 =	sadd.s32 $0x2710, s6;
	s6 =	simm.s32 $0x28  }
0x59: {  	s8 =	smul.u32 $0x140, s8;
	s6 =	simm.s32 @!p0 $0x0  }
0x5a: {  	s5 =	sshra.s32 s5, $0x2;
	s7 =	sshra.s32 s7, $0x2;
	p0 =	sne.s32 s19, $0xF0  }
0x5b: {  	s9 =	sadd.s32 $0x2, s29;
	s8 =	sshra.s32 s8, $0x2;
	_ =	swait.ge [sflag:s23], $0x1400  }
0x5c: {  	s9 =	sshrl.u32 s9, $0x1;
	s8 =	sadd.s32 s31, s8;
	[sflag:s23] =	ssyncset.done $0x0  }
0x5d: {  	s5 =	sadd.s32 s6, s5;
	s6 =	smul.u32 $0x140, s9;
	[sflag:s23] =	ssyncadd.s32 $0xFFFFEC00  }
0x5e: {  	[spmem:s2] =	stream.indirect.scatter.add.f32 [tilespmem:s15], [sflag:$0x6], $0x80, s0, s14, $0xb8;
	[tilespmem:$0x1F220] =	vst v63  }
0x5f: {  	s17 =	smov.u32 s31;
	s30 =	sadd.s32 s31, s7;
	_ =	swait.ge [sflag:s10], $0x1400  }
0x60: {  	s0 =	sadd.s32 $0x2710, s1;
	s1 =	sshra.s32 s6, $0x2;
	[sflag:s10] =	ssyncset.done $0x0  }
0x61: {  	s6 =	sadd.s32 $0x7, s29;
	s1 =	sadd.s32 s17, s1;
	[sflag:s10] =	ssyncadd.s32 $0xFFFFEC00  }
0x62: {  	[tilespmem:s15], [sflag:$0x1] =	stream.indirect.gather [hbm4b:s4+s14], $0x80, s5, s14, $0xb8;
	[tilespmem:$0x1F220] =	vst v63  }
0x63: {  	s5 =	sshrl.u32 s6, $0x1;
	s6 =	sand.u32 $0x1, s6;
	_ =	swait.ge [sflag:s24], $0x1400  }
0x64: {  	s5 =	smul.u32 $0x140, s5;
	[sflag:s24] =	ssyncset.done $0x0  }
0x65: {  	p1 =	seq.s32 s6, $0x1;
	s6 =	sadd.s32 $0x3, s29;
	[sflag:s24] =	ssyncadd.s32 $0xFFFFEC00  }
0x66: {  	[spmem:s2] =	stream.indirect.scatter.add.f32 [tilespmem:s16], [sflag:$0x6], $0x80, s0, s14, $0xb8;
	[tilespmem:$0x1F220] =	vst v63  }
0x67: {  	s7 =	sshrl.u32 s6, $0x1;
	s0 =	simm.s32 $0x28  }
0x68: {  	s6 =	sand.u32 $0x1, s6;
	_ =	swait.ge [sflag:s10], $0x1400;
	s0 =	simm.s32 @!p1 $0x0  }
0x69: {  	p1 =	seq.s32 s6, $0x1;
	[sflag:s10] =	ssyncset.done $0x0  }
0x6a: {  	s6 =	smul.u32 $0x140, s7;
	s7 =	simm.s32 $0x28;
	[sflag:s10] =	ssyncadd.s32 $0xFFFFEC00  }
0x6b: {  	[tilespmem:s16], [sflag:$0x2] =	stream.indirect.gather [hbm4b:s4+s14], $0x80, s8, s14, $0xb8;
	[tilespmem:$0x1F220] =	vst v63  }
0x6c: {  	s19 =	smov.u32 s21;
	s7 =	simm.s32 @!p1 $0x0;
	s6 =	sshra.s32 s6, $0x2  }
0x6d: {  	s1 =	sadd.s32 $0x2710, s1;
	s6 =	sadd.s32 s7, s6;
	_ =	swait.ge [sflag:s25], $0x1400  }
0x6e: {  	s5 =	sshra.s32 s5, $0x2;
	s7 =	sadd.s32 $0x8, s29;
	[sflag:s25] =	ssyncset.done $0x0  }
.Ltmp0:
0x6f: {  	s7 =	sshrl.u32 s7, $0x1;
	[sflag:s25] =	ssyncadd.s32 $0xFFFFEC00;
	(pc) =	sbr.rel @p0 .LBB2_2-.Ltmp0, $4  }
0x70: {  	[spmem:s2] =	stream.indirect.scatter.add.f32 [tilespmem:s18], [sflag:$0x6], $0x80, s1, s14, $0xb8;
	[tilespmem:$0x1F220] =	vst v63  }
0x71: {  	s5 =	sadd.s32 s0, s5;
	s1 =	smul.u32 $0x140, s7;
	_ =	swait.ge [sflag:s10], $0x1400  }
0x72: {  	s29 =	sadd.s32 $0x9, s29;
	s0 =	sadd.s32 $0x2710, s6;
	[sflag:s10] =	ssyncset.done $0x0  }
0x73: {  	s31 =	sand.u32 $0x1, s29;
	s1 =	sshra.s32 s1, $0x2;
	[sflag:s10] =	ssyncadd.s32 $0xFFFFEC00  }
0x74: {  	[tilespmem:s18], [sflag:$0x3] =	stream.indirect.gather [hbm4b:s4+s14], $0x80, s5, s14, $0xb8;
	[tilespmem:$0x1F220] =	vst v63  }
0x75: {  	_ =	swait.ge [sflag:s26], $0x1400  }
0x76: {  	[sflag:s26] =	ssyncset.done $0x0  }
0x77: {  	[sflag:s26] =	ssyncadd.s32 $0xFFFFEC00  }
0x78: {  	[spmem:s2] =	stream.indirect.scatter.add.f32 [tilespmem:s20], [sflag:$0x6], $0x80, s0, s14, $0xb8;
	[tilespmem:$0x1F220] =	vst v63  }
0x79: {  	_ =	swait.ge [sflag:s10], $0x1400  }
0x7a: {  	[sflag:s10] =	ssyncset.done $0x0  }
0x7b: {  	s6 =	sadd.s32 s17, s1;
	[sflag:s10] =	ssyncadd.s32 $0xFFFFEC00  }
0x7c: {  	[tilespmem:s20], [sflag:$0x4] =	stream.indirect.gather [hbm4b:s4+s14], $0x80, s6, s14, $0xb8;
	[tilespmem:$0x1F220] =	vst v63  }
0x7d: {  	_ =	swait.ge [sflag:s28], $0x1400  }
0x7e: {  	s8 =	sshrl.u32 s29, $0x1;
	[sflag:s28] =	ssyncset.done $0x0  }
0x7f: {  	s7 =	sadd.s32 $0x2710, s30;
	s0 =	smul.u32 $0x140, s8;
	[sflag:s28] =	ssyncadd.s32 $0xFFFFEC00  }
0x80: {  	[spmem:s2] =	stream.indirect.scatter.add.f32 [tilespmem:s22], [sflag:$0x6], $0x80, s7, s14, $0xb8;
	[tilespmem:$0x1F220] =	vst v63  }
0x81: {  	p0 =	seq.s32 s31, $0x1;
	s1 =	simm.s32 $0x28;
	_ =	swait.ge [sflag:s10], $0x1400  }
0x82: {  	s1 =	simm.s32 @!p0 $0x0;
	s0 =	sshra.s32 s0, $0x2;
	[sflag:s10] =	ssyncset.done $0x0  }
0x83: {  	s0 =	sadd.s32 s1, s0;
	[sflag:s10] =	ssyncadd.s32 $0xFFFFEC00  }
0x84: {  	[tilespmem:s22], [sflag:$0x5] =	stream.indirect.gather [hbm4b:s4+s14], $0x80, s0, s14, $0xb8;
	[tilespmem:$0x1F220] =	vst v63  }
0x85: {  	_ =	swait.ge [sflag:s23], $0x1400  }
0x86: {  	[sflag:s23] =	ssyncset.done $0x0  }
0x87: {  	s9 =	simm.s32 $0x4D58;
	[sflag:s23] =	ssyncadd.s32 $0xFFFFEC00  }
0x88: {  	[spmem:s2] =	stream.indirect.scatter.add.f32 [tilespmem:s15], [sflag:$0x6], $0x80, s9, s14, $0xb8;
	[tilespmem:$0x1F220] =	vst v63  }
0x89: {  	_ =	swait.ge [sflag:s10], $0x1400  }
0x8a: {  	[sflag:s10] =	ssyncset.done $0x0  }
0x8b: {  	[sflag:s10] =	ssyncadd.s32 $0xFFFFEC00  }
0x8c: {  	_ =	swait.ge [sflag:s24], $0x1400  }
0x8d: {  	[sflag:s24] =	ssyncset.done $0x0  }
0x8e: {  	s17 =	simm.s32 $0x4D80;
	[sflag:s24] =	ssyncadd.s32 $0xFFFFEC00  }
0x8f: {  	[spmem:s2] =	stream.indirect.scatter.add.f32 [tilespmem:s16], [sflag:$0x6], $0x80, s17, s14, $0xb8;
	[tilespmem:$0x1F220] =	vst v63  }
0x90: {  	_ =	swait.ge [sflag:s10], $0x1400  }
0x91: {  	[sflag:s10] =	ssyncset.done $0x0  }
0x92: {  	[sflag:s10] =	ssyncadd.s32 $0xFFFFEC00  }
0x93: {  	_ =	swait.ge [sflag:s25], $0x1400  }
0x94: {  	[sflag:s25] =	ssyncset.done $0x0  }
0x95: {  	s19 =	simm.s32 $0x4DA8;
	[sflag:s25] =	ssyncadd.s32 $0xFFFFEC00  }
0x96: {  	[spmem:s2] =	stream.indirect.scatter.add.f32 [tilespmem:s18], [sflag:$0x6], $0x80, s19, s14, $0xb8;
	[tilespmem:$0x1F220] =	vst v63  }
0x97: {  	_ =	swait.ge [sflag:s10], $0x1400  }
0x98: {  	[sflag:s10] =	ssyncset.done $0x0  }
0x99: {  	[sflag:s10] =	ssyncadd.s32 $0xFFFFEC00  }
0x9a: {  	_ =	swait.ge [sflag:s26], $0x1400  }
0x9b: {  	[sflag:s26] =	ssyncset.done $0x0  }
0x9c: {  	s21 =	simm.s32 $0x4DD0;
	[sflag:s26] =	ssyncadd.s32 $0xFFFFEC00  }
0x9d: {  	[spmem:s2] =	stream.indirect.scatter.add.f32 [tilespmem:s20], [sflag:$0x6], $0x80, s21, s14, $0xb8;
	[tilespmem:$0x1F220] =	vst v63  }
0x9e: {  	_ =	swait.ge [sflag:s10], $0x1400  }
0x9f: {  	[sflag:s10] =	ssyncset.done $0x0  }
0xa0: {  	[sflag:s10] =	ssyncadd.s32 $0xFFFFEC00  }
0xa1: {  	_ =	swait.ge [sflag:s28], $0x1400  }
0xa2: {  	[sflag:s28] =	ssyncset.done $0x0  }
0xa3: {  	s29 =	simm.s32 $0x4DF8;
	[sflag:s28] =	ssyncadd.s32 $0xFFFFEC00  }
0xa4: {  	[spmem:s2] =	stream.indirect.scatter.add.f32 [tilespmem:s22], [sflag:$0x6], $0x80, s29, s14, $0xb8;
	[tilespmem:$0x1F220] =	vst v63  }
0xa5: {  	_ =	swait.ge [sflag:s10], $0x1400  }
0xa6: {  	[sflag:s10] =	ssyncset.done $0x0  }
0xa7: {  	[sflag:s10] =	ssyncadd.s32 $0xFFFFEC00  }
0xa8: {  	[bflag:$0x0] =	sbarrier.arrive $0xFFFF  }
0xa9: {  	s30 =	rddreg [dreg:$0x6]  }
0xaa: {  	[hbm:s30], [sflag:s12] =	dma.local [spmem:s13], $0x2800  }
0xab: {  	_ =	swait.ge [sflag:s10], $0x2800  }
0xac: {  	s11 =	sadd.s32 $0x1, s11;
	s31 =	rddreg [dreg:$0x7]  }
0xad: {  	p0 =	sne.s32 s11, s31  }
.Ltmp1:
0xae: {  	_ = 	snop;
	(pc) =	sbr.rel @p0 .LBB2_1-.Ltmp1, $3  }
0xaf: {  	_ =	sdelay $0x1  }
0xb0: {  	[sflag:s10] =	ssyncset.done $0x0  }
0xb1: {  	[sflag:s10] =	ssyncadd.s32 $0xFFFFD800  }
0xb2: {  	_ =	sfence.sel $0x180000  }
0xb3: {  	[bflag:$0x0] =	sbarrier.arrive $0xFFFF  }
0xb4: {  	_ =	strace $0x9000004A  }
0xb5: {  	s0 =	stileid.u32;
	[bflag:$0x2] =	sbarrier.arrive $0xFFFF  }
0xb6: {  	p0 =	sne.s32 s0, $0x0;
	s0 =	rddreg [dreg:$0x2]  }
0xb7: {  	s0 =	sadd.s32 @!p0 $0x100000, s0  }
0xb8: {  	[sflag:s0] =	ssyncadd.tile.s32 @!p0 $0x1;
	_ =	shalt  }
.Lfunc_end2:
_tile_overlayer_lowered:
.L_overlay_start_2:
0xb9: {  	(tag) =	ssettag $0x2  }
0xba: {  	s0 =	rddreg [dreg:$0x0];
	s2 =	stileid.u32  }
0xbb: {  	s1 =	rddreg [dreg:$0x1];
	p0 =	sne.s32 s2, $0x0  }
0xbc: {  	s3 =	rddreg [dreg:$0x2];
	[bflag:$0x3] =	sbarrier.arrive $0xFFFF;
	s2 =	simm.s32 @!p0 $0x1C06  }
0xbd: {  	[timem:s3], [sflag:s2] =	dma.local @!p0 [hbm:s0], s1  }
0xbe: {  	s0 =	simm.s32 @!p0 $0x6  }
0xbf: {  	_ =	swait.ge @!p0 [sflag:s0], s1  }
0xc0: {  	s1 =	ssub.s32 @!p0 $0x0, s1;
	[sflag:s0] =	ssyncset.done @!p0 $0x0  }
0xc1: {  	[sflag:s0] =	ssyncadd.s32 @!p0 s1  }
0xc2: {  	[bflag:$0x3] =	sbarrier.arrive $0xFFFF  }
0xc3: {  	_ =	shalt  }

// kernel: kernel.18.cloned.1.call-start
scs
__scs_entry_jumppad:
0x0: {  	(pc) =	sbr.rel $0x88, $3  }
0x1: {  	(tag) =	ssettag $0x0;
	lr =	simm.s32 $0x1  }
0x2: {  	[smem:$0x3F8C] =	sst lr;
	_ =	strace $0xD0000000  }
0x3: {  	_ = 	snop  }
0x4: {  	_ = 	snop  }
0x5: {  	_ = 	snop  }
0x6: {  	_ = 	snop  }
0x7: {  	_ = 	snop  }
__scs_overlays_trampoline_lowered:
0x8: {  	[smem:$0x3F9B] =	sst s0  }
0x9: {  	[smem:$0x3F9C] =	sst s1  }
0xa: {  	[smem:$0x3F9D] =	sst s2  }
0xb: {  	[smem:$0x3F9E] =	sst s3  }
0xc: {  	[smem:$0x3F9F] =	sst s4  }
0xd: {  	[smem:$0x3FA0] =	sst s5  }
0xe: {  	[smem:$0x3FA1] =	sst s6  }
0xf: {  	[smem:$0x3FA2] =	sst s7  }
0x10: {  	[smem:$0x3FA3] =	sst s8  }
0x11: {  	[smem:$0x3FA4] =	sst s9;
	s0 =	simm.s32 @!p0 $0x0  }
0x12: {  	s1 =	sld [smem:$0x3F8A];
	s0 =	simm.s32 @p0 $0x1  }
0x13: {  	[smem:$0x3FA5] =	sst s0;
	s0 =	simm.s32 @!p1 $0x0  }
0x14: {  	s2 =	sld [smem:$0x3F89];
	s0 =	simm.s32 @p1 $0x1  }
0x15: {  	[smem:$0x3FA6] =	sst s0;
	s0 =	simm.s32 @!p2 $0x0  }
0x16: {  	s3 =	sld [smem:$0x3FDB];
	s0 =	simm.s32 @p2 $0x1  }
0x17: {  	s4 =	simm.s32 $0x1BF5;
	[smem:$0x3FA8] =	sst s0  }
0x18: {  	s0 =	sld [smem:$0x3F8B];
	_ =	swait.ge [sflag:s4], $0x0  }
0x19: {  	s7 =	sld [smem:$0x3F8C]  }
0x1a: {  	s8 =	sadd.s32 $0xFFFFE003, lr  }
0x1b: {  	s9 =	sadd.s32 $0xFFFFFEF7, lr;
	s5 =	simm.s32 $0xFFFFFFFF;
	p2 =	slt.u32 s8, $0xFFFFF086  }
0x1c: {  	p1 =	slt.u32 s9, $0xF7A;
	s5 =	simm.s32 @!p2 $0x0  }
0x1d: {  	s5 =	simm.s32 @p1 $0x1;
	p0 =	seq.s32 s7, s2  }
0x1e: {  	s7 =	smul.u32 @!p0 $0xF7A, s2;
	p2 =	seq.s32 @!p0 s5, $0x0  }
0x1f: {  	s9 =	smul.u32 $0xF7A, s1;
	s8 =	simm.s32 @!p0 $0x1BF5;
	p2 =	por !p2, p0  }
0x20: {  	[sflag:s8] =	ssyncset.s32 @!p0 $0xFFFFF086;
	s6 =	sadd.s32 @!p0 s3, s7;
	s7 =	simm.s32 @!p0 $0x108  }
0x21: {  	s3 =	sadd.s32 s3, s9;
	s6 =	sadd.s32 @!p0 $0x88, s6;
	s7 =	simm.s32 @p2 $0x1082  }
0x22: {  	[simem:s7], [sflag:s8] =	dma.local @!p0 [hbm:s6], $0xF7A  }
0x23: {  	s9 =	sor.u32 $0xD0000000, s2;
	s6 =	simm.s32 $0x108;
	_ =	swait.ge @!p0 [sflag:s8], $0x0  }
0x24: {  	s3 =	sadd.s32 $0x88, s3;
	s6 =	simm.s32 @!p1 $0x1082;
	[sflag:s4] =	ssyncset.s32 $0xFFFFF086  }
0x25: {  	[simem:s6], [sflag:s4] =	dma.local [hbm:s3], $0xF7A  }
0x26: {  	[smem:$0x3F8C] =	sst s1;
	(tag) =	ssettag s2;
	_ =	strace s9  }
0x27: {  	s1 =	sld [smem:$0x3F9C]  }
0x28: {  	s2 =	sld [smem:$0x3F9D]  }
0x29: {  	s4 =	sld [smem:$0x3F9F]  }
0x2a: {  	p0 =	seq.s32 s5, $0x0;
	s5 =	sld [smem:$0x3FA0]  }
0x2b: {  	s6 =	sld [smem:$0x3FA1]  }
0x2c: {  	s7 =	sld [smem:$0x3FA2]  }
0x2d: {  	s3 =	simm.s32 $0x108;
	s8 =	sld [smem:$0x3FA3]  }
0x2e: {  	s3 =	simm.s32 @!p0 $0x1082;
	s9 =	sld [smem:$0x3FA4]  }
0x2f: {  	lr =	sadd.s32 s0, s3;
	s0 =	sld [smem:$0x3F9B]  }
0x30: {  	s3 =	sld [smem:$0x3F9E]  }
0x31: {  	[smem:$0x3FA7] =	sst s10  }
0x32: {  	s10 =	sld [smem:$0x3FA5];
	_ =	sdelay $0x3  }
0x33: {  	p0 =	seq.s32 s10, $0x1;
	s10 =	sld [smem:$0x3FA7];
	_ =	sdelay $0x3  }
0x34: {  	[smem:$0x3FA7] =	sst s10  }
0x35: {  	s10 =	sld [smem:$0x3FA6];
	_ =	sdelay $0x3  }
0x36: {  	p1 =	seq.s32 s10, $0x1;
	s10 =	sld [smem:$0x3FA7];
	_ =	sdelay $0x3  }
0x37: {  	[smem:$0x3FA7] =	sst s10  }
0x38: {  	s10 =	sld [smem:$0x3FA8]  }
0x39: {  	_ = 	snop;
	(pc) =	sbr.ind lr, $3  }
0x3a: {  	_ = 	snop  }
0x3b: {  	_ = 	snop  }
0x3c: {  	p2 =	seq.s32 s10, $0x1;
	s10 =	sld [smem:$0x3FA7]  }
0x3d: {  	_ =	shalt  }
0x3e: {  	_ =	shalt  }
0x3f: {  	_ =	shalt  }
0x40: {  	_ =	shalt  }
0x41: {  	_ =	shalt  }
0x42: {  	_ =	shalt  }
0x43: {  	_ =	shalt  }
0x44: {  	_ =	shalt  }
0x45: {  	_ =	shalt  }
0x46: {  	_ =	shalt  }
0x47: {  	_ =	shalt  }
0x48: {  	_ =	shalt  }
0x49: {  	_ =	shalt  }
0x4a: {  	_ =	shalt  }
0x4b: {  	_ =	shalt  }
0x4c: {  	_ =	shalt  }
0x4d: {  	_ =	shalt  }
0x4e: {  	_ =	shalt  }
0x4f: {  	_ =	shalt  }
0x50: {  	_ =	shalt  }
0x51: {  	_ =	shalt  }
0x52: {  	_ =	shalt  }
0x53: {  	_ =	shalt  }
0x54: {  	_ =	shalt  }
0x55: {  	_ =	shalt  }
0x56: {  	_ =	shalt  }
0x57: {  	_ =	shalt  }
0x58: {  	_ =	shalt  }
0x59: {  	_ =	shalt  }
0x5a: {  	_ =	shalt  }
0x5b: {  	_ =	shalt  }
0x5c: {  	_ =	shalt  }
0x5d: {  	_ =	shalt  }
0x5e: {  	_ =	shalt  }
0x5f: {  	_ =	shalt  }
0x60: {  	_ =	shalt  }
0x61: {  	_ =	shalt  }
0x62: {  	_ =	shalt  }
0x63: {  	_ =	shalt  }
0x64: {  	_ =	shalt  }
0x65: {  	_ =	shalt  }
0x66: {  	_ =	shalt  }
0x67: {  	_ =	shalt  }
0x68: {  	_ =	shalt  }
0x69: {  	_ =	shalt  }
0x6a: {  	_ =	shalt  }
0x6b: {  	_ =	shalt  }
0x6c: {  	_ =	shalt  }
0x6d: {  	_ =	shalt  }
0x6e: {  	_ =	shalt  }
0x6f: {  	_ =	shalt  }
0x70: {  	_ =	shalt  }
0x71: {  	_ =	shalt  }
0x72: {  	_ =	shalt  }
0x73: {  	_ =	shalt  }
0x74: {  	_ =	shalt  }
0x75: {  	_ =	shalt  }
0x76: {  	_ =	shalt  }
0x77: {  	_ =	shalt  }
0x78: {  	_ =	shalt  }
0x79: {  	_ =	shalt  }
0x7a: {  	_ =	shalt  }
0x7b: {  	_ =	shalt  }
0x7c: {  	_ =	shalt  }
0x7d: {  	_ =	shalt  }
0x7e: {  	_ =	shalt  }
0x7f: {  	_ =	shalt  }
0x80: {  	_ =	shalt  }
0x81: {  	_ =	shalt  }
0x82: {  	_ =	shalt  }
0x83: {  	_ =	shalt  }
0x84: {  	_ =	shalt  }
0x85: {  	_ =	shalt  }
0x86: {  	_ =	shalt  }
0x87: {  	_ =	shalt  }
.Lfunc_end0:
.L_simem_size_0:
called_computation.2_lowered:
.L_overlay_start_0:
0x88: {  	s2 =	sld [smem:$0x3FD9]  }
0x89: {  	s3 =	sld [smem:$0x3FFE];
	_ =	sdelay $0x1  }
0x8a: {  	s1 =	srdreg.scid  }
0x8b: {  	s0 =	sand.u32 $0x1, s1  }
0x8c: {  	s16 =	sshll.u32 s0, $0xA;
	s2 =	sadd.s32 s3, s2  }
0x8d: {  	s2 =	sadd.s32 s2, s16  }
0x8e: {  	[smem:$0x3FB3] =	sst s2  }
0x8f: {  	_ = 	snop  }
0x90: {  	(tm) =	ssettm $0x1  }
0x91: {  	s17 =	sld [smem:$0x3FFB];
	_ =	sdelay $0x3  }
0x92: {  	_ =	strace s17  }
0x93: {  	s2 =	sld [smem:$0x3FFC];
	_ =	sdelay $0x3  }
0x94: {  	_ =	strace s2  }
0x95: {  	s2 =	sld [smem:$0x3FFD];
	_ =	sdelay $0x3  }
0x96: {  	_ =	strace s2  }
0x97: {  	_ =	strace $0x8FFFFFFF  }
0x98: {  	s18 =	sld [smem:$0x3FDB];
	_ =	sdelay $0x1  }
0x99: {  	s19 =	simm.s32 $_scs_section_size  }
0x9a: {  	s4 =	simm.s32 $_size__tile_overlayer_lowered;
	s5 =	simm.s32 $_tile_overlayer_lowered  }
0x9b: {  	s22 =	simm.s32 $0x1BFF;
	s21 =	sshll.u32 s5, $0x1;
	s2 =	sadd.s32 s19, s18  }
0x9c: {  	s6 =	simm.s32 $0x0;
	s20 =	sshll.u32 s4, $0x1;
	s4 =	sadd.s32 s21, s2  }
0x9d: {  	[timem:s6], [sflag:s22] =	dma.local [hbm:s4], s20  }
0x9e: {  	_ =	swait.ge [sflag:s22], s20  }
0x9f: {  	s3 =	ssub.s32 $0x0, s20;
	[sflag:s22] =	ssyncset.done $0x0  }
0xa0: {  	[sflag:s22] =	ssyncadd.s32 s3;
	_ =	sdelay $0x1  }
0xa1: {  	s23 =	simm.s32 $0x1B8B  }
0xa2: {  	_ =	swait.ge [sflag:s23], $0x1  }
0xa3: {  	[sflag:s23] =	ssyncset.done $0x0  }
0xa4: {  	s25 =	simm.s32 $0x1B8E;
	s24 =	sld [smem:$0x3FFE];
	[sflag:s23] =	ssyncadd.s32 $0xFFFFFFFF  }
0xa5: {  	s26 =	simm.s32 $execute0_lowered;
	[smem:$0x3FD2] =	sst s25  }
0xa6: {  	s4 =	sshll.u32 s26, $0x1;
	_ =	strace $0x8000004C;
	[dreg:$0x1] =	wrdreg $0xFFFFFFFF  }
0xa7: {  	s28 =	simm.s32 $_size_execute0_lowered;
	s2 =	sadd.s32 s2, s4;
	[dreg:$0x0] =	wrdreg $0x0  }
0xa8: {  	s4 =	sshll.u32 s28, $0x1;
	[dreg:$0x2] =	wrdreg s2  }
0xa9: {  	[dreg:$0x3] =	wrdreg s4  }
0xaa: {  	[dreg:$0x4] =	wrdreg $0xC0  }
0xab: {  	_ =	task [dreg:s6], $0x5FFFF  }
0xac: {  	[dreg:$0x1] =	wrdreg $0xFFFFFFFF  }
0xad: {  	[dreg:$0x0] =	wrdreg $0x60  }
0xae: {  	[dreg:$0x2] =	wrdreg s24  }
0xaf: {  	[dreg:$0x3] =	wrdreg $0xB2200  }
0xb0: {  	[dreg:$0x4] =	wrdreg $0x9  }
0xb1: {  	_ =	task.clear_ibuf [dreg:s6], $0x5FFFF;
	_ =	strace $0x9000004C  }
0xb2: {  	s29 =	simm.s32 $0x9;
	_ =	strace $0x8000004E  }
0xb3: {  	_ =	swait.ge [sflag:s29], $0x1  }
0xb4: {  	[sflag:s29] =	ssyncadd.s32 $0xFFFFFFFF  }
0xb5: {  	_ =	strace $0x9000004E  }
0xb6: {  	_ =	sfence  }
0xb7: {  	s30 =	sld [smem:$0x0];
	_ =	sdelay $0x2  }
0xb8: {  	s31 =	sshll.u32 s1, $0xD;
	s1 =	sshrl.u32 s1, $0x2  }
0xb9: {  	s3 =	sand.u32 $0x4000, s31;
	s1 =	sadd.s32 s1, s30  }
0xba: {  	s0 =	sor.u32 s3, s0;
	s1 =	sshll.u32 s1, $0x11  }
0xbb: {  	s0 =	sor.u32 s1, s0  }
0xbc: {  	s0 =	sadd.s32 $0x8F2B, s0  }
0xbd: {  	[sflag:s0] =	ssyncadd.remote.s32 $0x1  }
0xbe: {  	_ =	sfence.sel $0xFFFF  }
0xbf: {  	[dreg:$0x0] =	wrdreg $0xFFFFFFFF;
	(pc) =	sbr.abs _section_cstart, $3  }
0xc0: {  	[dreg:$0x1] =	wrdreg $0xFFFFFFFF  }
0xc1: {  	_ =	task.clear_ibuf [dreg:s6], $0x2FFFF;
	_ =	strace $0x9FFFFFFF  }
0xc2: {  	(tm) =	ssettm $0x7FFFFFFF  }
0xc3: {  	_ =	shalt  }
tec
execute0_lowered:
.L_overlay_start_1:
0x0: {  	(tag) =	ssettag $0x1  }
0x1: {  	s0 =	srdreg.scid;
	s5 =	rddreg [dreg:$0x0]  }
0x2: {  	s9 =	stileid.u32;
	s2 =	rddreg [dreg:$0x1]  }
0x3: {  	s3 =	simm.s32 $0x0;
	s14 =	simm.s32 $0x28;
	s15 =	simm.s32 $0x4E20  }
0x4: {  	s16 =	simm.s32 $0x6220;
	s18 =	simm.s32 $0x7620;
	s20 =	simm.s32 $0x8A20  }
0x5: {  	s22 =	simm.s32 $0x9E20;
	s23 =	simm.s32 $0x1;
	s24 =	simm.s32 $0x2  }
0x6: {  	s25 =	simm.s32 $0x3;
	s26 =	simm.s32 $0x4;
	s28 =	simm.s32 $0x5  }
0x7: {  	s11 =	simm.s32 $0x0;
	s0 =	sand.u32 $0x1, s0;
	s8 =	smul.u32 $0x14000, s9  }
0x8: {  	[smem:$0x7FF] =	sst s3;
	s4 =	sadd.s32 $0x18400, s5;
	s1 =	sshll.u32 s0, $0x4  }
0x9: {  	s10 =	sadd.s32 $0x3F600, s5;
	s6 =	smul.u32 $0x140000, s0;
	s1 =	sor.u32 s9, s1  }
0xa: {  	s31 =	sshll.u32 s9, $0x6;
	s0 =	ssub.s32 $0x2, s0;
	s1 =	smul.u32 $0x2710, s1  }
0xb: {  	_ =	strace $0x8000004D;
	[dreg:$0x3] =	wrdreg s10;
	s7 =	sshrl.u32 s0, $0x1  }
0xc: {  	s10 =	simm.s32 $0x6;
	s0 =	ssub.s32 s0, s7;
	s1 =	sshrl.u32 s1, $0x3  }
0xd: {  	s6 =	sadd.s32 s8, s6;
	s0 =	smax.u32 s0, $0x1;
	s1 =	sadd.s32 s1, s5  }
0xe: {  	s6 =	sshrl.u32 s6, $0x3;
	[dreg:$0x7] =	wrdreg s0;
	s29 =	sadd.s32 $0x4A00, s1  }
0xf: {  	s5 =	sadd.s32 s6, s5;
	s1 =	sadd.s32 $0xE640, s1;
	[dreg:$0x4] =	wrdreg s29  }
0x10: {  	s30 =	sadd.s32 s8, s2;
	s5 =	sadd.s32 $0x41E00, s5;
	[dreg:$0x5] =	wrdreg s1  }
0x11: {  	s12 =	sor.u32 $0x1C06, s31;
	s13 =	sshrl.u32 s30, $0x3;
	[dreg:$0x6] =	wrdreg s5  }
.LBB2_1:
0x12: {  	s0 =	rddreg [dreg:$0x4]  }
0x13: {  	[tilespmem:s3], [sflag:$0x6] =	stream.linear.gather [hbm4b:s0+s3], $0x2710, $0x38;
	[tilespmem:$0x1F220] =	vst v63  }
0x14: {  	_ =	swait.ge [sflag:s10], $0x2710  }
0x15: {  	s1 =	simm.s32 $0x2710;
	[sflag:s10] =	ssyncset.done $0x0  }
0x16: {  	s19 =	simm.s32 $0x50;
	s9 =	rddreg [dreg:$0x5];
	[sflag:s10] =	ssyncadd.s32 $0xFFFFD8F0  }
0x17: {  	[tilespmem:s1], [sflag:$0x6] =	stream.linear.gather [hbm4b:s9+s3], $0x2710, $0x38;
	[tilespmem:$0x1F220] =	vst v63  }
0x18: {  	s21 =	simm.s32 $0x78;
	s5 =	simm.s32 $0x0;
	_ =	swait.ge [sflag:s10], $0x2710  }
0x19: {  	s6 =	sand.u32 $0x1, s3;
	s8 =	simm.s32 $0x1;
	[sflag:s10] =	ssyncset.done $0x0  }
0x1a: {  	s29 =	simm.s32 $0x0;
	s17 =	rddreg [dreg:$0x3];
	[sflag:s10] =	ssyncadd.s32 $0xFFFFD8F0  }
0x1b: {  	[spmem:s13], [sflag:s12] =	dma.local [hbm:s17], $0x2800  }
0x1c: {  	s30 =	simm.s32 $0x28;
	s0 =	smul.u32 $0x140, s5;
	_ =	swait.ge [sflag:s10], $0x2800  }
0x1d: {  	s5 =	simm.s32 $0x2;
	p0 =	seq.s32 s6, $0x1;
	[sflag:s10] =	ssyncset.done $0x0  }
0x1e: {  	s29 =	smul.u32 $0x140, s29;
	s6 =	simm.s32 $0x3;
	[sflag:s10] =	ssyncadd.s32 $0xFFFFD800  }
0x1f: {  	s7 =	smul.u32 $0x140, s5;
	s5 =	sand.u32 $0x1, s8;
	[bflag:$0x0] =	sbarrier.arrive $0xFFFF  }
0x20: {  	[tilespmem:s15], [sflag:$0x1] =	stream.indirect.gather [hbm4b:s4+s14], $0x80, s3, s14, $0xb8;
	[tilespmem:$0x1F220] =	vst v63  }
0x21: {  	p1 =	seq.s32 s5, $0x1;
	s5 =	simm.s32 $0x28;
	s0 =	sshra.s32 s0, $0x2  }
0x22: {  	[tilespmem:s16], [sflag:$0x2] =	stream.indirect.gather [hbm4b:s4+s14], $0x80, s14, s14, $0xb8;
	[tilespmem:$0x1F220] =	vst v63  }
0x23: {  	s5 =	simm.s32 @!p1 $0x0;
	s7 =	sshra.s32 s7, $0x2;
	s9 =	sshra.s32 s29, $0x2  }
0x24: {  	[tilespmem:s18], [sflag:$0x3] =	stream.indirect.gather [hbm4b:s4+s14], $0x80, s19, s14, $0xb8;
	[tilespmem:$0x1F220] =	vst v63  }
0x25: {  	s1 =	simm.s32 $0xA0;
	s29 =	simm.s32 $0x2;
	s5 =	sadd.s32 s5, s9  }
0x26: {  	[tilespmem:s20], [sflag:$0x4] =	stream.indirect.gather [hbm4b:s4+s14], $0x80, s21, s14, $0xb8;
	[tilespmem:$0x1F220] =	vst v63  }
0x27: {  	s29 =	smul.u32 $0x140, s29;
	s9 =	sadd.s32 $0x2710, s5;
	s17 =	simm.s32 $0x28  }
0x28: {  	[tilespmem:s22], [sflag:$0x5] =	stream.indirect.gather [hbm4b:s4+s14], $0x80, s1, s14, $0xb8;
	[tilespmem:$0x1F220] =	vst v63  }
0x29: {  	s8 =	sshra.s32 s29, $0x2;
	s17 =	simm.s32 @!p0 $0x0;
	_ =	swait.ge [sflag:s23], $0x1400  }
0x2a: {  	s0 =	sadd.s32 s17, s0;
	s19 =	simm.s32 $0x5;
	[sflag:s23] =	ssyncset.done $0x0  }
0x2b: {  	s0 =	sadd.s32 $0x2710, s0;
	s21 =	sand.u32 $0x1, s19;
	[sflag:s23] =	ssyncadd.s32 $0xFFFFEC00  }
0x2c: {  	[spmem:s2] =	stream.indirect.scatter.add.f32 [tilespmem:s15], [sflag:$0x6], $0x80, s0, s14, $0xb8;
	[tilespmem:$0x1F220] =	vst v63  }
0x2d: {  	s29 =	simm.s32 $0x1;
	p0 =	seq.s32 s21, $0x1;
	_ =	swait.ge [sflag:s10], $0x1400  }
0x2e: {  	s29 =	smul.u32 $0x140, s29;
	s30 =	simm.s32 @!p0 $0x0;
	[sflag:s10] =	ssyncset.done $0x0  }
0x2f: {  	s21 =	smul.u32 $0x140, s6;
	s0 =	sadd.s32 s30, s7;
	[sflag:s10] =	ssyncadd.s32 $0xFFFFEC00  }
0x30: {  	[tilespmem:s15], [sflag:$0x1] =	stream.indirect.gather [hbm4b:s4+s14], $0x80, s0, s14, $0xb8;
	[tilespmem:$0x1F220] =	vst v63  }
0x31: {  	s6 =	simm.s32 $0x7;
	s21 =	sshra.s32 s21, $0x2;
	_ =	swait.ge [sflag:s24], $0x1400  }
0x32: {  	s30 =	sadd.s32 s17, s8;
	s7 =	simm.s32 $0x3;
	[sflag:s24] =	ssyncset.done $0x0  }
0x33: {  	s8 =	simm.s32 $0x3;
	s1 =	smul.u32 $0x140, s7;
	[sflag:s24] =	ssyncadd.s32 $0xFFFFEC00  }
0x34: {  	[spmem:s2] =	stream.indirect.scatter.add.f32 [tilespmem:s16], [sflag:$0x6], $0x80, s9, s14, $0xb8;
	[tilespmem:$0x1F220] =	vst v63  }
0x35: {  	s1 =	sshra.s32 s1, $0x2;
	s0 =	sadd.s32 s17, s21;
	_ =	swait.ge [sflag:s10], $0x1400  }
0x36: {  	s21 =	sshra.s32 s29, $0x2;
	s29 =	simm.s32 $0x1;
	[sflag:s10] =	ssyncset.done $0x0  }
0x37: {  	s5 =	sadd.s32 s17, s21;
	s21 =	sand.u32 $0x1, s6;
	[sflag:s10] =	ssyncadd.s32 $0xFFFFEC00  }
0x38: {  	[tilespmem:s16], [sflag:$0x2] =	stream.indirect.gather [hbm4b:s4+s14], $0x80, s0, s14, $0xb8;
	[tilespmem:$0x1F220] =	vst v63  }
0x39: {  	s29 =	smul.u32 $0x140, s29;
	p0 =	seq.s32 s21, $0x1;
	s0 =	simm.s32 $0x28  }
0x3a: {  	s21 =	sand.u32 $0x1, s8;
	s5 =	sadd.s32 $0x2710, s5;
	s0 =	simm.s32 @!p0 $0x0  }
0x3b: {  	p0 =	seq.s32 s21, $0x1;
	s21 =	simm.s32 $0x28;
	_ =	swait.ge [sflag:s25], $0x1400  }
0x3c: {  	s29 =	sshra.s32 s29, $0x2;
	s21 =	simm.s32 @!p0 $0x0;
	[sflag:s25] =	ssyncset.done $0x0  }
0x3d: {  	s21 =	sadd.s32 s21, s29;
	[sflag:s25] =	ssyncadd.s32 $0xFFFFEC00;
	s29 =	simm.s32 $0x4  }
0x3e: {  	[spmem:s2] =	stream.indirect.scatter.add.f32 [tilespmem:s18], [sflag:$0x6], $0x80, s5, s14, $0xb8;
	[tilespmem:$0x1F220] =	vst v63  }
0x3f: {  	s5 =	sadd.s32 s0, s1;
	s9 =	smul.u32 $0x140, s29;
	_ =	swait.ge [sflag:s10], $0x1400  }
0x40: {  	s0 =	sadd.s32 $0x2710, s21;
	s29 =	simm.s32 $0x9;
	[sflag:s10] =	ssyncset.done $0x0  }
0x41: {  	s31 =	sand.u32 $0x1, s29;
	s1 =	sshra.s32 s9, $0x2;
	[sflag:s10] =	ssyncadd.s32 $0xFFFFEC00  }
.LBB2_2:
0x42: {  	s6 =	sshrl.u32 s19, $0x1  }
0x43: {  	s7 =	sshrl.u32 s29, $0x1;
	s29 =	smov.u32 s19;
	s21 =	sadd.s32 $0x5, s19  }
0x44: {  	s30 =	sadd.s32 $0x2710, s30;
	s8 =	sand.u32 $0x1, s29;
	s6 =	smul.u32 $0x140, s6  }
0x45: {  	[tilespmem:s18], [sflag:$0x3] =	stream.indirect.gather [hbm4b:s4+s14], $0x80, s5, s14, $0xb8;
	[tilespmem:$0x1F220] =	vst v63  }
0x46: {  	s9 =	sand.u32 $0x1, s21;
	s5 =	sshrl.u32 s21, $0x1;
	_ =	swait.ge [sflag:s26], $0x1400  }
0x47: {  	p0 =	seq.s32 s8, $0x1;
	s8 =	sadd.s32 $0x4, s29;
	[sflag:s26] =	ssyncset.done $0x0  }
0x48: {  	p1 =	seq.s32 s31, $0x1;
	s7 =	smul.u32 $0x140, s7;
	[sflag:s26] =	ssyncadd.s32 $0xFFFFEC00  }
0x49: {  	[spmem:s2] =	stream.indirect.scatter.add.f32 [tilespmem:s20], [sflag:$0x6], $0x80, s0, s14, $0xb8;
	[tilespmem:$0x1F220] =	vst v63  }
0x4a: {  	s31 =	simm.s32 $0x28;
	s1 =	sadd.s32 s17, s1;
	s0 =	simm.s32 $0x28  }
0x4b: {  	s31 =	simm.s32 @!p0 $0x0;
	_ =	swait.ge [sflag:s10], $0x1400;
	s0 =	simm.s32 @!p1 $0x0  }
0x4c: {  	s17 =	sadd.s32 $0x1, s29;
	s7 =	sshra.s32 s7, $0x2;
	[sflag:s10] =	ssyncset.done $0x0  }
0x4d: {  	s5 =	smul.u32 $0x140, s5;
	p0 =	seq.s32 s9, $0x1;
	[sflag:s10] =	ssyncadd.s32 $0xFFFFEC00  }
0x4e: {  	[tilespmem:s20], [sflag:$0x4] =	stream.indirect.gather [hbm4b:s4+s14], $0x80, s1, s14, $0xb8;
	[tilespmem:$0x1F220] =	vst v63  }
0x4f: {  	s9 =	sshrl.u32 s17, $0x1;
	s1 =	sand.u32 $0x1, s17;
	_ =	swait.ge [sflag:s28], $0x1400  }
0x50: {  	s6 =	sshra.s32 s6, $0x2;
	s0 =	sadd.s32 s0, s7;
	[sflag:s28] =	ssyncset.done $0x0  }
0x51: {  	s7 =	sshrl.u32 s8, $0x1;
	s8 =	simm.s32 $0x28;
	[sflag:s28] =	ssyncadd.s32 $0xFFFFEC00  }
0x52: {  	[spmem:s2] =	stream.indirect.scatter.add.f32 [tilespmem:s22], [sflag:$0x6], $0x80, s30, s14, $0xb8;
	[tilespmem:$0x1F220] =	vst v63  }
0x53: {  	p1 =	seq.s32 s1, $0x1;
	s1 =	smul.u32 $0x140, s9;
	_ =	swait.ge [sflag:s10], $0x1400  }
0x54: {  	s6 =	sadd.s32 s31, s6;
	s8 =	simm.s32 @!p1 $0x0;
	[sflag:s10] =	ssyncset.done $0x0  }
0x55: {  	s9 =	sadd.s32 $0x6, s29;
	s1 =	sshra.s32 s1, $0x2;
	[sflag:s10] =	ssyncadd.s32 $0xFFFFEC00  }
0x56: {  	s7 =	smul.u32 $0x140, s7;
	s1 =	sadd.s32 s8, s1;
	s8 =	sshrl.u32 s9, $0x1  }
0x57: {  	[tilespmem:s22], [sflag:$0x5] =	stream.indirect.gather [hbm4b:s4+s14], $0x80, s0, s14, $0xb8;
	[tilespmem:$0x1F220] =	vst v63  }
0x58: {  	s0 =	sadd.s32 $0x2710, s6;
	s6 =	simm.s32 $0x28  }
0x59: {  	s8 =	smul.u32 $0x140, s8;
	s6 =	simm.s32 @!p0 $0x0  }
0x5a: {  	s5 =	sshra.s32 s5, $0x2;
	s7 =	sshra.s32 s7, $0x2;
	p0 =	sne.s32 s19, $0xF0  }
0x5b: {  	s9 =	sadd.s32 $0x2, s29;
	s8 =	sshra.s32 s8, $0x2;
	_ =	swait.ge [sflag:s23], $0x1400  }
0x5c: {  	s9 =	sshrl.u32 s9, $0x1;
	s8 =	sadd.s32 s31, s8;
	[sflag:s23] =	ssyncset.done $0x0  }
0x5d: {  	s5 =	sadd.s32 s6, s5;
	s6 =	smul.u32 $0x140, s9;
	[sflag:s23] =	ssyncadd.s32 $0xFFFFEC00  }
0x5e: {  	[spmem:s2] =	stream.indirect.scatter.add.f32 [tilespmem:s15], [sflag:$0x6], $0x80, s0, s14, $0xb8;
	[tilespmem:$0x1F220] =	vst v63  }
0x5f: {  	s17 =	smov.u32 s31;
	s30 =	sadd.s32 s31, s7;
	_ =	swait.ge [sflag:s10], $0x1400  }
0x60: {  	s0 =	sadd.s32 $0x2710, s1;
	s1 =	sshra.s32 s6, $0x2;
	[sflag:s10] =	ssyncset.done $0x0  }
0x61: {  	s6 =	sadd.s32 $0x7, s29;
	s1 =	sadd.s32 s17, s1;
	[sflag:s10] =	ssyncadd.s32 $0xFFFFEC00  }
0x62: {  	[tilespmem:s15], [sflag:$0x1] =	stream.indirect.gather [hbm4b:s4+s14], $0x80, s5, s14, $0xb8;
	[tilespmem:$0x1F220] =	vst v63  }
0x63: {  	s5 =	sshrl.u32 s6, $0x1;
	s6 =	sand.u32 $0x1, s6;
	_ =	swait.ge [sflag:s24], $0x1400  }
0x64: {  	s5 =	smul.u32 $0x140, s5;
	[sflag:s24] =	ssyncset.done $0x0  }
0x65: {  	p1 =	seq.s32 s6, $0x1;
	s6 =	sadd.s32 $0x3, s29;
	[sflag:s24] =	ssyncadd.s32 $0xFFFFEC00  }
0x66: {  	[spmem:s2] =	stream.indirect.scatter.add.f32 [tilespmem:s16], [sflag:$0x6], $0x80, s0, s14, $0xb8;
	[tilespmem:$0x1F220] =	vst v63  }
0x67: {  	s7 =	sshrl.u32 s6, $0x1;
	s0 =	simm.s32 $0x28  }
0x68: {  	s6 =	sand.u32 $0x1, s6;
	_ =	swait.ge [sflag:s10], $0x1400;
	s0 =	simm.s32 @!p1 $0x0  }
0x69: {  	p1 =	seq.s32 s6, $0x1;
	[sflag:s10] =	ssyncset.done $0x0  }
0x6a: {  	s6 =	smul.u32 $0x140, s7;
	s7 =	simm.s32 $0x28;
	[sflag:s10] =	ssyncadd.s32 $0xFFFFEC00  }
0x6b: {  	[tilespmem:s16], [sflag:$0x2] =	stream.indirect.gather [hbm4b:s4+s14], $0x80, s8, s14, $0xb8;
	[tilespmem:$0x1F220] =	vst v63  }
0x6c: {  	s19 =	smov.u32 s21;
	s7 =	simm.s32 @!p1 $0x0;
	s6 =	sshra.s32 s6, $0x2  }
0x6d: {  	s1 =	sadd.s32 $0x2710, s1;
	s6 =	sadd.s32 s7, s6;
	_ =	swait.ge [sflag:s25], $0x1400  }
0x6e: {  	s5 =	sshra.s32 s5, $0x2;
	s7 =	sadd.s32 $0x8, s29;
	[sflag:s25] =	ssyncset.done $0x0  }
.Ltmp0:
0x6f: {  	s7 =	sshrl.u32 s7, $0x1;
	[sflag:s25] =	ssyncadd.s32 $0xFFFFEC00;
	(pc) =	sbr.rel @p0 .LBB2_2-.Ltmp0, $4  }
0x70: {  	[spmem:s2] =	stream.indirect.scatter.add.f32 [tilespmem:s18], [sflag:$0x6], $0x80, s1, s14, $0xb8;
	[tilespmem:$0x1F220] =	vst v63  }
0x71: {  	s5 =	sadd.s32 s0, s5;
	s1 =	smul.u32 $0x140, s7;
	_ =	swait.ge [sflag:s10], $0x1400  }
0x72: {  	s29 =	sadd.s32 $0x9, s29;
	s0 =	sadd.s32 $0x2710, s6;
	[sflag:s10] =	ssyncset.done $0x0  }
0x73: {  	s31 =	sand.u32 $0x1, s29;
	s1 =	sshra.s32 s1, $0x2;
	[sflag:s10] =	ssyncadd.s32 $0xFFFFEC00  }
0x74: {  	[tilespmem:s18], [sflag:$0x3] =	stream.indirect.gather [hbm4b:s4+s14], $0x80, s5, s14, $0xb8;
	[tilespmem:$0x1F220] =	vst v63  }
0x75: {  	_ =	swait.ge [sflag:s26], $0x1400  }
0x76: {  	[sflag:s26] =	ssyncset.done $0x0  }
0x77: {  	[sflag:s26] =	ssyncadd.s32 $0xFFFFEC00  }
0x78: {  	[spmem:s2] =	stream.indirect.scatter.add.f32 [tilespmem:s20], [sflag:$0x6], $0x80, s0, s14, $0xb8;
	[tilespmem:$0x1F220] =	vst v63  }
0x79: {  	_ =	swait.ge [sflag:s10], $0x1400  }
0x7a: {  	[sflag:s10] =	ssyncset.done $0x0  }
0x7b: {  	s6 =	sadd.s32 s17, s1;
	[sflag:s10] =	ssyncadd.s32 $0xFFFFEC00  }
0x7c: {  	[tilespmem:s20], [sflag:$0x4] =	stream.indirect.gather [hbm4b:s4+s14], $0x80, s6, s14, $0xb8;
	[tilespmem:$0x1F220] =	vst v63  }
0x7d: {  	_ =	swait.ge [sflag:s28], $0x1400  }
0x7e: {  	s8 =	sshrl.u32 s29, $0x1;
	[sflag:s28] =	ssyncset.done $0x0  }
0x7f: {  	s7 =	sadd.s32 $0x2710, s30;
	s0 =	smul.u32 $0x140, s8;
	[sflag:s28] =	ssyncadd.s32 $0xFFFFEC00  }
0x80: {  	[spmem:s2] =	stream.indirect.scatter.add.f32 [tilespmem:s22], [sflag:$0x6], $0x80, s7, s14, $0xb8;
	[tilespmem:$0x1F220] =	vst v63  }
0x81: {  	p0 =	seq.s32 s31, $0x1;
	s1 =	simm.s32 $0x28;
	_ =	swait.ge [sflag:s10], $0x1400  }
0x82: {  	s1 =	simm.s32 @!p0 $0x0;
	s0 =	sshra.s32 s0, $0x2;
	[sflag:s10] =	ssyncset.done $0x0  }
0x83: {  	s0 =	sadd.s32 s1, s0;
	[sflag:s10] =	ssyncadd.s32 $0xFFFFEC00  }
0x84: {  	[tilespmem:s22], [sflag:$0x5] =	stream.indirect.gather [hbm4b:s4+s14], $0x80, s0, s14, $0xb8;
	[tilespmem:$0x1F220] =	vst v63  }
0x85: {  	_ =	swait.ge [sflag:s23], $0x1400  }
0x86: {  	[sflag:s23] =	ssyncset.done $0x0  }
0x87: {  	s9 =	simm.s32 $0x4D58;
	[sflag:s23] =	ssyncadd.s32 $0xFFFFEC00  }
0x88: {  	[spmem:s2] =	stream.indirect.scatter.add.f32 [tilespmem:s15], [sflag:$0x6], $0x80, s9, s14, $0xb8;
	[tilespmem:$0x1F220] =	vst v63  }
0x89: {  	_ =	swait.ge [sflag:s10], $0x1400  }
0x8a: {  	[sflag:s10] =	ssyncset.done $0x0  }
0x8b: {  	[sflag:s10] =	ssyncadd.s32 $0xFFFFEC00  }
0x8c: {  	_ =	swait.ge [sflag:s24], $0x1400  }
0x8d: {  	[sflag:s24] =	ssyncset.done $0x0  }
0x8e: {  	s17 =	simm.s32 $0x4D80;
	[sflag:s24] =	ssyncadd.s32 $0xFFFFEC00  }
0x8f: {  	[spmem:s2] =	stream.indirect.scatter.add.f32 [tilespmem:s16], [sflag:$0x6], $0x80, s17, s14, $0xb8;
	[tilespmem:$0x1F220] =	vst v63  }
0x90: {  	_ =	swait.ge [sflag:s10], $0x1400  }
0x91: {  	[sflag:s10] =	ssyncset.done $0x0  }
0x92: {  	[sflag:s10] =	ssyncadd.s32 $0xFFFFEC00  }
0x93: {  	_ =	swait.ge [sflag:s25], $0x1400  }
0x94: {  	[sflag:s25] =	ssyncset.done $0x0  }
0x95: {  	s19 =	simm.s32 $0x4DA8;
	[sflag:s25] =	ssyncadd.s32 $0xFFFFEC00  }
0x96: {  	[spmem:s2] =	stream.indirect.scatter.add.f32 [tilespmem:s18], [sflag:$0x6], $0x80, s19, s14, $0xb8;
	[tilespmem:$0x1F220] =	vst v63  }
0x97: {  	_ =	swait.ge [sflag:s10], $0x1400  }
0x98: {  	[sflag:s10] =	ssyncset.done $0x0  }
0x99: {  	[sflag:s10] =	ssyncadd.s32 $0xFFFFEC00  }
0x9a: {  	_ =	swait.ge [sflag:s26], $0x1400  }
0x9b: {  	[sflag:s26] =	ssyncset.done $0x0  }
0x9c: {  	s21 =	simm.s32 $0x4DD0;
	[sflag:s26] =	ssyncadd.s32 $0xFFFFEC00  }
0x9d: {  	[spmem:s2] =	stream.indirect.scatter.add.f32 [tilespmem:s20], [sflag:$0x6], $0x80, s21, s14, $0xb8;
	[tilespmem:$0x1F220] =	vst v63  }
0x9e: {  	_ =	swait.ge [sflag:s10], $0x1400  }
0x9f: {  	[sflag:s10] =	ssyncset.done $0x0  }
0xa0: {  	[sflag:s10] =	ssyncadd.s32 $0xFFFFEC00  }
0xa1: {  	_ =	swait.ge [sflag:s28], $0x1400  }
0xa2: {  	[sflag:s28] =	ssyncset.done $0x0  }
0xa3: {  	s29 =	simm.s32 $0x4DF8;
	[sflag:s28] =	ssyncadd.s32 $0xFFFFEC00  }
0xa4: {  	[spmem:s2] =	stream.indirect.scatter.add.f32 [tilespmem:s22], [sflag:$0x6], $0x80, s29, s14, $0xb8;
	[tilespmem:$0x1F220] =	vst v63  }
0xa5: {  	_ =	swait.ge [sflag:s10], $0x1400  }
0xa6: {  	[sflag:s10] =	ssyncset.done $0x0  }
0xa7: {  	[sflag:s10] =	ssyncadd.s32 $0xFFFFEC00  }
0xa8: {  	[bflag:$0x0] =	sbarrier.arrive $0xFFFF  }
0xa9: {  	s30 =	rddreg [dreg:$0x6]  }
0xaa: {  	[hbm:s30], [sflag:s12] =	dma.local [spmem:s13], $0x2800  }
0xab: {  	_ =	swait.ge [sflag:s10], $0x2800  }
0xac: {  	s11 =	sadd.s32 $0x1, s11;
	s31 =	rddreg [dreg:$0x7]  }
0xad: {  	p0 =	sne.s32 s11, s31  }
.Ltmp1:
0xae: {  	_ = 	snop;
	(pc) =	sbr.rel @p0 .LBB2_1-.Ltmp1, $3  }
0xaf: {  	_ =	sdelay $0x1  }
0xb0: {  	[sflag:s10] =	ssyncset.done $0x0  }
0xb1: {  	[sflag:s10] =	ssyncadd.s32 $0xFFFFD800  }
0xb2: {  	_ =	sfence.sel $0x180000  }
0xb3: {  	[bflag:$0x0] =	sbarrier.arrive $0xFFFF  }
0xb4: {  	_ =	strace $0x9000004D  }
0xb5: {  	s0 =	stileid.u32;
	[bflag:$0x2] =	sbarrier.arrive $0xFFFF  }
0xb6: {  	p0 =	sne.s32 s0, $0x0;
	s0 =	rddreg [dreg:$0x2]  }
0xb7: {  	s0 =	sadd.s32 @!p0 $0x100000, s0  }
0xb8: {  	[sflag:s0] =	ssyncadd.tile.s32 @!p0 $0x1;
	_ =	shalt  }
.Lfunc_end2:
_tile_overlayer_lowered:
.L_overlay_start_2:
0xb9: {  	(tag) =	ssettag $0x2  }
0xba: {  	s0 =	rddreg [dreg:$0x0];
	s2 =	stileid.u32  }
0xbb: {  	s1 =	rddreg [dreg:$0x1];
	p0 =	sne.s32 s2, $0x0  }
0xbc: {  	s3 =	rddreg [dreg:$0x2];
	[bflag:$0x3] =	sbarrier.arrive $0xFFFF;
	s2 =	simm.s32 @!p0 $0x1C06  }
0xbd: {  	[timem:s3], [sflag:s2] =	dma.local @!p0 [hbm:s0], s1  }
0xbe: {  	s0 =	simm.s32 @!p0 $0x6  }
0xbf: {  	_ =	swait.ge @!p0 [sflag:s0], s1  }
0xc0: {  	s1 =	ssub.s32 @!p0 $0x0, s1;
	[sflag:s0] =	ssyncset.done @!p0 $0x0  }
0xc1: {  	[sflag:s0] =	ssyncadd.s32 @!p0 s1  }
0xc2: {  	[bflag:$0x3] =	sbarrier.arrive $0xFFFF  }
0xc3: {  	_ =	shalt  }

// kernel: kernel.21.cloned.1.call-start
scs
__scs_entry_jumppad:
0x0: {  	(pc) =	sbr.rel $0x88, $3  }
0x1: {  	(tag) =	ssettag $0x0;
	lr =	simm.s32 $0x1  }
0x2: {  	[smem:$0x3F8C] =	sst lr;
	_ =	strace $0xD0000000  }
0x3: {  	_ = 	snop  }
0x4: {  	_ = 	snop  }
0x5: {  	_ = 	snop  }
0x6: {  	_ = 	snop  }
0x7: {  	_ = 	snop  }
__scs_overlays_trampoline_lowered:
0x8: {  	[smem:$0x3F9B] =	sst s0  }
0x9: {  	[smem:$0x3F9C] =	sst s1  }
0xa: {  	[smem:$0x3F9D] =	sst s2  }
0xb: {  	[smem:$0x3F9E] =	sst s3  }
0xc: {  	[smem:$0x3F9F] =	sst s4  }
0xd: {  	[smem:$0x3FA0] =	sst s5  }
0xe: {  	[smem:$0x3FA1] =	sst s6  }
0xf: {  	[smem:$0x3FA2] =	sst s7  }
0x10: {  	[smem:$0x3FA3] =	sst s8  }
0x11: {  	[smem:$0x3FA4] =	sst s9;
	s0 =	simm.s32 @!p0 $0x0  }
0x12: {  	s1 =	sld [smem:$0x3F8A];
	s0 =	simm.s32 @p0 $0x1  }
0x13: {  	[smem:$0x3FA5] =	sst s0;
	s0 =	simm.s32 @!p1 $0x0  }
0x14: {  	s2 =	sld [smem:$0x3F89];
	s0 =	simm.s32 @p1 $0x1  }
0x15: {  	[smem:$0x3FA6] =	sst s0;
	s0 =	simm.s32 @!p2 $0x0  }
0x16: {  	s3 =	sld [smem:$0x3FDB];
	s0 =	simm.s32 @p2 $0x1  }
0x17: {  	s4 =	simm.s32 $0x1BF5;
	[smem:$0x3FA8] =	sst s0  }
0x18: {  	s0 =	sld [smem:$0x3F8B];
	_ =	swait.ge [sflag:s4], $0x0  }
0x19: {  	s7 =	sld [smem:$0x3F8C]  }
0x1a: {  	s8 =	sadd.s32 $0xFFFFE003, lr  }
0x1b: {  	s9 =	sadd.s32 $0xFFFFFEF7, lr;
	s5 =	simm.s32 $0xFFFFFFFF;
	p2 =	slt.u32 s8, $0xFFFFF086  }
0x1c: {  	p1 =	slt.u32 s9, $0xF7A;
	s5 =	simm.s32 @!p2 $0x0  }
0x1d: {  	s5 =	simm.s32 @p1 $0x1;
	p0 =	seq.s32 s7, s2  }
0x1e: {  	s7 =	smul.u32 @!p0 $0xF7A, s2;
	p2 =	seq.s32 @!p0 s5, $0x0  }
0x1f: {  	s9 =	smul.u32 $0xF7A, s1;
	s8 =	simm.s32 @!p0 $0x1BF5;
	p2 =	por !p2, p0  }
0x20: {  	[sflag:s8] =	ssyncset.s32 @!p0 $0xFFFFF086;
	s6 =	sadd.s32 @!p0 s3, s7;
	s7 =	simm.s32 @!p0 $0x108  }
0x21: {  	s3 =	sadd.s32 s3, s9;
	s6 =	sadd.s32 @!p0 $0x88, s6;
	s7 =	simm.s32 @p2 $0x1082  }
0x22: {  	[simem:s7], [sflag:s8] =	dma.local @!p0 [hbm:s6], $0xF7A  }
0x23: {  	s9 =	sor.u32 $0xD0000000, s2;
	s6 =	simm.s32 $0x108;
	_ =	swait.ge @!p0 [sflag:s8], $0x0  }
0x24: {  	s3 =	sadd.s32 $0x88, s3;
	s6 =	simm.s32 @!p1 $0x1082;
	[sflag:s4] =	ssyncset.s32 $0xFFFFF086  }
0x25: {  	[simem:s6], [sflag:s4] =	dma.local [hbm:s3], $0xF7A  }
0x26: {  	[smem:$0x3F8C] =	sst s1;
	(tag) =	ssettag s2;
	_ =	strace s9  }
0x27: {  	s1 =	sld [smem:$0x3F9C]  }
0x28: {  	s2 =	sld [smem:$0x3F9D]  }
0x29: {  	s4 =	sld [smem:$0x3F9F]  }
0x2a: {  	p0 =	seq.s32 s5, $0x0;
	s5 =	sld [smem:$0x3FA0]  }
0x2b: {  	s6 =	sld [smem:$0x3FA1]  }
0x2c: {  	s7 =	sld [smem:$0x3FA2]  }
0x2d: {  	s3 =	simm.s32 $0x108;
	s8 =	sld [smem:$0x3FA3]  }
0x2e: {  	s3 =	simm.s32 @!p0 $0x1082;
	s9 =	sld [smem:$0x3FA4]  }
0x2f: {  	lr =	sadd.s32 s0, s3;
	s0 =	sld [smem:$0x3F9B]  }
0x30: {  	s3 =	sld [smem:$0x3F9E]  }
0x31: {  	[smem:$0x3FA7] =	sst s10  }
0x32: {  	s10 =	sld [smem:$0x3FA5];
	_ =	sdelay $0x3  }
0x33: {  	p0 =	seq.s32 s10, $0x1;
	s10 =	sld [smem:$0x3FA7];
	_ =	sdelay $0x3  }
0x34: {  	[smem:$0x3FA7] =	sst s10  }
0x35: {  	s10 =	sld [smem:$0x3FA6];
	_ =	sdelay $0x3  }
0x36: {  	p1 =	seq.s32 s10, $0x1;
	s10 =	sld [smem:$0x3FA7];
	_ =	sdelay $0x3  }
0x37: {  	[smem:$0x3FA7] =	sst s10  }
0x38: {  	s10 =	sld [smem:$0x3FA8]  }
0x39: {  	_ = 	snop;
	(pc) =	sbr.ind lr, $3  }
0x3a: {  	_ = 	snop  }
0x3b: {  	_ = 	snop  }
0x3c: {  	p2 =	seq.s32 s10, $0x1;
	s10 =	sld [smem:$0x3FA7]  }
0x3d: {  	_ =	shalt  }
0x3e: {  	_ =	shalt  }
0x3f: {  	_ =	shalt  }
0x40: {  	_ =	shalt  }
0x41: {  	_ =	shalt  }
0x42: {  	_ =	shalt  }
0x43: {  	_ =	shalt  }
0x44: {  	_ =	shalt  }
0x45: {  	_ =	shalt  }
0x46: {  	_ =	shalt  }
0x47: {  	_ =	shalt  }
0x48: {  	_ =	shalt  }
0x49: {  	_ =	shalt  }
0x4a: {  	_ =	shalt  }
0x4b: {  	_ =	shalt  }
0x4c: {  	_ =	shalt  }
0x4d: {  	_ =	shalt  }
0x4e: {  	_ =	shalt  }
0x4f: {  	_ =	shalt  }
0x50: {  	_ =	shalt  }
0x51: {  	_ =	shalt  }
0x52: {  	_ =	shalt  }
0x53: {  	_ =	shalt  }
0x54: {  	_ =	shalt  }
0x55: {  	_ =	shalt  }
0x56: {  	_ =	shalt  }
0x57: {  	_ =	shalt  }
0x58: {  	_ =	shalt  }
0x59: {  	_ =	shalt  }
0x5a: {  	_ =	shalt  }
0x5b: {  	_ =	shalt  }
0x5c: {  	_ =	shalt  }
0x5d: {  	_ =	shalt  }
0x5e: {  	_ =	shalt  }
0x5f: {  	_ =	shalt  }
0x60: {  	_ =	shalt  }
0x61: {  	_ =	shalt  }
0x62: {  	_ =	shalt  }
0x63: {  	_ =	shalt  }
0x64: {  	_ =	shalt  }
0x65: {  	_ =	shalt  }
0x66: {  	_ =	shalt  }
0x67: {  	_ =	shalt  }
0x68: {  	_ =	shalt  }
0x69: {  	_ =	shalt  }
0x6a: {  	_ =	shalt  }
0x6b: {  	_ =	shalt  }
0x6c: {  	_ =	shalt  }
0x6d: {  	_ =	shalt  }
0x6e: {  	_ =	shalt  }
0x6f: {  	_ =	shalt  }
0x70: {  	_ =	shalt  }
0x71: {  	_ =	shalt  }
0x72: {  	_ =	shalt  }
0x73: {  	_ =	shalt  }
0x74: {  	_ =	shalt  }
0x75: {  	_ =	shalt  }
0x76: {  	_ =	shalt  }
0x77: {  	_ =	shalt  }
0x78: {  	_ =	shalt  }
0x79: {  	_ =	shalt  }
0x7a: {  	_ =	shalt  }
0x7b: {  	_ =	shalt  }
0x7c: {  	_ =	shalt  }
0x7d: {  	_ =	shalt  }
0x7e: {  	_ =	shalt  }
0x7f: {  	_ =	shalt  }
0x80: {  	_ =	shalt  }
0x81: {  	_ =	shalt  }
0x82: {  	_ =	shalt  }
0x83: {  	_ =	shalt  }
0x84: {  	_ =	shalt  }
0x85: {  	_ =	shalt  }
0x86: {  	_ =	shalt  }
0x87: {  	_ =	shalt  }
.Lfunc_end0:
.L_simem_size_0:
called_computation.3_lowered:
.L_overlay_start_0:
0x88: {  	s2 =	sld [smem:$0x3FD9]  }
0x89: {  	s3 =	sld [smem:$0x3FFE];
	_ =	sdelay $0x1  }
0x8a: {  	s1 =	srdreg.scid  }
0x8b: {  	s0 =	sand.u32 $0x1, s1  }
0x8c: {  	s16 =	sshll.u32 s0, $0xA;
	s2 =	sadd.s32 s3, s2  }
0x8d: {  	s2 =	sadd.s32 s2, s16  }
0x8e: {  	[smem:$0x3FB3] =	sst s2  }
0x8f: {  	_ = 	snop  }
0x90: {  	(tm) =	ssettm $0x1  }
0x91: {  	s17 =	sld [smem:$0x3FFB];
	_ =	sdelay $0x3  }
0x92: {  	_ =	strace s17  }
0x93: {  	s2 =	sld [smem:$0x3FFC];
	_ =	sdelay $0x3  }
0x94: {  	_ =	strace s2  }
0x95: {  	s2 =	sld [smem:$0x3FFD];
	_ =	sdelay $0x3  }
0x96: {  	_ =	strace s2  }
0x97: {  	_ =	strace $0x8FFFFFFF  }
0x98: {  	s18 =	sld [smem:$0x3FDB];
	_ =	sdelay $0x1  }
0x99: {  	s19 =	simm.s32 $_scs_section_size  }
0x9a: {  	s4 =	simm.s32 $_size__tile_overlayer_lowered;
	s5 =	simm.s32 $_tile_overlayer_lowered  }
0x9b: {  	s22 =	simm.s32 $0x1BFF;
	s21 =	sshll.u32 s5, $0x1;
	s2 =	sadd.s32 s19, s18  }
0x9c: {  	s6 =	simm.s32 $0x0;
	s20 =	sshll.u32 s4, $0x1;
	s4 =	sadd.s32 s21, s2  }
0x9d: {  	[timem:s6], [sflag:s22] =	dma.local [hbm:s4], s20  }
0x9e: {  	_ =	swait.ge [sflag:s22], s20  }
0x9f: {  	s3 =	ssub.s32 $0x0, s20;
	[sflag:s22] =	ssyncset.done $0x0  }
0xa0: {  	[sflag:s22] =	ssyncadd.s32 s3;
	_ =	sdelay $0x1  }
0xa1: {  	s23 =	simm.s32 $0x1B8B  }
0xa2: {  	_ =	swait.ge [sflag:s23], $0x1  }
0xa3: {  	[sflag:s23] =	ssyncset.done $0x0  }
0xa4: {  	s25 =	simm.s32 $0x1B8E;
	s24 =	sld [smem:$0x3FFE];
	[sflag:s23] =	ssyncadd.s32 $0xFFFFFFFF  }
0xa5: {  	s26 =	simm.s32 $execute0_lowered;
	[smem:$0x3FD2] =	sst s25  }
0xa6: {  	s4 =	sshll.u32 s26, $0x1;
	_ =	strace $0x8000004F;
	[dreg:$0x1] =	wrdreg $0xFFFFFFFF  }
0xa7: {  	s28 =	simm.s32 $_size_execute0_lowered;
	s2 =	sadd.s32 s2, s4;
	[dreg:$0x0] =	wrdreg $0x0  }
0xa8: {  	s4 =	sshll.u32 s28, $0x1;
	[dreg:$0x2] =	wrdreg s2  }
0xa9: {  	[dreg:$0x3] =	wrdreg s4  }
0xaa: {  	[dreg:$0x4] =	wrdreg $0xC0  }
0xab: {  	_ =	task [dreg:s6], $0x5FFFF  }
0xac: {  	[dreg:$0x1] =	wrdreg $0xFFFFFFFF  }
0xad: {  	[dreg:$0x0] =	wrdreg $0x60  }
0xae: {  	[dreg:$0x2] =	wrdreg s24  }
0xaf: {  	[dreg:$0x3] =	wrdreg $0xB2200  }
0xb0: {  	[dreg:$0x4] =	wrdreg $0x9  }
0xb1: {  	_ =	task.clear_ibuf [dreg:s6], $0x5FFFF;
	_ =	strace $0x9000004F  }
0xb2: {  	s29 =	simm.s32 $0x9;
	_ =	strace $0x80000051  }
0xb3: {  	_ =	swait.ge [sflag:s29], $0x1  }
0xb4: {  	[sflag:s29] =	ssyncadd.s32 $0xFFFFFFFF  }
0xb5: {  	_ =	strace $0x90000051  }
0xb6: {  	_ =	sfence  }
0xb7: {  	s30 =	sld [smem:$0x0];
	_ =	sdelay $0x2  }
0xb8: {  	s31 =	sshll.u32 s1, $0xD;
	s1 =	sshrl.u32 s1, $0x2  }
0xb9: {  	s3 =	sand.u32 $0x4000, s31;
	s1 =	sadd.s32 s1, s30  }
0xba: {  	s0 =	sor.u32 s3, s0;
	s1 =	sshll.u32 s1, $0x11  }
0xbb: {  	s0 =	sor.u32 s1, s0  }
0xbc: {  	s0 =	sadd.s32 $0x8F2B, s0  }
0xbd: {  	[sflag:s0] =	ssyncadd.remote.s32 $0x1  }
0xbe: {  	_ =	sfence.sel $0xFFFF  }
0xbf: {  	[dreg:$0x0] =	wrdreg $0xFFFFFFFF;
	(pc) =	sbr.abs _section_cstart, $3  }
0xc0: {  	[dreg:$0x1] =	wrdreg $0xFFFFFFFF  }
0xc1: {  	_ =	task.clear_ibuf [dreg:s6], $0x2FFFF;
	_ =	strace $0x9FFFFFFF  }
0xc2: {  	(tm) =	ssettm $0x7FFFFFFF  }
0xc3: {  	_ =	shalt  }
tec
execute0_lowered:
.L_overlay_start_1:
0x0: {  	(tag) =	ssettag $0x1  }
0x1: {  	s0 =	srdreg.scid;
	s6 =	rddreg [dreg:$0x0]  }
0x2: {  	s11 =	stileid.u32;
	s2 =	rddreg [dreg:$0x1]  }
0x3: {  	s3 =	simm.s32 $0x0;
	s14 =	simm.s32 $0x50;
	s15 =	simm.s32 $0x4E20  }
0x4: {  	s16 =	simm.s32 $0x6220;
	s18 =	simm.s32 $0x7620;
	s20 =	simm.s32 $0x8A20  }
0x5: {  	s22 =	simm.s32 $0x9E20;
	s23 =	simm.s32 $0x1;
	s24 =	simm.s32 $0x2  }
0x6: {  	s28 =	simm.s32 $0x5;
	s29 =	simm.s32 $0x4C90;
	s30 =	simm.s32 $0x4CE0  }
0x7: {  	s31 =	simm.s32 $0x4D30;
	s0 =	sand.u32 $0x1, s0;
	s8 =	smul.u32 $0xA000, s11  }
0x8: {  	[smem:$0x7FF] =	sst s3;
	s4 =	sadd.s32 $0x18400, s6;
	s26 =	sshll.u32 s11, $0x6  }
0x9: {  	s1 =	sshll.u32 s0, $0x4;
	s5 =	smul.u32 $0xA0000, s0;
	_ =	strace $0x80000050  }
0xa: {  	s0 =	ssub.s32 $0x2, s0;
	s12 =	sor.u32 $0x1C06, s26;
	s26 =	simm.s32 $0x4  }
0xb: {  	s1 =	sor.u32 s11, s1;
	s9 =	sshrl.u32 s0, $0x1;
	s25 =	sadd.s32 s8, s2  }
0xc: {  	s11 =	simm.s32 $0x0;
	s1 =	smul.u32 $0x2710, s1;
	s5 =	sadd.s32 s8, s5  }
0xd: {  	s0 =	ssub.s32 s0, s9;
	s13 =	sshrl.u32 s25, $0x3;
	s25 =	simm.s32 $0x3  }
0xe: {  	s7 =	sshrl.u32 s5, $0x3;
	s5 =	sadd.s32 $0x2BE00, s6;
	s9 =	smax.u32 s0, $0x1  }
0xf: {  	s0 =	simm.s32 $0x4DD0;
	s1 =	sshrl.u32 s1, $0x3;
	s10 =	sadd.s32 s7, s6  }
0x10: {  	s1 =	sadd.s32 s1, s6;
	s8 =	sadd.s32 $0x2D200, s10;
	s10 =	simm.s32 $0x6  }
0x11: {  	s6 =	sadd.s32 $0x4A00, s1;
	s7 =	sadd.s32 $0xE640, s1;
	s1 =	simm.s32 $0x4D80  }
.LBB2_1:
0x12: {  	[tilespmem:s3], [sflag:$0x6] =	stream.linear.gather [hbm4b:s6+s3], $0x2710, $0x38;
	[tilespmem:$0x15220] =	vst v63  }
0x13: {  	_ =	swait.ge [sflag:s10], $0x2710  }
0x14: {  	[sflag:s10] =	ssyncset.done $0x0  }
0x15: {  	s17 =	simm.s32 $0x2710;
	[sflag:s10] =	ssyncadd.s32 $0xFFFFD8F0  }
0x16: {  	[tilespmem:s17], [sflag:$0x6] =	stream.linear.gather [hbm4b:s7+s3], $0x2710, $0x38;
	[tilespmem:$0x15220] =	vst v63  }
0x17: {  	_ =	swait.ge [sflag:s10], $0x2710  }
0x18: {  	[sflag:s10] =	ssyncset.done $0x0  }
0x19: {  	[sflag:s10] =	ssyncadd.s32 $0xFFFFD8F0  }
0x1a: {  	[spmem:s13], [sflag:s12] =	dma.local [hbm:s5], $0x1400  }
0x1b: {  	_ =	swait.ge [sflag:s10], $0x1400  }
0x1c: {  	[sflag:s10] =	ssyncset.done $0x0  }
0x1d: {  	[sflag:s10] =	ssyncadd.s32 $0xFFFFEC00  }
0x1e: {  	[bflag:$0x0] =	sbarrier.arrive $0xFFFF  }
0x1f: {  	[tilespmem:s15], [sflag:$0x1] =	stream.indirect.gather [hbm4b:s4+s14], $0x40, s3, s14, $0xb8;
	[tilespmem:$0x15220] =	vst v63  }
0x20: {  	_ = 	snop  }
0x21: {  	[tilespmem:s16], [sflag:$0x2] =	stream.indirect.gather [hbm4b:s4+s14], $0x40, s14, s14, $0xb8;
	[tilespmem:$0x15220] =	vst v63  }
0x22: {  	s19 =	simm.s32 $0xA0  }
0x23: {  	[tilespmem:s18], [sflag:$0x3] =	stream.indirect.gather [hbm4b:s4+s14], $0x40, s19, s14, $0xb8;
	[tilespmem:$0x15220] =	vst v63  }
0x24: {  	s21 =	simm.s32 $0xF0  }
0x25: {  	[tilespmem:s20], [sflag:$0x4] =	stream.indirect.gather [hbm4b:s4+s14], $0x40, s21, s14, $0xb8;
	[tilespmem:$0x15220] =	vst v63  }
0x26: {  	s19 =	simm.s32 $0x140  }
0x27: {  	[tilespmem:s22], [sflag:$0x5] =	stream.indirect.gather [hbm4b:s4+s14], $0x40, s19, s14, $0xb8;
	[tilespmem:$0x15220] =	vst v63  }
0x28: {  	_ =	swait.ge [sflag:s23], $0x1400  }
0x29: {  	[sflag:s23] =	ssyncset.done $0x0  }
0x2a: {  	s21 =	simm.s32 $0x2710;
	[sflag:s23] =	ssyncadd.s32 $0xFFFFEC00  }
0x2b: {  	[spmem:s2] =	stream.indirect.scatter.add.f32 [tilespmem:s15], [sflag:$0x6], $0x40, s21, s14, $0xb8;
	[tilespmem:$0x15220] =	vst v63  }
0x2c: {  	_ =	swait.ge [sflag:s10], $0x1400  }
0x2d: {  	[sflag:s10] =	ssyncset.done $0x0  }
0x2e: {  	s19 =	simm.s32 $0x190;
	[sflag:s10] =	ssyncadd.s32 $0xFFFFEC00  }
0x2f: {  	[tilespmem:s15], [sflag:$0x1] =	stream.indirect.gather [hbm4b:s4+s14], $0x40, s19, s14, $0xb8;
	[tilespmem:$0x15220] =	vst v63  }
0x30: {  	_ =	swait.ge [sflag:s24], $0x1400  }
0x31: {  	[sflag:s24] =	ssyncset.done $0x0  }
0x32: {  	s21 =	simm.s32 $0x2760;
	[sflag:s24] =	ssyncadd.s32 $0xFFFFEC00  }
0x33: {  	[spmem:s2] =	stream.indirect.scatter.add.f32 [tilespmem:s16], [sflag:$0x6], $0x40, s21, s14, $0xb8;
	[tilespmem:$0x15220] =	vst v63  }
0x34: {  	_ =	swait.ge [sflag:s10], $0x1400  }
0x35: {  	[sflag:s10] =	ssyncset.done $0x0  }
0x36: {  	s19 =	simm.s32 $0x1E0;
	[sflag:s10] =	ssyncadd.s32 $0xFFFFEC00  }
0x37: {  	[tilespmem:s16], [sflag:$0x2] =	stream.indirect.gather [hbm4b:s4+s14], $0x40, s19, s14, $0xb8;
	[tilespmem:$0x15220] =	vst v63  }
0x38: {  	_ =	swait.ge [sflag:s25], $0x1400  }
0x39: {  	[sflag:s25] =	ssyncset.done $0x0  }
0x3a: {  	s21 =	simm.s32 $0x27B0;
	[sflag:s25] =	ssyncadd.s32 $0xFFFFEC00  }
0x3b: {  	[spmem:s2] =	stream.indirect.scatter.add.f32 [tilespmem:s18], [sflag:$0x6], $0x40, s21, s14, $0xb8;
	[tilespmem:$0x15220] =	vst v63  }
0x3c: {  	_ =	swait.ge [sflag:s10], $0x1400  }
0x3d: {  	[sflag:s10] =	ssyncset.done $0x0  }
0x3e: {  	s19 =	simm.s32 $0x230;
	[sflag:s10] =	ssyncadd.s32 $0xFFFFEC00  }
0x3f: {  	[tilespmem:s18], [sflag:$0x3] =	stream.indirect.gather [hbm4b:s4+s14], $0x40, s19, s14, $0xb8;
	[tilespmem:$0x15220] =	vst v63  }
0x40: {  	_ =	swait.ge [sflag:s26], $0x1400  }
0x41: {  	[sflag:s26] =	ssyncset.done $0x0  }
0x42: {  	s21 =	simm.s32 $0x2800;
	[sflag:s26] =	ssyncadd.s32 $0xFFFFEC00  }
0x43: {  	[spmem:s2] =	stream.indirect.scatter.add.f32 [tilespmem:s20], [sflag:$0x6], $0x40, s21, s14, $0xb8;
	[tilespmem:$0x15220] =	vst v63  }
0x44: {  	_ =	swait.ge [sflag:s10], $0x1400  }
0x45: {  	[sflag:s10] =	ssyncset.done $0x0  }
0x46: {  	s19 =	simm.s32 $0x280;
	[sflag:s10] =	ssyncadd.s32 $0xFFFFEC00  }
0x47: {  	[tilespmem:s20], [sflag:$0x4] =	stream.indirect.gather [hbm4b:s4+s14], $0x40, s19, s14, $0xb8;
	[tilespmem:$0x15220] =	vst v63  }
0x48: {  	_ =	swait.ge [sflag:s28], $0x1400  }
0x49: {  	[sflag:s28] =	ssyncset.done $0x0  }
0x4a: {  	s21 =	simm.s32 $0x2850;
	[sflag:s28] =	ssyncadd.s32 $0xFFFFEC00  }
0x4b: {  	[spmem:s2] =	stream.indirect.scatter.add.f32 [tilespmem:s22], [sflag:$0x6], $0x40, s21, s14, $0xb8;
	[tilespmem:$0x15220] =	vst v63  }
0x4c: {  	_ =	swait.ge [sflag:s10], $0x1400  }
0x4d: {  	[sflag:s10] =	ssyncset.done $0x0  }
0x4e: {  	s17 =	simm.s32 $0x640;
	s19 =	simm.s32 $0x2D0;
	[sflag:s10] =	ssyncadd.s32 $0xFFFFEC00  }
.LBB2_2:
0x4f: {  	[tilespmem:s22], [sflag:$0x5] =	stream.indirect.gather [hbm4b:s4+s14], $0x40, s19, s14, $0xb8;
	[tilespmem:$0x15220] =	vst v63  }
0x50: {  	s19 =	smov.u32 s17  }
0x51: {  	p0 =	sne.s32 s17, $0x8FC0;
	s17 =	sadd.s32 $0x640, s17;
	_ =	swait.ge [sflag:s23], $0x1400  }
0x52: {  	s19 =	sshra.s32 s19, $0x2;
	[sflag:s23] =	ssyncset.done $0x0  }
0x53: {  	s21 =	sadd.s32 $0x2710, s19;
	[sflag:s23] =	ssyncadd.s32 $0xFFFFEC00  }
0x54: {  	[spmem:s2] =	stream.indirect.scatter.add.f32 [tilespmem:s15], [sflag:$0x6], $0x40, s21, s14, $0xb8;
	[tilespmem:$0x15220] =	vst v63  }
0x55: {  	_ =	swait.ge [sflag:s10], $0x1400  }
0x56: {  	[sflag:s10] =	ssyncset.done $0x0  }
0x57: {  	s21 =	sadd.s32 $0x190, s19;
	[sflag:s10] =	ssyncadd.s32 $0xFFFFEC00  }
0x58: {  	[tilespmem:s15], [sflag:$0x1] =	stream.indirect.gather [hbm4b:s4+s14], $0x40, s21, s14, $0xb8;
	[tilespmem:$0x15220] =	vst v63  }
0x59: {  	_ =	swait.ge [sflag:s24], $0x1400  }
0x5a: {  	[sflag:s24] =	ssyncset.done $0x0  }
0x5b: {  	s21 =	sadd.s32 $0x2760, s19;
	[sflag:s24] =	ssyncadd.s32 $0xFFFFEC00  }
0x5c: {  	[spmem:s2] =	stream.indirect.scatter.add.f32 [tilespmem:s16], [sflag:$0x6], $0x40, s21, s14, $0xb8;
	[tilespmem:$0x15220] =	vst v63  }
0x5d: {  	_ =	swait.ge [sflag:s10], $0x1400  }
0x5e: {  	[sflag:s10] =	ssyncset.done $0x0  }
0x5f: {  	s21 =	sadd.s32 $0x1E0, s19;
	[sflag:s10] =	ssyncadd.s32 $0xFFFFEC00  }
0x60: {  	[tilespmem:s16], [sflag:$0x2] =	stream.indirect.gather [hbm4b:s4+s14], $0x40, s21, s14, $0xb8;
	[tilespmem:$0x15220] =	vst v63  }
0x61: {  	_ =	swait.ge [sflag:s25], $0x1400  }
0x62: {  	[sflag:s25] =	ssyncset.done $0x0  }
0x63: {  	s21 =	sadd.s32 $0x27B0, s19;
	[sflag:s25] =	ssyncadd.s32 $0xFFFFEC00  }
0x64: {  	[spmem:s2] =	stream.indirect.scatter.add.f32 [tilespmem:s18], [sflag:$0x6], $0x40, s21, s14, $0xb8;
	[tilespmem:$0x15220] =	vst v63  }
0x65: {  	_ =	swait.ge [sflag:s10], $0x1400  }
0x66: {  	[sflag:s10] =	ssyncset.done $0x0  }
0x67: {  	s21 =	sadd.s32 $0x230, s19;
	[sflag:s10] =	ssyncadd.s32 $0xFFFFEC00  }
0x68: {  	[tilespmem:s18], [sflag:$0x3] =	stream.indirect.gather [hbm4b:s4+s14], $0x40, s21, s14, $0xb8;
	[tilespmem:$0x15220] =	vst v63  }
0x69: {  	_ =	swait.ge [sflag:s26], $0x1400  }
0x6a: {  	[sflag:s26] =	ssyncset.done $0x0  }
0x6b: {  	s21 =	sadd.s32 $0x2800, s19;
	[sflag:s26] =	ssyncadd.s32 $0xFFFFEC00  }
0x6c: {  	[spmem:s2] =	stream.indirect.scatter.add.f32 [tilespmem:s20], [sflag:$0x6], $0x40, s21, s14, $0xb8;
	[tilespmem:$0x15220] =	vst v63  }
0x6d: {  	_ =	swait.ge [sflag:s10], $0x1400  }
0x6e: {  	[sflag:s10] =	ssyncset.done $0x0  }
0x6f: {  	s21 =	sadd.s32 $0x280, s19;
	[sflag:s10] =	ssyncadd.s32 $0xFFFFEC00  }
0x70: {  	[tilespmem:s20], [sflag:$0x4] =	stream.indirect.gather [hbm4b:s4+s14], $0x40, s21, s14, $0xb8;
	[tilespmem:$0x15220] =	vst v63  }
0x71: {  	_ =	swait.ge [sflag:s28], $0x1400  }
0x72: {  	[sflag:s28] =	ssyncset.done $0x0  }
.Ltmp0:
0x73: {  	s21 =	sadd.s32 $0x2850, s19;
	[sflag:s28] =	ssyncadd.s32 $0xFFFFEC00;
	(pc) =	sbr.rel @p0 .LBB2_2-.Ltmp0, $4  }
0x74: {  	[spmem:s2] =	stream.indirect.scatter.add.f32 [tilespmem:s22], [sflag:$0x6], $0x40, s21, s14, $0xb8;
	[tilespmem:$0x15220] =	vst v63  }
0x75: {  	_ =	swait.ge [sflag:s10], $0x1400  }
0x76: {  	[sflag:s10] =	ssyncset.done $0x0  }
0x77: {  	s19 =	sadd.s32 $0x2D0, s19;
	[sflag:s10] =	ssyncadd.s32 $0xFFFFEC00  }
0x78: {  	[tilespmem:s22], [sflag:$0x5] =	stream.indirect.gather [hbm4b:s4+s14], $0x40, s19, s14, $0xb8;
	[tilespmem:$0x15220] =	vst v63  }
0x79: {  	_ =	swait.ge [sflag:s23], $0x1400  }
0x7a: {  	[sflag:s23] =	ssyncset.done $0x0  }
0x7b: {  	[sflag:s23] =	ssyncadd.s32 $0xFFFFEC00  }
0x7c: {  	[spmem:s2] =	stream.indirect.scatter.add.f32 [tilespmem:s15], [sflag:$0x6], $0x40, s29, s14, $0xb8;
	[tilespmem:$0x15220] =	vst v63  }
0x7d: {  	_ =	swait.ge [sflag:s10], $0x1400  }
0x7e: {  	[sflag:s10] =	ssyncset.done $0x0  }
0x7f: {  	[sflag:s10] =	ssyncadd.s32 $0xFFFFEC00  }
0x80: {  	_ =	swait.ge [sflag:s24], $0x1400  }
0x81: {  	[sflag:s24] =	ssyncset.done $0x0  }
0x82: {  	[sflag:s24] =	ssyncadd.s32 $0xFFFFEC00  }
0x83: {  	[spmem:s2] =	stream.indirect.scatter.add.f32 [tilespmem:s16], [sflag:$0x6], $0x40, s30, s14, $0xb8;
	[tilespmem:$0x15220] =	vst v63  }
0x84: {  	_ =	swait.ge [sflag:s10], $0x1400  }
0x85: {  	[sflag:s10] =	ssyncset.done $0x0  }
0x86: {  	[sflag:s10] =	ssyncadd.s32 $0xFFFFEC00  }
0x87: {  	_ =	swait.ge [sflag:s25], $0x1400  }
0x88: {  	[sflag:s25] =	ssyncset.done $0x0  }
0x89: {  	[sflag:s25] =	ssyncadd.s32 $0xFFFFEC00  }
0x8a: {  	[spmem:s2] =	stream.indirect.scatter.add.f32 [tilespmem:s18], [sflag:$0x6], $0x40, s31, s14, $0xb8;
	[tilespmem:$0x15220] =	vst v63  }
0x8b: {  	_ =	swait.ge [sflag:s10], $0x1400  }
0x8c: {  	[sflag:s10] =	ssyncset.done $0x0  }
0x8d: {  	[sflag:s10] =	ssyncadd.s32 $0xFFFFEC00  }
0x8e: {  	_ =	swait.ge [sflag:s26], $0x1400  }
0x8f: {  	[sflag:s26] =	ssyncset.done $0x0  }
0x90: {  	[sflag:s26] =	ssyncadd.s32 $0xFFFFEC00  }
0x91: {  	[spmem:s2] =	stream.indirect.scatter.add.f32 [tilespmem:s20], [sflag:$0x6], $0x40, s1, s14, $0xb8;
	[tilespmem:$0x15220] =	vst v63  }
0x92: {  	_ =	swait.ge [sflag:s10], $0x1400  }
0x93: {  	[sflag:s10] =	ssyncset.done $0x0  }
0x94: {  	[sflag:s10] =	ssyncadd.s32 $0xFFFFEC00  }
0x95: {  	_ =	swait.ge [sflag:s28], $0x1400  }
0x96: {  	[sflag:s28] =	ssyncset.done $0x0  }
0x97: {  	[sflag:s28] =	ssyncadd.s32 $0xFFFFEC00  }
0x98: {  	[spmem:s2] =	stream.indirect.scatter.add.f32 [tilespmem:s22], [sflag:$0x6], $0x40, s0, s14, $0xb8;
	[tilespmem:$0x15220] =	vst v63  }
0x99: {  	_ =	swait.ge [sflag:s10], $0x1400  }
0x9a: {  	s11 =	sadd.s32 $0x1, s11;
	[sflag:s10] =	ssyncset.done $0x0  }
0x9b: {  	p0 =	sne.s32 s11, s9;
	[sflag:s10] =	ssyncadd.s32 $0xFFFFEC00  }
.Ltmp1:
0x9c: {  	[bflag:$0x0] =	sbarrier.arrive $0xFFFF;
	(pc) =	sbr.rel @p0 .LBB2_1-.Ltmp1, $4  }
0x9d: {  	[hbm:s8], [sflag:s12] =	dma.local [spmem:s13], $0x1400  }
0x9e: {  	_ =	swait.ge [sflag:s10], $0x1400  }
0x9f: {  	[sflag:s10] =	ssyncset.done $0x0  }
0xa0: {  	[sflag:s10] =	ssyncadd.s32 $0xFFFFEC00  }
0xa1: {  	_ =	sfence.sel $0x180000  }
0xa2: {  	[bflag:$0x0] =	sbarrier.arrive $0xFFFF  }
0xa3: {  	_ =	strace $0x90000050  }
0xa4: {  	s0 =	stileid.u32;
	[bflag:$0x2] =	sbarrier.arrive $0xFFFF  }
0xa5: {  	p0 =	sne.s32 s0, $0x0;
	s0 =	rddreg [dreg:$0x2]  }
0xa6: {  	s0 =	sadd.s32 @!p0 $0x100000, s0  }
0xa7: {  	[sflag:s0] =	ssyncadd.tile.s32 @!p0 $0x1;
	_ =	shalt  }
.Lfunc_end2:
_tile_overlayer_lowered:
.L_overlay_start_2:
0xa8: {  	(tag) =	ssettag $0x2  }
0xa9: {  	s0 =	rddreg [dreg:$0x0];
	s2 =	stileid.u32  }
0xaa: {  	s1 =	rddreg [dreg:$0x1];
	p0 =	sne.s32 s2, $0x0  }
0xab: {  	s3 =	rddreg [dreg:$0x2];
	[bflag:$0x3] =	sbarrier.arrive $0xFFFF;
	s2 =	simm.s32 @!p0 $0x1C06  }
0xac: {  	[timem:s3], [sflag:s2] =	dma.local @!p0 [hbm:s0], s1  }
0xad: {  	s0 =	simm.s32 @!p0 $0x6  }
0xae: {  	_ =	swait.ge @!p0 [sflag:s0], s1  }
0xaf: {  	s1 =	ssub.s32 @!p0 $0x0, s1;
	[sflag:s0] =	ssyncset.done @!p0 $0x0  }
0xb0: {  	[sflag:s0] =	ssyncadd.s32 @!p0 s1  }
0xb1: {  	[bflag:$0x3] =	sbarrier.arrive $0xFFFF  }
0xb2: {  	_ =	shalt  }

// kernel: kernel.24.cloned.1.call-start
scs
__scs_entry_jumppad:
0x0: {  	(pc) =	sbr.rel $0x88, $3  }
0x1: {  	(tag) =	ssettag $0x0;
	lr =	simm.s32 $0x1  }
0x2: {  	[smem:$0x3F8C] =	sst lr;
	_ =	strace $0xD0000000  }
0x3: {  	_ = 	snop  }
0x4: {  	_ = 	snop  }
0x5: {  	_ = 	snop  }
0x6: {  	_ = 	snop  }
0x7: {  	_ = 	snop  }
__scs_overlays_trampoline_lowered:
0x8: {  	[smem:$0x3F9B] =	sst s0  }
0x9: {  	[smem:$0x3F9C] =	sst s1  }
0xa: {  	[smem:$0x3F9D] =	sst s2  }
0xb: {  	[smem:$0x3F9E] =	sst s3  }
0xc: {  	[smem:$0x3F9F] =	sst s4  }
0xd: {  	[smem:$0x3FA0] =	sst s5  }
0xe: {  	[smem:$0x3FA1] =	sst s6  }
0xf: {  	[smem:$0x3FA2] =	sst s7  }
0x10: {  	[smem:$0x3FA3] =	sst s8  }
0x11: {  	[smem:$0x3FA4] =	sst s9;
	s0 =	simm.s32 @!p0 $0x0  }
0x12: {  	s1 =	sld [smem:$0x3F8A];
	s0 =	simm.s32 @p0 $0x1  }
0x13: {  	[smem:$0x3FA5] =	sst s0;
	s0 =	simm.s32 @!p1 $0x0  }
0x14: {  	s2 =	sld [smem:$0x3F89];
	s0 =	simm.s32 @p1 $0x1  }
0x15: {  	[smem:$0x3FA6] =	sst s0;
	s0 =	simm.s32 @!p2 $0x0  }
0x16: {  	s3 =	sld [smem:$0x3FDB];
	s0 =	simm.s32 @p2 $0x1  }
0x17: {  	s4 =	simm.s32 $0x1BF5;
	[smem:$0x3FA8] =	sst s0  }
0x18: {  	s0 =	sld [smem:$0x3F8B];
	_ =	swait.ge [sflag:s4], $0x0  }
0x19: {  	s7 =	sld [smem:$0x3F8C]  }
0x1a: {  	s8 =	sadd.s32 $0xFFFFE003, lr  }
0x1b: {  	s9 =	sadd.s32 $0xFFFFFEF7, lr;
	s5 =	simm.s32 $0xFFFFFFFF;
	p2 =	slt.u32 s8, $0xFFFFF086  }
0x1c: {  	p1 =	slt.u32 s9, $0xF7A;
	s5 =	simm.s32 @!p2 $0x0  }
0x1d: {  	s5 =	simm.s32 @p1 $0x1;
	p0 =	seq.s32 s7, s2  }
0x1e: {  	s7 =	smul.u32 @!p0 $0xF7A, s2;
	p2 =	seq.s32 @!p0 s5, $0x0  }
0x1f: {  	s9 =	smul.u32 $0xF7A, s1;
	s8 =	simm.s32 @!p0 $0x1BF5;
	p2 =	por !p2, p0  }
0x20: {  	[sflag:s8] =	ssyncset.s32 @!p0 $0xFFFFF086;
	s6 =	sadd.s32 @!p0 s3, s7;
	s7 =	simm.s32 @!p0 $0x108  }
0x21: {  	s3 =	sadd.s32 s3, s9;
	s6 =	sadd.s32 @!p0 $0x88, s6;
	s7 =	simm.s32 @p2 $0x1082  }
0x22: {  	[simem:s7], [sflag:s8] =	dma.local @!p0 [hbm:s6], $0xF7A  }
0x23: {  	s9 =	sor.u32 $0xD0000000, s2;
	s6 =	simm.s32 $0x108;
	_ =	swait.ge @!p0 [sflag:s8], $0x0  }
0x24: {  	s3 =	sadd.s32 $0x88, s3;
	s6 =	simm.s32 @!p1 $0x1082;
	[sflag:s4] =	ssyncset.s32 $0xFFFFF086  }
0x25: {  	[simem:s6], [sflag:s4] =	dma.local [hbm:s3], $0xF7A  }
0x26: {  	[smem:$0x3F8C] =	sst s1;
	(tag) =	ssettag s2;
	_ =	strace s9  }
0x27: {  	s1 =	sld [smem:$0x3F9C]  }
0x28: {  	s2 =	sld [smem:$0x3F9D]  }
0x29: {  	s4 =	sld [smem:$0x3F9F]  }
0x2a: {  	p0 =	seq.s32 s5, $0x0;
	s5 =	sld [smem:$0x3FA0]  }
0x2b: {  	s6 =	sld [smem:$0x3FA1]  }
0x2c: {  	s7 =	sld [smem:$0x3FA2]  }
0x2d: {  	s3 =	simm.s32 $0x108;
	s8 =	sld [smem:$0x3FA3]  }
0x2e: {  	s3 =	simm.s32 @!p0 $0x1082;
	s9 =	sld [smem:$0x3FA4]  }
0x2f: {  	lr =	sadd.s32 s0, s3;
	s0 =	sld [smem:$0x3F9B]  }
0x30: {  	s3 =	sld [smem:$0x3F9E]  }
0x31: {  	[smem:$0x3FA7] =	sst s10  }
0x32: {  	s10 =	sld [smem:$0x3FA5];
	_ =	sdelay $0x3  }
0x33: {  	p0 =	seq.s32 s10, $0x1;
	s10 =	sld [smem:$0x3FA7];
	_ =	sdelay $0x3  }
0x34: {  	[smem:$0x3FA7] =	sst s10  }
0x35: {  	s10 =	sld [smem:$0x3FA6];
	_ =	sdelay $0x3  }
0x36: {  	p1 =	seq.s32 s10, $0x1;
	s10 =	sld [smem:$0x3FA7];
	_ =	sdelay $0x3  }
0x37: {  	[smem:$0x3FA7] =	sst s10  }
0x38: {  	s10 =	sld [smem:$0x3FA8]  }
0x39: {  	_ = 	snop;
	(pc) =	sbr.ind lr, $3  }
0x3a: {  	_ = 	snop  }
0x3b: {  	_ = 	snop  }
0x3c: {  	p2 =	seq.s32 s10, $0x1;
	s10 =	sld [smem:$0x3FA7]  }
0x3d: {  	_ =	shalt  }
0x3e: {  	_ =	shalt  }
0x3f: {  	_ =	shalt  }
0x40: {  	_ =	shalt  }
0x41: {  	_ =	shalt  }
0x42: {  	_ =	shalt  }
0x43: {  	_ =	shalt  }
0x44: {  	_ =	shalt  }
0x45: {  	_ =	shalt  }
0x46: {  	_ =	shalt  }
0x47: {  	_ =	shalt  }
0x48: {  	_ =	shalt  }
0x49: {  	_ =	shalt  }
0x4a: {  	_ =	shalt  }
0x4b: {  	_ =	shalt  }
0x4c: {  	_ =	shalt  }
0x4d: {  	_ =	shalt  }
0x4e: {  	_ =	shalt  }
0x4f: {  	_ =	shalt  }
0x50: {  	_ =	shalt  }
0x51: {  	_ =	shalt  }
0x52: {  	_ =	shalt  }
0x53: {  	_ =	shalt  }
0x54: {  	_ =	shalt  }
0x55: {  	_ =	shalt  }
0x56: {  	_ =	shalt  }
0x57: {  	_ =	shalt  }
0x58: {  	_ =	shalt  }
0x59: {  	_ =	shalt  }
0x5a: {  	_ =	shalt  }
0x5b: {  	_ =	shalt  }
0x5c: {  	_ =	shalt  }
0x5d: {  	_ =	shalt  }
0x5e: {  	_ =	shalt  }
0x5f: {  	_ =	shalt  }
0x60: {  	_ =	shalt  }
0x61: {  	_ =	shalt  }
0x62: {  	_ =	shalt  }
0x63: {  	_ =	shalt  }
0x64: {  	_ =	shalt  }
0x65: {  	_ =	shalt  }
0x66: {  	_ =	shalt  }
0x67: {  	_ =	shalt  }
0x68: {  	_ =	shalt  }
0x69: {  	_ =	shalt  }
0x6a: {  	_ =	shalt  }
0x6b: {  	_ =	shalt  }
0x6c: {  	_ =	shalt  }
0x6d: {  	_ =	shalt  }
0x6e: {  	_ =	shalt  }
0x6f: {  	_ =	shalt  }
0x70: {  	_ =	shalt  }
0x71: {  	_ =	shalt  }
0x72: {  	_ =	shalt  }
0x73: {  	_ =	shalt  }
0x74: {  	_ =	shalt  }
0x75: {  	_ =	shalt  }
0x76: {  	_ =	shalt  }
0x77: {  	_ =	shalt  }
0x78: {  	_ =	shalt  }
0x79: {  	_ =	shalt  }
0x7a: {  	_ =	shalt  }
0x7b: {  	_ =	shalt  }
0x7c: {  	_ =	shalt  }
0x7d: {  	_ =	shalt  }
0x7e: {  	_ =	shalt  }
0x7f: {  	_ =	shalt  }
0x80: {  	_ =	shalt  }
0x81: {  	_ =	shalt  }
0x82: {  	_ =	shalt  }
0x83: {  	_ =	shalt  }
0x84: {  	_ =	shalt  }
0x85: {  	_ =	shalt  }
0x86: {  	_ =	shalt  }
0x87: {  	_ =	shalt  }
.Lfunc_end0:
.L_simem_size_0:
called_computation.4_lowered:
.L_overlay_start_0:
0x88: {  	s2 =	sld [smem:$0x3FD9]  }
0x89: {  	s3 =	sld [smem:$0x3FFE];
	_ =	sdelay $0x1  }
0x8a: {  	s1 =	srdreg.scid  }
0x8b: {  	s0 =	sand.u32 $0x1, s1  }
0x8c: {  	s16 =	sshll.u32 s0, $0xA;
	s2 =	sadd.s32 s3, s2  }
0x8d: {  	s2 =	sadd.s32 s2, s16  }
0x8e: {  	[smem:$0x3FB3] =	sst s2  }
0x8f: {  	_ = 	snop  }
0x90: {  	(tm) =	ssettm $0x1  }
0x91: {  	s17 =	sld [smem:$0x3FFB];
	_ =	sdelay $0x3  }
0x92: {  	_ =	strace s17  }
0x93: {  	s2 =	sld [smem:$0x3FFC];
	_ =	sdelay $0x3  }
0x94: {  	_ =	strace s2  }
0x95: {  	s2 =	sld [smem:$0x3FFD];
	_ =	sdelay $0x3  }
0x96: {  	_ =	strace s2  }
0x97: {  	_ =	strace $0x8FFFFFFF  }
0x98: {  	s18 =	sld [smem:$0x3FDB];
	_ =	sdelay $0x1  }
0x99: {  	s19 =	simm.s32 $_scs_section_size  }
0x9a: {  	s4 =	simm.s32 $_size__tile_overlayer_lowered;
	s5 =	simm.s32 $_tile_overlayer_lowered  }
0x9b: {  	s22 =	simm.s32 $0x1BFF;
	s21 =	sshll.u32 s5, $0x1;
	s2 =	sadd.s32 s19, s18  }
0x9c: {  	s6 =	simm.s32 $0x0;
	s20 =	sshll.u32 s4, $0x1;
	s4 =	sadd.s32 s21, s2  }
0x9d: {  	[timem:s6], [sflag:s22] =	dma.local [hbm:s4], s20  }
0x9e: {  	_ =	swait.ge [sflag:s22], s20  }
0x9f: {  	s3 =	ssub.s32 $0x0, s20;
	[sflag:s22] =	ssyncset.done $0x0  }
0xa0: {  	[sflag:s22] =	ssyncadd.s32 s3;
	_ =	sdelay $0x1  }
0xa1: {  	s23 =	simm.s32 $0x1B8B  }
0xa2: {  	_ =	swait.ge [sflag:s23], $0x1  }
0xa3: {  	[sflag:s23] =	ssyncset.done $0x0  }
0xa4: {  	s25 =	simm.s32 $0x1B8E;
	s24 =	sld [smem:$0x3FFE];
	[sflag:s23] =	ssyncadd.s32 $0xFFFFFFFF  }
0xa5: {  	s26 =	simm.s32 $execute0_lowered;
	[smem:$0x3FD2] =	sst s25  }
0xa6: {  	s4 =	sshll.u32 s26, $0x1;
	_ =	strace $0x80000052;
	[dreg:$0x1] =	wrdreg $0xFFFFFFFF  }
0xa7: {  	s28 =	simm.s32 $_size_execute0_lowered;
	s2 =	sadd.s32 s2, s4;
	[dreg:$0x0] =	wrdreg $0x0  }
0xa8: {  	s4 =	sshll.u32 s28, $0x1;
	[dreg:$0x2] =	wrdreg s2  }
0xa9: {  	[dreg:$0x3] =	wrdreg s4  }
0xaa: {  	[dreg:$0x4] =	wrdreg $0xC0  }
0xab: {  	_ =	task [dreg:s6], $0x5FFFF  }
0xac: {  	[dreg:$0x1] =	wrdreg $0xFFFFFFFF  }
0xad: {  	[dreg:$0x0] =	wrdreg $0x60  }
0xae: {  	[dreg:$0x2] =	wrdreg s24  }
0xaf: {  	[dreg:$0x3] =	wrdreg $0x80200  }
0xb0: {  	[dreg:$0x4] =	wrdreg $0x9  }
0xb1: {  	_ =	task.clear_ibuf [dreg:s6], $0x5FFFF;
	_ =	strace $0x90000052  }
0xb2: {  	s29 =	simm.s32 $0x9;
	_ =	strace $0x80000054  }
0xb3: {  	_ =	swait.ge [sflag:s29], $0x1  }
0xb4: {  	[sflag:s29] =	ssyncadd.s32 $0xFFFFFFFF  }
0xb5: {  	_ =	strace $0x90000054  }
0xb6: {  	_ =	sfence  }
0xb7: {  	s30 =	sld [smem:$0x0];
	_ =	sdelay $0x2  }
0xb8: {  	s31 =	sshll.u32 s1, $0xD;
	s1 =	sshrl.u32 s1, $0x2  }
0xb9: {  	s3 =	sand.u32 $0x4000, s31;
	s1 =	sadd.s32 s1, s30  }
0xba: {  	s0 =	sor.u32 s3, s0;
	s1 =	sshll.u32 s1, $0x11  }
0xbb: {  	s0 =	sor.u32 s1, s0  }
0xbc: {  	s0 =	sadd.s32 $0x8F2B, s0  }
0xbd: {  	[sflag:s0] =	ssyncadd.remote.s32 $0x1  }
0xbe: {  	_ =	sfence.sel $0xFFFF  }
0xbf: {  	[dreg:$0x0] =	wrdreg $0xFFFFFFFF;
	(pc) =	sbr.abs _section_cstart, $3  }
0xc0: {  	[dreg:$0x1] =	wrdreg $0xFFFFFFFF  }
0xc1: {  	_ =	task.clear_ibuf [dreg:s6], $0x2FFFF;
	_ =	strace $0x9FFFFFFF  }
0xc2: {  	(tm) =	ssettm $0x7FFFFFFF  }
0xc3: {  	_ =	shalt  }
tec
execute0_lowered:
.L_overlay_start_1:
0x0: {  	(tag) =	ssettag $0x1  }
0x1: {  	s0 =	srdreg.scid;
	s6 =	rddreg [dreg:$0x0]  }
0x2: {  	s11 =	stileid.u32;
	s2 =	rddreg [dreg:$0x1]  }
0x3: {  	s3 =	simm.s32 $0x0;
	s14 =	simm.s32 $0x50;
	s15 =	simm.s32 $0x4E20  }
0x4: {  	s16 =	simm.s32 $0x5820;
	s18 =	simm.s32 $0x6220;
	s20 =	simm.s32 $0x6C20  }
0x5: {  	s22 =	simm.s32 $0x7620;
	s23 =	simm.s32 $0x1;
	s24 =	simm.s32 $0x2  }
0x6: {  	s28 =	simm.s32 $0x5;
	s29 =	simm.s32 $0x4C90;
	s30 =	simm.s32 $0x4CE0  }
0x7: {  	s31 =	simm.s32 $0x4D30;
	s0 =	sand.u32 $0x1, s0;
	s8 =	smul.u32 $0x5000, s11  }
0x8: {  	[smem:$0x7FF] =	sst s3;
	s4 =	sadd.s32 $0x18400, s6;
	s26 =	sshll.u32 s11, $0x6  }
0x9: {  	s1 =	sshll.u32 s0, $0x4;
	s5 =	smul.u32 $0x50000, s0;
	_ =	strace $0x80000053  }
0xa: {  	s0 =	ssub.s32 $0x2, s0;
	s12 =	sor.u32 $0x1C06, s26;
	s26 =	simm.s32 $0x4  }
0xb: {  	s1 =	sor.u32 s11, s1;
	s9 =	sshrl.u32 s0, $0x1;
	s25 =	sadd.s32 s8, s2  }
0xc: {  	s11 =	simm.s32 $0x0;
	s1 =	smul.u32 $0x2710, s1;
	s5 =	sadd.s32 s8, s5  }
0xd: {  	s0 =	ssub.s32 s0, s9;
	s13 =	sshrl.u32 s25, $0x3;
	s25 =	simm.s32 $0x3  }
0xe: {  	s7 =	sshrl.u32 s5, $0x3;
	s5 =	sadd.s32 $0x22200, s6;
	s9 =	smax.u32 s0, $0x1  }
0xf: {  	s0 =	simm.s32 $0x4DD0;
	s1 =	sshrl.u32 s1, $0x3;
	s10 =	sadd.s32 s7, s6  }
0x10: {  	s1 =	sadd.s32 s1, s6;
	s8 =	sadd.s32 $0x22C00, s10;
	s10 =	simm.s32 $0x6  }
0x11: {  	s6 =	sadd.s32 $0x4A00, s1;
	s7 =	sadd.s32 $0xE640, s1;
	s1 =	simm.s32 $0x4D80  }
.LBB2_1:
0x12: {  	[tilespmem:s3], [sflag:$0x6] =	stream.linear.gather [hbm4b:s6+s3], $0x2710, $0x38;
	[tilespmem:$0xD020] =	vst v63  }
0x13: {  	_ =	swait.ge [sflag:s10], $0x2710  }
0x14: {  	[sflag:s10] =	ssyncset.done $0x0  }
0x15: {  	s17 =	simm.s32 $0x2710;
	[sflag:s10] =	ssyncadd.s32 $0xFFFFD8F0  }
0x16: {  	[tilespmem:s17], [sflag:$0x6] =	stream.linear.gather [hbm4b:s7+s3], $0x2710, $0x38;
	[tilespmem:$0xD020] =	vst v63  }
0x17: {  	_ =	swait.ge [sflag:s10], $0x2710  }
0x18: {  	[sflag:s10] =	ssyncset.done $0x0  }
0x19: {  	[sflag:s10] =	ssyncadd.s32 $0xFFFFD8F0  }
0x1a: {  	[spmem:s13], [sflag:s12] =	dma.local [hbm:s5], $0xA00  }
0x1b: {  	_ =	swait.ge [sflag:s10], $0xA00  }
0x1c: {  	[sflag:s10] =	ssyncset.done $0x0  }
0x1d: {  	[sflag:s10] =	ssyncadd.s32 $0xFFFFF600  }
0x1e: {  	[bflag:$0x0] =	sbarrier.arrive $0xFFFF  }
0x1f: {  	[tilespmem:s15], [sflag:$0x1] =	stream.indirect.gather [hbm4b:s4+s14], $0x20, s3, s14, $0xb8;
	[tilespmem:$0xD020] =	vst v63  }
0x20: {  	_ = 	snop  }
0x21: {  	[tilespmem:s16], [sflag:$0x2] =	stream.indirect.gather [hbm4b:s4+s14], $0x20, s14, s14, $0xb8;
	[tilespmem:$0xD020] =	vst v63  }
0x22: {  	s19 =	simm.s32 $0xA0  }
0x23: {  	[tilespmem:s18], [sflag:$0x3] =	stream.indirect.gather [hbm4b:s4+s14], $0x20, s19, s14, $0xb8;
	[tilespmem:$0xD020] =	vst v63  }
0x24: {  	s21 =	simm.s32 $0xF0  }
0x25: {  	[tilespmem:s20], [sflag:$0x4] =	stream.indirect.gather [hbm4b:s4+s14], $0x20, s21, s14, $0xb8;
	[tilespmem:$0xD020] =	vst v63  }
0x26: {  	s19 =	simm.s32 $0x140  }
0x27: {  	[tilespmem:s22], [sflag:$0x5] =	stream.indirect.gather [hbm4b:s4+s14], $0x20, s19, s14, $0xb8;
	[tilespmem:$0xD020] =	vst v63  }
0x28: {  	_ =	swait.ge [sflag:s23], $0xA00  }
0x29: {  	[sflag:s23] =	ssyncset.done $0x0  }
0x2a: {  	s21 =	simm.s32 $0x2710;
	[sflag:s23] =	ssyncadd.s32 $0xFFFFF600  }
0x2b: {  	[spmem:s2] =	stream.indirect.scatter.add.f32 [tilespmem:s15], [sflag:$0x6], $0x20, s21, s14, $0xb8;
	[tilespmem:$0xD020] =	vst v63  }
0x2c: {  	_ =	swait.ge [sflag:s10], $0xA00  }
0x2d: {  	[sflag:s10] =	ssyncset.done $0x0  }
0x2e: {  	s19 =	simm.s32 $0x190;
	[sflag:s10] =	ssyncadd.s32 $0xFFFFF600  }
0x2f: {  	[tilespmem:s15], [sflag:$0x1] =	stream.indirect.gather [hbm4b:s4+s14], $0x20, s19, s14, $0xb8;
	[tilespmem:$0xD020] =	vst v63  }
0x30: {  	_ =	swait.ge [sflag:s24], $0xA00  }
0x31: {  	[sflag:s24] =	ssyncset.done $0x0  }
0x32: {  	s21 =	simm.s32 $0x2760;
	[sflag:s24] =	ssyncadd.s32 $0xFFFFF600  }
0x33: {  	[spmem:s2] =	stream.indirect.scatter.add.f32 [tilespmem:s16], [sflag:$0x6], $0x20, s21, s14, $0xb8;
	[tilespmem:$0xD020] =	vst v63  }
0x34: {  	_ =	swait.ge [sflag:s10], $0xA00  }
0x35: {  	[sflag:s10] =	ssyncset.done $0x0  }
0x36: {  	s19 =	simm.s32 $0x1E0;
	[sflag:s10] =	ssyncadd.s32 $0xFFFFF600  }
0x37: {  	[tilespmem:s16], [sflag:$0x2] =	stream.indirect.gather [hbm4b:s4+s14], $0x20, s19, s14, $0xb8;
	[tilespmem:$0xD020] =	vst v63  }
0x38: {  	_ =	swait.ge [sflag:s25], $0xA00  }
0x39: {  	[sflag:s25] =	ssyncset.done $0x0  }
0x3a: {  	s21 =	simm.s32 $0x27B0;
	[sflag:s25] =	ssyncadd.s32 $0xFFFFF600  }
0x3b: {  	[spmem:s2] =	stream.indirect.scatter.add.f32 [tilespmem:s18], [sflag:$0x6], $0x20, s21, s14, $0xb8;
	[tilespmem:$0xD020] =	vst v63  }
0x3c: {  	_ =	swait.ge [sflag:s10], $0xA00  }
0x3d: {  	[sflag:s10] =	ssyncset.done $0x0  }
0x3e: {  	s19 =	simm.s32 $0x230;
	[sflag:s10] =	ssyncadd.s32 $0xFFFFF600  }
0x3f: {  	[tilespmem:s18], [sflag:$0x3] =	stream.indirect.gather [hbm4b:s4+s14], $0x20, s19, s14, $0xb8;
	[tilespmem:$0xD020] =	vst v63  }
0x40: {  	_ =	swait.ge [sflag:s26], $0xA00  }
0x41: {  	[sflag:s26] =	ssyncset.done $0x0  }
0x42: {  	s21 =	simm.s32 $0x2800;
	[sflag:s26] =	ssyncadd.s32 $0xFFFFF600  }
0x43: {  	[spmem:s2] =	stream.indirect.scatter.add.f32 [tilespmem:s20], [sflag:$0x6], $0x20, s21, s14, $0xb8;
	[tilespmem:$0xD020] =	vst v63  }
0x44: {  	_ =	swait.ge [sflag:s10], $0xA00  }
0x45: {  	[sflag:s10] =	ssyncset.done $0x0  }
0x46: {  	s19 =	simm.s32 $0x280;
	[sflag:s10] =	ssyncadd.s32 $0xFFFFF600  }
0x47: {  	[tilespmem:s20], [sflag:$0x4] =	stream.indirect.gather [hbm4b:s4+s14], $0x20, s19, s14, $0xb8;
	[tilespmem:$0xD020] =	vst v63  }
0x48: {  	_ =	swait.ge [sflag:s28], $0xA00  }
0x49: {  	[sflag:s28] =	ssyncset.done $0x0  }
0x4a: {  	s21 =	simm.s32 $0x2850;
	[sflag:s28] =	ssyncadd.s32 $0xFFFFF600  }
0x4b: {  	[spmem:s2] =	stream.indirect.scatter.add.f32 [tilespmem:s22], [sflag:$0x6], $0x20, s21, s14, $0xb8;
	[tilespmem:$0xD020] =	vst v63  }
0x4c: {  	_ =	swait.ge [sflag:s10], $0xA00  }
0x4d: {  	[sflag:s10] =	ssyncset.done $0x0  }
0x4e: {  	s17 =	simm.s32 $0x640;
	s19 =	simm.s32 $0x2D0;
	[sflag:s10] =	ssyncadd.s32 $0xFFFFF600  }
.LBB2_2:
0x4f: {  	[tilespmem:s22], [sflag:$0x5] =	stream.indirect.gather [hbm4b:s4+s14], $0x20, s19, s14, $0xb8;
	[tilespmem:$0xD020] =	vst v63  }
0x50: {  	s19 =	smov.u32 s17  }
0x51: {  	p0 =	sne.s32 s17, $0x8FC0;
	s17 =	sadd.s32 $0x640, s17;
	_ =	swait.ge [sflag:s23], $0xA00  }
0x52: {  	s19 =	sshra.s32 s19, $0x2;
	[sflag:s23] =	ssyncset.done $0x0  }
0x53: {  	s21 =	sadd.s32 $0x2710, s19;
	[sflag:s23] =	ssyncadd.s32 $0xFFFFF600  }
0x54: {  	[spmem:s2] =	stream.indirect.scatter.add.f32 [tilespmem:s15], [sflag:$0x6], $0x20, s21, s14, $0xb8;
	[tilespmem:$0xD020] =	vst v63  }
0x55: {  	_ =	swait.ge [sflag:s10], $0xA00  }
0x56: {  	[sflag:s10] =	ssyncset.done $0x0  }
0x57: {  	s21 =	sadd.s32 $0x190, s19;
	[sflag:s10] =	ssyncadd.s32 $0xFFFFF600  }
0x58: {  	[tilespmem:s15], [sflag:$0x1] =	stream.indirect.gather [hbm4b:s4+s14], $0x20, s21, s14, $0xb8;
	[tilespmem:$0xD020] =	vst v63  }
0x59: {  	_ =	swait.ge [sflag:s24], $0xA00  }
0x5a: {  	[sflag:s24] =	ssyncset.done $0x0  }
0x5b: {  	s21 =	sadd.s32 $0x2760, s19;
	[sflag:s24] =	ssyncadd.s32 $0xFFFFF600  }
0x5c: {  	[spmem:s2] =	stream.indirect.scatter.add.f32 [tilespmem:s16], [sflag:$0x6], $0x20, s21, s14, $0xb8;
	[tilespmem:$0xD020] =	vst v63  }
0x5d: {  	_ =	swait.ge [sflag:s10], $0xA00  }
0x5e: {  	[sflag:s10] =	ssyncset.done $0x0  }
0x5f: {  	s21 =	sadd.s32 $0x1E0, s19;
	[sflag:s10] =	ssyncadd.s32 $0xFFFFF600  }
0x60: {  	[tilespmem:s16], [sflag:$0x2] =	stream.indirect.gather [hbm4b:s4+s14], $0x20, s21, s14, $0xb8;
	[tilespmem:$0xD020] =	vst v63  }
0x61: {  	_ =	swait.ge [sflag:s25], $0xA00  }
0x62: {  	[sflag:s25] =	ssyncset.done $0x0  }
0x63: {  	s21 =	sadd.s32 $0x27B0, s19;
	[sflag:s25] =	ssyncadd.s32 $0xFFFFF600  }
0x64: {  	[spmem:s2] =	stream.indirect.scatter.add.f32 [tilespmem:s18], [sflag:$0x6], $0x20, s21, s14, $0xb8;
	[tilespmem:$0xD020] =	vst v63  }
0x65: {  	_ =	swait.ge [sflag:s10], $0xA00  }
0x66: {  	[sflag:s10] =	ssyncset.done $0x0  }
0x67: {  	s21 =	sadd.s32 $0x230, s19;
	[sflag:s10] =	ssyncadd.s32 $0xFFFFF600  }
0x68: {  	[tilespmem:s18], [sflag:$0x3] =	stream.indirect.gather [hbm4b:s4+s14], $0x20, s21, s14, $0xb8;
	[tilespmem:$0xD020] =	vst v63  }
0x69: {  	_ =	swait.ge [sflag:s26], $0xA00  }
0x6a: {  	[sflag:s26] =	ssyncset.done $0x0  }
0x6b: {  	s21 =	sadd.s32 $0x2800, s19;
	[sflag:s26] =	ssyncadd.s32 $0xFFFFF600  }
0x6c: {  	[spmem:s2] =	stream.indirect.scatter.add.f32 [tilespmem:s20], [sflag:$0x6], $0x20, s21, s14, $0xb8;
	[tilespmem:$0xD020] =	vst v63  }
0x6d: {  	_ =	swait.ge [sflag:s10], $0xA00  }
0x6e: {  	[sflag:s10] =	ssyncset.done $0x0  }
0x6f: {  	s21 =	sadd.s32 $0x280, s19;
	[sflag:s10] =	ssyncadd.s32 $0xFFFFF600  }
0x70: {  	[tilespmem:s20], [sflag:$0x4] =	stream.indirect.gather [hbm4b:s4+s14], $0x20, s21, s14, $0xb8;
	[tilespmem:$0xD020] =	vst v63  }
0x71: {  	_ =	swait.ge [sflag:s28], $0xA00  }
0x72: {  	[sflag:s28] =	ssyncset.done $0x0  }
.Ltmp0:
0x73: {  	s21 =	sadd.s32 $0x2850, s19;
	[sflag:s28] =	ssyncadd.s32 $0xFFFFF600;
	(pc) =	sbr.rel @p0 .LBB2_2-.Ltmp0, $4  }
0x74: {  	[spmem:s2] =	stream.indirect.scatter.add.f32 [tilespmem:s22], [sflag:$0x6], $0x20, s21, s14, $0xb8;
	[tilespmem:$0xD020] =	vst v63  }
0x75: {  	_ =	swait.ge [sflag:s10], $0xA00  }
0x76: {  	[sflag:s10] =	ssyncset.done $0x0  }
0x77: {  	s19 =	sadd.s32 $0x2D0, s19;
	[sflag:s10] =	ssyncadd.s32 $0xFFFFF600  }
0x78: {  	[tilespmem:s22], [sflag:$0x5] =	stream.indirect.gather [hbm4b:s4+s14], $0x20, s19, s14, $0xb8;
	[tilespmem:$0xD020] =	vst v63  }
0x79: {  	_ =	swait.ge [sflag:s23], $0xA00  }
0x7a: {  	[sflag:s23] =	ssyncset.done $0x0  }
0x7b: {  	[sflag:s23] =	ssyncadd.s32 $0xFFFFF600  }
0x7c: {  	[spmem:s2] =	stream.indirect.scatter.add.f32 [tilespmem:s15], [sflag:$0x6], $0x20, s29, s14, $0xb8;
	[tilespmem:$0xD020] =	vst v63  }
0x7d: {  	_ =	swait.ge [sflag:s10], $0xA00  }
0x7e: {  	[sflag:s10] =	ssyncset.done $0x0  }
0x7f: {  	[sflag:s10] =	ssyncadd.s32 $0xFFFFF600  }
0x80: {  	_ =	swait.ge [sflag:s24], $0xA00  }
0x81: {  	[sflag:s24] =	ssyncset.done $0x0  }
0x82: {  	[sflag:s24] =	ssyncadd.s32 $0xFFFFF600  }
0x83: {  	[spmem:s2] =	stream.indirect.scatter.add.f32 [tilespmem:s16], [sflag:$0x6], $0x20, s30, s14, $0xb8;
	[tilespmem:$0xD020] =	vst v63  }
0x84: {  	_ =	swait.ge [sflag:s10], $0xA00  }
0x85: {  	[sflag:s10] =	ssyncset.done $0x0  }
0x86: {  	[sflag:s10] =	ssyncadd.s32 $0xFFFFF600  }
0x87: {  	_ =	swait.ge [sflag:s25], $0xA00  }
0x88: {  	[sflag:s25] =	ssyncset.done $0x0  }
0x89: {  	[sflag:s25] =	ssyncadd.s32 $0xFFFFF600  }
0x8a: {  	[spmem:s2] =	stream.indirect.scatter.add.f32 [tilespmem:s18], [sflag:$0x6], $0x20, s31, s14, $0xb8;
	[tilespmem:$0xD020] =	vst v63  }
0x8b: {  	_ =	swait.ge [sflag:s10], $0xA00  }
0x8c: {  	[sflag:s10] =	ssyncset.done $0x0  }
0x8d: {  	[sflag:s10] =	ssyncadd.s32 $0xFFFFF600  }
0x8e: {  	_ =	swait.ge [sflag:s26], $0xA00  }
0x8f: {  	[sflag:s26] =	ssyncset.done $0x0  }
0x90: {  	[sflag:s26] =	ssyncadd.s32 $0xFFFFF600  }
0x91: {  	[spmem:s2] =	stream.indirect.scatter.add.f32 [tilespmem:s20], [sflag:$0x6], $0x20, s1, s14, $0xb8;
	[tilespmem:$0xD020] =	vst v63  }
0x92: {  	_ =	swait.ge [sflag:s10], $0xA00  }
0x93: {  	[sflag:s10] =	ssyncset.done $0x0  }
0x94: {  	[sflag:s10] =	ssyncadd.s32 $0xFFFFF600  }
0x95: {  	_ =	swait.ge [sflag:s28], $0xA00  }
0x96: {  	[sflag:s28] =	ssyncset.done $0x0  }
0x97: {  	[sflag:s28] =	ssyncadd.s32 $0xFFFFF600  }
0x98: {  	[spmem:s2] =	stream.indirect.scatter.add.f32 [tilespmem:s22], [sflag:$0x6], $0x20, s0, s14, $0xb8;
	[tilespmem:$0xD020] =	vst v63  }
0x99: {  	_ =	swait.ge [sflag:s10], $0xA00  }
0x9a: {  	s11 =	sadd.s32 $0x1, s11;
	[sflag:s10] =	ssyncset.done $0x0  }
0x9b: {  	p0 =	sne.s32 s11, s9;
	[sflag:s10] =	ssyncadd.s32 $0xFFFFF600  }
.Ltmp1:
0x9c: {  	[bflag:$0x0] =	sbarrier.arrive $0xFFFF;
	(pc) =	sbr.rel @p0 .LBB2_1-.Ltmp1, $4  }
0x9d: {  	[hbm:s8], [sflag:s12] =	dma.local [spmem:s13], $0xA00  }
0x9e: {  	_ =	swait.ge [sflag:s10], $0xA00  }
0x9f: {  	[sflag:s10] =	ssyncset.done $0x0  }
0xa0: {  	[sflag:s10] =	ssyncadd.s32 $0xFFFFF600  }
0xa1: {  	_ =	sfence.sel $0x180000  }
0xa2: {  	[bflag:$0x0] =	sbarrier.arrive $0xFFFF  }
0xa3: {  	_ =	strace $0x90000053  }
0xa4: {  	s0 =	stileid.u32;
	[bflag:$0x2] =	sbarrier.arrive $0xFFFF  }
0xa5: {  	p0 =	sne.s32 s0, $0x0;
	s0 =	rddreg [dreg:$0x2]  }
0xa6: {  	s0 =	sadd.s32 @!p0 $0x100000, s0  }
0xa7: {  	[sflag:s0] =	ssyncadd.tile.s32 @!p0 $0x1;
	_ =	shalt  }
.Lfunc_end2:
_tile_overlayer_lowered:
.L_overlay_start_2:
0xa8: {  	(tag) =	ssettag $0x2  }
0xa9: {  	s0 =	rddreg [dreg:$0x0];
	s2 =	stileid.u32  }
0xaa: {  	s1 =	rddreg [dreg:$0x1];
	p0 =	sne.s32 s2, $0x0  }
0xab: {  	s3 =	rddreg [dreg:$0x2];
	[bflag:$0x3] =	sbarrier.arrive $0xFFFF;
	s2 =	simm.s32 @!p0 $0x1C06  }
0xac: {  	[timem:s3], [sflag:s2] =	dma.local @!p0 [hbm:s0], s1  }
0xad: {  	s0 =	simm.s32 @!p0 $0x6  }
0xae: {  	_ =	swait.ge @!p0 [sflag:s0], s1  }
0xaf: {  	s1 =	ssub.s32 @!p0 $0x0, s1;
	[sflag:s0] =	ssyncset.done @!p0 $0x0  }
0xb0: {  	[sflag:s0] =	ssyncadd.s32 @!p0 s1  }
0xb1: {  	[bflag:$0x3] =	sbarrier.arrive $0xFFFF  }
0xb2: {  	_ =	shalt  }

</sc_bundles>
